<compile_context>
chip_gen: v7x
topology: tpu7x:2x2x1
jax: 0.10.2.dev20260603
libtpu: 0.0.44.dev20260713+nightly
codegen_flags: <defaults>
</compile_context>

<pallas_src>
import functools

import jax
import jax.numpy as jnp
from jax import lax
from jax.experimental import pallas as pl
from jax.experimental.pallas import tpu as pltpu
from jax.experimental.pallas import tpu_sc as plsc

_POOL = 7
_PP = _POOL * _POOL
_NW = 32
_LANES = 16
_NPA = 26
_NPB = _PP - _NPA


def _precompute(boxes, image_shape):
    B, N = boxes.shape[0], boxes.shape[1]
    NB = B * N
    fb = boxes.reshape(NB, 4)
    y1, x1, y2, x2 = fb[:, 0], fb[:, 1], fb[:, 2], fb[:, 3]
    area = image_shape[0] * image_shape[1]
    rl = jnp.log2(jnp.sqrt((y2 - y1) * (x2 - x1)) / (224.0 / jnp.sqrt(area)))
    lvl = jnp.minimum(5, jnp.maximum(2, 4 + jnp.round(rl).astype(jnp.int32)))

    sizes = jnp.array([256, 128, 64, 32], jnp.int32)
    S = sizes[lvl - 2]
    Sf = S.astype(jnp.float32)
    g = jnp.arange(_POOL, dtype=jnp.float32) / (_POOL - 1)
    ys = y1[:, None] * (Sf - 1)[:, None] + g[None, :] * ((y2 - y1) * (Sf - 1))[:, None]
    xs = x1[:, None] * (Sf - 1)[:, None] + g[None, :] * ((x2 - x1) * (Sf - 1))[:, None]
    yg = jnp.clip(jnp.floor(ys).astype(jnp.int32), 0, (S - 2)[:, None])
    xg = jnp.clip(jnp.floor(xs).astype(jnp.int32), 0, (S - 2)[:, None])
    dy = ys - yg.astype(jnp.float32)
    dx = xs - xg.astype(jnp.float32)

    b = jnp.repeat(jnp.arange(B, dtype=jnp.int32), N)
    base = b * S * S
    i00 = (base[:, None, None] + yg[:, :, None] * S[:, None, None]
           + xg[:, None, :]).reshape(NB, _PP)
    Sb = S[:, None]
    corners = [i00, i00 + 1, i00 + Sb, i00 + Sb + 1]
    pad = jnp.zeros((NB, 3), jnp.int32)
    half_a = jnp.concatenate([c[:, :_NPA] for c in corners], axis=1)
    half_b = jnp.concatenate(
        sum([[c[:, _NPA:], pad] for c in corners], []), axis=1)
    gidx = jnp.stack([half_a, half_b], axis=1)

    wy0 = 1.0 - dy
    wx0 = 1.0 - dx
    w00 = (wy0[:, :, None] * wx0[:, None, :]).reshape(NB, _PP)
    w01 = (wy0[:, :, None] * dx[:, None, :]).reshape(NB, _PP)
    w10 = (dy[:, :, None] * wx0[:, None, :]).reshape(NB, _PP)
    w11 = (dy[:, :, None] * dx[:, None, :]).reshape(NB, _PP)
    wts = jnp.concatenate([w00, w01, w10, w11], axis=1)
    return gidx, wts, lvl


def _make_sc_kernel(NB, C):
    bpw = NB // _NW
    mesh = plsc.VectorSubcoreMesh(core_axis_name="c", subcore_axis_name="s")

    @functools.partial(
        pl.kernel,
        out_type=jax.ShapeDtypeStruct((NB * _PP * C,), jnp.float32),
        mesh=mesh,
        scratch_types=[
            pltpu.VMEM((bpw * 2, 104), jnp.int32),
            pltpu.VMEM((bpw * 4 * _PP,), jnp.float32),
            pltpu.VMEM((bpw,), jnp.int32),
            pltpu.VMEM((104, C), jnp.float32),
            pltpu.VMEM((104, C), jnp.float32),
            pltpu.VMEM((_PP * C,), jnp.float32),
            pltpu.SemaphoreType.DMA,
            pltpu.SemaphoreType.DMA,
        ],
        compiler_params=pltpu.CompilerParams(needs_layout_passes=False),
    )
    def sc_kernel(gidx_hbm, w_hbm, lvl_hbm, t2, t3, t4, t5, out_hbm,
                  idx_v, w_v, lvl_v, buf_a, buf_b, out_a,
                  sem_a, sem_b):
        wid = lax.axis_index("s") * 2 + lax.axis_index("c")
        pltpu.sync_copy(gidx_hbm.at[wid], idx_v)
        pltpu.sync_copy(w_hbm.at[wid], w_v)
        pltpu.sync_copy(lvl_hbm.at[wid], lvl_v)

        tables = ((2, t2), (3, t3), (4, t4), (5, t5))

        def lv_of(i):
            return jnp.max(plsc.load_gather(
                lvl_v, [jnp.full((_LANES,), i, jnp.int32)]))

        def compute_half(i, buf, outbuf, pix0, npix, stride):
            @plsc.parallel_loop(0, npix, 1, unroll=2)
            def _pix(p):
                gp = pix0 + p
                wb = [plsc.load_gather(
                    w_v, [jnp.full((_LANES,), i * (4 * _PP) + c * _PP + gp,
                                   jnp.int32)])
                    for c in range(4)]
                for ch in range(C // _LANES):
                    s = pl.ds(ch * _LANES, _LANES)
                    acc = wb[0] * buf[p, s]
                    acc = acc + wb[1] * buf[stride + p, s]
                    acc = acc + wb[2] * buf[2 * stride + p, s]
                    acc = acc + wb[3] * buf[3 * stride + p, s]
                    outbuf[pl.ds(gp * C + ch * _LANES, _LANES)] = acc

        def box_body(i, carry):
            lv = lv_of(i)
            for l, tbl in tables:
                @pl.when(lv == l)
                def _():
                    c0 = pltpu.async_copy(tbl.at[idx_v.at[2 * i]],
                                          buf_a, sem_a)
                    c1 = pltpu.async_copy(tbl.at[idx_v.at[2 * i + 1]],
                                          buf_b, sem_b)
                    c0.wait()
                    c1.wait()
            compute_half(i, buf_a, out_a, 0, _NPA, _NPA)
            compute_half(i, buf_b, out_a, _NPA, _NPB, _NPA)
            base = (wid * bpw + i) * (_PP * C)
            pltpu.sync_copy(out_a, out_hbm.at[pl.ds(base, _PP * C)])
            return carry

        lax.fori_loop(0, bpw, box_body, 0)

    return sc_kernel


def kernel(boxes, image_shape, p2, p3, p4, p5):
    B, N = boxes.shape[0], boxes.shape[1]
    C = p2.shape[-1]
    NB = B * N
    bpw = NB // _NW

    gidx, wts, lvl = _precompute(boxes, image_shape)
    gidx = gidx.reshape(_NW, bpw * 2, 104)
    wts = wts.reshape(_NW, bpw * 4 * _PP)
    lvl = lvl.reshape(_NW, bpw)

    t2 = p2.reshape(-1, C)
    t3 = p3.reshape(-1, C)
    t4 = p4.reshape(-1, C)
    t5 = p5.reshape(-1, C)

    out = _make_sc_kernel(NB, C)(gidx, wts, lvl, t2, t3, t4, t5)
    return out.reshape(B, N, _POOL, _POOL, C)

# --- scband reference (transcript-rebuilt; emitter-appended) ---
"""Pipeline reference for scband-pyramid-roialign-48627619725488 (READ-ONLY COPY).

The authoritative reference and input builder live on the scoring server;
editing this copy changes nothing except your own understanding.
"""

import jax, jax.numpy as jnp
import numpy as np

POOL = (7, 7)


def _crop_and_resize(fmap, boxes, box_ind, crop_size):
    # Equivalent of tf.image.crop_and_resize (bilinear).
    H, W = fmap.shape[1], fmap.shape[2]
    ph, pw = crop_size
    y1, x1, y2, x2 = boxes[:, 0], boxes[:, 1], boxes[:, 2], boxes[:, 3]
    gy = (jnp.arange(ph, dtype=jnp.float32) / (ph - 1))[None, :]
    gx = (jnp.arange(pw, dtype=jnp.float32) / (pw - 1))[None, :]
    ys = y1[:, None] * (H - 1) + gy * ((y2 - y1) * (H - 1))[:, None]  # [N, ph]
    xs = x1[:, None] * (W - 1) + gx * ((x2 - x1) * (W - 1))[:, None]  # [N, pw]
    y0 = jnp.floor(ys)
    x0 = jnp.floor(xs)
    dy = ys - y0
    dx = xs - x0
    y0i = jnp.clip(y0.astype(jnp.int32), 0, H - 1)
    y1i = jnp.clip(y0i + 1, 0, H - 1)
    x0i = jnp.clip(x0.astype(jnp.int32), 0, W - 1)
    x1i = jnp.clip(x0i + 1, 0, W - 1)
    b = box_ind[:, None, None]
    v00 = fmap[b, y0i[:, :, None], x0i[:, None, :], :]
    v01 = fmap[b, y0i[:, :, None], x1i[:, None, :], :]
    v10 = fmap[b, y1i[:, :, None], x0i[:, None, :], :]
    v11 = fmap[b, y1i[:, :, None], x1i[:, None, :], :]
    wy = dy[:, :, None, None]
    wx = dx[:, None, :, None]
    top = v00 * (1.0 - wx) + v01 * wx
    bot = v10 * (1.0 - wx) + v11 * wx
    return top * (1.0 - wy) + bot * wy  # [N, ph, pw, C]


def setup_inputs(seed: int = 0) -> dict:
    key = jax.random.key(seed)
    kb, k2, k3, k4, k5 = jax.random.split(key, 5)
    B, N, C = 2, 512, 256
    # normalized boxes with y1<y2, x1<x2
    c = jax.random.uniform(kb, (B, N, 2, 2), dtype=jnp.float32)
    lo = jnp.min(c, axis=2)
    hi = jnp.max(c, axis=2)
    boxes = jnp.stack([lo[..., 0], lo[..., 1], hi[..., 0], hi[..., 1]], axis=-1)
    image_shape = jnp.array([1024.0, 1024.0, 3.0], dtype=jnp.float32)
    p2 = jax.random.normal(k2, (B, 256, 256, C), dtype=jnp.float32)
    p3 = jax.random.normal(k3, (B, 128, 128, C), dtype=jnp.float32)
    p4 = jax.random.normal(k4, (B, 64, 64, C), dtype=jnp.float32)
    p5 = jax.random.normal(k5, (B, 32, 32, C), dtype=jnp.float32)
    return {"boxes": boxes, "image_shape": image_shape, "p2": p2, "p3": p3, "p4": p4, "p5": p5}


def reference(boxes, image_shape, p2, p3, p4, p5):
    feature_maps = [p2, p3, p4, p5]
    B, N = boxes.shape[0], boxes.shape[1]
    y1, x1, y2, x2 = jnp.split(boxes, 4, axis=2)
    h = y2 - y1
    w = x2 - x1
    image_area = image_shape[0] * image_shape[1]
    roi_level = jnp.log2(jnp.sqrt(h * w) / (224.0 / jnp.sqrt(image_area)))
    roi_level = jnp.minimum(5, jnp.maximum(2, 4 + jnp.round(roi_level).astype(jnp.int32)))
    roi_level = jnp.squeeze(roi_level, 2)  # [B, N]
    flat_boxes = jax.lax.stop_gradient(boxes.reshape(-1, 4))
    box_ind = jnp.repeat(jnp.arange(B, dtype=jnp.int32), N)
    flat_level = roi_level.reshape(-1)
    pooled = None
    for i, level in enumerate(range(2, 6)):
        crops = _crop_and_resize(feature_maps[i], flat_boxes, box_ind, POOL)
        mask = (flat_level == level).astype(crops.dtype)[:, None, None, None]
        pooled = crops * mask if pooled is None else pooled + crops * mask
    C = feature_maps[0].shape[-1]
    return pooled.reshape(B, N, POOL[0], POOL[1], C)

if __name__ == "__main__":
    import jax
    _d = setup_inputs()
    print(jax.jit(kernel)(*tuple(_d.values())))

</pallas_src>

<mosaic_0001>
#map = affine_map<(d0, d1) -> (0, 0, 0)>
#map1 = affine_map<(d0, d1) -> (0, 0)>
#map2 = affine_map<(d0, d1) -> (0)>
module attributes {stable_mosaic.version = 14 : i64} {
  func.func @sc_kernel(%arg0: i32, %arg1: i32, %arg2: memref<32x64x104xi32, #tpu.memory_space<hbm>>, %arg3: memref<32x6272xf32, #tpu.memory_space<hbm>>, %arg4: memref<32x32xi32, #tpu.memory_space<hbm>>, %arg5: memref<131072x256xf32, #tpu.memory_space<hbm>>, %arg6: memref<32768x256xf32, #tpu.memory_space<hbm>>, %arg7: memref<8192x256xf32, #tpu.memory_space<hbm>>, %arg8: memref<2048x256xf32, #tpu.memory_space<hbm>>, %arg9: memref<12845056xf32, #tpu.memory_space<hbm>>, %arg10: memref<64x104xi32, #tpu.memory_space<vmem>>, %arg11: memref<6272xf32, #tpu.memory_space<vmem>>, %arg12: memref<32xi32, #tpu.memory_space<vmem>>, %arg13: memref<104x256xf32, #tpu.memory_space<vmem>>, %arg14: memref<104x256xf32, #tpu.memory_space<vmem>>, %arg15: memref<12544xf32, #tpu.memory_space<vmem>>, %arg16: memref<!tpu.dma_semaphore, #tpu.memory_space<semaphore_mem>>, %arg17: memref<!tpu.dma_semaphore, #tpu.memory_space<semaphore_mem>>) attributes {dimension_semantics = [#tpu.dimension_semantics<core_parallel>, #tpu.dimension_semantics<subcore_parallel>], iteration_bounds = array<i64: 2, 16>, scalar_prefetch = 0 : i64, scratch_operands = 8 : i64, tpu.core_type = #tpu.core_type<sc_vector_subcore>, window_params = [{transform_indices = #map}, {transform_indices = #map1}, {transform_indices = #map1}, {transform_indices = #map1}, {transform_indices = #map1}, {transform_indices = #map1}, {transform_indices = #map1}, {transform_indices = #map2}]} {
    %mul3A = arith.constant 2 : i32
    %mul3A_0 = arith.muli %arg1, %mul3A : i32
    %add3A = arith.addi %mul3A_0, %arg0 : i32
    "tpu.region"() ({
      %run_scoped3A = tpu.sem_alloc : memref<!tpu.dma_semaphore, #tpu.memory_space<semaphore_mem>>
      %dma_start3A = arith.constant 0 : i32
      %dma_start3A_6 = arith.constant 0 : i32
      %dma_start3A_7 = tpu.memref_slice %arg2[%add3A, %dma_start3A, %dma_start3A_6] : memref<32x64x104xi32, #tpu.memory_space<hbm>> -> memref<1x64x104xi32, #tpu.memory_space<hbm>>
      %dma_start3A_8 = tpu.memref_squeeze %dma_start3A_7 : memref<1x64x104xi32, #tpu.memory_space<hbm>> -> memref<64x104xi32, #tpu.memory_space<hbm>>
      %dma_start3A_9 = arith.constant 0 : i32
      %dma_start3A_10 = arith.constant 0 : i32
      %dma_start3A_11 = tpu.memref_slice %arg2[%add3A, %dma_start3A_9, %dma_start3A_10] : memref<32x64x104xi32, #tpu.memory_space<hbm>> -> memref<1x64x104xi32, #tpu.memory_space<hbm>>
      %dma_start3A_12 = tpu.memref_squeeze %dma_start3A_11 : memref<1x64x104xi32, #tpu.memory_space<hbm>> -> memref<64x104xi32, #tpu.memory_space<hbm>>
      tpu.enqueue_dma source(%dma_start3A_12 : memref<64x104xi32, #tpu.memory_space<hbm>>) target(%arg10 : memref<64x104xi32, #tpu.memory_space<vmem>>) target_semaphore(%run_scoped3A : memref<!tpu.dma_semaphore, #tpu.memory_space<semaphore_mem>>)
      %dma_wait3A = arith.constant 0 : i32
      %dma_wait3A_13 = arith.constant 0 : i32
      %dma_wait3A_14 = tpu.memref_slice %arg2[%add3A, %dma_wait3A, %dma_wait3A_13] : memref<32x64x104xi32, #tpu.memory_space<hbm>> -> memref<1x64x104xi32, #tpu.memory_space<hbm>>
      %dma_wait3A_15 = tpu.memref_squeeze %dma_wait3A_14 : memref<1x64x104xi32, #tpu.memory_space<hbm>> -> memref<64x104xi32, #tpu.memory_space<hbm>>
      %dma_wait3A_16 = arith.constant 0 : i32
      %dma_wait3A_17 = arith.constant 0 : i32
      %dma_wait3A_18 = tpu.memref_slice %arg2[%add3A, %dma_wait3A_16, %dma_wait3A_17] : memref<32x64x104xi32, #tpu.memory_space<hbm>> -> memref<1x64x104xi32, #tpu.memory_space<hbm>>
      %dma_wait3A_19 = tpu.memref_squeeze %dma_wait3A_18 : memref<1x64x104xi32, #tpu.memory_space<hbm>> -> memref<64x104xi32, #tpu.memory_space<hbm>>
      tpu.wait_dma2 semaphore(%run_scoped3A : memref<!tpu.dma_semaphore, #tpu.memory_space<semaphore_mem>>) src(%dma_wait3A_19 : memref<64x104xi32, #tpu.memory_space<hbm>>) dst(%arg10 : memref<64x104xi32, #tpu.memory_space<vmem>>)
      tpu.yield
    }) : () -> ()
    "tpu.region"() ({
      %run_scoped3A = tpu.sem_alloc : memref<!tpu.dma_semaphore, #tpu.memory_space<semaphore_mem>>
      %dma_start3A = arith.constant 0 : i32
      %dma_start3A_6 = tpu.memref_slice %arg3[%add3A, %dma_start3A] : memref<32x6272xf32, #tpu.memory_space<hbm>> -> memref<1x6272xf32, #tpu.memory_space<hbm>>
      %dma_start3A_7 = tpu.memref_squeeze %dma_start3A_6 : memref<1x6272xf32, #tpu.memory_space<hbm>> -> memref<6272xf32, #tpu.memory_space<hbm>>
      %dma_start3A_8 = arith.constant 0 : i32
      %dma_start3A_9 = tpu.memref_slice %arg3[%add3A, %dma_start3A_8] : memref<32x6272xf32, #tpu.memory_space<hbm>> -> memref<1x6272xf32, #tpu.memory_space<hbm>>
      %dma_start3A_10 = tpu.memref_squeeze %dma_start3A_9 : memref<1x6272xf32, #tpu.memory_space<hbm>> -> memref<6272xf32, #tpu.memory_space<hbm>>
      tpu.enqueue_dma source(%dma_start3A_10 : memref<6272xf32, #tpu.memory_space<hbm>>) target(%arg11 : memref<6272xf32, #tpu.memory_space<vmem>>) target_semaphore(%run_scoped3A : memref<!tpu.dma_semaphore, #tpu.memory_space<semaphore_mem>>)
      %dma_wait3A = arith.constant 0 : i32
      %dma_wait3A_11 = tpu.memref_slice %arg3[%add3A, %dma_wait3A] : memref<32x6272xf32, #tpu.memory_space<hbm>> -> memref<1x6272xf32, #tpu.memory_space<hbm>>
      %dma_wait3A_12 = tpu.memref_squeeze %dma_wait3A_11 : memref<1x6272xf32, #tpu.memory_space<hbm>> -> memref<6272xf32, #tpu.memory_space<hbm>>
      %dma_wait3A_13 = arith.constant 0 : i32
      %dma_wait3A_14 = tpu.memref_slice %arg3[%add3A, %dma_wait3A_13] : memref<32x6272xf32, #tpu.memory_space<hbm>> -> memref<1x6272xf32, #tpu.memory_space<hbm>>
      %dma_wait3A_15 = tpu.memref_squeeze %dma_wait3A_14 : memref<1x6272xf32, #tpu.memory_space<hbm>> -> memref<6272xf32, #tpu.memory_space<hbm>>
      tpu.wait_dma2 semaphore(%run_scoped3A : memref<!tpu.dma_semaphore, #tpu.memory_space<semaphore_mem>>) src(%dma_wait3A_15 : memref<6272xf32, #tpu.memory_space<hbm>>) dst(%arg11 : memref<6272xf32, #tpu.memory_space<vmem>>)
      tpu.yield
    }) : () -> ()
    "tpu.region"() ({
      %run_scoped3A = tpu.sem_alloc : memref<!tpu.dma_semaphore, #tpu.memory_space<semaphore_mem>>
      %dma_start3A = arith.constant 0 : i32
      %dma_start3A_6 = tpu.memref_slice %arg4[%add3A, %dma_start3A] : memref<32x32xi32, #tpu.memory_space<hbm>> -> memref<1x32xi32, #tpu.memory_space<hbm>>
      %dma_start3A_7 = tpu.memref_squeeze %dma_start3A_6 : memref<1x32xi32, #tpu.memory_space<hbm>> -> memref<32xi32, #tpu.memory_space<hbm>>
      %dma_start3A_8 = arith.constant 0 : i32
      %dma_start3A_9 = tpu.memref_slice %arg4[%add3A, %dma_start3A_8] : memref<32x32xi32, #tpu.memory_space<hbm>> -> memref<1x32xi32, #tpu.memory_space<hbm>>
      %dma_start3A_10 = tpu.memref_squeeze %dma_start3A_9 : memref<1x32xi32, #tpu.memory_space<hbm>> -> memref<32xi32, #tpu.memory_space<hbm>>
      tpu.enqueue_dma source(%dma_start3A_10 : memref<32xi32, #tpu.memory_space<hbm>>) target(%arg12 : memref<32xi32, #tpu.memory_space<vmem>>) target_semaphore(%run_scoped3A : memref<!tpu.dma_semaphore, #tpu.memory_space<semaphore_mem>>)
      %dma_wait3A = arith.constant 0 : i32
      %dma_wait3A_11 = tpu.memref_slice %arg4[%add3A, %dma_wait3A] : memref<32x32xi32, #tpu.memory_space<hbm>> -> memref<1x32xi32, #tpu.memory_space<hbm>>
      %dma_wait3A_12 = tpu.memref_squeeze %dma_wait3A_11 : memref<1x32xi32, #tpu.memory_space<hbm>> -> memref<32xi32, #tpu.memory_space<hbm>>
      %dma_wait3A_13 = arith.constant 0 : i32
      %dma_wait3A_14 = tpu.memref_slice %arg4[%add3A, %dma_wait3A_13] : memref<32x32xi32, #tpu.memory_space<hbm>> -> memref<1x32xi32, #tpu.memory_space<hbm>>
      %dma_wait3A_15 = tpu.memref_squeeze %dma_wait3A_14 : memref<1x32xi32, #tpu.memory_space<hbm>> -> memref<32xi32, #tpu.memory_space<hbm>>
      tpu.wait_dma2 semaphore(%run_scoped3A : memref<!tpu.dma_semaphore, #tpu.memory_space<semaphore_mem>>) src(%dma_wait3A_15 : memref<32xi32, #tpu.memory_space<hbm>>) dst(%arg12 : memref<32xi32, #tpu.memory_space<vmem>>)
      tpu.yield
    }) : () -> ()
    %scan3A = arith.constant 0 : i32
    %scan3A_1 = arith.constant 0 : i32
    %scan3A_2 = arith.constant 32 : i32
    %scan3A_3 = arith.addi %scan3A_1, %scan3A_2 : i32
    %scan3A_4 = arith.constant 1 : i32
    scf.for %scan3A_6 = %scan3A_1 to %scan3A_3 step %scan3A_4  : i32 {
      %broadcast_in_dim3A = vector.broadcast %scan3A_6 : i32 to vector<16xi32>
      %gather3A = tpu.vector_load_idx %arg12[%broadcast_in_dim3A] : memref<32xi32, #tpu.memory_space<vmem>>[vector<16xi32>], vector<16xi32>,
      %reduce_max3A = arith.constant true
      %reduce_max3A_7 = vector.broadcast %reduce_max3A : i1 to vector<16xi1>
      %reduce_max3A_8 = arith.constant -2147483648 : i32
      %reduce_max3A_9 = vector.broadcast %reduce_max3A_8 : i32 to vector<16xi32>
      %reduce_max3A_10 = arith.xori %gather3A, %reduce_max3A_9 : vector<16xi32>
      %reduce_max3A_11 = tpu.scan <max>, %reduce_max3A_10 masked %reduce_max3A_7 : vector<16xi32>, vector<16xi1> -> vector<16xi32>
      %reduce_max3A_12 = arith.xori %reduce_max3A_11, %reduce_max3A_9 : vector<16xi32>
      %reduce_max3A_13 = vector.extract %reduce_max3A_12[15] : i32 from vector<16xi32>
      %eq3A = arith.constant 2 : i32
      %eq3A_14 = arith.cmpi eq, %reduce_max3A_13, %eq3A : i32
      %convert_element_type3A = arith.extui %eq3A_14 : i1 to i32
      %cond3A = arith.constant 0 : i32
      %cond3A_15 = arith.cmpi ne, %convert_element_type3A, %cond3A : i32
      scf.if %cond3A_15 {
        %mul3A_41 = arith.constant 2 : i32
        %mul3A_42 = arith.muli %mul3A_41, %scan3A_6 : i32
        %dma_start3A = arith.constant 0 : i32
        %dma_start3A_43 = tpu.memref_slice %arg10[%mul3A_42, %dma_start3A] : memref<64x104xi32, #tpu.memory_space<vmem>> -> memref<1x104xi32, #tpu.memory_space<vmem>>
        %dma_start3A_44 = tpu.memref_squeeze %dma_start3A_43 : memref<1x104xi32, #tpu.memory_space<vmem>> -> memref<104xi32, #tpu.memory_space<vmem>>
        %dma_start3A_45 = arith.constant 0 : i32
        %dma_start3A_46 = arith.constant 0 : i32
        %dma_start3A_47 = tpu.memref_slice %arg5[%dma_start3A_45, %dma_start3A_46] : memref<131072x256xf32, #tpu.memory_space<hbm>> -> memref<131072x256xf32, #tpu.memory_space<hbm>>
        tpu.enqueue_indirect_dma source(%dma_start3A_47 : memref<131072x256xf32, #tpu.memory_space<hbm>>) target(%arg13 : memref<104x256xf32, #tpu.memory_space<vmem>>) offsets(%dma_start3A_44 : memref<104xi32, #tpu.memory_space<vmem>>) semaphore(%arg16 : memref<!tpu.dma_semaphore, #tpu.memory_space<semaphore_mem>>)
        %mul3A_48 = arith.constant 2 : i32
        %mul3A_49 = arith.muli %mul3A_48, %scan3A_6 : i32
        %add3A_50 = arith.constant 1 : i32
        %add3A_51 = arith.addi %mul3A_49, %add3A_50 : i32
        %dma_start3A_52 = arith.constant 0 : i32
        %dma_start3A_53 = tpu.memref_slice %arg10[%add3A_51, %dma_start3A_52] : memref<64x104xi32, #tpu.memory_space<vmem>> -> memref<1x104xi32, #tpu.memory_space<vmem>>
        %dma_start3A_54 = tpu.memref_squeeze %dma_start3A_53 : memref<1x104xi32, #tpu.memory_space<vmem>> -> memref<104xi32, #tpu.memory_space<vmem>>
        %dma_start3A_55 = arith.constant 0 : i32
        %dma_start3A_56 = arith.constant 0 : i32
        %dma_start3A_57 = tpu.memref_slice %arg5[%dma_start3A_55, %dma_start3A_56] : memref<131072x256xf32, #tpu.memory_space<hbm>> -> memref<131072x256xf32, #tpu.memory_space<hbm>>
        tpu.enqueue_indirect_dma source(%dma_start3A_57 : memref<131072x256xf32, #tpu.memory_space<hbm>>) target(%arg14 : memref<104x256xf32, #tpu.memory_space<vmem>>) offsets(%dma_start3A_54 : memref<104xi32, #tpu.memory_space<vmem>>) semaphore(%arg17 : memref<!tpu.dma_semaphore, #tpu.memory_space<semaphore_mem>>)
        %dma_wait3A = arith.constant 0 : i32
        %dma_wait3A_58 = tpu.memref_slice %arg10[%mul3A_42, %dma_wait3A] : memref<64x104xi32, #tpu.memory_space<vmem>> -> memref<1x104xi32, #tpu.memory_space<vmem>>
        %dma_wait3A_59 = tpu.memref_squeeze %dma_wait3A_58 : memref<1x104xi32, #tpu.memory_space<vmem>> -> memref<104xi32, #tpu.memory_space<vmem>>
        %dma_wait3A_60 = arith.constant 0 : i32
        %dma_wait3A_61 = arith.constant 0 : i32
        %dma_wait3A_62 = tpu.memref_slice %arg5[%dma_wait3A_60, %dma_wait3A_61] : memref<131072x256xf32, #tpu.memory_space<hbm>> -> memref<131072x256xf32, #tpu.memory_space<hbm>>
        tpu.wait_indirect_dma semaphore(%arg16 : memref<!tpu.dma_semaphore, #tpu.memory_space<semaphore_mem>>) src(%dma_wait3A_62 : memref<131072x256xf32, #tpu.memory_space<hbm>>) dst(%arg13 : memref<104x256xf32, #tpu.memory_space<vmem>>)
        %dma_wait3A_63 = arith.constant 0 : i32
        %dma_wait3A_64 = tpu.memref_slice %arg10[%add3A_51, %dma_wait3A_63] : memref<64x104xi32, #tpu.memory_space<vmem>> -> memref<1x104xi32, #tpu.memory_space<vmem>>
        %dma_wait3A_65 = tpu.memref_squeeze %dma_wait3A_64 : memref<1x104xi32, #tpu.memory_space<vmem>> -> memref<104xi32, #tpu.memory_space<vmem>>
        %dma_wait3A_66 = arith.constant 0 : i32
        %dma_wait3A_67 = arith.constant 0 : i32
        %dma_wait3A_68 = tpu.memref_slice %arg5[%dma_wait3A_66, %dma_wait3A_67] : memref<131072x256xf32, #tpu.memory_space<hbm>> -> memref<131072x256xf32, #tpu.memory_space<hbm>>
        tpu.wait_indirect_dma semaphore(%arg17 : memref<!tpu.dma_semaphore, #tpu.memory_space<semaphore_mem>>) src(%dma_wait3A_68 : memref<131072x256xf32, #tpu.memory_space<hbm>>) dst(%arg14 : memref<104x256xf32, #tpu.memory_space<vmem>>)
      } else {
      }
      %eq3A_16 = arith.constant 3 : i32
      %eq3A_17 = arith.cmpi eq, %reduce_max3A_13, %eq3A_16 : i32
      %convert_element_type3A_18 = arith.extui %eq3A_17 : i1 to i32
      %cond3A_19 = arith.constant 0 : i32
      %cond3A_20 = arith.cmpi ne, %convert_element_type3A_18, %cond3A_19 : i32
      scf.if %cond3A_20 {
        %mul3A_41 = arith.constant 2 : i32
        %mul3A_42 = arith.muli %mul3A_41, %scan3A_6 : i32
        %dma_start3A = arith.constant 0 : i32
        %dma_start3A_43 = tpu.memref_slice %arg10[%mul3A_42, %dma_start3A] : memref<64x104xi32, #tpu.memory_space<vmem>> -> memref<1x104xi32, #tpu.memory_space<vmem>>
        %dma_start3A_44 = tpu.memref_squeeze %dma_start3A_43 : memref<1x104xi32, #tpu.memory_space<vmem>> -> memref<104xi32, #tpu.memory_space<vmem>>
        %dma_start3A_45 = arith.constant 0 : i32
        %dma_start3A_46 = arith.constant 0 : i32
        %dma_start3A_47 = tpu.memref_slice %arg6[%dma_start3A_45, %dma_start3A_46] : memref<32768x256xf32, #tpu.memory_space<hbm>> -> memref<32768x256xf32, #tpu.memory_space<hbm>>
        tpu.enqueue_indirect_dma source(%dma_start3A_47 : memref<32768x256xf32, #tpu.memory_space<hbm>>) target(%arg13 : memref<104x256xf32, #tpu.memory_space<vmem>>) offsets(%dma_start3A_44 : memref<104xi32, #tpu.memory_space<vmem>>) semaphore(%arg16 : memref<!tpu.dma_semaphore, #tpu.memory_space<semaphore_mem>>)
        %mul3A_48 = arith.constant 2 : i32
        %mul3A_49 = arith.muli %mul3A_48, %scan3A_6 : i32
        %add3A_50 = arith.constant 1 : i32
        %add3A_51 = arith.addi %mul3A_49, %add3A_50 : i32
        %dma_start3A_52 = arith.constant 0 : i32
        %dma_start3A_53 = tpu.memref_slice %arg10[%add3A_51, %dma_start3A_52] : memref<64x104xi32, #tpu.memory_space<vmem>> -> memref<1x104xi32, #tpu.memory_space<vmem>>
        %dma_start3A_54 = tpu.memref_squeeze %dma_start3A_53 : memref<1x104xi32, #tpu.memory_space<vmem>> -> memref<104xi32, #tpu.memory_space<vmem>>
        %dma_start3A_55 = arith.constant 0 : i32
        %dma_start3A_56 = arith.constant 0 : i32
        %dma_start3A_57 = tpu.memref_slice %arg6[%dma_start3A_55, %dma_start3A_56] : memref<32768x256xf32, #tpu.memory_space<hbm>> -> memref<32768x256xf32, #tpu.memory_space<hbm>>
        tpu.enqueue_indirect_dma source(%dma_start3A_57 : memref<32768x256xf32, #tpu.memory_space<hbm>>) target(%arg14 : memref<104x256xf32, #tpu.memory_space<vmem>>) offsets(%dma_start3A_54 : memref<104xi32, #tpu.memory_space<vmem>>) semaphore(%arg17 : memref<!tpu.dma_semaphore, #tpu.memory_space<semaphore_mem>>)
        %dma_wait3A = arith.constant 0 : i32
        %dma_wait3A_58 = tpu.memref_slice %arg10[%mul3A_42, %dma_wait3A] : memref<64x104xi32, #tpu.memory_space<vmem>> -> memref<1x104xi32, #tpu.memory_space<vmem>>
        %dma_wait3A_59 = tpu.memref_squeeze %dma_wait3A_58 : memref<1x104xi32, #tpu.memory_space<vmem>> -> memref<104xi32, #tpu.memory_space<vmem>>
        %dma_wait3A_60 = arith.constant 0 : i32
        %dma_wait3A_61 = arith.constant 0 : i32
        %dma_wait3A_62 = tpu.memref_slice %arg6[%dma_wait3A_60, %dma_wait3A_61] : memref<32768x256xf32, #tpu.memory_space<hbm>> -> memref<32768x256xf32, #tpu.memory_space<hbm>>
        tpu.wait_indirect_dma semaphore(%arg16 : memref<!tpu.dma_semaphore, #tpu.memory_space<semaphore_mem>>) src(%dma_wait3A_62 : memref<32768x256xf32, #tpu.memory_space<hbm>>) dst(%arg13 : memref<104x256xf32, #tpu.memory_space<vmem>>)
        %dma_wait3A_63 = arith.constant 0 : i32
        %dma_wait3A_64 = tpu.memref_slice %arg10[%add3A_51, %dma_wait3A_63] : memref<64x104xi32, #tpu.memory_space<vmem>> -> memref<1x104xi32, #tpu.memory_space<vmem>>
        %dma_wait3A_65 = tpu.memref_squeeze %dma_wait3A_64 : memref<1x104xi32, #tpu.memory_space<vmem>> -> memref<104xi32, #tpu.memory_space<vmem>>
        %dma_wait3A_66 = arith.constant 0 : i32
        %dma_wait3A_67 = arith.constant 0 : i32
        %dma_wait3A_68 = tpu.memref_slice %arg6[%dma_wait3A_66, %dma_wait3A_67] : memref<32768x256xf32, #tpu.memory_space<hbm>> -> memref<32768x256xf32, #tpu.memory_space<hbm>>
        tpu.wait_indirect_dma semaphore(%arg17 : memref<!tpu.dma_semaphore, #tpu.memory_space<semaphore_mem>>) src(%dma_wait3A_68 : memref<32768x256xf32, #tpu.memory_space<hbm>>) dst(%arg14 : memref<104x256xf32, #tpu.memory_space<vmem>>)
      } else {
      }
      %eq3A_21 = arith.constant 4 : i32
      %eq3A_22 = arith.cmpi eq, %reduce_max3A_13, %eq3A_21 : i32
      %convert_element_type3A_23 = arith.extui %eq3A_22 : i1 to i32
      %cond3A_24 = arith.constant 0 : i32
      %cond3A_25 = arith.cmpi ne, %convert_element_type3A_23, %cond3A_24 : i32
      scf.if %cond3A_25 {
        %mul3A_41 = arith.constant 2 : i32
        %mul3A_42 = arith.muli %mul3A_41, %scan3A_6 : i32
        %dma_start3A = arith.constant 0 : i32
        %dma_start3A_43 = tpu.memref_slice %arg10[%mul3A_42, %dma_start3A] : memref<64x104xi32, #tpu.memory_space<vmem>> -> memref<1x104xi32, #tpu.memory_space<vmem>>
        %dma_start3A_44 = tpu.memref_squeeze %dma_start3A_43 : memref<1x104xi32, #tpu.memory_space<vmem>> -> memref<104xi32, #tpu.memory_space<vmem>>
        %dma_start3A_45 = arith.constant 0 : i32
        %dma_start3A_46 = arith.constant 0 : i32
        %dma_start3A_47 = tpu.memref_slice %arg7[%dma_start3A_45, %dma_start3A_46] : memref<8192x256xf32, #tpu.memory_space<hbm>> -> memref<8192x256xf32, #tpu.memory_space<hbm>>
        tpu.enqueue_indirect_dma source(%dma_start3A_47 : memref<8192x256xf32, #tpu.memory_space<hbm>>) target(%arg13 : memref<104x256xf32, #tpu.memory_space<vmem>>) offsets(%dma_start3A_44 : memref<104xi32, #tpu.memory_space<vmem>>) semaphore(%arg16 : memref<!tpu.dma_semaphore, #tpu.memory_space<semaphore_mem>>)
        %mul3A_48 = arith.constant 2 : i32
        %mul3A_49 = arith.muli %mul3A_48, %scan3A_6 : i32
        %add3A_50 = arith.constant 1 : i32
        %add3A_51 = arith.addi %mul3A_49, %add3A_50 : i32
        %dma_start3A_52 = arith.constant 0 : i32
        %dma_start3A_53 = tpu.memref_slice %arg10[%add3A_51, %dma_start3A_52] : memref<64x104xi32, #tpu.memory_space<vmem>> -> memref<1x104xi32, #tpu.memory_space<vmem>>
        %dma_start3A_54 = tpu.memref_squeeze %dma_start3A_53 : memref<1x104xi32, #tpu.memory_space<vmem>> -> memref<104xi32, #tpu.memory_space<vmem>>
        %dma_start3A_55 = arith.constant 0 : i32
        %dma_start3A_56 = arith.constant 0 : i32
        %dma_start3A_57 = tpu.memref_slice %arg7[%dma_start3A_55, %dma_start3A_56] : memref<8192x256xf32, #tpu.memory_space<hbm>> -> memref<8192x256xf32, #tpu.memory_space<hbm>>
        tpu.enqueue_indirect_dma source(%dma_start3A_57 : memref<8192x256xf32, #tpu.memory_space<hbm>>) target(%arg14 : memref<104x256xf32, #tpu.memory_space<vmem>>) offsets(%dma_start3A_54 : memref<104xi32, #tpu.memory_space<vmem>>) semaphore(%arg17 : memref<!tpu.dma_semaphore, #tpu.memory_space<semaphore_mem>>)
        %dma_wait3A = arith.constant 0 : i32
        %dma_wait3A_58 = tpu.memref_slice %arg10[%mul3A_42, %dma_wait3A] : memref<64x104xi32, #tpu.memory_space<vmem>> -> memref<1x104xi32, #tpu.memory_space<vmem>>
        %dma_wait3A_59 = tpu.memref_squeeze %dma_wait3A_58 : memref<1x104xi32, #tpu.memory_space<vmem>> -> memref<104xi32, #tpu.memory_space<vmem>>
        %dma_wait3A_60 = arith.constant 0 : i32
        %dma_wait3A_61 = arith.constant 0 : i32
        %dma_wait3A_62 = tpu.memref_slice %arg7[%dma_wait3A_60, %dma_wait3A_61] : memref<8192x256xf32, #tpu.memory_space<hbm>> -> memref<8192x256xf32, #tpu.memory_space<hbm>>
        tpu.wait_indirect_dma semaphore(%arg16 : memref<!tpu.dma_semaphore, #tpu.memory_space<semaphore_mem>>) src(%dma_wait3A_62 : memref<8192x256xf32, #tpu.memory_space<hbm>>) dst(%arg13 : memref<104x256xf32, #tpu.memory_space<vmem>>)
        %dma_wait3A_63 = arith.constant 0 : i32
        %dma_wait3A_64 = tpu.memref_slice %arg10[%add3A_51, %dma_wait3A_63] : memref<64x104xi32, #tpu.memory_space<vmem>> -> memref<1x104xi32, #tpu.memory_space<vmem>>
        %dma_wait3A_65 = tpu.memref_squeeze %dma_wait3A_64 : memref<1x104xi32, #tpu.memory_space<vmem>> -> memref<104xi32, #tpu.memory_space<vmem>>
        %dma_wait3A_66 = arith.constant 0 : i32
        %dma_wait3A_67 = arith.constant 0 : i32
        %dma_wait3A_68 = tpu.memref_slice %arg7[%dma_wait3A_66, %dma_wait3A_67] : memref<8192x256xf32, #tpu.memory_space<hbm>> -> memref<8192x256xf32, #tpu.memory_space<hbm>>
        tpu.wait_indirect_dma semaphore(%arg17 : memref<!tpu.dma_semaphore, #tpu.memory_space<semaphore_mem>>) src(%dma_wait3A_68 : memref<8192x256xf32, #tpu.memory_space<hbm>>) dst(%arg14 : memref<104x256xf32, #tpu.memory_space<vmem>>)
      } else {
      }
      %eq3A_26 = arith.constant 5 : i32
      %eq3A_27 = arith.cmpi eq, %reduce_max3A_13, %eq3A_26 : i32
      %convert_element_type3A_28 = arith.extui %eq3A_27 : i1 to i32
      %cond3A_29 = arith.constant 0 : i32
      %cond3A_30 = arith.cmpi ne, %convert_element_type3A_28, %cond3A_29 : i32
      scf.if %cond3A_30 {
        %mul3A_41 = arith.constant 2 : i32
        %mul3A_42 = arith.muli %mul3A_41, %scan3A_6 : i32
        %dma_start3A = arith.constant 0 : i32
        %dma_start3A_43 = tpu.memref_slice %arg10[%mul3A_42, %dma_start3A] : memref<64x104xi32, #tpu.memory_space<vmem>> -> memref<1x104xi32, #tpu.memory_space<vmem>>
        %dma_start3A_44 = tpu.memref_squeeze %dma_start3A_43 : memref<1x104xi32, #tpu.memory_space<vmem>> -> memref<104xi32, #tpu.memory_space<vmem>>
        %dma_start3A_45 = arith.constant 0 : i32
        %dma_start3A_46 = arith.constant 0 : i32
        %dma_start3A_47 = tpu.memref_slice %arg8[%dma_start3A_45, %dma_start3A_46] : memref<2048x256xf32, #tpu.memory_space<hbm>> -> memref<2048x256xf32, #tpu.memory_space<hbm>>
        tpu.enqueue_indirect_dma source(%dma_start3A_47 : memref<2048x256xf32, #tpu.memory_space<hbm>>) target(%arg13 : memref<104x256xf32, #tpu.memory_space<vmem>>) offsets(%dma_start3A_44 : memref<104xi32, #tpu.memory_space<vmem>>) semaphore(%arg16 : memref<!tpu.dma_semaphore, #tpu.memory_space<semaphore_mem>>)
        %mul3A_48 = arith.constant 2 : i32
        %mul3A_49 = arith.muli %mul3A_48, %scan3A_6 : i32
        %add3A_50 = arith.constant 1 : i32
        %add3A_51 = arith.addi %mul3A_49, %add3A_50 : i32
        %dma_start3A_52 = arith.constant 0 : i32
        %dma_start3A_53 = tpu.memref_slice %arg10[%add3A_51, %dma_start3A_52] : memref<64x104xi32, #tpu.memory_space<vmem>> -> memref<1x104xi32, #tpu.memory_space<vmem>>
        %dma_start3A_54 = tpu.memref_squeeze %dma_start3A_53 : memref<1x104xi32, #tpu.memory_space<vmem>> -> memref<104xi32, #tpu.memory_space<vmem>>
        %dma_start3A_55 = arith.constant 0 : i32
        %dma_start3A_56 = arith.constant 0 : i32
        %dma_start3A_57 = tpu.memref_slice %arg8[%dma_start3A_55, %dma_start3A_56] : memref<2048x256xf32, #tpu.memory_space<hbm>> -> memref<2048x256xf32, #tpu.memory_space<hbm>>
        tpu.enqueue_indirect_dma source(%dma_start3A_57 : memref<2048x256xf32, #tpu.memory_space<hbm>>) target(%arg14 : memref<104x256xf32, #tpu.memory_space<vmem>>) offsets(%dma_start3A_54 : memref<104xi32, #tpu.memory_space<vmem>>) semaphore(%arg17 : memref<!tpu.dma_semaphore, #tpu.memory_space<semaphore_mem>>)
        %dma_wait3A = arith.constant 0 : i32
        %dma_wait3A_58 = tpu.memref_slice %arg10[%mul3A_42, %dma_wait3A] : memref<64x104xi32, #tpu.memory_space<vmem>> -> memref<1x104xi32, #tpu.memory_space<vmem>>
        %dma_wait3A_59 = tpu.memref_squeeze %dma_wait3A_58 : memref<1x104xi32, #tpu.memory_space<vmem>> -> memref<104xi32, #tpu.memory_space<vmem>>
        %dma_wait3A_60 = arith.constant 0 : i32
        %dma_wait3A_61 = arith.constant 0 : i32
        %dma_wait3A_62 = tpu.memref_slice %arg8[%dma_wait3A_60, %dma_wait3A_61] : memref<2048x256xf32, #tpu.memory_space<hbm>> -> memref<2048x256xf32, #tpu.memory_space<hbm>>
        tpu.wait_indirect_dma semaphore(%arg16 : memref<!tpu.dma_semaphore, #tpu.memory_space<semaphore_mem>>) src(%dma_wait3A_62 : memref<2048x256xf32, #tpu.memory_space<hbm>>) dst(%arg13 : memref<104x256xf32, #tpu.memory_space<vmem>>)
        %dma_wait3A_63 = arith.constant 0 : i32
        %dma_wait3A_64 = tpu.memref_slice %arg10[%add3A_51, %dma_wait3A_63] : memref<64x104xi32, #tpu.memory_space<vmem>> -> memref<1x104xi32, #tpu.memory_space<vmem>>
        %dma_wait3A_65 = tpu.memref_squeeze %dma_wait3A_64 : memref<1x104xi32, #tpu.memory_space<vmem>> -> memref<104xi32, #tpu.memory_space<vmem>>
        %dma_wait3A_66 = arith.constant 0 : i32
        %dma_wait3A_67 = arith.constant 0 : i32
        %dma_wait3A_68 = tpu.memref_slice %arg8[%dma_wait3A_66, %dma_wait3A_67] : memref<2048x256xf32, #tpu.memory_space<hbm>> -> memref<2048x256xf32, #tpu.memory_space<hbm>>
        tpu.wait_indirect_dma semaphore(%arg17 : memref<!tpu.dma_semaphore, #tpu.memory_space<semaphore_mem>>) src(%dma_wait3A_68 : memref<2048x256xf32, #tpu.memory_space<hbm>>) dst(%arg14 : memref<104x256xf32, #tpu.memory_space<vmem>>)
      } else {
      }
      %parallel_loop3A = arith.constant 0 : i32
      %parallel_loop3A_31 = arith.constant 26 : i32
      %parallel_loop3A_32 = arith.constant 1 : i32
      scf.for %parallel_loop3A_41 = %parallel_loop3A to %parallel_loop3A_31 step %parallel_loop3A_32  : i32 {
        %parallel_loop3A_42 = arith.constant 0 : i32
        %parallel_loop3A_43 = arith.addi %parallel_loop3A_42, %parallel_loop3A_41 : i32
        %parallel_loop3A_44 = arith.constant 196 : i32
        %parallel_loop3A_45 = arith.muli %scan3A_6, %parallel_loop3A_44 : i32
        %parallel_loop3A_46 = arith.constant 0 : i32
        %parallel_loop3A_47 = arith.addi %parallel_loop3A_45, %parallel_loop3A_46 : i32
        %parallel_loop3A_48 = arith.addi %parallel_loop3A_47, %parallel_loop3A_43 : i32
        %parallel_loop3A_49 = vector.broadcast %parallel_loop3A_48 : i32 to vector<16xi32>
        %parallel_loop3A_50 = tpu.vector_load_idx %arg11[%parallel_loop3A_49] : memref<6272xf32, #tpu.memory_space<vmem>>[vector<16xi32>], vector<16xf32>,
        %parallel_loop3A_51 = arith.constant 196 : i32
        %parallel_loop3A_52 = arith.muli %scan3A_6, %parallel_loop3A_51 : i32
        %parallel_loop3A_53 = arith.constant 49 : i32
        %parallel_loop3A_54 = arith.addi %parallel_loop3A_52, %parallel_loop3A_53 : i32
        %parallel_loop3A_55 = arith.addi %parallel_loop3A_54, %parallel_loop3A_43 : i32
        %parallel_loop3A_56 = vector.broadcast %parallel_loop3A_55 : i32 to vector<16xi32>
        %parallel_loop3A_57 = tpu.vector_load_idx %arg11[%parallel_loop3A_56] : memref<6272xf32, #tpu.memory_space<vmem>>[vector<16xi32>], vector<16xf32>,
        %parallel_loop3A_58 = arith.constant 196 : i32
        %parallel_loop3A_59 = arith.muli %scan3A_6, %parallel_loop3A_58 : i32
        %parallel_loop3A_60 = arith.constant 98 : i32
        %parallel_loop3A_61 = arith.addi %parallel_loop3A_59, %parallel_loop3A_60 : i32
        %parallel_loop3A_62 = arith.addi %parallel_loop3A_61, %parallel_loop3A_43 : i32
        %parallel_loop3A_63 = vector.broadcast %parallel_loop3A_62 : i32 to vector<16xi32>
        %parallel_loop3A_64 = tpu.vector_load_idx %arg11[%parallel_loop3A_63] : memref<6272xf32, #tpu.memory_space<vmem>>[vector<16xi32>], vector<16xf32>,
        %parallel_loop3A_65 = arith.constant 196 : i32
        %parallel_loop3A_66 = arith.muli %scan3A_6, %parallel_loop3A_65 : i32
        %parallel_loop3A_67 = arith.constant 147 : i32
        %parallel_loop3A_68 = arith.addi %parallel_loop3A_66, %parallel_loop3A_67 : i32
        %parallel_loop3A_69 = arith.addi %parallel_loop3A_68, %parallel_loop3A_43 : i32
        %parallel_loop3A_70 = vector.broadcast %parallel_loop3A_69 : i32 to vector<16xi32>
        %parallel_loop3A_71 = tpu.vector_load_idx %arg11[%parallel_loop3A_70] : memref<6272xf32, #tpu.memory_space<vmem>>[vector<16xi32>], vector<16xf32>,
        %parallel_loop3A_72 = arith.index_cast %parallel_loop3A_41 : i32 to index
        %parallel_loop3A_73 = arith.constant 0 : index
        %parallel_loop3A_74 = tpu.vector_load %arg13[%parallel_loop3A_72, %parallel_loop3A_73] {strides = array<i32>} : memref<104x256xf32, #tpu.memory_space<vmem>>, vector<16xf32>,
        %parallel_loop3A_75 = arith.mulf %parallel_loop3A_50, %parallel_loop3A_74 : vector<16xf32>
        %parallel_loop3A_76 = arith.constant 26 : i32
        %parallel_loop3A_77 = arith.addi %parallel_loop3A_76, %parallel_loop3A_41 : i32
        %parallel_loop3A_78 = arith.index_cast %parallel_loop3A_77 : i32 to index
        %parallel_loop3A_79 = arith.constant 0 : index
        %parallel_loop3A_80 = tpu.vector_load %arg13[%parallel_loop3A_78, %parallel_loop3A_79] {strides = array<i32>} : memref<104x256xf32, #tpu.memory_space<vmem>>, vector<16xf32>,
        %parallel_loop3A_81 = arith.mulf %parallel_loop3A_57, %parallel_loop3A_80 : vector<16xf32>
        %parallel_loop3A_82 = arith.addf %parallel_loop3A_75, %parallel_loop3A_81 : vector<16xf32>
        %parallel_loop3A_83 = arith.constant 52 : i32
        %parallel_loop3A_84 = arith.addi %parallel_loop3A_83, %parallel_loop3A_41 : i32
        %parallel_loop3A_85 = arith.index_cast %parallel_loop3A_84 : i32 to index
        %parallel_loop3A_86 = arith.constant 0 : index
        %parallel_loop3A_87 = tpu.vector_load %arg13[%parallel_loop3A_85, %parallel_loop3A_86] {strides = array<i32>} : memref<104x256xf32, #tpu.memory_space<vmem>>, vector<16xf32>,
        %parallel_loop3A_88 = arith.mulf %parallel_loop3A_64, %parallel_loop3A_87 : vector<16xf32>
        %parallel_loop3A_89 = arith.addf %parallel_loop3A_82, %parallel_loop3A_88 : vector<16xf32>
        %parallel_loop3A_90 = arith.constant 78 : i32
        %parallel_loop3A_91 = arith.addi %parallel_loop3A_90, %parallel_loop3A_41 : i32
        %parallel_loop3A_92 = arith.index_cast %parallel_loop3A_91 : i32 to index
        %parallel_loop3A_93 = arith.constant 0 : index
        %parallel_loop3A_94 = tpu.vector_load %arg13[%parallel_loop3A_92, %parallel_loop3A_93] {strides = array<i32>} : memref<104x256xf32, #tpu.memory_space<vmem>>, vector<16xf32>,
        %parallel_loop3A_95 = arith.mulf %parallel_loop3A_71, %parallel_loop3A_94 : vector<16xf32>
        %parallel_loop3A_96 = arith.addf %parallel_loop3A_89, %parallel_loop3A_95 : vector<16xf32>
        %parallel_loop3A_97 = arith.constant 256 : i32
        %parallel_loop3A_98 = arith.muli %parallel_loop3A_43, %parallel_loop3A_97 : i32
        %parallel_loop3A_99 = arith.constant 0 : i32
        %parallel_loop3A_100 = arith.addi %parallel_loop3A_98, %parallel_loop3A_99 : i32
        %parallel_loop3A_101 = arith.index_cast %parallel_loop3A_100 : i32 to index
        %parallel_loop3A_102 = tpu.vector_load %arg15[%parallel_loop3A_101] {strides = array<i32>} : memref<12544xf32, #tpu.memory_space<vmem>>, vector<16xf32>,
        tpu.vector_store %arg15[%parallel_loop3A_101], %parallel_loop3A_96 {strides = array<i32>} : memref<12544xf32, #tpu.memory_space<vmem>>, vector<16xf32>,
        %parallel_loop3A_103 = arith.index_cast %parallel_loop3A_41 : i32 to index
        %parallel_loop3A_104 = arith.constant 16 : index
        %parallel_loop3A_105 = tpu.vector_load %arg13[%parallel_loop3A_103, %parallel_loop3A_104] {strides = array<i32>} : memref<104x256xf32, #tpu.memory_space<vmem>>, vector<16xf32>,
        %parallel_loop3A_106 = arith.mulf %parallel_loop3A_50, %parallel_loop3A_105 : vector<16xf32>
        %parallel_loop3A_107 = arith.constant 26 : i32
        %parallel_loop3A_108 = arith.addi %parallel_loop3A_107, %parallel_loop3A_41 : i32
        %parallel_loop3A_109 = arith.index_cast %parallel_loop3A_108 : i32 to index
        %parallel_loop3A_110 = arith.constant 16 : index
        %parallel_loop3A_111 = tpu.vector_load %arg13[%parallel_loop3A_109, %parallel_loop3A_110] {strides = array<i32>} : memref<104x256xf32, #tpu.memory_space<vmem>>, vector<16xf32>,
        %parallel_loop3A_112 = arith.mulf %parallel_loop3A_57, %parallel_loop3A_111 : vector<16xf32>
        %parallel_loop3A_113 = arith.addf %parallel_loop3A_106, %parallel_loop3A_112 : vector<16xf32>
        %parallel_loop3A_114 = arith.constant 52 : i32
        %parallel_loop3A_115 = arith.addi %parallel_loop3A_114, %parallel_loop3A_41 : i32
        %parallel_loop3A_116 = arith.index_cast %parallel_loop3A_115 : i32 to index
        %parallel_loop3A_117 = arith.constant 16 : index
        %parallel_loop3A_118 = tpu.vector_load %arg13[%parallel_loop3A_116, %parallel_loop3A_117] {strides = array<i32>} : memref<104x256xf32, #tpu.memory_space<vmem>>, vector<16xf32>,
        %parallel_loop3A_119 = arith.mulf %parallel_loop3A_64, %parallel_loop3A_118 : vector<16xf32>
        %parallel_loop3A_120 = arith.addf %parallel_loop3A_113, %parallel_loop3A_119 : vector<16xf32>
        %parallel_loop3A_121 = arith.constant 78 : i32
        %parallel_loop3A_122 = arith.addi %parallel_loop3A_121, %parallel_loop3A_41 : i32
        %parallel_loop3A_123 = arith.index_cast %parallel_loop3A_122 : i32 to index
        %parallel_loop3A_124 = arith.constant 16 : index
        %parallel_loop3A_125 = tpu.vector_load %arg13[%parallel_loop3A_123, %parallel_loop3A_124] {strides = array<i32>} : memref<104x256xf32, #tpu.memory_space<vmem>>, vector<16xf32>,
        %parallel_loop3A_126 = arith.mulf %parallel_loop3A_71, %parallel_loop3A_125 : vector<16xf32>
        %parallel_loop3A_127 = arith.addf %parallel_loop3A_120, %parallel_loop3A_126 : vector<16xf32>
        %parallel_loop3A_128 = arith.constant 256 : i32
        %parallel_loop3A_129 = arith.muli %parallel_loop3A_43, %parallel_loop3A_128 : i32
        %parallel_loop3A_130 = arith.constant 16 : i32
        %parallel_loop3A_131 = arith.addi %parallel_loop3A_129, %parallel_loop3A_130 : i32
        %parallel_loop3A_132 = arith.index_cast %parallel_loop3A_131 : i32 to index
        %parallel_loop3A_133 = tpu.vector_load %arg15[%parallel_loop3A_132] {strides = array<i32>} : memref<12544xf32, #tpu.memory_space<vmem>>, vector<16xf32>,
        tpu.vector_store %arg15[%parallel_loop3A_132], %parallel_loop3A_127 {strides = array<i32>} : memref<12544xf32, #tpu.memory_space<vmem>>, vector<16xf32>,
        %parallel_loop3A_134 = arith.index_cast %parallel_loop3A_41 : i32 to index
        %parallel_loop3A_135 = arith.constant 32 : index
        %parallel_loop3A_136 = tpu.vector_load %arg13[%parallel_loop3A_134, %parallel_loop3A_135] {strides = array<i32>} : memref<104x256xf32, #tpu.memory_space<vmem>>, vector<16xf32>,
        %parallel_loop3A_137 = arith.mulf %parallel_loop3A_50, %parallel_loop3A_136 : vector<16xf32>
        %parallel_loop3A_138 = arith.constant 26 : i32
        %parallel_loop3A_139 = arith.addi %parallel_loop3A_138, %parallel_loop3A_41 : i32
        %parallel_loop3A_140 = arith.index_cast %parallel_loop3A_139 : i32 to index
        %parallel_loop3A_141 = arith.constant 32 : index
        %parallel_loop3A_142 = tpu.vector_load %arg13[%parallel_loop3A_140, %parallel_loop3A_141] {strides = array<i32>} : memref<104x256xf32, #tpu.memory_space<vmem>>, vector<16xf32>,
        %parallel_loop3A_143 = arith.mulf %parallel_loop3A_57, %parallel_loop3A_142 : vector<16xf32>
        %parallel_loop3A_144 = arith.addf %parallel_loop3A_137, %parallel_loop3A_143 : vector<16xf32>
        %parallel_loop3A_145 = arith.constant 52 : i32
        %parallel_loop3A_146 = arith.addi %parallel_loop3A_145, %parallel_loop3A_41 : i32
        %parallel_loop3A_147 = arith.index_cast %parallel_loop3A_146 : i32 to index
        %parallel_loop3A_148 = arith.constant 32 : index
        %parallel_loop3A_149 = tpu.vector_load %arg13[%parallel_loop3A_147, %parallel_loop3A_148] {strides = array<i32>} : memref<104x256xf32, #tpu.memory_space<vmem>>, vector<16xf32>,
        %parallel_loop3A_150 = arith.mulf %parallel_loop3A_64, %parallel_loop3A_149 : vector<16xf32>
        %parallel_loop3A_151 = arith.addf %parallel_loop3A_144, %parallel_loop3A_150 : vector<16xf32>
        %parallel_loop3A_152 = arith.constant 78 : i32
        %parallel_loop3A_153 = arith.addi %parallel_loop3A_152, %parallel_loop3A_41 : i32
        %parallel_loop3A_154 = arith.index_cast %parallel_loop3A_153 : i32 to index
        %parallel_loop3A_155 = arith.constant 32 : index
        %parallel_loop3A_156 = tpu.vector_load %arg13[%parallel_loop3A_154, %parallel_loop3A_155] {strides = array<i32>} : memref<104x256xf32, #tpu.memory_space<vmem>>, vector<16xf32>,
        %parallel_loop3A_157 = arith.mulf %parallel_loop3A_71, %parallel_loop3A_156 : vector<16xf32>
        %parallel_loop3A_158 = arith.addf %parallel_loop3A_151, %parallel_loop3A_157 : vector<16xf32>
        %parallel_loop3A_159 = arith.constant 256 : i32
        %parallel_loop3A_160 = arith.muli %parallel_loop3A_43, %parallel_loop3A_159 : i32
        %parallel_loop3A_161 = arith.constant 32 : i32
        %parallel_loop3A_162 = arith.addi %parallel_loop3A_160, %parallel_loop3A_161 : i32
        %parallel_loop3A_163 = arith.index_cast %parallel_loop3A_162 : i32 to index
        %parallel_loop3A_164 = tpu.vector_load %arg15[%parallel_loop3A_163] {strides = array<i32>} : memref<12544xf32, #tpu.memory_space<vmem>>, vector<16xf32>,
        tpu.vector_store %arg15[%parallel_loop3A_163], %parallel_loop3A_158 {strides = array<i32>} : memref<12544xf32, #tpu.memory_space<vmem>>, vector<16xf32>,
        %parallel_loop3A_165 = arith.index_cast %parallel_loop3A_41 : i32 to index
        %parallel_loop3A_166 = arith.constant 48 : index
        %parallel_loop3A_167 = tpu.vector_load %arg13[%parallel_loop3A_165, %parallel_loop3A_166] {strides = array<i32>} : memref<104x256xf32, #tpu.memory_space<vmem>>, vector<16xf32>,
        %parallel_loop3A_168 = arith.mulf %parallel_loop3A_50, %parallel_loop3A_167 : vector<16xf32>
        %parallel_loop3A_169 = arith.constant 26 : i32
        %parallel_loop3A_170 = arith.addi %parallel_loop3A_169, %parallel_loop3A_41 : i32
        %parallel_loop3A_171 = arith.index_cast %parallel_loop3A_170 : i32 to index
        %parallel_loop3A_172 = arith.constant 48 : index
        %parallel_loop3A_173 = tpu.vector_load %arg13[%parallel_loop3A_171, %parallel_loop3A_172] {strides = array<i32>} : memref<104x256xf32, #tpu.memory_space<vmem>>, vector<16xf32>,
        %parallel_loop3A_174 = arith.mulf %parallel_loop3A_57, %parallel_loop3A_173 : vector<16xf32>
        %parallel_loop3A_175 = arith.addf %parallel_loop3A_168, %parallel_loop3A_174 : vector<16xf32>
        %parallel_loop3A_176 = arith.constant 52 : i32
        %parallel_loop3A_177 = arith.addi %parallel_loop3A_176, %parallel_loop3A_41 : i32
        %parallel_loop3A_178 = arith.index_cast %parallel_loop3A_177 : i32 to index
        %parallel_loop3A_179 = arith.constant 48 : index
        %parallel_loop3A_180 = tpu.vector_load %arg13[%parallel_loop3A_178, %parallel_loop3A_179] {strides = array<i32>} : memref<104x256xf32, #tpu.memory_space<vmem>>, vector<16xf32>,
        %parallel_loop3A_181 = arith.mulf %parallel_loop3A_64, %parallel_loop3A_180 : vector<16xf32>
        %parallel_loop3A_182 = arith.addf %parallel_loop3A_175, %parallel_loop3A_181 : vector<16xf32>
        %parallel_loop3A_183 = arith.constant 78 : i32
        %parallel_loop3A_184 = arith.addi %parallel_loop3A_183, %parallel_loop3A_41 : i32
        %parallel_loop3A_185 = arith.index_cast %parallel_loop3A_184 : i32 to index
        %parallel_loop3A_186 = arith.constant 48 : index
        %parallel_loop3A_187 = tpu.vector_load %arg13[%parallel_loop3A_185, %parallel_loop3A_186] {strides = array<i32>} : memref<104x256xf32, #tpu.memory_space<vmem>>, vector<16xf32>,
        %parallel_loop3A_188 = arith.mulf %parallel_loop3A_71, %parallel_loop3A_187 : vector<16xf32>
        %parallel_loop3A_189 = arith.addf %parallel_loop3A_182, %parallel_loop3A_188 : vector<16xf32>
        %parallel_loop3A_190 = arith.constant 256 : i32
        %parallel_loop3A_191 = arith.muli %parallel_loop3A_43, %parallel_loop3A_190 : i32
        %parallel_loop3A_192 = arith.constant 48 : i32
        %parallel_loop3A_193 = arith.addi %parallel_loop3A_191, %parallel_loop3A_192 : i32
        %parallel_loop3A_194 = arith.index_cast %parallel_loop3A_193 : i32 to index
        %parallel_loop3A_195 = tpu.vector_load %arg15[%parallel_loop3A_194] {strides = array<i32>} : memref<12544xf32, #tpu.memory_space<vmem>>, vector<16xf32>,
        tpu.vector_store %arg15[%parallel_loop3A_194], %parallel_loop3A_189 {strides = array<i32>} : memref<12544xf32, #tpu.memory_space<vmem>>, vector<16xf32>,
        %parallel_loop3A_196 = arith.index_cast %parallel_loop3A_41 : i32 to index
        %parallel_loop3A_197 = arith.constant 64 : index
        %parallel_loop3A_198 = tpu.vector_load %arg13[%parallel_loop3A_196, %parallel_loop3A_197] {strides = array<i32>} : memref<104x256xf32, #tpu.memory_space<vmem>>, vector<16xf32>,
        %parallel_loop3A_199 = arith.mulf %parallel_loop3A_50, %parallel_loop3A_198 : vector<16xf32>
        %parallel_loop3A_200 = arith.constant 26 : i32
        %parallel_loop3A_201 = arith.addi %parallel_loop3A_200, %parallel_loop3A_41 : i32
        %parallel_loop3A_202 = arith.index_cast %parallel_loop3A_201 : i32 to index
        %parallel_loop3A_203 = arith.constant 64 : index
        %parallel_loop3A_204 = tpu.vector_load %arg13[%parallel_loop3A_202, %parallel_loop3A_203] {strides = array<i32>} : memref<104x256xf32, #tpu.memory_space<vmem>>, vector<16xf32>,
        %parallel_loop3A_205 = arith.mulf %parallel_loop3A_57, %parallel_loop3A_204 : vector<16xf32>
        %parallel_loop3A_206 = arith.addf %parallel_loop3A_199, %parallel_loop3A_205 : vector<16xf32>
        %parallel_loop3A_207 = arith.constant 52 : i32
        %parallel_loop3A_208 = arith.addi %parallel_loop3A_207, %parallel_loop3A_41 : i32
        %parallel_loop3A_209 = arith.index_cast %parallel_loop3A_208 : i32 to index
        %parallel_loop3A_210 = arith.constant 64 : index
        %parallel_loop3A_211 = tpu.vector_load %arg13[%parallel_loop3A_209, %parallel_loop3A_210] {strides = array<i32>} : memref<104x256xf32, #tpu.memory_space<vmem>>, vector<16xf32>,
        %parallel_loop3A_212 = arith.mulf %parallel_loop3A_64, %parallel_loop3A_211 : vector<16xf32>
        %parallel_loop3A_213 = arith.addf %parallel_loop3A_206, %parallel_loop3A_212 : vector<16xf32>
        %parallel_loop3A_214 = arith.constant 78 : i32
        %parallel_loop3A_215 = arith.addi %parallel_loop3A_214, %parallel_loop3A_41 : i32
        %parallel_loop3A_216 = arith.index_cast %parallel_loop3A_215 : i32 to index
        %parallel_loop3A_217 = arith.constant 64 : index
        %parallel_loop3A_218 = tpu.vector_load %arg13[%parallel_loop3A_216, %parallel_loop3A_217] {strides = array<i32>} : memref<104x256xf32, #tpu.memory_space<vmem>>, vector<16xf32>,
        %parallel_loop3A_219 = arith.mulf %parallel_loop3A_71, %parallel_loop3A_218 : vector<16xf32>
        %parallel_loop3A_220 = arith.addf %parallel_loop3A_213, %parallel_loop3A_219 : vector<16xf32>
        %parallel_loop3A_221 = arith.constant 256 : i32
        %parallel_loop3A_222 = arith.muli %parallel_loop3A_43, %parallel_loop3A_221 : i32
        %parallel_loop3A_223 = arith.constant 64 : i32
        %parallel_loop3A_224 = arith.addi %parallel_loop3A_222, %parallel_loop3A_223 : i32
        %parallel_loop3A_225 = arith.index_cast %parallel_loop3A_224 : i32 to index
        %parallel_loop3A_226 = tpu.vector_load %arg15[%parallel_loop3A_225] {strides = array<i32>} : memref<12544xf32, #tpu.memory_space<vmem>>, vector<16xf32>,
        tpu.vector_store %arg15[%parallel_loop3A_225], %parallel_loop3A_220 {strides = array<i32>} : memref<12544xf32, #tpu.memory_space<vmem>>, vector<16xf32>,
        %parallel_loop3A_227 = arith.index_cast %parallel_loop3A_41 : i32 to index
        %parallel_loop3A_228 = arith.constant 80 : index
        %parallel_loop3A_229 = tpu.vector_load %arg13[%parallel_loop3A_227, %parallel_loop3A_228] {strides = array<i32>} : memref<104x256xf32, #tpu.memory_space<vmem>>, vector<16xf32>,
        %parallel_loop3A_230 = arith.mulf %parallel_loop3A_50, %parallel_loop3A_229 : vector<16xf32>
        %parallel_loop3A_231 = arith.constant 26 : i32
        %parallel_loop3A_232 = arith.addi %parallel_loop3A_231, %parallel_loop3A_41 : i32
        %parallel_loop3A_233 = arith.index_cast %parallel_loop3A_232 : i32 to index
        %parallel_loop3A_234 = arith.constant 80 : index
        %parallel_loop3A_235 = tpu.vector_load %arg13[%parallel_loop3A_233, %parallel_loop3A_234] {strides = array<i32>} : memref<104x256xf32, #tpu.memory_space<vmem>>, vector<16xf32>,
        %parallel_loop3A_236 = arith.mulf %parallel_loop3A_57, %parallel_loop3A_235 : vector<16xf32>
        %parallel_loop3A_237 = arith.addf %parallel_loop3A_230, %parallel_loop3A_236 : vector<16xf32>
        %parallel_loop3A_238 = arith.constant 52 : i32
        %parallel_loop3A_239 = arith.addi %parallel_loop3A_238, %parallel_loop3A_41 : i32
        %parallel_loop3A_240 = arith.index_cast %parallel_loop3A_239 : i32 to index
        %parallel_loop3A_241 = arith.constant 80 : index
        %parallel_loop3A_242 = tpu.vector_load %arg13[%parallel_loop3A_240, %parallel_loop3A_241] {strides = array<i32>} : memref<104x256xf32, #tpu.memory_space<vmem>>, vector<16xf32>,
        %parallel_loop3A_243 = arith.mulf %parallel_loop3A_64, %parallel_loop3A_242 : vector<16xf32>
        %parallel_loop3A_244 = arith.addf %parallel_loop3A_237, %parallel_loop3A_243 : vector<16xf32>
        %parallel_loop3A_245 = arith.constant 78 : i32
        %parallel_loop3A_246 = arith.addi %parallel_loop3A_245, %parallel_loop3A_41 : i32
        %parallel_loop3A_247 = arith.index_cast %parallel_loop3A_246 : i32 to index
        %parallel_loop3A_248 = arith.constant 80 : index
        %parallel_loop3A_249 = tpu.vector_load %arg13[%parallel_loop3A_247, %parallel_loop3A_248] {strides = array<i32>} : memref<104x256xf32, #tpu.memory_space<vmem>>, vector<16xf32>,
        %parallel_loop3A_250 = arith.mulf %parallel_loop3A_71, %parallel_loop3A_249 : vector<16xf32>
        %parallel_loop3A_251 = arith.addf %parallel_loop3A_244, %parallel_loop3A_250 : vector<16xf32>
        %parallel_loop3A_252 = arith.constant 256 : i32
        %parallel_loop3A_253 = arith.muli %parallel_loop3A_43, %parallel_loop3A_252 : i32
        %parallel_loop3A_254 = arith.constant 80 : i32
        %parallel_loop3A_255 = arith.addi %parallel_loop3A_253, %parallel_loop3A_254 : i32
        %parallel_loop3A_256 = arith.index_cast %parallel_loop3A_255 : i32 to index
        %parallel_loop3A_257 = tpu.vector_load %arg15[%parallel_loop3A_256] {strides = array<i32>} : memref<12544xf32, #tpu.memory_space<vmem>>, vector<16xf32>,
        tpu.vector_store %arg15[%parallel_loop3A_256], %parallel_loop3A_251 {strides = array<i32>} : memref<12544xf32, #tpu.memory_space<vmem>>, vector<16xf32>,
        %parallel_loop3A_258 = arith.index_cast %parallel_loop3A_41 : i32 to index
        %parallel_loop3A_259 = arith.constant 96 : index
        %parallel_loop3A_260 = tpu.vector_load %arg13[%parallel_loop3A_258, %parallel_loop3A_259] {strides = array<i32>} : memref<104x256xf32, #tpu.memory_space<vmem>>, vector<16xf32>,
        %parallel_loop3A_261 = arith.mulf %parallel_loop3A_50, %parallel_loop3A_260 : vector<16xf32>
        %parallel_loop3A_262 = arith.constant 26 : i32
        %parallel_loop3A_263 = arith.addi %parallel_loop3A_262, %parallel_loop3A_41 : i32
        %parallel_loop3A_264 = arith.index_cast %parallel_loop3A_263 : i32 to index
        %parallel_loop3A_265 = arith.constant 96 : index
        %parallel_loop3A_266 = tpu.vector_load %arg13[%parallel_loop3A_264, %parallel_loop3A_265] {strides = array<i32>} : memref<104x256xf32, #tpu.memory_space<vmem>>, vector<16xf32>,
        %parallel_loop3A_267 = arith.mulf %parallel_loop3A_57, %parallel_loop3A_266 : vector<16xf32>
        %parallel_loop3A_268 = arith.addf %parallel_loop3A_261, %parallel_loop3A_267 : vector<16xf32>
        %parallel_loop3A_269 = arith.constant 52 : i32
        %parallel_loop3A_270 = arith.addi %parallel_loop3A_269, %parallel_loop3A_41 : i32
        %parallel_loop3A_271 = arith.index_cast %parallel_loop3A_270 : i32 to index
        %parallel_loop3A_272 = arith.constant 96 : index
        %parallel_loop3A_273 = tpu.vector_load %arg13[%parallel_loop3A_271, %parallel_loop3A_272] {strides = array<i32>} : memref<104x256xf32, #tpu.memory_space<vmem>>, vector<16xf32>,
        %parallel_loop3A_274 = arith.mulf %parallel_loop3A_64, %parallel_loop3A_273 : vector<16xf32>
        %parallel_loop3A_275 = arith.addf %parallel_loop3A_268, %parallel_loop3A_274 : vector<16xf32>
        %parallel_loop3A_276 = arith.constant 78 : i32
        %parallel_loop3A_277 = arith.addi %parallel_loop3A_276, %parallel_loop3A_41 : i32
        %parallel_loop3A_278 = arith.index_cast %parallel_loop3A_277 : i32 to index
        %parallel_loop3A_279 = arith.constant 96 : index
        %parallel_loop3A_280 = tpu.vector_load %arg13[%parallel_loop3A_278, %parallel_loop3A_279] {strides = array<i32>} : memref<104x256xf32, #tpu.memory_space<vmem>>, vector<16xf32>,
        %parallel_loop3A_281 = arith.mulf %parallel_loop3A_71, %parallel_loop3A_280 : vector<16xf32>
        %parallel_loop3A_282 = arith.addf %parallel_loop3A_275, %parallel_loop3A_281 : vector<16xf32>
        %parallel_loop3A_283 = arith.constant 256 : i32
        %parallel_loop3A_284 = arith.muli %parallel_loop3A_43, %parallel_loop3A_283 : i32
        %parallel_loop3A_285 = arith.constant 96 : i32
        %parallel_loop3A_286 = arith.addi %parallel_loop3A_284, %parallel_loop3A_285 : i32
        %parallel_loop3A_287 = arith.index_cast %parallel_loop3A_286 : i32 to index
        %parallel_loop3A_288 = tpu.vector_load %arg15[%parallel_loop3A_287] {strides = array<i32>} : memref<12544xf32, #tpu.memory_space<vmem>>, vector<16xf32>,
        tpu.vector_store %arg15[%parallel_loop3A_287], %parallel_loop3A_282 {strides = array<i32>} : memref<12544xf32, #tpu.memory_space<vmem>>, vector<16xf32>,
        %parallel_loop3A_289 = arith.index_cast %parallel_loop3A_41 : i32 to index
        %parallel_loop3A_290 = arith.constant 112 : index
        %parallel_loop3A_291 = tpu.vector_load %arg13[%parallel_loop3A_289, %parallel_loop3A_290] {strides = array<i32>} : memref<104x256xf32, #tpu.memory_space<vmem>>, vector<16xf32>,
        %parallel_loop3A_292 = arith.mulf %parallel_loop3A_50, %parallel_loop3A_291 : vector<16xf32>
        %parallel_loop3A_293 = arith.constant 26 : i32
        %parallel_loop3A_294 = arith.addi %parallel_loop3A_293, %parallel_loop3A_41 : i32
        %parallel_loop3A_295 = arith.index_cast %parallel_loop3A_294 : i32 to index
        %parallel_loop3A_296 = arith.constant 112 : index
        %parallel_loop3A_297 = tpu.vector_load %arg13[%parallel_loop3A_295, %parallel_loop3A_296] {strides = array<i32>} : memref<104x256xf32, #tpu.memory_space<vmem>>, vector<16xf32>,
        %parallel_loop3A_298 = arith.mulf %parallel_loop3A_57, %parallel_loop3A_297 : vector<16xf32>
        %parallel_loop3A_299 = arith.addf %parallel_loop3A_292, %parallel_loop3A_298 : vector<16xf32>
        %parallel_loop3A_300 = arith.constant 52 : i32
        %parallel_loop3A_301 = arith.addi %parallel_loop3A_300, %parallel_loop3A_41 : i32
        %parallel_loop3A_302 = arith.index_cast %parallel_loop3A_301 : i32 to index
        %parallel_loop3A_303 = arith.constant 112 : index
        %parallel_loop3A_304 = tpu.vector_load %arg13[%parallel_loop3A_302, %parallel_loop3A_303] {strides = array<i32>} : memref<104x256xf32, #tpu.memory_space<vmem>>, vector<16xf32>,
        %parallel_loop3A_305 = arith.mulf %parallel_loop3A_64, %parallel_loop3A_304 : vector<16xf32>
        %parallel_loop3A_306 = arith.addf %parallel_loop3A_299, %parallel_loop3A_305 : vector<16xf32>
        %parallel_loop3A_307 = arith.constant 78 : i32
        %parallel_loop3A_308 = arith.addi %parallel_loop3A_307, %parallel_loop3A_41 : i32
        %parallel_loop3A_309 = arith.index_cast %parallel_loop3A_308 : i32 to index
        %parallel_loop3A_310 = arith.constant 112 : index
        %parallel_loop3A_311 = tpu.vector_load %arg13[%parallel_loop3A_309, %parallel_loop3A_310] {strides = array<i32>} : memref<104x256xf32, #tpu.memory_space<vmem>>, vector<16xf32>,
        %parallel_loop3A_312 = arith.mulf %parallel_loop3A_71, %parallel_loop3A_311 : vector<16xf32>
        %parallel_loop3A_313 = arith.addf %parallel_loop3A_306, %parallel_loop3A_312 : vector<16xf32>
        %parallel_loop3A_314 = arith.constant 256 : i32
        %parallel_loop3A_315 = arith.muli %parallel_loop3A_43, %parallel_loop3A_314 : i32
        %parallel_loop3A_316 = arith.constant 112 : i32
        %parallel_loop3A_317 = arith.addi %parallel_loop3A_315, %parallel_loop3A_316 : i32
        %parallel_loop3A_318 = arith.index_cast %parallel_loop3A_317 : i32 to index
        %parallel_loop3A_319 = tpu.vector_load %arg15[%parallel_loop3A_318] {strides = array<i32>} : memref<12544xf32, #tpu.memory_space<vmem>>, vector<16xf32>,
        tpu.vector_store %arg15[%parallel_loop3A_318], %parallel_loop3A_313 {strides = array<i32>} : memref<12544xf32, #tpu.memory_space<vmem>>, vector<16xf32>,
        %parallel_loop3A_320 = arith.index_cast %parallel_loop3A_41 : i32 to index
        %parallel_loop3A_321 = arith.constant 128 : index
        %parallel_loop3A_322 = tpu.vector_load %arg13[%parallel_loop3A_320, %parallel_loop3A_321] {strides = array<i32>} : memref<104x256xf32, #tpu.memory_space<vmem>>, vector<16xf32>,
        %parallel_loop3A_323 = arith.mulf %parallel_loop3A_50, %parallel_loop3A_322 : vector<16xf32>
        %parallel_loop3A_324 = arith.constant 26 : i32
        %parallel_loop3A_325 = arith.addi %parallel_loop3A_324, %parallel_loop3A_41 : i32
        %parallel_loop3A_326 = arith.index_cast %parallel_loop3A_325 : i32 to index
        %parallel_loop3A_327 = arith.constant 128 : index
        %parallel_loop3A_328 = tpu.vector_load %arg13[%parallel_loop3A_326, %parallel_loop3A_327] {strides = array<i32>} : memref<104x256xf32, #tpu.memory_space<vmem>>, vector<16xf32>,
        %parallel_loop3A_329 = arith.mulf %parallel_loop3A_57, %parallel_loop3A_328 : vector<16xf32>
        %parallel_loop3A_330 = arith.addf %parallel_loop3A_323, %parallel_loop3A_329 : vector<16xf32>
        %parallel_loop3A_331 = arith.constant 52 : i32
        %parallel_loop3A_332 = arith.addi %parallel_loop3A_331, %parallel_loop3A_41 : i32
        %parallel_loop3A_333 = arith.index_cast %parallel_loop3A_332 : i32 to index
        %parallel_loop3A_334 = arith.constant 128 : index
        %parallel_loop3A_335 = tpu.vector_load %arg13[%parallel_loop3A_333, %parallel_loop3A_334] {strides = array<i32>} : memref<104x256xf32, #tpu.memory_space<vmem>>, vector<16xf32>,
        %parallel_loop3A_336 = arith.mulf %parallel_loop3A_64, %parallel_loop3A_335 : vector<16xf32>
        %parallel_loop3A_337 = arith.addf %parallel_loop3A_330, %parallel_loop3A_336 : vector<16xf32>
        %parallel_loop3A_338 = arith.constant 78 : i32
        %parallel_loop3A_339 = arith.addi %parallel_loop3A_338, %parallel_loop3A_41 : i32
        %parallel_loop3A_340 = arith.index_cast %parallel_loop3A_339 : i32 to index
        %parallel_loop3A_341 = arith.constant 128 : index
        %parallel_loop3A_342 = tpu.vector_load %arg13[%parallel_loop3A_340, %parallel_loop3A_341] {strides = array<i32>} : memref<104x256xf32, #tpu.memory_space<vmem>>, vector<16xf32>,
        %parallel_loop3A_343 = arith.mulf %parallel_loop3A_71, %parallel_loop3A_342 : vector<16xf32>
        %parallel_loop3A_344 = arith.addf %parallel_loop3A_337, %parallel_loop3A_343 : vector<16xf32>
        %parallel_loop3A_345 = arith.constant 256 : i32
        %parallel_loop3A_346 = arith.muli %parallel_loop3A_43, %parallel_loop3A_345 : i32
        %parallel_loop3A_347 = arith.constant 128 : i32
        %parallel_loop3A_348 = arith.addi %parallel_loop3A_346, %parallel_loop3A_347 : i32
        %parallel_loop3A_349 = arith.index_cast %parallel_loop3A_348 : i32 to index
        %parallel_loop3A_350 = tpu.vector_load %arg15[%parallel_loop3A_349] {strides = array<i32>} : memref<12544xf32, #tpu.memory_space<vmem>>, vector<16xf32>,
        tpu.vector_store %arg15[%parallel_loop3A_349], %parallel_loop3A_344 {strides = array<i32>} : memref<12544xf32, #tpu.memory_space<vmem>>, vector<16xf32>,
        %parallel_loop3A_351 = arith.index_cast %parallel_loop3A_41 : i32 to index
        %parallel_loop3A_352 = arith.constant 144 : index
        %parallel_loop3A_353 = tpu.vector_load %arg13[%parallel_loop3A_351, %parallel_loop3A_352] {strides = array<i32>} : memref<104x256xf32, #tpu.memory_space<vmem>>, vector<16xf32>,
        %parallel_loop3A_354 = arith.mulf %parallel_loop3A_50, %parallel_loop3A_353 : vector<16xf32>
        %parallel_loop3A_355 = arith.constant 26 : i32
        %parallel_loop3A_356 = arith.addi %parallel_loop3A_355, %parallel_loop3A_41 : i32
        %parallel_loop3A_357 = arith.index_cast %parallel_loop3A_356 : i32 to index
        %parallel_loop3A_358 = arith.constant 144 : index
        %parallel_loop3A_359 = tpu.vector_load %arg13[%parallel_loop3A_357, %parallel_loop3A_358] {strides = array<i32>} : memref<104x256xf32, #tpu.memory_space<vmem>>, vector<16xf32>,
        %parallel_loop3A_360 = arith.mulf %parallel_loop3A_57, %parallel_loop3A_359 : vector<16xf32>
        %parallel_loop3A_361 = arith.addf %parallel_loop3A_354, %parallel_loop3A_360 : vector<16xf32>
        %parallel_loop3A_362 = arith.constant 52 : i32
        %parallel_loop3A_363 = arith.addi %parallel_loop3A_362, %parallel_loop3A_41 : i32
        %parallel_loop3A_364 = arith.index_cast %parallel_loop3A_363 : i32 to index
        %parallel_loop3A_365 = arith.constant 144 : index
        %parallel_loop3A_366 = tpu.vector_load %arg13[%parallel_loop3A_364, %parallel_loop3A_365] {strides = array<i32>} : memref<104x256xf32, #tpu.memory_space<vmem>>, vector<16xf32>,
        %parallel_loop3A_367 = arith.mulf %parallel_loop3A_64, %parallel_loop3A_366 : vector<16xf32>
        %parallel_loop3A_368 = arith.addf %parallel_loop3A_361, %parallel_loop3A_367 : vector<16xf32>
        %parallel_loop3A_369 = arith.constant 78 : i32
        %parallel_loop3A_370 = arith.addi %parallel_loop3A_369, %parallel_loop3A_41 : i32
        %parallel_loop3A_371 = arith.index_cast %parallel_loop3A_370 : i32 to index
        %parallel_loop3A_372 = arith.constant 144 : index
        %parallel_loop3A_373 = tpu.vector_load %arg13[%parallel_loop3A_371, %parallel_loop3A_372] {strides = array<i32>} : memref<104x256xf32, #tpu.memory_space<vmem>>, vector<16xf32>,
        %parallel_loop3A_374 = arith.mulf %parallel_loop3A_71, %parallel_loop3A_373 : vector<16xf32>
        %parallel_loop3A_375 = arith.addf %parallel_loop3A_368, %parallel_loop3A_374 : vector<16xf32>
        %parallel_loop3A_376 = arith.constant 256 : i32
        %parallel_loop3A_377 = arith.muli %parallel_loop3A_43, %parallel_loop3A_376 : i32
        %parallel_loop3A_378 = arith.constant 144 : i32
        %parallel_loop3A_379 = arith.addi %parallel_loop3A_377, %parallel_loop3A_378 : i32
        %parallel_loop3A_380 = arith.index_cast %parallel_loop3A_379 : i32 to index
        %parallel_loop3A_381 = tpu.vector_load %arg15[%parallel_loop3A_380] {strides = array<i32>} : memref<12544xf32, #tpu.memory_space<vmem>>, vector<16xf32>,
        tpu.vector_store %arg15[%parallel_loop3A_380], %parallel_loop3A_375 {strides = array<i32>} : memref<12544xf32, #tpu.memory_space<vmem>>, vector<16xf32>,
        %parallel_loop3A_382 = arith.index_cast %parallel_loop3A_41 : i32 to index
        %parallel_loop3A_383 = arith.constant 160 : index
        %parallel_loop3A_384 = tpu.vector_load %arg13[%parallel_loop3A_382, %parallel_loop3A_383] {strides = array<i32>} : memref<104x256xf32, #tpu.memory_space<vmem>>, vector<16xf32>,
        %parallel_loop3A_385 = arith.mulf %parallel_loop3A_50, %parallel_loop3A_384 : vector<16xf32>
        %parallel_loop3A_386 = arith.constant 26 : i32
        %parallel_loop3A_387 = arith.addi %parallel_loop3A_386, %parallel_loop3A_41 : i32
        %parallel_loop3A_388 = arith.index_cast %parallel_loop3A_387 : i32 to index
        %parallel_loop3A_389 = arith.constant 160 : index
        %parallel_loop3A_390 = tpu.vector_load %arg13[%parallel_loop3A_388, %parallel_loop3A_389] {strides = array<i32>} : memref<104x256xf32, #tpu.memory_space<vmem>>, vector<16xf32>,
        %parallel_loop3A_391 = arith.mulf %parallel_loop3A_57, %parallel_loop3A_390 : vector<16xf32>
        %parallel_loop3A_392 = arith.addf %parallel_loop3A_385, %parallel_loop3A_391 : vector<16xf32>
        %parallel_loop3A_393 = arith.constant 52 : i32
        %parallel_loop3A_394 = arith.addi %parallel_loop3A_393, %parallel_loop3A_41 : i32
        %parallel_loop3A_395 = arith.index_cast %parallel_loop3A_394 : i32 to index
        %parallel_loop3A_396 = arith.constant 160 : index
        %parallel_loop3A_397 = tpu.vector_load %arg13[%parallel_loop3A_395, %parallel_loop3A_396] {strides = array<i32>} : memref<104x256xf32, #tpu.memory_space<vmem>>, vector<16xf32>,
        %parallel_loop3A_398 = arith.mulf %parallel_loop3A_64, %parallel_loop3A_397 : vector<16xf32>
        %parallel_loop3A_399 = arith.addf %parallel_loop3A_392, %parallel_loop3A_398 : vector<16xf32>
        %parallel_loop3A_400 = arith.constant 78 : i32
        %parallel_loop3A_401 = arith.addi %parallel_loop3A_400, %parallel_loop3A_41 : i32
        %parallel_loop3A_402 = arith.index_cast %parallel_loop3A_401 : i32 to index
        %parallel_loop3A_403 = arith.constant 160 : index
        %parallel_loop3A_404 = tpu.vector_load %arg13[%parallel_loop3A_402, %parallel_loop3A_403] {strides = array<i32>} : memref<104x256xf32, #tpu.memory_space<vmem>>, vector<16xf32>,
        %parallel_loop3A_405 = arith.mulf %parallel_loop3A_71, %parallel_loop3A_404 : vector<16xf32>
        %parallel_loop3A_406 = arith.addf %parallel_loop3A_399, %parallel_loop3A_405 : vector<16xf32>
        %parallel_loop3A_407 = arith.constant 256 : i32
        %parallel_loop3A_408 = arith.muli %parallel_loop3A_43, %parallel_loop3A_407 : i32
        %parallel_loop3A_409 = arith.constant 160 : i32
        %parallel_loop3A_410 = arith.addi %parallel_loop3A_408, %parallel_loop3A_409 : i32
        %parallel_loop3A_411 = arith.index_cast %parallel_loop3A_410 : i32 to index
        %parallel_loop3A_412 = tpu.vector_load %arg15[%parallel_loop3A_411] {strides = array<i32>} : memref<12544xf32, #tpu.memory_space<vmem>>, vector<16xf32>,
        tpu.vector_store %arg15[%parallel_loop3A_411], %parallel_loop3A_406 {strides = array<i32>} : memref<12544xf32, #tpu.memory_space<vmem>>, vector<16xf32>,
        %parallel_loop3A_413 = arith.index_cast %parallel_loop3A_41 : i32 to index
        %parallel_loop3A_414 = arith.constant 176 : index
        %parallel_loop3A_415 = tpu.vector_load %arg13[%parallel_loop3A_413, %parallel_loop3A_414] {strides = array<i32>} : memref<104x256xf32, #tpu.memory_space<vmem>>, vector<16xf32>,
        %parallel_loop3A_416 = arith.mulf %parallel_loop3A_50, %parallel_loop3A_415 : vector<16xf32>
        %parallel_loop3A_417 = arith.constant 26 : i32
        %parallel_loop3A_418 = arith.addi %parallel_loop3A_417, %parallel_loop3A_41 : i32
        %parallel_loop3A_419 = arith.index_cast %parallel_loop3A_418 : i32 to index
        %parallel_loop3A_420 = arith.constant 176 : index
        %parallel_loop3A_421 = tpu.vector_load %arg13[%parallel_loop3A_419, %parallel_loop3A_420] {strides = array<i32>} : memref<104x256xf32, #tpu.memory_space<vmem>>, vector<16xf32>,
        %parallel_loop3A_422 = arith.mulf %parallel_loop3A_57, %parallel_loop3A_421 : vector<16xf32>
        %parallel_loop3A_423 = arith.addf %parallel_loop3A_416, %parallel_loop3A_422 : vector<16xf32>
        %parallel_loop3A_424 = arith.constant 52 : i32
        %parallel_loop3A_425 = arith.addi %parallel_loop3A_424, %parallel_loop3A_41 : i32
        %parallel_loop3A_426 = arith.index_cast %parallel_loop3A_425 : i32 to index
        %parallel_loop3A_427 = arith.constant 176 : index
        %parallel_loop3A_428 = tpu.vector_load %arg13[%parallel_loop3A_426, %parallel_loop3A_427] {strides = array<i32>} : memref<104x256xf32, #tpu.memory_space<vmem>>, vector<16xf32>,
        %parallel_loop3A_429 = arith.mulf %parallel_loop3A_64, %parallel_loop3A_428 : vector<16xf32>
        %parallel_loop3A_430 = arith.addf %parallel_loop3A_423, %parallel_loop3A_429 : vector<16xf32>
        %parallel_loop3A_431 = arith.constant 78 : i32
        %parallel_loop3A_432 = arith.addi %parallel_loop3A_431, %parallel_loop3A_41 : i32
        %parallel_loop3A_433 = arith.index_cast %parallel_loop3A_432 : i32 to index
        %parallel_loop3A_434 = arith.constant 176 : index
        %parallel_loop3A_435 = tpu.vector_load %arg13[%parallel_loop3A_433, %parallel_loop3A_434] {strides = array<i32>} : memref<104x256xf32, #tpu.memory_space<vmem>>, vector<16xf32>,
        %parallel_loop3A_436 = arith.mulf %parallel_loop3A_71, %parallel_loop3A_435 : vector<16xf32>
        %parallel_loop3A_437 = arith.addf %parallel_loop3A_430, %parallel_loop3A_436 : vector<16xf32>
        %parallel_loop3A_438 = arith.constant 256 : i32
        %parallel_loop3A_439 = arith.muli %parallel_loop3A_43, %parallel_loop3A_438 : i32
        %parallel_loop3A_440 = arith.constant 176 : i32
        %parallel_loop3A_441 = arith.addi %parallel_loop3A_439, %parallel_loop3A_440 : i32
        %parallel_loop3A_442 = arith.index_cast %parallel_loop3A_441 : i32 to index
        %parallel_loop3A_443 = tpu.vector_load %arg15[%parallel_loop3A_442] {strides = array<i32>} : memref<12544xf32, #tpu.memory_space<vmem>>, vector<16xf32>,
        tpu.vector_store %arg15[%parallel_loop3A_442], %parallel_loop3A_437 {strides = array<i32>} : memref<12544xf32, #tpu.memory_space<vmem>>, vector<16xf32>,
        %parallel_loop3A_444 = arith.index_cast %parallel_loop3A_41 : i32 to index
        %parallel_loop3A_445 = arith.constant 192 : index
        %parallel_loop3A_446 = tpu.vector_load %arg13[%parallel_loop3A_444, %parallel_loop3A_445] {strides = array<i32>} : memref<104x256xf32, #tpu.memory_space<vmem>>, vector<16xf32>,
        %parallel_loop3A_447 = arith.mulf %parallel_loop3A_50, %parallel_loop3A_446 : vector<16xf32>
        %parallel_loop3A_448 = arith.constant 26 : i32
        %parallel_loop3A_449 = arith.addi %parallel_loop3A_448, %parallel_loop3A_41 : i32
        %parallel_loop3A_450 = arith.index_cast %parallel_loop3A_449 : i32 to index
        %parallel_loop3A_451 = arith.constant 192 : index
        %parallel_loop3A_452 = tpu.vector_load %arg13[%parallel_loop3A_450, %parallel_loop3A_451] {strides = array<i32>} : memref<104x256xf32, #tpu.memory_space<vmem>>, vector<16xf32>,
        %parallel_loop3A_453 = arith.mulf %parallel_loop3A_57, %parallel_loop3A_452 : vector<16xf32>
        %parallel_loop3A_454 = arith.addf %parallel_loop3A_447, %parallel_loop3A_453 : vector<16xf32>
        %parallel_loop3A_455 = arith.constant 52 : i32
        %parallel_loop3A_456 = arith.addi %parallel_loop3A_455, %parallel_loop3A_41 : i32
        %parallel_loop3A_457 = arith.index_cast %parallel_loop3A_456 : i32 to index
        %parallel_loop3A_458 = arith.constant 192 : index
        %parallel_loop3A_459 = tpu.vector_load %arg13[%parallel_loop3A_457, %parallel_loop3A_458] {strides = array<i32>} : memref<104x256xf32, #tpu.memory_space<vmem>>, vector<16xf32>,
        %parallel_loop3A_460 = arith.mulf %parallel_loop3A_64, %parallel_loop3A_459 : vector<16xf32>
        %parallel_loop3A_461 = arith.addf %parallel_loop3A_454, %parallel_loop3A_460 : vector<16xf32>
        %parallel_loop3A_462 = arith.constant 78 : i32
        %parallel_loop3A_463 = arith.addi %parallel_loop3A_462, %parallel_loop3A_41 : i32
        %parallel_loop3A_464 = arith.index_cast %parallel_loop3A_463 : i32 to index
        %parallel_loop3A_465 = arith.constant 192 : index
        %parallel_loop3A_466 = tpu.vector_load %arg13[%parallel_loop3A_464, %parallel_loop3A_465] {strides = array<i32>} : memref<104x256xf32, #tpu.memory_space<vmem>>, vector<16xf32>,
        %parallel_loop3A_467 = arith.mulf %parallel_loop3A_71, %parallel_loop3A_466 : vector<16xf32>
        %parallel_loop3A_468 = arith.addf %parallel_loop3A_461, %parallel_loop3A_467 : vector<16xf32>
        %parallel_loop3A_469 = arith.constant 256 : i32
        %parallel_loop3A_470 = arith.muli %parallel_loop3A_43, %parallel_loop3A_469 : i32
        %parallel_loop3A_471 = arith.constant 192 : i32
        %parallel_loop3A_472 = arith.addi %parallel_loop3A_470, %parallel_loop3A_471 : i32
        %parallel_loop3A_473 = arith.index_cast %parallel_loop3A_472 : i32 to index
        %parallel_loop3A_474 = tpu.vector_load %arg15[%parallel_loop3A_473] {strides = array<i32>} : memref<12544xf32, #tpu.memory_space<vmem>>, vector<16xf32>,
        tpu.vector_store %arg15[%parallel_loop3A_473], %parallel_loop3A_468 {strides = array<i32>} : memref<12544xf32, #tpu.memory_space<vmem>>, vector<16xf32>,
        %parallel_loop3A_475 = arith.index_cast %parallel_loop3A_41 : i32 to index
        %parallel_loop3A_476 = arith.constant 208 : index
        %parallel_loop3A_477 = tpu.vector_load %arg13[%parallel_loop3A_475, %parallel_loop3A_476] {strides = array<i32>} : memref<104x256xf32, #tpu.memory_space<vmem>>, vector<16xf32>,
        %parallel_loop3A_478 = arith.mulf %parallel_loop3A_50, %parallel_loop3A_477 : vector<16xf32>
        %parallel_loop3A_479 = arith.constant 26 : i32
        %parallel_loop3A_480 = arith.addi %parallel_loop3A_479, %parallel_loop3A_41 : i32
        %parallel_loop3A_481 = arith.index_cast %parallel_loop3A_480 : i32 to index
        %parallel_loop3A_482 = arith.constant 208 : index
        %parallel_loop3A_483 = tpu.vector_load %arg13[%parallel_loop3A_481, %parallel_loop3A_482] {strides = array<i32>} : memref<104x256xf32, #tpu.memory_space<vmem>>, vector<16xf32>,
        %parallel_loop3A_484 = arith.mulf %parallel_loop3A_57, %parallel_loop3A_483 : vector<16xf32>
        %parallel_loop3A_485 = arith.addf %parallel_loop3A_478, %parallel_loop3A_484 : vector<16xf32>
        %parallel_loop3A_486 = arith.constant 52 : i32
        %parallel_loop3A_487 = arith.addi %parallel_loop3A_486, %parallel_loop3A_41 : i32
        %parallel_loop3A_488 = arith.index_cast %parallel_loop3A_487 : i32 to index
        %parallel_loop3A_489 = arith.constant 208 : index
        %parallel_loop3A_490 = tpu.vector_load %arg13[%parallel_loop3A_488, %parallel_loop3A_489] {strides = array<i32>} : memref<104x256xf32, #tpu.memory_space<vmem>>, vector<16xf32>,
        %parallel_loop3A_491 = arith.mulf %parallel_loop3A_64, %parallel_loop3A_490 : vector<16xf32>
        %parallel_loop3A_492 = arith.addf %parallel_loop3A_485, %parallel_loop3A_491 : vector<16xf32>
        %parallel_loop3A_493 = arith.constant 78 : i32
        %parallel_loop3A_494 = arith.addi %parallel_loop3A_493, %parallel_loop3A_41 : i32
        %parallel_loop3A_495 = arith.index_cast %parallel_loop3A_494 : i32 to index
        %parallel_loop3A_496 = arith.constant 208 : index
        %parallel_loop3A_497 = tpu.vector_load %arg13[%parallel_loop3A_495, %parallel_loop3A_496] {strides = array<i32>} : memref<104x256xf32, #tpu.memory_space<vmem>>, vector<16xf32>,
        %parallel_loop3A_498 = arith.mulf %parallel_loop3A_71, %parallel_loop3A_497 : vector<16xf32>
        %parallel_loop3A_499 = arith.addf %parallel_loop3A_492, %parallel_loop3A_498 : vector<16xf32>
        %parallel_loop3A_500 = arith.constant 256 : i32
        %parallel_loop3A_501 = arith.muli %parallel_loop3A_43, %parallel_loop3A_500 : i32
        %parallel_loop3A_502 = arith.constant 208 : i32
        %parallel_loop3A_503 = arith.addi %parallel_loop3A_501, %parallel_loop3A_502 : i32
        %parallel_loop3A_504 = arith.index_cast %parallel_loop3A_503 : i32 to index
        %parallel_loop3A_505 = tpu.vector_load %arg15[%parallel_loop3A_504] {strides = array<i32>} : memref<12544xf32, #tpu.memory_space<vmem>>, vector<16xf32>,
        tpu.vector_store %arg15[%parallel_loop3A_504], %parallel_loop3A_499 {strides = array<i32>} : memref<12544xf32, #tpu.memory_space<vmem>>, vector<16xf32>,
        %parallel_loop3A_506 = arith.index_cast %parallel_loop3A_41 : i32 to index
        %parallel_loop3A_507 = arith.constant 224 : index
        %parallel_loop3A_508 = tpu.vector_load %arg13[%parallel_loop3A_506, %parallel_loop3A_507] {strides = array<i32>} : memref<104x256xf32, #tpu.memory_space<vmem>>, vector<16xf32>,
        %parallel_loop3A_509 = arith.mulf %parallel_loop3A_50, %parallel_loop3A_508 : vector<16xf32>
        %parallel_loop3A_510 = arith.constant 26 : i32
        %parallel_loop3A_511 = arith.addi %parallel_loop3A_510, %parallel_loop3A_41 : i32
        %parallel_loop3A_512 = arith.index_cast %parallel_loop3A_511 : i32 to index
        %parallel_loop3A_513 = arith.constant 224 : index
        %parallel_loop3A_514 = tpu.vector_load %arg13[%parallel_loop3A_512, %parallel_loop3A_513] {strides = array<i32>} : memref<104x256xf32, #tpu.memory_space<vmem>>, vector<16xf32>,
        %parallel_loop3A_515 = arith.mulf %parallel_loop3A_57, %parallel_loop3A_514 : vector<16xf32>
        %parallel_loop3A_516 = arith.addf %parallel_loop3A_509, %parallel_loop3A_515 : vector<16xf32>
        %parallel_loop3A_517 = arith.constant 52 : i32
        %parallel_loop3A_518 = arith.addi %parallel_loop3A_517, %parallel_loop3A_41 : i32
        %parallel_loop3A_519 = arith.index_cast %parallel_loop3A_518 : i32 to index
        %parallel_loop3A_520 = arith.constant 224 : index
        %parallel_loop3A_521 = tpu.vector_load %arg13[%parallel_loop3A_519, %parallel_loop3A_520] {strides = array<i32>} : memref<104x256xf32, #tpu.memory_space<vmem>>, vector<16xf32>,
        %parallel_loop3A_522 = arith.mulf %parallel_loop3A_64, %parallel_loop3A_521 : vector<16xf32>
        %parallel_loop3A_523 = arith.addf %parallel_loop3A_516, %parallel_loop3A_522 : vector<16xf32>
        %parallel_loop3A_524 = arith.constant 78 : i32
        %parallel_loop3A_525 = arith.addi %parallel_loop3A_524, %parallel_loop3A_41 : i32
        %parallel_loop3A_526 = arith.index_cast %parallel_loop3A_525 : i32 to index
        %parallel_loop3A_527 = arith.constant 224 : index
        %parallel_loop3A_528 = tpu.vector_load %arg13[%parallel_loop3A_526, %parallel_loop3A_527] {strides = array<i32>} : memref<104x256xf32, #tpu.memory_space<vmem>>, vector<16xf32>,
        %parallel_loop3A_529 = arith.mulf %parallel_loop3A_71, %parallel_loop3A_528 : vector<16xf32>
        %parallel_loop3A_530 = arith.addf %parallel_loop3A_523, %parallel_loop3A_529 : vector<16xf32>
        %parallel_loop3A_531 = arith.constant 256 : i32
        %parallel_loop3A_532 = arith.muli %parallel_loop3A_43, %parallel_loop3A_531 : i32
        %parallel_loop3A_533 = arith.constant 224 : i32
        %parallel_loop3A_534 = arith.addi %parallel_loop3A_532, %parallel_loop3A_533 : i32
        %parallel_loop3A_535 = arith.index_cast %parallel_loop3A_534 : i32 to index
        %parallel_loop3A_536 = tpu.vector_load %arg15[%parallel_loop3A_535] {strides = array<i32>} : memref<12544xf32, #tpu.memory_space<vmem>>, vector<16xf32>,
        tpu.vector_store %arg15[%parallel_loop3A_535], %parallel_loop3A_530 {strides = array<i32>} : memref<12544xf32, #tpu.memory_space<vmem>>, vector<16xf32>,
        %parallel_loop3A_537 = arith.index_cast %parallel_loop3A_41 : i32 to index
        %parallel_loop3A_538 = arith.constant 240 : index
        %parallel_loop3A_539 = tpu.vector_load %arg13[%parallel_loop3A_537, %parallel_loop3A_538] {strides = array<i32>} : memref<104x256xf32, #tpu.memory_space<vmem>>, vector<16xf32>,
        %parallel_loop3A_540 = arith.mulf %parallel_loop3A_50, %parallel_loop3A_539 : vector<16xf32>
        %parallel_loop3A_541 = arith.constant 26 : i32
        %parallel_loop3A_542 = arith.addi %parallel_loop3A_541, %parallel_loop3A_41 : i32
        %parallel_loop3A_543 = arith.index_cast %parallel_loop3A_542 : i32 to index
        %parallel_loop3A_544 = arith.constant 240 : index
        %parallel_loop3A_545 = tpu.vector_load %arg13[%parallel_loop3A_543, %parallel_loop3A_544] {strides = array<i32>} : memref<104x256xf32, #tpu.memory_space<vmem>>, vector<16xf32>,
        %parallel_loop3A_546 = arith.mulf %parallel_loop3A_57, %parallel_loop3A_545 : vector<16xf32>
        %parallel_loop3A_547 = arith.addf %parallel_loop3A_540, %parallel_loop3A_546 : vector<16xf32>
        %parallel_loop3A_548 = arith.constant 52 : i32
        %parallel_loop3A_549 = arith.addi %parallel_loop3A_548, %parallel_loop3A_41 : i32
        %parallel_loop3A_550 = arith.index_cast %parallel_loop3A_549 : i32 to index
        %parallel_loop3A_551 = arith.constant 240 : index
        %parallel_loop3A_552 = tpu.vector_load %arg13[%parallel_loop3A_550, %parallel_loop3A_551] {strides = array<i32>} : memref<104x256xf32, #tpu.memory_space<vmem>>, vector<16xf32>,
        %parallel_loop3A_553 = arith.mulf %parallel_loop3A_64, %parallel_loop3A_552 : vector<16xf32>
        %parallel_loop3A_554 = arith.addf %parallel_loop3A_547, %parallel_loop3A_553 : vector<16xf32>
        %parallel_loop3A_555 = arith.constant 78 : i32
        %parallel_loop3A_556 = arith.addi %parallel_loop3A_555, %parallel_loop3A_41 : i32
        %parallel_loop3A_557 = arith.index_cast %parallel_loop3A_556 : i32 to index
        %parallel_loop3A_558 = arith.constant 240 : index
        %parallel_loop3A_559 = tpu.vector_load %arg13[%parallel_loop3A_557, %parallel_loop3A_558] {strides = array<i32>} : memref<104x256xf32, #tpu.memory_space<vmem>>, vector<16xf32>,
        %parallel_loop3A_560 = arith.mulf %parallel_loop3A_71, %parallel_loop3A_559 : vector<16xf32>
        %parallel_loop3A_561 = arith.addf %parallel_loop3A_554, %parallel_loop3A_560 : vector<16xf32>
        %parallel_loop3A_562 = arith.constant 256 : i32
        %parallel_loop3A_563 = arith.muli %parallel_loop3A_43, %parallel_loop3A_562 : i32
        %parallel_loop3A_564 = arith.constant 240 : i32
        %parallel_loop3A_565 = arith.addi %parallel_loop3A_563, %parallel_loop3A_564 : i32
        %parallel_loop3A_566 = arith.index_cast %parallel_loop3A_565 : i32 to index
        %parallel_loop3A_567 = tpu.vector_load %arg15[%parallel_loop3A_566] {strides = array<i32>} : memref<12544xf32, #tpu.memory_space<vmem>>, vector<16xf32>,
        tpu.vector_store %arg15[%parallel_loop3A_566], %parallel_loop3A_561 {strides = array<i32>} : memref<12544xf32, #tpu.memory_space<vmem>>, vector<16xf32>,
      } {sc.loop_unroll_factor = 2 : i64, sc.parallel_access}
      %parallel_loop3A_33 = arith.constant 0 : i32
      %parallel_loop3A_34 = arith.constant 23 : i32
      %parallel_loop3A_35 = arith.constant 1 : i32
      scf.for %parallel_loop3A_41 = %parallel_loop3A_33 to %parallel_loop3A_34 step %parallel_loop3A_35  : i32 {
        %parallel_loop3A_42 = arith.constant 26 : i32
        %parallel_loop3A_43 = arith.addi %parallel_loop3A_42, %parallel_loop3A_41 : i32
        %parallel_loop3A_44 = arith.constant 196 : i32
        %parallel_loop3A_45 = arith.muli %scan3A_6, %parallel_loop3A_44 : i32
        %parallel_loop3A_46 = arith.constant 0 : i32
        %parallel_loop3A_47 = arith.addi %parallel_loop3A_45, %parallel_loop3A_46 : i32
        %parallel_loop3A_48 = arith.addi %parallel_loop3A_47, %parallel_loop3A_43 : i32
        %parallel_loop3A_49 = vector.broadcast %parallel_loop3A_48 : i32 to vector<16xi32>
        %parallel_loop3A_50 = tpu.vector_load_idx %arg11[%parallel_loop3A_49] : memref<6272xf32, #tpu.memory_space<vmem>>[vector<16xi32>], vector<16xf32>,
        %parallel_loop3A_51 = arith.constant 196 : i32
        %parallel_loop3A_52 = arith.muli %scan3A_6, %parallel_loop3A_51 : i32
        %parallel_loop3A_53 = arith.constant 49 : i32
        %parallel_loop3A_54 = arith.addi %parallel_loop3A_52, %parallel_loop3A_53 : i32
        %parallel_loop3A_55 = arith.addi %parallel_loop3A_54, %parallel_loop3A_43 : i32
        %parallel_loop3A_56 = vector.broadcast %parallel_loop3A_55 : i32 to vector<16xi32>
        %parallel_loop3A_57 = tpu.vector_load_idx %arg11[%parallel_loop3A_56] : memref<6272xf32, #tpu.memory_space<vmem>>[vector<16xi32>], vector<16xf32>,
        %parallel_loop3A_58 = arith.constant 196 : i32
        %parallel_loop3A_59 = arith.muli %scan3A_6, %parallel_loop3A_58 : i32
        %parallel_loop3A_60 = arith.constant 98 : i32
        %parallel_loop3A_61 = arith.addi %parallel_loop3A_59, %parallel_loop3A_60 : i32
        %parallel_loop3A_62 = arith.addi %parallel_loop3A_61, %parallel_loop3A_43 : i32
        %parallel_loop3A_63 = vector.broadcast %parallel_loop3A_62 : i32 to vector<16xi32>
        %parallel_loop3A_64 = tpu.vector_load_idx %arg11[%parallel_loop3A_63] : memref<6272xf32, #tpu.memory_space<vmem>>[vector<16xi32>], vector<16xf32>,
        %parallel_loop3A_65 = arith.constant 196 : i32
        %parallel_loop3A_66 = arith.muli %scan3A_6, %parallel_loop3A_65 : i32
        %parallel_loop3A_67 = arith.constant 147 : i32
        %parallel_loop3A_68 = arith.addi %parallel_loop3A_66, %parallel_loop3A_67 : i32
        %parallel_loop3A_69 = arith.addi %parallel_loop3A_68, %parallel_loop3A_43 : i32
        %parallel_loop3A_70 = vector.broadcast %parallel_loop3A_69 : i32 to vector<16xi32>
        %parallel_loop3A_71 = tpu.vector_load_idx %arg11[%parallel_loop3A_70] : memref<6272xf32, #tpu.memory_space<vmem>>[vector<16xi32>], vector<16xf32>,
        %parallel_loop3A_72 = arith.index_cast %parallel_loop3A_41 : i32 to index
        %parallel_loop3A_73 = arith.constant 0 : index
        %parallel_loop3A_74 = tpu.vector_load %arg14[%parallel_loop3A_72, %parallel_loop3A_73] {strides = array<i32>} : memref<104x256xf32, #tpu.memory_space<vmem>>, vector<16xf32>,
        %parallel_loop3A_75 = arith.mulf %parallel_loop3A_50, %parallel_loop3A_74 : vector<16xf32>
        %parallel_loop3A_76 = arith.constant 26 : i32
        %parallel_loop3A_77 = arith.addi %parallel_loop3A_76, %parallel_loop3A_41 : i32
        %parallel_loop3A_78 = arith.index_cast %parallel_loop3A_77 : i32 to index
        %parallel_loop3A_79 = arith.constant 0 : index
        %parallel_loop3A_80 = tpu.vector_load %arg14[%parallel_loop3A_78, %parallel_loop3A_79] {strides = array<i32>} : memref<104x256xf32, #tpu.memory_space<vmem>>, vector<16xf32>,
        %parallel_loop3A_81 = arith.mulf %parallel_loop3A_57, %parallel_loop3A_80 : vector<16xf32>
        %parallel_loop3A_82 = arith.addf %parallel_loop3A_75, %parallel_loop3A_81 : vector<16xf32>
        %parallel_loop3A_83 = arith.constant 52 : i32
        %parallel_loop3A_84 = arith.addi %parallel_loop3A_83, %parallel_loop3A_41 : i32
        %parallel_loop3A_85 = arith.index_cast %parallel_loop3A_84 : i32 to index
        %parallel_loop3A_86 = arith.constant 0 : index
        %parallel_loop3A_87 = tpu.vector_load %arg14[%parallel_loop3A_85, %parallel_loop3A_86] {strides = array<i32>} : memref<104x256xf32, #tpu.memory_space<vmem>>, vector<16xf32>,
        %parallel_loop3A_88 = arith.mulf %parallel_loop3A_64, %parallel_loop3A_87 : vector<16xf32>
        %parallel_loop3A_89 = arith.addf %parallel_loop3A_82, %parallel_loop3A_88 : vector<16xf32>
        %parallel_loop3A_90 = arith.constant 78 : i32
        %parallel_loop3A_91 = arith.addi %parallel_loop3A_90, %parallel_loop3A_41 : i32
        %parallel_loop3A_92 = arith.index_cast %parallel_loop3A_91 : i32 to index
        %parallel_loop3A_93 = arith.constant 0 : index
        %parallel_loop3A_94 = tpu.vector_load %arg14[%parallel_loop3A_92, %parallel_loop3A_93] {strides = array<i32>} : memref<104x256xf32, #tpu.memory_space<vmem>>, vector<16xf32>,
        %parallel_loop3A_95 = arith.mulf %parallel_loop3A_71, %parallel_loop3A_94 : vector<16xf32>
        %parallel_loop3A_96 = arith.addf %parallel_loop3A_89, %parallel_loop3A_95 : vector<16xf32>
        %parallel_loop3A_97 = arith.constant 256 : i32
        %parallel_loop3A_98 = arith.muli %parallel_loop3A_43, %parallel_loop3A_97 : i32
        %parallel_loop3A_99 = arith.constant 0 : i32
        %parallel_loop3A_100 = arith.addi %parallel_loop3A_98, %parallel_loop3A_99 : i32
        %parallel_loop3A_101 = arith.index_cast %parallel_loop3A_100 : i32 to index
        %parallel_loop3A_102 = tpu.vector_load %arg15[%parallel_loop3A_101] {strides = array<i32>} : memref<12544xf32, #tpu.memory_space<vmem>>, vector<16xf32>,
        tpu.vector_store %arg15[%parallel_loop3A_101], %parallel_loop3A_96 {strides = array<i32>} : memref<12544xf32, #tpu.memory_space<vmem>>, vector<16xf32>,
        %parallel_loop3A_103 = arith.index_cast %parallel_loop3A_41 : i32 to index
        %parallel_loop3A_104 = arith.constant 16 : index
        %parallel_loop3A_105 = tpu.vector_load %arg14[%parallel_loop3A_103, %parallel_loop3A_104] {strides = array<i32>} : memref<104x256xf32, #tpu.memory_space<vmem>>, vector<16xf32>,
        %parallel_loop3A_106 = arith.mulf %parallel_loop3A_50, %parallel_loop3A_105 : vector<16xf32>
        %parallel_loop3A_107 = arith.constant 26 : i32
        %parallel_loop3A_108 = arith.addi %parallel_loop3A_107, %parallel_loop3A_41 : i32
        %parallel_loop3A_109 = arith.index_cast %parallel_loop3A_108 : i32 to index
        %parallel_loop3A_110 = arith.constant 16 : index
        %parallel_loop3A_111 = tpu.vector_load %arg14[%parallel_loop3A_109, %parallel_loop3A_110] {strides = array<i32>} : memref<104x256xf32, #tpu.memory_space<vmem>>, vector<16xf32>,
        %parallel_loop3A_112 = arith.mulf %parallel_loop3A_57, %parallel_loop3A_111 : vector<16xf32>
        %parallel_loop3A_113 = arith.addf %parallel_loop3A_106, %parallel_loop3A_112 : vector<16xf32>
        %parallel_loop3A_114 = arith.constant 52 : i32
        %parallel_loop3A_115 = arith.addi %parallel_loop3A_114, %parallel_loop3A_41 : i32
        %parallel_loop3A_116 = arith.index_cast %parallel_loop3A_115 : i32 to index
        %parallel_loop3A_117 = arith.constant 16 : index
        %parallel_loop3A_118 = tpu.vector_load %arg14[%parallel_loop3A_116, %parallel_loop3A_117] {strides = array<i32>} : memref<104x256xf32, #tpu.memory_space<vmem>>, vector<16xf32>,
        %parallel_loop3A_119 = arith.mulf %parallel_loop3A_64, %parallel_loop3A_118 : vector<16xf32>
        %parallel_loop3A_120 = arith.addf %parallel_loop3A_113, %parallel_loop3A_119 : vector<16xf32>
        %parallel_loop3A_121 = arith.constant 78 : i32
        %parallel_loop3A_122 = arith.addi %parallel_loop3A_121, %parallel_loop3A_41 : i32
        %parallel_loop3A_123 = arith.index_cast %parallel_loop3A_122 : i32 to index
        %parallel_loop3A_124 = arith.constant 16 : index
        %parallel_loop3A_125 = tpu.vector_load %arg14[%parallel_loop3A_123, %parallel_loop3A_124] {strides = array<i32>} : memref<104x256xf32, #tpu.memory_space<vmem>>, vector<16xf32>,
        %parallel_loop3A_126 = arith.mulf %parallel_loop3A_71, %parallel_loop3A_125 : vector<16xf32>
        %parallel_loop3A_127 = arith.addf %parallel_loop3A_120, %parallel_loop3A_126 : vector<16xf32>
        %parallel_loop3A_128 = arith.constant 256 : i32
        %parallel_loop3A_129 = arith.muli %parallel_loop3A_43, %parallel_loop3A_128 : i32
        %parallel_loop3A_130 = arith.constant 16 : i32
        %parallel_loop3A_131 = arith.addi %parallel_loop3A_129, %parallel_loop3A_130 : i32
        %parallel_loop3A_132 = arith.index_cast %parallel_loop3A_131 : i32 to index
        %parallel_loop3A_133 = tpu.vector_load %arg15[%parallel_loop3A_132] {strides = array<i32>} : memref<12544xf32, #tpu.memory_space<vmem>>, vector<16xf32>,
        tpu.vector_store %arg15[%parallel_loop3A_132], %parallel_loop3A_127 {strides = array<i32>} : memref<12544xf32, #tpu.memory_space<vmem>>, vector<16xf32>,
        %parallel_loop3A_134 = arith.index_cast %parallel_loop3A_41 : i32 to index
        %parallel_loop3A_135 = arith.constant 32 : index
        %parallel_loop3A_136 = tpu.vector_load %arg14[%parallel_loop3A_134, %parallel_loop3A_135] {strides = array<i32>} : memref<104x256xf32, #tpu.memory_space<vmem>>, vector<16xf32>,
        %parallel_loop3A_137 = arith.mulf %parallel_loop3A_50, %parallel_loop3A_136 : vector<16xf32>
        %parallel_loop3A_138 = arith.constant 26 : i32
        %parallel_loop3A_139 = arith.addi %parallel_loop3A_138, %parallel_loop3A_41 : i32
        %parallel_loop3A_140 = arith.index_cast %parallel_loop3A_139 : i32 to index
        %parallel_loop3A_141 = arith.constant 32 : index
        %parallel_loop3A_142 = tpu.vector_load %arg14[%parallel_loop3A_140, %parallel_loop3A_141] {strides = array<i32>} : memref<104x256xf32, #tpu.memory_space<vmem>>, vector<16xf32>,
        %parallel_loop3A_143 = arith.mulf %parallel_loop3A_57, %parallel_loop3A_142 : vector<16xf32>
        %parallel_loop3A_144 = arith.addf %parallel_loop3A_137, %parallel_loop3A_143 : vector<16xf32>
        %parallel_loop3A_145 = arith.constant 52 : i32
        %parallel_loop3A_146 = arith.addi %parallel_loop3A_145, %parallel_loop3A_41 : i32
        %parallel_loop3A_147 = arith.index_cast %parallel_loop3A_146 : i32 to index
        %parallel_loop3A_148 = arith.constant 32 : index
        %parallel_loop3A_149 = tpu.vector_load %arg14[%parallel_loop3A_147, %parallel_loop3A_148] {strides = array<i32>} : memref<104x256xf32, #tpu.memory_space<vmem>>, vector<16xf32>,
        %parallel_loop3A_150 = arith.mulf %parallel_loop3A_64, %parallel_loop3A_149 : vector<16xf32>
        %parallel_loop3A_151 = arith.addf %parallel_loop3A_144, %parallel_loop3A_150 : vector<16xf32>
        %parallel_loop3A_152 = arith.constant 78 : i32
        %parallel_loop3A_153 = arith.addi %parallel_loop3A_152, %parallel_loop3A_41 : i32
        %parallel_loop3A_154 = arith.index_cast %parallel_loop3A_153 : i32 to index
        %parallel_loop3A_155 = arith.constant 32 : index
        %parallel_loop3A_156 = tpu.vector_load %arg14[%parallel_loop3A_154, %parallel_loop3A_155] {strides = array<i32>} : memref<104x256xf32, #tpu.memory_space<vmem>>, vector<16xf32>,
        %parallel_loop3A_157 = arith.mulf %parallel_loop3A_71, %parallel_loop3A_156 : vector<16xf32>
        %parallel_loop3A_158 = arith.addf %parallel_loop3A_151, %parallel_loop3A_157 : vector<16xf32>
        %parallel_loop3A_159 = arith.constant 256 : i32
        %parallel_loop3A_160 = arith.muli %parallel_loop3A_43, %parallel_loop3A_159 : i32
        %parallel_loop3A_161 = arith.constant 32 : i32
        %parallel_loop3A_162 = arith.addi %parallel_loop3A_160, %parallel_loop3A_161 : i32
        %parallel_loop3A_163 = arith.index_cast %parallel_loop3A_162 : i32 to index
        %parallel_loop3A_164 = tpu.vector_load %arg15[%parallel_loop3A_163] {strides = array<i32>} : memref<12544xf32, #tpu.memory_space<vmem>>, vector<16xf32>,
        tpu.vector_store %arg15[%parallel_loop3A_163], %parallel_loop3A_158 {strides = array<i32>} : memref<12544xf32, #tpu.memory_space<vmem>>, vector<16xf32>,
        %parallel_loop3A_165 = arith.index_cast %parallel_loop3A_41 : i32 to index
        %parallel_loop3A_166 = arith.constant 48 : index
        %parallel_loop3A_167 = tpu.vector_load %arg14[%parallel_loop3A_165, %parallel_loop3A_166] {strides = array<i32>} : memref<104x256xf32, #tpu.memory_space<vmem>>, vector<16xf32>,
        %parallel_loop3A_168 = arith.mulf %parallel_loop3A_50, %parallel_loop3A_167 : vector<16xf32>
        %parallel_loop3A_169 = arith.constant 26 : i32
        %parallel_loop3A_170 = arith.addi %parallel_loop3A_169, %parallel_loop3A_41 : i32
        %parallel_loop3A_171 = arith.index_cast %parallel_loop3A_170 : i32 to index
        %parallel_loop3A_172 = arith.constant 48 : index
        %parallel_loop3A_173 = tpu.vector_load %arg14[%parallel_loop3A_171, %parallel_loop3A_172] {strides = array<i32>} : memref<104x256xf32, #tpu.memory_space<vmem>>, vector<16xf32>,
        %parallel_loop3A_174 = arith.mulf %parallel_loop3A_57, %parallel_loop3A_173 : vector<16xf32>
        %parallel_loop3A_175 = arith.addf %parallel_loop3A_168, %parallel_loop3A_174 : vector<16xf32>
        %parallel_loop3A_176 = arith.constant 52 : i32
        %parallel_loop3A_177 = arith.addi %parallel_loop3A_176, %parallel_loop3A_41 : i32
        %parallel_loop3A_178 = arith.index_cast %parallel_loop3A_177 : i32 to index
        %parallel_loop3A_179 = arith.constant 48 : index
        %parallel_loop3A_180 = tpu.vector_load %arg14[%parallel_loop3A_178, %parallel_loop3A_179] {strides = array<i32>} : memref<104x256xf32, #tpu.memory_space<vmem>>, vector<16xf32>,
        %parallel_loop3A_181 = arith.mulf %parallel_loop3A_64, %parallel_loop3A_180 : vector<16xf32>
        %parallel_loop3A_182 = arith.addf %parallel_loop3A_175, %parallel_loop3A_181 : vector<16xf32>
        %parallel_loop3A_183 = arith.constant 78 : i32
        %parallel_loop3A_184 = arith.addi %parallel_loop3A_183, %parallel_loop3A_41 : i32
        %parallel_loop3A_185 = arith.index_cast %parallel_loop3A_184 : i32 to index
        %parallel_loop3A_186 = arith.constant 48 : index
        %parallel_loop3A_187 = tpu.vector_load %arg14[%parallel_loop3A_185, %parallel_loop3A_186] {strides = array<i32>} : memref<104x256xf32, #tpu.memory_space<vmem>>, vector<16xf32>,
        %parallel_loop3A_188 = arith.mulf %parallel_loop3A_71, %parallel_loop3A_187 : vector<16xf32>
        %parallel_loop3A_189 = arith.addf %parallel_loop3A_182, %parallel_loop3A_188 : vector<16xf32>
        %parallel_loop3A_190 = arith.constant 256 : i32
        %parallel_loop3A_191 = arith.muli %parallel_loop3A_43, %parallel_loop3A_190 : i32
        %parallel_loop3A_192 = arith.constant 48 : i32
        %parallel_loop3A_193 = arith.addi %parallel_loop3A_191, %parallel_loop3A_192 : i32
        %parallel_loop3A_194 = arith.index_cast %parallel_loop3A_193 : i32 to index
        %parallel_loop3A_195 = tpu.vector_load %arg15[%parallel_loop3A_194] {strides = array<i32>} : memref<12544xf32, #tpu.memory_space<vmem>>, vector<16xf32>,
        tpu.vector_store %arg15[%parallel_loop3A_194], %parallel_loop3A_189 {strides = array<i32>} : memref<12544xf32, #tpu.memory_space<vmem>>, vector<16xf32>,
        %parallel_loop3A_196 = arith.index_cast %parallel_loop3A_41 : i32 to index
        %parallel_loop3A_197 = arith.constant 64 : index
        %parallel_loop3A_198 = tpu.vector_load %arg14[%parallel_loop3A_196, %parallel_loop3A_197] {strides = array<i32>} : memref<104x256xf32, #tpu.memory_space<vmem>>, vector<16xf32>,
        %parallel_loop3A_199 = arith.mulf %parallel_loop3A_50, %parallel_loop3A_198 : vector<16xf32>
        %parallel_loop3A_200 = arith.constant 26 : i32
        %parallel_loop3A_201 = arith.addi %parallel_loop3A_200, %parallel_loop3A_41 : i32
        %parallel_loop3A_202 = arith.index_cast %parallel_loop3A_201 : i32 to index
        %parallel_loop3A_203 = arith.constant 64 : index
        %parallel_loop3A_204 = tpu.vector_load %arg14[%parallel_loop3A_202, %parallel_loop3A_203] {strides = array<i32>} : memref<104x256xf32, #tpu.memory_space<vmem>>, vector<16xf32>,
        %parallel_loop3A_205 = arith.mulf %parallel_loop3A_57, %parallel_loop3A_204 : vector<16xf32>
        %parallel_loop3A_206 = arith.addf %parallel_loop3A_199, %parallel_loop3A_205 : vector<16xf32>
        %parallel_loop3A_207 = arith.constant 52 : i32
        %parallel_loop3A_208 = arith.addi %parallel_loop3A_207, %parallel_loop3A_41 : i32
        %parallel_loop3A_209 = arith.index_cast %parallel_loop3A_208 : i32 to index
        %parallel_loop3A_210 = arith.constant 64 : index
        %parallel_loop3A_211 = tpu.vector_load %arg14[%parallel_loop3A_209, %parallel_loop3A_210] {strides = array<i32>} : memref<104x256xf32, #tpu.memory_space<vmem>>, vector<16xf32>,
        %parallel_loop3A_212 = arith.mulf %parallel_loop3A_64, %parallel_loop3A_211 : vector<16xf32>
        %parallel_loop3A_213 = arith.addf %parallel_loop3A_206, %parallel_loop3A_212 : vector<16xf32>
        %parallel_loop3A_214 = arith.constant 78 : i32
        %parallel_loop3A_215 = arith.addi %parallel_loop3A_214, %parallel_loop3A_41 : i32
        %parallel_loop3A_216 = arith.index_cast %parallel_loop3A_215 : i32 to index
        %parallel_loop3A_217 = arith.constant 64 : index
        %parallel_loop3A_218 = tpu.vector_load %arg14[%parallel_loop3A_216, %parallel_loop3A_217] {strides = array<i32>} : memref<104x256xf32, #tpu.memory_space<vmem>>, vector<16xf32>,
        %parallel_loop3A_219 = arith.mulf %parallel_loop3A_71, %parallel_loop3A_218 : vector<16xf32>
        %parallel_loop3A_220 = arith.addf %parallel_loop3A_213, %parallel_loop3A_219 : vector<16xf32>
        %parallel_loop3A_221 = arith.constant 256 : i32
        %parallel_loop3A_222 = arith.muli %parallel_loop3A_43, %parallel_loop3A_221 : i32
        %parallel_loop3A_223 = arith.constant 64 : i32
        %parallel_loop3A_224 = arith.addi %parallel_loop3A_222, %parallel_loop3A_223 : i32
        %parallel_loop3A_225 = arith.index_cast %parallel_loop3A_224 : i32 to index
        %parallel_loop3A_226 = tpu.vector_load %arg15[%parallel_loop3A_225] {strides = array<i32>} : memref<12544xf32, #tpu.memory_space<vmem>>, vector<16xf32>,
        tpu.vector_store %arg15[%parallel_loop3A_225], %parallel_loop3A_220 {strides = array<i32>} : memref<12544xf32, #tpu.memory_space<vmem>>, vector<16xf32>,
        %parallel_loop3A_227 = arith.index_cast %parallel_loop3A_41 : i32 to index
        %parallel_loop3A_228 = arith.constant 80 : index
        %parallel_loop3A_229 = tpu.vector_load %arg14[%parallel_loop3A_227, %parallel_loop3A_228] {strides = array<i32>} : memref<104x256xf32, #tpu.memory_space<vmem>>, vector<16xf32>,
        %parallel_loop3A_230 = arith.mulf %parallel_loop3A_50, %parallel_loop3A_229 : vector<16xf32>
        %parallel_loop3A_231 = arith.constant 26 : i32
        %parallel_loop3A_232 = arith.addi %parallel_loop3A_231, %parallel_loop3A_41 : i32
        %parallel_loop3A_233 = arith.index_cast %parallel_loop3A_232 : i32 to index
        %parallel_loop3A_234 = arith.constant 80 : index
        %parallel_loop3A_235 = tpu.vector_load %arg14[%parallel_loop3A_233, %parallel_loop3A_234] {strides = array<i32>} : memref<104x256xf32, #tpu.memory_space<vmem>>, vector<16xf32>,
        %parallel_loop3A_236 = arith.mulf %parallel_loop3A_57, %parallel_loop3A_235 : vector<16xf32>
        %parallel_loop3A_237 = arith.addf %parallel_loop3A_230, %parallel_loop3A_236 : vector<16xf32>
        %parallel_loop3A_238 = arith.constant 52 : i32
        %parallel_loop3A_239 = arith.addi %parallel_loop3A_238, %parallel_loop3A_41 : i32
        %parallel_loop3A_240 = arith.index_cast %parallel_loop3A_239 : i32 to index
        %parallel_loop3A_241 = arith.constant 80 : index
        %parallel_loop3A_242 = tpu.vector_load %arg14[%parallel_loop3A_240, %parallel_loop3A_241] {strides = array<i32>} : memref<104x256xf32, #tpu.memory_space<vmem>>, vector<16xf32>,
        %parallel_loop3A_243 = arith.mulf %parallel_loop3A_64, %parallel_loop3A_242 : vector<16xf32>
        %parallel_loop3A_244 = arith.addf %parallel_loop3A_237, %parallel_loop3A_243 : vector<16xf32>
        %parallel_loop3A_245 = arith.constant 78 : i32
        %parallel_loop3A_246 = arith.addi %parallel_loop3A_245, %parallel_loop3A_41 : i32
        %parallel_loop3A_247 = arith.index_cast %parallel_loop3A_246 : i32 to index
        %parallel_loop3A_248 = arith.constant 80 : index
        %parallel_loop3A_249 = tpu.vector_load %arg14[%parallel_loop3A_247, %parallel_loop3A_248] {strides = array<i32>} : memref<104x256xf32, #tpu.memory_space<vmem>>, vector<16xf32>,
        %parallel_loop3A_250 = arith.mulf %parallel_loop3A_71, %parallel_loop3A_249 : vector<16xf32>
        %parallel_loop3A_251 = arith.addf %parallel_loop3A_244, %parallel_loop3A_250 : vector<16xf32>
        %parallel_loop3A_252 = arith.constant 256 : i32
        %parallel_loop3A_253 = arith.muli %parallel_loop3A_43, %parallel_loop3A_252 : i32
        %parallel_loop3A_254 = arith.constant 80 : i32
        %parallel_loop3A_255 = arith.addi %parallel_loop3A_253, %parallel_loop3A_254 : i32
        %parallel_loop3A_256 = arith.index_cast %parallel_loop3A_255 : i32 to index
        %parallel_loop3A_257 = tpu.vector_load %arg15[%parallel_loop3A_256] {strides = array<i32>} : memref<12544xf32, #tpu.memory_space<vmem>>, vector<16xf32>,
        tpu.vector_store %arg15[%parallel_loop3A_256], %parallel_loop3A_251 {strides = array<i32>} : memref<12544xf32, #tpu.memory_space<vmem>>, vector<16xf32>,
        %parallel_loop3A_258 = arith.index_cast %parallel_loop3A_41 : i32 to index
        %parallel_loop3A_259 = arith.constant 96 : index
        %parallel_loop3A_260 = tpu.vector_load %arg14[%parallel_loop3A_258, %parallel_loop3A_259] {strides = array<i32>} : memref<104x256xf32, #tpu.memory_space<vmem>>, vector<16xf32>,
        %parallel_loop3A_261 = arith.mulf %parallel_loop3A_50, %parallel_loop3A_260 : vector<16xf32>
        %parallel_loop3A_262 = arith.constant 26 : i32
        %parallel_loop3A_263 = arith.addi %parallel_loop3A_262, %parallel_loop3A_41 : i32
        %parallel_loop3A_264 = arith.index_cast %parallel_loop3A_263 : i32 to index
        %parallel_loop3A_265 = arith.constant 96 : index
        %parallel_loop3A_266 = tpu.vector_load %arg14[%parallel_loop3A_264, %parallel_loop3A_265] {strides = array<i32>} : memref<104x256xf32, #tpu.memory_space<vmem>>, vector<16xf32>,
        %parallel_loop3A_267 = arith.mulf %parallel_loop3A_57, %parallel_loop3A_266 : vector<16xf32>
        %parallel_loop3A_268 = arith.addf %parallel_loop3A_261, %parallel_loop3A_267 : vector<16xf32>
        %parallel_loop3A_269 = arith.constant 52 : i32
        %parallel_loop3A_270 = arith.addi %parallel_loop3A_269, %parallel_loop3A_41 : i32
        %parallel_loop3A_271 = arith.index_cast %parallel_loop3A_270 : i32 to index
        %parallel_loop3A_272 = arith.constant 96 : index
        %parallel_loop3A_273 = tpu.vector_load %arg14[%parallel_loop3A_271, %parallel_loop3A_272] {strides = array<i32>} : memref<104x256xf32, #tpu.memory_space<vmem>>, vector<16xf32>,
        %parallel_loop3A_274 = arith.mulf %parallel_loop3A_64, %parallel_loop3A_273 : vector<16xf32>
        %parallel_loop3A_275 = arith.addf %parallel_loop3A_268, %parallel_loop3A_274 : vector<16xf32>
        %parallel_loop3A_276 = arith.constant 78 : i32
        %parallel_loop3A_277 = arith.addi %parallel_loop3A_276, %parallel_loop3A_41 : i32
        %parallel_loop3A_278 = arith.index_cast %parallel_loop3A_277 : i32 to index
        %parallel_loop3A_279 = arith.constant 96 : index
        %parallel_loop3A_280 = tpu.vector_load %arg14[%parallel_loop3A_278, %parallel_loop3A_279] {strides = array<i32>} : memref<104x256xf32, #tpu.memory_space<vmem>>, vector<16xf32>,
        %parallel_loop3A_281 = arith.mulf %parallel_loop3A_71, %parallel_loop3A_280 : vector<16xf32>
        %parallel_loop3A_282 = arith.addf %parallel_loop3A_275, %parallel_loop3A_281 : vector<16xf32>
        %parallel_loop3A_283 = arith.constant 256 : i32
        %parallel_loop3A_284 = arith.muli %parallel_loop3A_43, %parallel_loop3A_283 : i32
        %parallel_loop3A_285 = arith.constant 96 : i32
        %parallel_loop3A_286 = arith.addi %parallel_loop3A_284, %parallel_loop3A_285 : i32
        %parallel_loop3A_287 = arith.index_cast %parallel_loop3A_286 : i32 to index
        %parallel_loop3A_288 = tpu.vector_load %arg15[%parallel_loop3A_287] {strides = array<i32>} : memref<12544xf32, #tpu.memory_space<vmem>>, vector<16xf32>,
        tpu.vector_store %arg15[%parallel_loop3A_287], %parallel_loop3A_282 {strides = array<i32>} : memref<12544xf32, #tpu.memory_space<vmem>>, vector<16xf32>,
        %parallel_loop3A_289 = arith.index_cast %parallel_loop3A_41 : i32 to index
        %parallel_loop3A_290 = arith.constant 112 : index
        %parallel_loop3A_291 = tpu.vector_load %arg14[%parallel_loop3A_289, %parallel_loop3A_290] {strides = array<i32>} : memref<104x256xf32, #tpu.memory_space<vmem>>, vector<16xf32>,
        %parallel_loop3A_292 = arith.mulf %parallel_loop3A_50, %parallel_loop3A_291 : vector<16xf32>
        %parallel_loop3A_293 = arith.constant 26 : i32
        %parallel_loop3A_294 = arith.addi %parallel_loop3A_293, %parallel_loop3A_41 : i32
        %parallel_loop3A_295 = arith.index_cast %parallel_loop3A_294 : i32 to index
        %parallel_loop3A_296 = arith.constant 112 : index
        %parallel_loop3A_297 = tpu.vector_load %arg14[%parallel_loop3A_295, %parallel_loop3A_296] {strides = array<i32>} : memref<104x256xf32, #tpu.memory_space<vmem>>, vector<16xf32>,
        %parallel_loop3A_298 = arith.mulf %parallel_loop3A_57, %parallel_loop3A_297 : vector<16xf32>
        %parallel_loop3A_299 = arith.addf %parallel_loop3A_292, %parallel_loop3A_298 : vector<16xf32>
        %parallel_loop3A_300 = arith.constant 52 : i32
        %parallel_loop3A_301 = arith.addi %parallel_loop3A_300, %parallel_loop3A_41 : i32
        %parallel_loop3A_302 = arith.index_cast %parallel_loop3A_301 : i32 to index
        %parallel_loop3A_303 = arith.constant 112 : index
        %parallel_loop3A_304 = tpu.vector_load %arg14[%parallel_loop3A_302, %parallel_loop3A_303] {strides = array<i32>} : memref<104x256xf32, #tpu.memory_space<vmem>>, vector<16xf32>,
        %parallel_loop3A_305 = arith.mulf %parallel_loop3A_64, %parallel_loop3A_304 : vector<16xf32>
        %parallel_loop3A_306 = arith.addf %parallel_loop3A_299, %parallel_loop3A_305 : vector<16xf32>
        %parallel_loop3A_307 = arith.constant 78 : i32
        %parallel_loop3A_308 = arith.addi %parallel_loop3A_307, %parallel_loop3A_41 : i32
        %parallel_loop3A_309 = arith.index_cast %parallel_loop3A_308 : i32 to index
        %parallel_loop3A_310 = arith.constant 112 : index
        %parallel_loop3A_311 = tpu.vector_load %arg14[%parallel_loop3A_309, %parallel_loop3A_310] {strides = array<i32>} : memref<104x256xf32, #tpu.memory_space<vmem>>, vector<16xf32>,
        %parallel_loop3A_312 = arith.mulf %parallel_loop3A_71, %parallel_loop3A_311 : vector<16xf32>
        %parallel_loop3A_313 = arith.addf %parallel_loop3A_306, %parallel_loop3A_312 : vector<16xf32>
        %parallel_loop3A_314 = arith.constant 256 : i32
        %parallel_loop3A_315 = arith.muli %parallel_loop3A_43, %parallel_loop3A_314 : i32
        %parallel_loop3A_316 = arith.constant 112 : i32
        %parallel_loop3A_317 = arith.addi %parallel_loop3A_315, %parallel_loop3A_316 : i32
        %parallel_loop3A_318 = arith.index_cast %parallel_loop3A_317 : i32 to index
        %parallel_loop3A_319 = tpu.vector_load %arg15[%parallel_loop3A_318] {strides = array<i32>} : memref<12544xf32, #tpu.memory_space<vmem>>, vector<16xf32>,
        tpu.vector_store %arg15[%parallel_loop3A_318], %parallel_loop3A_313 {strides = array<i32>} : memref<12544xf32, #tpu.memory_space<vmem>>, vector<16xf32>,
        %parallel_loop3A_320 = arith.index_cast %parallel_loop3A_41 : i32 to index
        %parallel_loop3A_321 = arith.constant 128 : index
        %parallel_loop3A_322 = tpu.vector_load %arg14[%parallel_loop3A_320, %parallel_loop3A_321] {strides = array<i32>} : memref<104x256xf32, #tpu.memory_space<vmem>>, vector<16xf32>,
        %parallel_loop3A_323 = arith.mulf %parallel_loop3A_50, %parallel_loop3A_322 : vector<16xf32>
        %parallel_loop3A_324 = arith.constant 26 : i32
        %parallel_loop3A_325 = arith.addi %parallel_loop3A_324, %parallel_loop3A_41 : i32
        %parallel_loop3A_326 = arith.index_cast %parallel_loop3A_325 : i32 to index
        %parallel_loop3A_327 = arith.constant 128 : index
        %parallel_loop3A_328 = tpu.vector_load %arg14[%parallel_loop3A_326, %parallel_loop3A_327] {strides = array<i32>} : memref<104x256xf32, #tpu.memory_space<vmem>>, vector<16xf32>,
        %parallel_loop3A_329 = arith.mulf %parallel_loop3A_57, %parallel_loop3A_328 : vector<16xf32>
        %parallel_loop3A_330 = arith.addf %parallel_loop3A_323, %parallel_loop3A_329 : vector<16xf32>
        %parallel_loop3A_331 = arith.constant 52 : i32
        %parallel_loop3A_332 = arith.addi %parallel_loop3A_331, %parallel_loop3A_41 : i32
        %parallel_loop3A_333 = arith.index_cast %parallel_loop3A_332 : i32 to index
        %parallel_loop3A_334 = arith.constant 128 : index
        %parallel_loop3A_335 = tpu.vector_load %arg14[%parallel_loop3A_333, %parallel_loop3A_334] {strides = array<i32>} : memref<104x256xf32, #tpu.memory_space<vmem>>, vector<16xf32>,
        %parallel_loop3A_336 = arith.mulf %parallel_loop3A_64, %parallel_loop3A_335 : vector<16xf32>
        %parallel_loop3A_337 = arith.addf %parallel_loop3A_330, %parallel_loop3A_336 : vector<16xf32>
        %parallel_loop3A_338 = arith.constant 78 : i32
        %parallel_loop3A_339 = arith.addi %parallel_loop3A_338, %parallel_loop3A_41 : i32
        %parallel_loop3A_340 = arith.index_cast %parallel_loop3A_339 : i32 to index
        %parallel_loop3A_341 = arith.constant 128 : index
        %parallel_loop3A_342 = tpu.vector_load %arg14[%parallel_loop3A_340, %parallel_loop3A_341] {strides = array<i32>} : memref<104x256xf32, #tpu.memory_space<vmem>>, vector<16xf32>,
        %parallel_loop3A_343 = arith.mulf %parallel_loop3A_71, %parallel_loop3A_342 : vector<16xf32>
        %parallel_loop3A_344 = arith.addf %parallel_loop3A_337, %parallel_loop3A_343 : vector<16xf32>
        %parallel_loop3A_345 = arith.constant 256 : i32
        %parallel_loop3A_346 = arith.muli %parallel_loop3A_43, %parallel_loop3A_345 : i32
        %parallel_loop3A_347 = arith.constant 128 : i32
        %parallel_loop3A_348 = arith.addi %parallel_loop3A_346, %parallel_loop3A_347 : i32
        %parallel_loop3A_349 = arith.index_cast %parallel_loop3A_348 : i32 to index
        %parallel_loop3A_350 = tpu.vector_load %arg15[%parallel_loop3A_349] {strides = array<i32>} : memref<12544xf32, #tpu.memory_space<vmem>>, vector<16xf32>,
        tpu.vector_store %arg15[%parallel_loop3A_349], %parallel_loop3A_344 {strides = array<i32>} : memref<12544xf32, #tpu.memory_space<vmem>>, vector<16xf32>,
        %parallel_loop3A_351 = arith.index_cast %parallel_loop3A_41 : i32 to index
        %parallel_loop3A_352 = arith.constant 144 : index
        %parallel_loop3A_353 = tpu.vector_load %arg14[%parallel_loop3A_351, %parallel_loop3A_352] {strides = array<i32>} : memref<104x256xf32, #tpu.memory_space<vmem>>, vector<16xf32>,
        %parallel_loop3A_354 = arith.mulf %parallel_loop3A_50, %parallel_loop3A_353 : vector<16xf32>
        %parallel_loop3A_355 = arith.constant 26 : i32
        %parallel_loop3A_356 = arith.addi %parallel_loop3A_355, %parallel_loop3A_41 : i32
        %parallel_loop3A_357 = arith.index_cast %parallel_loop3A_356 : i32 to index
        %parallel_loop3A_358 = arith.constant 144 : index
        %parallel_loop3A_359 = tpu.vector_load %arg14[%parallel_loop3A_357, %parallel_loop3A_358] {strides = array<i32>} : memref<104x256xf32, #tpu.memory_space<vmem>>, vector<16xf32>,
        %parallel_loop3A_360 = arith.mulf %parallel_loop3A_57, %parallel_loop3A_359 : vector<16xf32>
        %parallel_loop3A_361 = arith.addf %parallel_loop3A_354, %parallel_loop3A_360 : vector<16xf32>
        %parallel_loop3A_362 = arith.constant 52 : i32
        %parallel_loop3A_363 = arith.addi %parallel_loop3A_362, %parallel_loop3A_41 : i32
        %parallel_loop3A_364 = arith.index_cast %parallel_loop3A_363 : i32 to index
        %parallel_loop3A_365 = arith.constant 144 : index
        %parallel_loop3A_366 = tpu.vector_load %arg14[%parallel_loop3A_364, %parallel_loop3A_365] {strides = array<i32>} : memref<104x256xf32, #tpu.memory_space<vmem>>, vector<16xf32>,
        %parallel_loop3A_367 = arith.mulf %parallel_loop3A_64, %parallel_loop3A_366 : vector<16xf32>
        %parallel_loop3A_368 = arith.addf %parallel_loop3A_361, %parallel_loop3A_367 : vector<16xf32>
        %parallel_loop3A_369 = arith.constant 78 : i32
        %parallel_loop3A_370 = arith.addi %parallel_loop3A_369, %parallel_loop3A_41 : i32
        %parallel_loop3A_371 = arith.index_cast %parallel_loop3A_370 : i32 to index
        %parallel_loop3A_372 = arith.constant 144 : index
        %parallel_loop3A_373 = tpu.vector_load %arg14[%parallel_loop3A_371, %parallel_loop3A_372] {strides = array<i32>} : memref<104x256xf32, #tpu.memory_space<vmem>>, vector<16xf32>,
        %parallel_loop3A_374 = arith.mulf %parallel_loop3A_71, %parallel_loop3A_373 : vector<16xf32>
        %parallel_loop3A_375 = arith.addf %parallel_loop3A_368, %parallel_loop3A_374 : vector<16xf32>
        %parallel_loop3A_376 = arith.constant 256 : i32
        %parallel_loop3A_377 = arith.muli %parallel_loop3A_43, %parallel_loop3A_376 : i32
        %parallel_loop3A_378 = arith.constant 144 : i32
        %parallel_loop3A_379 = arith.addi %parallel_loop3A_377, %parallel_loop3A_378 : i32
        %parallel_loop3A_380 = arith.index_cast %parallel_loop3A_379 : i32 to index
        %parallel_loop3A_381 = tpu.vector_load %arg15[%parallel_loop3A_380] {strides = array<i32>} : memref<12544xf32, #tpu.memory_space<vmem>>, vector<16xf32>,
        tpu.vector_store %arg15[%parallel_loop3A_380], %parallel_loop3A_375 {strides = array<i32>} : memref<12544xf32, #tpu.memory_space<vmem>>, vector<16xf32>,
        %parallel_loop3A_382 = arith.index_cast %parallel_loop3A_41 : i32 to index
        %parallel_loop3A_383 = arith.constant 160 : index
        %parallel_loop3A_384 = tpu.vector_load %arg14[%parallel_loop3A_382, %parallel_loop3A_383] {strides = array<i32>} : memref<104x256xf32, #tpu.memory_space<vmem>>, vector<16xf32>,
        %parallel_loop3A_385 = arith.mulf %parallel_loop3A_50, %parallel_loop3A_384 : vector<16xf32>
        %parallel_loop3A_386 = arith.constant 26 : i32
        %parallel_loop3A_387 = arith.addi %parallel_loop3A_386, %parallel_loop3A_41 : i32
        %parallel_loop3A_388 = arith.index_cast %parallel_loop3A_387 : i32 to index
        %parallel_loop3A_389 = arith.constant 160 : index
        %parallel_loop3A_390 = tpu.vector_load %arg14[%parallel_loop3A_388, %parallel_loop3A_389] {strides = array<i32>} : memref<104x256xf32, #tpu.memory_space<vmem>>, vector<16xf32>,
        %parallel_loop3A_391 = arith.mulf %parallel_loop3A_57, %parallel_loop3A_390 : vector<16xf32>
        %parallel_loop3A_392 = arith.addf %parallel_loop3A_385, %parallel_loop3A_391 : vector<16xf32>
        %parallel_loop3A_393 = arith.constant 52 : i32
        %parallel_loop3A_394 = arith.addi %parallel_loop3A_393, %parallel_loop3A_41 : i32
        %parallel_loop3A_395 = arith.index_cast %parallel_loop3A_394 : i32 to index
        %parallel_loop3A_396 = arith.constant 160 : index
        %parallel_loop3A_397 = tpu.vector_load %arg14[%parallel_loop3A_395, %parallel_loop3A_396] {strides = array<i32>} : memref<104x256xf32, #tpu.memory_space<vmem>>, vector<16xf32>,
        %parallel_loop3A_398 = arith.mulf %parallel_loop3A_64, %parallel_loop3A_397 : vector<16xf32>
        %parallel_loop3A_399 = arith.addf %parallel_loop3A_392, %parallel_loop3A_398 : vector<16xf32>
        %parallel_loop3A_400 = arith.constant 78 : i32
        %parallel_loop3A_401 = arith.addi %parallel_loop3A_400, %parallel_loop3A_41 : i32
        %parallel_loop3A_402 = arith.index_cast %parallel_loop3A_401 : i32 to index
        %parallel_loop3A_403 = arith.constant 160 : index
        %parallel_loop3A_404 = tpu.vector_load %arg14[%parallel_loop3A_402, %parallel_loop3A_403] {strides = array<i32>} : memref<104x256xf32, #tpu.memory_space<vmem>>, vector<16xf32>,
        %parallel_loop3A_405 = arith.mulf %parallel_loop3A_71, %parallel_loop3A_404 : vector<16xf32>
        %parallel_loop3A_406 = arith.addf %parallel_loop3A_399, %parallel_loop3A_405 : vector<16xf32>
        %parallel_loop3A_407 = arith.constant 256 : i32
        %parallel_loop3A_408 = arith.muli %parallel_loop3A_43, %parallel_loop3A_407 : i32
        %parallel_loop3A_409 = arith.constant 160 : i32
        %parallel_loop3A_410 = arith.addi %parallel_loop3A_408, %parallel_loop3A_409 : i32
        %parallel_loop3A_411 = arith.index_cast %parallel_loop3A_410 : i32 to index
        %parallel_loop3A_412 = tpu.vector_load %arg15[%parallel_loop3A_411] {strides = array<i32>} : memref<12544xf32, #tpu.memory_space<vmem>>, vector<16xf32>,
        tpu.vector_store %arg15[%parallel_loop3A_411], %parallel_loop3A_406 {strides = array<i32>} : memref<12544xf32, #tpu.memory_space<vmem>>, vector<16xf32>,
        %parallel_loop3A_413 = arith.index_cast %parallel_loop3A_41 : i32 to index
        %parallel_loop3A_414 = arith.constant 176 : index
        %parallel_loop3A_415 = tpu.vector_load %arg14[%parallel_loop3A_413, %parallel_loop3A_414] {strides = array<i32>} : memref<104x256xf32, #tpu.memory_space<vmem>>, vector<16xf32>,
        %parallel_loop3A_416 = arith.mulf %parallel_loop3A_50, %parallel_loop3A_415 : vector<16xf32>
        %parallel_loop3A_417 = arith.constant 26 : i32
        %parallel_loop3A_418 = arith.addi %parallel_loop3A_417, %parallel_loop3A_41 : i32
        %parallel_loop3A_419 = arith.index_cast %parallel_loop3A_418 : i32 to index
        %parallel_loop3A_420 = arith.constant 176 : index
        %parallel_loop3A_421 = tpu.vector_load %arg14[%parallel_loop3A_419, %parallel_loop3A_420] {strides = array<i32>} : memref<104x256xf32, #tpu.memory_space<vmem>>, vector<16xf32>,
        %parallel_loop3A_422 = arith.mulf %parallel_loop3A_57, %parallel_loop3A_421 : vector<16xf32>
        %parallel_loop3A_423 = arith.addf %parallel_loop3A_416, %parallel_loop3A_422 : vector<16xf32>
        %parallel_loop3A_424 = arith.constant 52 : i32
        %parallel_loop3A_425 = arith.addi %parallel_loop3A_424, %parallel_loop3A_41 : i32
        %parallel_loop3A_426 = arith.index_cast %parallel_loop3A_425 : i32 to index
        %parallel_loop3A_427 = arith.constant 176 : index
        %parallel_loop3A_428 = tpu.vector_load %arg14[%parallel_loop3A_426, %parallel_loop3A_427] {strides = array<i32>} : memref<104x256xf32, #tpu.memory_space<vmem>>, vector<16xf32>,
        %parallel_loop3A_429 = arith.mulf %parallel_loop3A_64, %parallel_loop3A_428 : vector<16xf32>
        %parallel_loop3A_430 = arith.addf %parallel_loop3A_423, %parallel_loop3A_429 : vector<16xf32>
        %parallel_loop3A_431 = arith.constant 78 : i32
        %parallel_loop3A_432 = arith.addi %parallel_loop3A_431, %parallel_loop3A_41 : i32
        %parallel_loop3A_433 = arith.index_cast %parallel_loop3A_432 : i32 to index
        %parallel_loop3A_434 = arith.constant 176 : index
        %parallel_loop3A_435 = tpu.vector_load %arg14[%parallel_loop3A_433, %parallel_loop3A_434] {strides = array<i32>} : memref<104x256xf32, #tpu.memory_space<vmem>>, vector<16xf32>,
        %parallel_loop3A_436 = arith.mulf %parallel_loop3A_71, %parallel_loop3A_435 : vector<16xf32>
        %parallel_loop3A_437 = arith.addf %parallel_loop3A_430, %parallel_loop3A_436 : vector<16xf32>
        %parallel_loop3A_438 = arith.constant 256 : i32
        %parallel_loop3A_439 = arith.muli %parallel_loop3A_43, %parallel_loop3A_438 : i32
        %parallel_loop3A_440 = arith.constant 176 : i32
        %parallel_loop3A_441 = arith.addi %parallel_loop3A_439, %parallel_loop3A_440 : i32
        %parallel_loop3A_442 = arith.index_cast %parallel_loop3A_441 : i32 to index
        %parallel_loop3A_443 = tpu.vector_load %arg15[%parallel_loop3A_442] {strides = array<i32>} : memref<12544xf32, #tpu.memory_space<vmem>>, vector<16xf32>,
        tpu.vector_store %arg15[%parallel_loop3A_442], %parallel_loop3A_437 {strides = array<i32>} : memref<12544xf32, #tpu.memory_space<vmem>>, vector<16xf32>,
        %parallel_loop3A_444 = arith.index_cast %parallel_loop3A_41 : i32 to index
        %parallel_loop3A_445 = arith.constant 192 : index
        %parallel_loop3A_446 = tpu.vector_load %arg14[%parallel_loop3A_444, %parallel_loop3A_445] {strides = array<i32>} : memref<104x256xf32, #tpu.memory_space<vmem>>, vector<16xf32>,
        %parallel_loop3A_447 = arith.mulf %parallel_loop3A_50, %parallel_loop3A_446 : vector<16xf32>
        %parallel_loop3A_448 = arith.constant 26 : i32
        %parallel_loop3A_449 = arith.addi %parallel_loop3A_448, %parallel_loop3A_41 : i32
        %parallel_loop3A_450 = arith.index_cast %parallel_loop3A_449 : i32 to index
        %parallel_loop3A_451 = arith.constant 192 : index
        %parallel_loop3A_452 = tpu.vector_load %arg14[%parallel_loop3A_450, %parallel_loop3A_451] {strides = array<i32>} : memref<104x256xf32, #tpu.memory_space<vmem>>, vector<16xf32>,
        %parallel_loop3A_453 = arith.mulf %parallel_loop3A_57, %parallel_loop3A_452 : vector<16xf32>
        %parallel_loop3A_454 = arith.addf %parallel_loop3A_447, %parallel_loop3A_453 : vector<16xf32>
        %parallel_loop3A_455 = arith.constant 52 : i32
        %parallel_loop3A_456 = arith.addi %parallel_loop3A_455, %parallel_loop3A_41 : i32
        %parallel_loop3A_457 = arith.index_cast %parallel_loop3A_456 : i32 to index
        %parallel_loop3A_458 = arith.constant 192 : index
        %parallel_loop3A_459 = tpu.vector_load %arg14[%parallel_loop3A_457, %parallel_loop3A_458] {strides = array<i32>} : memref<104x256xf32, #tpu.memory_space<vmem>>, vector<16xf32>,
        %parallel_loop3A_460 = arith.mulf %parallel_loop3A_64, %parallel_loop3A_459 : vector<16xf32>
        %parallel_loop3A_461 = arith.addf %parallel_loop3A_454, %parallel_loop3A_460 : vector<16xf32>
        %parallel_loop3A_462 = arith.constant 78 : i32
        %parallel_loop3A_463 = arith.addi %parallel_loop3A_462, %parallel_loop3A_41 : i32
        %parallel_loop3A_464 = arith.index_cast %parallel_loop3A_463 : i32 to index
        %parallel_loop3A_465 = arith.constant 192 : index
        %parallel_loop3A_466 = tpu.vector_load %arg14[%parallel_loop3A_464, %parallel_loop3A_465] {strides = array<i32>} : memref<104x256xf32, #tpu.memory_space<vmem>>, vector<16xf32>,
        %parallel_loop3A_467 = arith.mulf %parallel_loop3A_71, %parallel_loop3A_466 : vector<16xf32>
        %parallel_loop3A_468 = arith.addf %parallel_loop3A_461, %parallel_loop3A_467 : vector<16xf32>
        %parallel_loop3A_469 = arith.constant 256 : i32
        %parallel_loop3A_470 = arith.muli %parallel_loop3A_43, %parallel_loop3A_469 : i32
        %parallel_loop3A_471 = arith.constant 192 : i32
        %parallel_loop3A_472 = arith.addi %parallel_loop3A_470, %parallel_loop3A_471 : i32
        %parallel_loop3A_473 = arith.index_cast %parallel_loop3A_472 : i32 to index
        %parallel_loop3A_474 = tpu.vector_load %arg15[%parallel_loop3A_473] {strides = array<i32>} : memref<12544xf32, #tpu.memory_space<vmem>>, vector<16xf32>,
        tpu.vector_store %arg15[%parallel_loop3A_473], %parallel_loop3A_468 {strides = array<i32>} : memref<12544xf32, #tpu.memory_space<vmem>>, vector<16xf32>,
        %parallel_loop3A_475 = arith.index_cast %parallel_loop3A_41 : i32 to index
        %parallel_loop3A_476 = arith.constant 208 : index
        %parallel_loop3A_477 = tpu.vector_load %arg14[%parallel_loop3A_475, %parallel_loop3A_476] {strides = array<i32>} : memref<104x256xf32, #tpu.memory_space<vmem>>, vector<16xf32>,
        %parallel_loop3A_478 = arith.mulf %parallel_loop3A_50, %parallel_loop3A_477 : vector<16xf32>
        %parallel_loop3A_479 = arith.constant 26 : i32
        %parallel_loop3A_480 = arith.addi %parallel_loop3A_479, %parallel_loop3A_41 : i32
        %parallel_loop3A_481 = arith.index_cast %parallel_loop3A_480 : i32 to index
        %parallel_loop3A_482 = arith.constant 208 : index
        %parallel_loop3A_483 = tpu.vector_load %arg14[%parallel_loop3A_481, %parallel_loop3A_482] {strides = array<i32>} : memref<104x256xf32, #tpu.memory_space<vmem>>, vector<16xf32>,
        %parallel_loop3A_484 = arith.mulf %parallel_loop3A_57, %parallel_loop3A_483 : vector<16xf32>
        %parallel_loop3A_485 = arith.addf %parallel_loop3A_478, %parallel_loop3A_484 : vector<16xf32>
        %parallel_loop3A_486 = arith.constant 52 : i32
        %parallel_loop3A_487 = arith.addi %parallel_loop3A_486, %parallel_loop3A_41 : i32
        %parallel_loop3A_488 = arith.index_cast %parallel_loop3A_487 : i32 to index
        %parallel_loop3A_489 = arith.constant 208 : index
        %parallel_loop3A_490 = tpu.vector_load %arg14[%parallel_loop3A_488, %parallel_loop3A_489] {strides = array<i32>} : memref<104x256xf32, #tpu.memory_space<vmem>>, vector<16xf32>,
        %parallel_loop3A_491 = arith.mulf %parallel_loop3A_64, %parallel_loop3A_490 : vector<16xf32>
        %parallel_loop3A_492 = arith.addf %parallel_loop3A_485, %parallel_loop3A_491 : vector<16xf32>
        %parallel_loop3A_493 = arith.constant 78 : i32
        %parallel_loop3A_494 = arith.addi %parallel_loop3A_493, %parallel_loop3A_41 : i32
        %parallel_loop3A_495 = arith.index_cast %parallel_loop3A_494 : i32 to index
        %parallel_loop3A_496 = arith.constant 208 : index
        %parallel_loop3A_497 = tpu.vector_load %arg14[%parallel_loop3A_495, %parallel_loop3A_496] {strides = array<i32>} : memref<104x256xf32, #tpu.memory_space<vmem>>, vector<16xf32>,
        %parallel_loop3A_498 = arith.mulf %parallel_loop3A_71, %parallel_loop3A_497 : vector<16xf32>
        %parallel_loop3A_499 = arith.addf %parallel_loop3A_492, %parallel_loop3A_498 : vector<16xf32>
        %parallel_loop3A_500 = arith.constant 256 : i32
        %parallel_loop3A_501 = arith.muli %parallel_loop3A_43, %parallel_loop3A_500 : i32
        %parallel_loop3A_502 = arith.constant 208 : i32
        %parallel_loop3A_503 = arith.addi %parallel_loop3A_501, %parallel_loop3A_502 : i32
        %parallel_loop3A_504 = arith.index_cast %parallel_loop3A_503 : i32 to index
        %parallel_loop3A_505 = tpu.vector_load %arg15[%parallel_loop3A_504] {strides = array<i32>} : memref<12544xf32, #tpu.memory_space<vmem>>, vector<16xf32>,
        tpu.vector_store %arg15[%parallel_loop3A_504], %parallel_loop3A_499 {strides = array<i32>} : memref<12544xf32, #tpu.memory_space<vmem>>, vector<16xf32>,
        %parallel_loop3A_506 = arith.index_cast %parallel_loop3A_41 : i32 to index
        %parallel_loop3A_507 = arith.constant 224 : index
        %parallel_loop3A_508 = tpu.vector_load %arg14[%parallel_loop3A_506, %parallel_loop3A_507] {strides = array<i32>} : memref<104x256xf32, #tpu.memory_space<vmem>>, vector<16xf32>,
        %parallel_loop3A_509 = arith.mulf %parallel_loop3A_50, %parallel_loop3A_508 : vector<16xf32>
        %parallel_loop3A_510 = arith.constant 26 : i32
        %parallel_loop3A_511 = arith.addi %parallel_loop3A_510, %parallel_loop3A_41 : i32
        %parallel_loop3A_512 = arith.index_cast %parallel_loop3A_511 : i32 to index
        %parallel_loop3A_513 = arith.constant 224 : index
        %parallel_loop3A_514 = tpu.vector_load %arg14[%parallel_loop3A_512, %parallel_loop3A_513] {strides = array<i32>} : memref<104x256xf32, #tpu.memory_space<vmem>>, vector<16xf32>,
        %parallel_loop3A_515 = arith.mulf %parallel_loop3A_57, %parallel_loop3A_514 : vector<16xf32>
        %parallel_loop3A_516 = arith.addf %parallel_loop3A_509, %parallel_loop3A_515 : vector<16xf32>
        %parallel_loop3A_517 = arith.constant 52 : i32
        %parallel_loop3A_518 = arith.addi %parallel_loop3A_517, %parallel_loop3A_41 : i32
        %parallel_loop3A_519 = arith.index_cast %parallel_loop3A_518 : i32 to index
        %parallel_loop3A_520 = arith.constant 224 : index
        %parallel_loop3A_521 = tpu.vector_load %arg14[%parallel_loop3A_519, %parallel_loop3A_520] {strides = array<i32>} : memref<104x256xf32, #tpu.memory_space<vmem>>, vector<16xf32>,
        %parallel_loop3A_522 = arith.mulf %parallel_loop3A_64, %parallel_loop3A_521 : vector<16xf32>
        %parallel_loop3A_523 = arith.addf %parallel_loop3A_516, %parallel_loop3A_522 : vector<16xf32>
        %parallel_loop3A_524 = arith.constant 78 : i32
        %parallel_loop3A_525 = arith.addi %parallel_loop3A_524, %parallel_loop3A_41 : i32
        %parallel_loop3A_526 = arith.index_cast %parallel_loop3A_525 : i32 to index
        %parallel_loop3A_527 = arith.constant 224 : index
        %parallel_loop3A_528 = tpu.vector_load %arg14[%parallel_loop3A_526, %parallel_loop3A_527] {strides = array<i32>} : memref<104x256xf32, #tpu.memory_space<vmem>>, vector<16xf32>,
        %parallel_loop3A_529 = arith.mulf %parallel_loop3A_71, %parallel_loop3A_528 : vector<16xf32>
        %parallel_loop3A_530 = arith.addf %parallel_loop3A_523, %parallel_loop3A_529 : vector<16xf32>
        %parallel_loop3A_531 = arith.constant 256 : i32
        %parallel_loop3A_532 = arith.muli %parallel_loop3A_43, %parallel_loop3A_531 : i32
        %parallel_loop3A_533 = arith.constant 224 : i32
        %parallel_loop3A_534 = arith.addi %parallel_loop3A_532, %parallel_loop3A_533 : i32
        %parallel_loop3A_535 = arith.index_cast %parallel_loop3A_534 : i32 to index
        %parallel_loop3A_536 = tpu.vector_load %arg15[%parallel_loop3A_535] {strides = array<i32>} : memref<12544xf32, #tpu.memory_space<vmem>>, vector<16xf32>,
        tpu.vector_store %arg15[%parallel_loop3A_535], %parallel_loop3A_530 {strides = array<i32>} : memref<12544xf32, #tpu.memory_space<vmem>>, vector<16xf32>,
        %parallel_loop3A_537 = arith.index_cast %parallel_loop3A_41 : i32 to index
        %parallel_loop3A_538 = arith.constant 240 : index
        %parallel_loop3A_539 = tpu.vector_load %arg14[%parallel_loop3A_537, %parallel_loop3A_538] {strides = array<i32>} : memref<104x256xf32, #tpu.memory_space<vmem>>, vector<16xf32>,
        %parallel_loop3A_540 = arith.mulf %parallel_loop3A_50, %parallel_loop3A_539 : vector<16xf32>
        %parallel_loop3A_541 = arith.constant 26 : i32
        %parallel_loop3A_542 = arith.addi %parallel_loop3A_541, %parallel_loop3A_41 : i32
        %parallel_loop3A_543 = arith.index_cast %parallel_loop3A_542 : i32 to index
        %parallel_loop3A_544 = arith.constant 240 : index
        %parallel_loop3A_545 = tpu.vector_load %arg14[%parallel_loop3A_543, %parallel_loop3A_544] {strides = array<i32>} : memref<104x256xf32, #tpu.memory_space<vmem>>, vector<16xf32>,
        %parallel_loop3A_546 = arith.mulf %parallel_loop3A_57, %parallel_loop3A_545 : vector<16xf32>
        %parallel_loop3A_547 = arith.addf %parallel_loop3A_540, %parallel_loop3A_546 : vector<16xf32>
        %parallel_loop3A_548 = arith.constant 52 : i32
        %parallel_loop3A_549 = arith.addi %parallel_loop3A_548, %parallel_loop3A_41 : i32
        %parallel_loop3A_550 = arith.index_cast %parallel_loop3A_549 : i32 to index
        %parallel_loop3A_551 = arith.constant 240 : index
        %parallel_loop3A_552 = tpu.vector_load %arg14[%parallel_loop3A_550, %parallel_loop3A_551] {strides = array<i32>} : memref<104x256xf32, #tpu.memory_space<vmem>>, vector<16xf32>,
        %parallel_loop3A_553 = arith.mulf %parallel_loop3A_64, %parallel_loop3A_552 : vector<16xf32>
        %parallel_loop3A_554 = arith.addf %parallel_loop3A_547, %parallel_loop3A_553 : vector<16xf32>
        %parallel_loop3A_555 = arith.constant 78 : i32
        %parallel_loop3A_556 = arith.addi %parallel_loop3A_555, %parallel_loop3A_41 : i32
        %parallel_loop3A_557 = arith.index_cast %parallel_loop3A_556 : i32 to index
        %parallel_loop3A_558 = arith.constant 240 : index
        %parallel_loop3A_559 = tpu.vector_load %arg14[%parallel_loop3A_557, %parallel_loop3A_558] {strides = array<i32>} : memref<104x256xf32, #tpu.memory_space<vmem>>, vector<16xf32>,
        %parallel_loop3A_560 = arith.mulf %parallel_loop3A_71, %parallel_loop3A_559 : vector<16xf32>
        %parallel_loop3A_561 = arith.addf %parallel_loop3A_554, %parallel_loop3A_560 : vector<16xf32>
        %parallel_loop3A_562 = arith.constant 256 : i32
        %parallel_loop3A_563 = arith.muli %parallel_loop3A_43, %parallel_loop3A_562 : i32
        %parallel_loop3A_564 = arith.constant 240 : i32
        %parallel_loop3A_565 = arith.addi %parallel_loop3A_563, %parallel_loop3A_564 : i32
        %parallel_loop3A_566 = arith.index_cast %parallel_loop3A_565 : i32 to index
        %parallel_loop3A_567 = tpu.vector_load %arg15[%parallel_loop3A_566] {strides = array<i32>} : memref<12544xf32, #tpu.memory_space<vmem>>, vector<16xf32>,
        tpu.vector_store %arg15[%parallel_loop3A_566], %parallel_loop3A_561 {strides = array<i32>} : memref<12544xf32, #tpu.memory_space<vmem>>, vector<16xf32>,
      } {sc.loop_unroll_factor = 2 : i64, sc.parallel_access}
      %mul3A_36 = arith.constant 32 : i32
      %mul3A_37 = arith.muli %add3A, %mul3A_36 : i32
      %add3A_38 = arith.addi %mul3A_37, %scan3A_6 : i32
      %mul3A_39 = arith.constant 12544 : i32
      %mul3A_40 = arith.muli %add3A_38, %mul3A_39 : i32
      "tpu.region"() ({
        %run_scoped3A = tpu.sem_alloc : memref<!tpu.dma_semaphore, #tpu.memory_space<semaphore_mem>>
        %dma_start3A = tpu.memref_slice %arg9[%mul3A_40] : memref<12845056xf32, #tpu.memory_space<hbm>> -> memref<12544xf32, #tpu.memory_space<hbm>>
        %dma_start3A_41 = tpu.memref_slice %arg9[%mul3A_40] : memref<12845056xf32, #tpu.memory_space<hbm>> -> memref<12544xf32, #tpu.memory_space<hbm>>
        tpu.enqueue_dma source(%arg15 : memref<12544xf32, #tpu.memory_space<vmem>>) target(%dma_start3A_41 : memref<12544xf32, #tpu.memory_space<hbm>>) target_semaphore(%run_scoped3A : memref<!tpu.dma_semaphore, #tpu.memory_space<semaphore_mem>>)
        %dma_wait3A = tpu.memref_slice %arg9[%mul3A_40] : memref<12845056xf32, #tpu.memory_space<hbm>> -> memref<12544xf32, #tpu.memory_space<hbm>>
        %dma_wait3A_42 = tpu.memref_slice %arg9[%mul3A_40] : memref<12845056xf32, #tpu.memory_space<hbm>> -> memref<12544xf32, #tpu.memory_space<hbm>>
        tpu.wait_dma2 semaphore(%run_scoped3A : memref<!tpu.dma_semaphore, #tpu.memory_space<semaphore_mem>>) src(%arg15 : memref<12544xf32, #tpu.memory_space<vmem>>) dst(%dma_wait3A_42 : memref<12544xf32, #tpu.memory_space<hbm>>)
        tpu.yield
      }) : () -> ()
    }
    %scan3A_5 = arith.constant 32 : i32
    return
  }
}

</mosaic_0001>

<sc_bundles>
// kernel: kernel.3.cloned.1.call-start
scs
__scs_entry_jumppad:
0x0: {  	(pc) =	sbr.rel $0x88, $3  }
0x1: {  	(tag) =	ssettag $0x0;
	lr =	simm.s32 $0x1  }
0x2: {  	[smem:$0x3F9B] =	sst lr;
	_ =	strace $0xD0000000  }
0x3: {  	_ = 	snop  }
0x4: {  	_ = 	snop  }
0x5: {  	_ = 	snop  }
0x6: {  	_ = 	snop  }
0x7: {  	_ = 	snop  }
__scs_overlays_trampoline_lowered:
0x8: {  	[smem:$0x3FAA] =	sst s0  }
0x9: {  	[smem:$0x3FAB] =	sst s1  }
0xa: {  	[smem:$0x3FAC] =	sst s2  }
0xb: {  	[smem:$0x3FAD] =	sst s3  }
0xc: {  	[smem:$0x3FAE] =	sst s4  }
0xd: {  	[smem:$0x3FAF] =	sst s5  }
0xe: {  	[smem:$0x3FB0] =	sst s6  }
0xf: {  	[smem:$0x3FB1] =	sst s7  }
0x10: {  	[smem:$0x3FB2] =	sst s8  }
0x11: {  	[smem:$0x3FB3] =	sst s9;
	s0 =	simm.s32 @!p0 $0x0  }
0x12: {  	s1 =	sld [smem:$0x3F99];
	s0 =	simm.s32 @p0 $0x1  }
0x13: {  	[smem:$0x3FB4] =	sst s0;
	s0 =	simm.s32 @!p1 $0x0  }
0x14: {  	s2 =	sld [smem:$0x3F98];
	s0 =	simm.s32 @p1 $0x1  }
0x15: {  	[smem:$0x3FB5] =	sst s0;
	s0 =	simm.s32 @!p2 $0x0  }
0x16: {  	s3 =	sld [smem:$0x3FDB];
	s0 =	simm.s32 @p2 $0x1  }
0x17: {  	s4 =	simm.s32 $0x1BF5;
	[smem:$0x3FB7] =	sst s0  }
0x18: {  	s0 =	sld [smem:$0x3F9A];
	_ =	swait.ge [sflag:s4], $0x0  }
0x19: {  	s7 =	sld [smem:$0x3F9B]  }
0x1a: {  	s8 =	sadd.s32 $0xFFFFE003, lr  }
0x1b: {  	s9 =	sadd.s32 $0xFFFFFEF7, lr;
	s5 =	simm.s32 $0xFFFFFFFF;
	p2 =	slt.u32 s8, $0xFFFFF086  }
0x1c: {  	p1 =	slt.u32 s9, $0xF7A;
	s5 =	simm.s32 @!p2 $0x0  }
0x1d: {  	s5 =	simm.s32 @p1 $0x1;
	p0 =	seq.s32 s7, s2  }
0x1e: {  	s7 =	smul.u32 @!p0 $0xF7A, s2;
	p2 =	seq.s32 @!p0 s5, $0x0  }
0x1f: {  	s9 =	smul.u32 $0xF7A, s1;
	s8 =	simm.s32 @!p0 $0x1BF5;
	p2 =	por !p2, p0  }
0x20: {  	[sflag:s8] =	ssyncset.s32 @!p0 $0xFFFFF086;
	s6 =	sadd.s32 @!p0 s3, s7;
	s7 =	simm.s32 @!p0 $0x108  }
0x21: {  	s3 =	sadd.s32 s3, s9;
	s6 =	sadd.s32 @!p0 $0x88, s6;
	s7 =	simm.s32 @p2 $0x1082  }
0x22: {  	[simem:s7], [sflag:s8] =	dma.local @!p0 [hbm:s6], $0xF7A  }
0x23: {  	s9 =	sor.u32 $0xD0000000, s2;
	s6 =	simm.s32 $0x108;
	_ =	swait.ge @!p0 [sflag:s8], $0x0  }
0x24: {  	s3 =	sadd.s32 $0x88, s3;
	s6 =	simm.s32 @!p1 $0x1082;
	[sflag:s4] =	ssyncset.s32 $0xFFFFF086  }
0x25: {  	[simem:s6], [sflag:s4] =	dma.local [hbm:s3], $0xF7A  }
0x26: {  	[smem:$0x3F9B] =	sst s1;
	(tag) =	ssettag s2;
	_ =	strace s9  }
0x27: {  	s1 =	sld [smem:$0x3FAB]  }
0x28: {  	s2 =	sld [smem:$0x3FAC]  }
0x29: {  	s4 =	sld [smem:$0x3FAE]  }
0x2a: {  	p0 =	seq.s32 s5, $0x0;
	s5 =	sld [smem:$0x3FAF]  }
0x2b: {  	s6 =	sld [smem:$0x3FB0]  }
0x2c: {  	s7 =	sld [smem:$0x3FB1]  }
0x2d: {  	s3 =	simm.s32 $0x108;
	s8 =	sld [smem:$0x3FB2]  }
0x2e: {  	s3 =	simm.s32 @!p0 $0x1082;
	s9 =	sld [smem:$0x3FB3]  }
0x2f: {  	lr =	sadd.s32 s0, s3;
	s0 =	sld [smem:$0x3FAA]  }
0x30: {  	s3 =	sld [smem:$0x3FAD]  }
0x31: {  	[smem:$0x3FB6] =	sst s10  }
0x32: {  	s10 =	sld [smem:$0x3FB4];
	_ =	sdelay $0x3  }
0x33: {  	p0 =	seq.s32 s10, $0x1;
	s10 =	sld [smem:$0x3FB6];
	_ =	sdelay $0x3  }
0x34: {  	[smem:$0x3FB6] =	sst s10  }
0x35: {  	s10 =	sld [smem:$0x3FB5];
	_ =	sdelay $0x3  }
0x36: {  	p1 =	seq.s32 s10, $0x1;
	s10 =	sld [smem:$0x3FB6];
	_ =	sdelay $0x3  }
0x37: {  	[smem:$0x3FB6] =	sst s10  }
0x38: {  	s10 =	sld [smem:$0x3FB7]  }
0x39: {  	_ = 	snop;
	(pc) =	sbr.ind lr, $3  }
0x3a: {  	_ = 	snop  }
0x3b: {  	_ = 	snop  }
0x3c: {  	p2 =	seq.s32 s10, $0x1;
	s10 =	sld [smem:$0x3FB6]  }
0x3d: {  	_ =	shalt  }
0x3e: {  	_ =	shalt  }
0x3f: {  	_ =	shalt  }
0x40: {  	_ =	shalt  }
0x41: {  	_ =	shalt  }
0x42: {  	_ =	shalt  }
0x43: {  	_ =	shalt  }
0x44: {  	_ =	shalt  }
0x45: {  	_ =	shalt  }
0x46: {  	_ =	shalt  }
0x47: {  	_ =	shalt  }
0x48: {  	_ =	shalt  }
0x49: {  	_ =	shalt  }
0x4a: {  	_ =	shalt  }
0x4b: {  	_ =	shalt  }
0x4c: {  	_ =	shalt  }
0x4d: {  	_ =	shalt  }
0x4e: {  	_ =	shalt  }
0x4f: {  	_ =	shalt  }
0x50: {  	_ =	shalt  }
0x51: {  	_ =	shalt  }
0x52: {  	_ =	shalt  }
0x53: {  	_ =	shalt  }
0x54: {  	_ =	shalt  }
0x55: {  	_ =	shalt  }
0x56: {  	_ =	shalt  }
0x57: {  	_ =	shalt  }
0x58: {  	_ =	shalt  }
0x59: {  	_ =	shalt  }
0x5a: {  	_ =	shalt  }
0x5b: {  	_ =	shalt  }
0x5c: {  	_ =	shalt  }
0x5d: {  	_ =	shalt  }
0x5e: {  	_ =	shalt  }
0x5f: {  	_ =	shalt  }
0x60: {  	_ =	shalt  }
0x61: {  	_ =	shalt  }
0x62: {  	_ =	shalt  }
0x63: {  	_ =	shalt  }
0x64: {  	_ =	shalt  }
0x65: {  	_ =	shalt  }
0x66: {  	_ =	shalt  }
0x67: {  	_ =	shalt  }
0x68: {  	_ =	shalt  }
0x69: {  	_ =	shalt  }
0x6a: {  	_ =	shalt  }
0x6b: {  	_ =	shalt  }
0x6c: {  	_ =	shalt  }
0x6d: {  	_ =	shalt  }
0x6e: {  	_ =	shalt  }
0x6f: {  	_ =	shalt  }
0x70: {  	_ =	shalt  }
0x71: {  	_ =	shalt  }
0x72: {  	_ =	shalt  }
0x73: {  	_ =	shalt  }
0x74: {  	_ =	shalt  }
0x75: {  	_ =	shalt  }
0x76: {  	_ =	shalt  }
0x77: {  	_ =	shalt  }
0x78: {  	_ =	shalt  }
0x79: {  	_ =	shalt  }
0x7a: {  	_ =	shalt  }
0x7b: {  	_ =	shalt  }
0x7c: {  	_ =	shalt  }
0x7d: {  	_ =	shalt  }
0x7e: {  	_ =	shalt  }
0x7f: {  	_ =	shalt  }
0x80: {  	_ =	shalt  }
0x81: {  	_ =	shalt  }
0x82: {  	_ =	shalt  }
0x83: {  	_ =	shalt  }
0x84: {  	_ =	shalt  }
0x85: {  	_ =	shalt  }
0x86: {  	_ =	shalt  }
0x87: {  	_ =	shalt  }
.Lfunc_end0:
.L_simem_size_0:
called_computation.1_lowered:
.L_overlay_start_0:
0x88: {  	s2 =	sld [smem:$0x3FD9]  }
0x89: {  	s3 =	sld [smem:$0x3FFE];
	_ =	sdelay $0x1  }
0x8a: {  	s1 =	srdreg.scid  }
0x8b: {  	s0 =	sand.u32 $0x1, s1  }
0x8c: {  	s17 =	sshll.u32 s0, $0xA;
	s2 =	sadd.s32 s3, s2  }
0x8d: {  	s2 =	sadd.s32 s2, s17  }
0x8e: {  	[smem:$0x3FC2] =	sst s2  }
0x8f: {  	_ = 	snop  }
0x90: {  	s2 =	sld [smem:$0x3FC7]  }
0x91: {  	s18 =	sld [smem:$0x3FC6]  }
0x92: {  	s4 =	sld [smem:$0x3FC5]  }
0x93: {  	s5 =	sld [smem:$0x3FC4]  }
0x94: {  	s6 =	sld [smem:$0x3FD0];
	(tm) =	ssettm $0x1  }
0x95: {  	s7 =	sld [smem:$0x3FFB];
	_ =	sdelay $0x3  }
0x96: {  	_ =	strace s7  }
0x97: {  	s7 =	sld [smem:$0x3FFC];
	_ =	sdelay $0x3  }
0x98: {  	_ =	strace s7  }
0x99: {  	s7 =	sld [smem:$0x3FFD];
	_ =	sdelay $0x3  }
0x9a: {  	_ =	strace s7  }
0x9b: {  	_ =	strace $0x8FFFFFFF  }
0x9c: {  	s19 =	sld [smem:$0x3FDB];
	_ =	sdelay $0x1  }
0x9d: {  	s8 =	simm.s32 $_scs_section_size  }
0x9e: {  	s9 =	simm.s32 $_size__tile_overlayer_lowered;
	s10 =	simm.s32 $_tile_overlayer_lowered  }
0x9f: {  	s22 =	simm.s32 $0x1BFF;
	s21 =	sshll.u32 s10, $0x1;
	s7 =	sadd.s32 s8, s19  }
0xa0: {  	s11 =	simm.s32 $0x0;
	s20 =	sshll.u32 s9, $0x1;
	s9 =	sadd.s32 s21, s7  }
0xa1: {  	[timem:s11], [sflag:s22] =	dma.local [hbm:s9], s20  }
0xa2: {  	_ =	swait.ge [sflag:s22], s20  }
0xa3: {  	s8 =	ssub.s32 $0x0, s20;
	[sflag:s22] =	ssyncset.done $0x0  }
0xa4: {  	[sflag:s22] =	ssyncadd.s32 s8;
	_ =	sdelay $0x1  }
0xa5: {  	s23 =	simm.s32 $0x1B8B  }
0xa6: {  	_ =	swait.ge [sflag:s23], $0x1  }
0xa7: {  	[sflag:s23] =	ssyncset.done $0x0  }
0xa8: {  	s25 =	simm.s32 $0x1B8E;
	s24 =	sld [smem:$0x3FFE];
	[sflag:s23] =	ssyncadd.s32 $0xFFFFFFFF  }
0xa9: {  	s26 =	simm.s32 $execute0_lowered;
	[smem:$0x3FD2] =	sst s25  }
0xaa: {  	s9 =	sshll.u32 s26, $0x1;
	_ =	strace $0x80000046;
	[dreg:$0x1] =	wrdreg $0xFFFFFFFF  }
0xab: {  	s28 =	simm.s32 $_size_execute0_lowered;
	s7 =	sadd.s32 s7, s9;
	[dreg:$0x0] =	wrdreg $0x0  }
0xac: {  	s9 =	sshll.u32 s28, $0x1;
	[dreg:$0x2] =	wrdreg s7  }
0xad: {  	[dreg:$0x3] =	wrdreg s9  }
0xae: {  	[dreg:$0x4] =	wrdreg $0xC0  }
0xaf: {  	_ =	task [dreg:s11], $0x5FFFF  }
0xb0: {  	[dreg:$0x1] =	wrdreg $0xFFFFFFFF  }
0xb1: {  	[dreg:$0x0] =	wrdreg $0x60  }
0xb2: {  	[dreg:$0x2] =	wrdreg s24  }
0xb3: {  	[dreg:$0x3] =	wrdreg s2  }
0xb4: {  	[dreg:$0x4] =	wrdreg s18  }
0xb5: {  	[dreg:$0x5] =	wrdreg s4  }
0xb6: {  	[dreg:$0x6] =	wrdreg s5  }
0xb7: {  	[dreg:$0x7] =	wrdreg s6  }
0xb8: {  	[dreg:$0x8] =	wrdreg $0x9  }
0xb9: {  	_ =	task.clear_ibuf [dreg:s11], $0x9FFFF;
	_ =	strace $0x90000046  }
0xba: {  	s29 =	simm.s32 $0x9;
	_ =	strace $0x80000048  }
0xbb: {  	_ =	swait.ge [sflag:s29], $0x1  }
0xbc: {  	[sflag:s29] =	ssyncadd.s32 $0xFFFFFFFF  }
0xbd: {  	_ =	strace $0x90000048  }
0xbe: {  	_ =	sfence  }
0xbf: {  	s30 =	sld [smem:$0x0];
	_ =	sdelay $0x2  }
0xc0: {  	s31 =	sshll.u32 s1, $0xD;
	s1 =	sshrl.u32 s1, $0x2  }
0xc1: {  	s3 =	sand.u32 $0x4000, s31;
	s1 =	sadd.s32 s1, s30  }
0xc2: {  	s0 =	sor.u32 s3, s0;
	s1 =	sshll.u32 s1, $0x11  }
0xc3: {  	s0 =	sor.u32 s1, s0  }
0xc4: {  	s0 =	sadd.s32 $0x8F2B, s0  }
0xc5: {  	[sflag:s0] =	ssyncadd.remote.s32 $0x1  }
0xc6: {  	_ =	sfence.sel $0xFFFF  }
0xc7: {  	[dreg:$0x0] =	wrdreg $0xFFFFFFFF;
	(pc) =	sbr.abs _section_cstart, $3  }
0xc8: {  	[dreg:$0x1] =	wrdreg $0xFFFFFFFF  }
0xc9: {  	_ =	task.clear_ibuf [dreg:s11], $0x2FFFF;
	_ =	strace $0x9FFFFFFF  }
0xca: {  	(tm) =	ssettm $0x7FFFFFFF  }
0xcb: {  	_ =	shalt  }
tec
execute0_lowered:
.L_overlay_start_1:
0x0: {  	(tag) =	ssettag $0x1  }
0x1: {  	s0 =	rddreg [dreg:$0x0];
	s1 =	srdreg.scid  }
0x2: {  	s3 =	stileid.u32;
	s4 =	simm.s32 $0x0;
	s1 =	sand.u32 $0x1, s1  }
0x3: {  	s2 =	sshll.u32 s3, $0x1;
	s3 =	sshrl.u32 s3, $0x2;
	[smem:$0x7FF] =	sst s4  }
0x4: {  	s2 =	sor.u32 s1, s2;
	s25 =	smul.u32 $0xC400, s3;
	_ =	strace $0x80000047  }
0x5: {  	s3 =	sshll.u32 s3, $0xA;
	s1 =	ssub.s32 $0x2, s1;
	s5 =	sshll.u32 s2, $0x7  }
0x6: {  	s6 =	sshll.u32 s2, $0xA;
	s26 =	sshrl.u32 s1, $0x1;
	s30 =	sshll.u32 s2, $0x5  }
0x7: {  	s5 =	sand.u32 $0x380, s5;
	s6 =	sadd.s32 s6, s0;
	s1 =	ssub.s32 s1, s26  }
0x8: {  	[dreg:$0x16] =	wrdreg s30;
	s4 =	sor.u32 s25, s5;
	s3 =	sor.u32 s3, s5  }
0x9: {  	s28 =	sadd.s32 $0x1600, s6;
	s31 =	smax.u32 s1, $0x1;
	s4 =	sshrl.u32 s4, $0x3  }
0xa: {  	s3 =	sshrl.u32 s3, $0x3;
	[dreg:$0x13] =	wrdreg s28;
	s4 =	sadd.s32 s4, s0  }
0xb: {  	v2 =	vlaneseq.u32;
	[dreg:$0x17] =	wrdreg s31;
	s0 =	sadd.s32 s3, s0;
	s29 =	sadd.s32 $0x9600, s4  }
0xc: {  	vm0 =	vmmov $0xffff;
	v1 =	vshrl.u32 v2, $0x3;
	s0 =	sadd.s32 $0x1400, s0;
	[dreg:$0x14] =	wrdreg s29  }
0xd: {  	s15 =	simm.s32 $0x2000;
	v0 =	vand.u32 $0x7, v2;
	v2 =	vor.u32 $0x8, v2;
	v1 =	vmul.u32 $0x8, v1;
	s1 =	simm.s32 $0x0;
	[dreg:$0x15] =	wrdreg s0  }
.LBB2_1:
0xe: {  	[dreg:$0x18] =	wrdreg s1  }
0xf: {  	s0 =	simm.s32 $0x0;
	s28 =	rddreg [dreg:$0x13];
	s2 =	simm.s32 $0x3  }
0x10: {  	[tilespmem:s0], [sflag:$0x3] =	stream.linear.gather [hbm4b:s28+s0], $0x2000, $0x38;
	[tilespmem:$0x13A00] =	vst v63  }
0x11: {  	_ =	swait.ge [sflag:s2], $0x2000  }
0x12: {  	s3 =	simm.s32 $0x80;
	[sflag:s2] =	ssyncset.done $0x0  }
0x13: {  	s4 =	simm.s32 $0x400;
	s29 =	rddreg [dreg:$0x14];
	[sflag:s2] =	ssyncadd.s32 $0xFFFFE000  }
0x14: {  	[tilespmem:s15], [sflag:$0x3] =	stream.strided.gather [hbm4b:s29+s3], $0x1880, s4, s3, $0x38;
	[tilespmem:$0x13A00] =	vst v63  }
0x15: {  	_ =	swait.ge [sflag:s2], $0x1880  }
0x16: {  	[sflag:s2] =	ssyncset.done $0x0  }
0x17: {  	s31 =	simm.s32 $0x3880;
	s30 =	rddreg [dreg:$0x15];
	[sflag:s2] =	ssyncadd.s32 $0xFFFFE780  }
0x18: {  	[tilespmem:s31], [sflag:$0x3] =	stream.linear.gather [hbm4b:s30+s0], $0x80, $0x38;
	[tilespmem:$0x13A00] =	vst v63  }
0x19: {  	_ =	swait.ge [sflag:s2], $0x80  }
0x1a: {  	[sflag:s2] =	ssyncset.done $0x0  }
0x1b: {  	s13 =	simm.s32 $0x0;
	s4 =	simm.s32 $0x0;
	[sflag:s2] =	ssyncadd.s32 $0xFFFFFF80  }
.LBB2_2:
0x1c: {  	v3 =	vmov s4;
	_ =	sdelay $0x3  }
0x1d: {  	s0 =	simm.s32 $0x3880  }
0x1e: {  	v3 =	vld.idx.msk [tilespmem:v3+s0+$0x0], $0xffff;
	_ =	sdelay $0x4  }
0x1f: {  	v3 =	vxor.u32 $0x80000000, v3  }
0x20: {  	(xrf0) =	vmax.scan.msk.u32 $0xffff, v3;
	_ =	sdelay $0x5  }
0x21: {  	v3, _, _ =	vpop (xrf0)  }
0x22: {  	(v2sf) =	vpush v3, $0xF;
	_ =	sdelay $0xe  }
0x23: {  	s31 =	spop (v2sf)  }
0x24: {  	s1 =	sxor.u32 $0x80000000, s31  }
0x25: {  	p0 =	sgt.s32 s1, $0x3  }
.Ltmp0:
0x26: {  	_ = 	snop;
	(pc) =	sbr.rel @p0 .LBB2_5-.Ltmp0, $1  }
0x27: {  	_ =	sdelay $0x3  }
0x28: {  	p0 =	seq.s32 s1, $0x2  }
0x29: {  	p1 =	seq.s32 @!p0 s1, $0x3  }
0x2a: {  	p1 =	por p0, p1  }
.Ltmp1:
0x2b: {  	_ = 	snop;
	(pc) =	sbr.rel @!p1 .LBB2_9-.Ltmp1, $1  }
0x2c: {  	_ =	sdelay $0x3  }
.Ltmp2:
0x2d: {  	(pc) =	sbr.rel .LBB2_8-.Ltmp2, $4  }
0x2e: {  	_ = 	snop  }
0x2f: {  	s0 =	rddreg [dreg:$0x2]  }
0x30: {  	s1 =	rddreg [dreg:$0x1]  }
0x31: {  	s0 =	smov.u32 @p0 s1  }
.LBB2_5:
0x32: {  	p0 =	seq.s32 s1, $0x4  }
.Ltmp3:
0x33: {  	_ = 	snop;
	(pc) =	sbr.rel @p0 .LBB2_8-.Ltmp3, $2  }
0x34: {  	_ =	sdelay $0x2  }
0x35: {  	s0 =	rddreg [dreg:$0x3]  }
0x36: {  	p0 =	seq.s32 s1, $0x5  }
.Ltmp4:
0x37: {  	_ = 	snop;
	(pc) =	sbr.rel @!p0 .LBB2_9-.Ltmp4, $1  }
0x38: {  	_ =	sdelay $0x3  }
0x39: {  	s0 =	rddreg [dreg:$0x4]  }
.LBB2_8:
0x3a: {  	s1 =	sshll.u32 s4, $0x8  }
0x3b: {  	s1 =	sand.u32 $0x3FFFFF00, s1  }
0x3c: {  	v3 =	vld [tilespmem:s1+$0x0];
	_ =	sdelay $0x4  }
0x3d: {  	v4 =	vshll.u32 v3, $0x1  }
0x3e: {  	v3 =	vand.u32 $0x7, v3;
	v4 =	vand.u32 $0xFFFFFFF0, v4  }
0x3f: {  	v3 =	vor.u32 v3, v4  }
0x40: {  	v4 =	vperm.xlane v3, v0;
	_ =	sdelay $0x1  }
0x41: {  	v3 =	vperm.xlane v3, v2;
	v4 =	vadd.s32 v1, v4;
	_ =	sdelay $0x1  }
0x42: {  	v3 =	vadd.s32 v1, v3;
	_ =	sdelay $0x1  }
0x43: {  	s3 =	simm.s32 $0x0;
	s2 =	simm.s32 $0x3900  }
0x44: {  	[tilespmem:s2], [sflag:$0x1] =	stream.indirect_vreg.gather [hbm4b:s0+s3], $0x80, v4, vm0, $0xb8;
	[tilespmem:$0x13A00] =	vst v63  }
0x45: {  	s28 =	simm.s32 $0x4100  }
0x46: {  	[tilespmem:s28], [sflag:$0x1] =	stream.indirect_vreg.gather [hbm4b:s0+s3], $0x80, v3, vm0, $0xb8;
	[tilespmem:$0x13A00] =	vst v63  }
0x47: {  	v3 =	vld [tilespmem:s1+$0x10];
	_ =	sdelay $0x4  }
0x48: {  	v51 =	vshll.u32 v3, $0x1  }
0x49: {  	v3 =	vand.u32 $0x7, v3;
	v4 =	vand.u32 $0xFFFFFFF0, v51  }
0x4a: {  	v3 =	vor.u32 v3, v4  }
0x4b: {  	v4 =	vperm.xlane v3, v0;
	_ =	sdelay $0x1  }
0x4c: {  	v3 =	vperm.xlane v3, v2;
	v4 =	vadd.s32 v1, v4;
	_ =	sdelay $0x1  }
0x4d: {  	v3 =	vadd.s32 v1, v3;
	_ =	sdelay $0x1  }
0x4e: {  	s29 =	simm.s32 $0x4900  }
0x4f: {  	[tilespmem:s29], [sflag:$0x1] =	stream.indirect_vreg.gather [hbm4b:s0+s3], $0x80, v4, vm0, $0xb8;
	[tilespmem:$0x13A00] =	vst v63  }
0x50: {  	s30 =	simm.s32 $0x5100  }
0x51: {  	[tilespmem:s30], [sflag:$0x1] =	stream.indirect_vreg.gather [hbm4b:s0+s3], $0x80, v3, vm0, $0xb8;
	[tilespmem:$0x13A00] =	vst v63  }
0x52: {  	v3 =	vld [tilespmem:s1+$0x20];
	_ =	sdelay $0x4  }
0x53: {  	v52 =	vshll.u32 v3, $0x1  }
0x54: {  	v3 =	vand.u32 $0x7, v3;
	v4 =	vand.u32 $0xFFFFFFF0, v52  }
0x55: {  	v3 =	vor.u32 v3, v4  }
0x56: {  	v4 =	vperm.xlane v3, v0;
	_ =	sdelay $0x1  }
0x57: {  	v3 =	vperm.xlane v3, v2;
	v4 =	vadd.s32 v1, v4;
	_ =	sdelay $0x1  }
0x58: {  	v3 =	vadd.s32 v1, v3;
	_ =	sdelay $0x1  }
0x59: {  	s31 =	simm.s32 $0x5900  }
0x5a: {  	[tilespmem:s31], [sflag:$0x1] =	stream.indirect_vreg.gather [hbm4b:s0+s3], $0x80, v4, vm0, $0xb8;
	[tilespmem:$0x13A00] =	vst v63  }
0x5b: {  	s5 =	simm.s32 $0x6100  }
0x5c: {  	[tilespmem:s5], [sflag:$0x1] =	stream.indirect_vreg.gather [hbm4b:s0+s3], $0x80, v3, vm0, $0xb8;
	[tilespmem:$0x13A00] =	vst v63  }
0x5d: {  	v3 =	vld [tilespmem:s1+$0x30];
	_ =	sdelay $0x4  }
0x5e: {  	v53 =	vshll.u32 v3, $0x1  }
0x5f: {  	v3 =	vand.u32 $0x7, v3;
	v4 =	vand.u32 $0xFFFFFFF0, v53  }
0x60: {  	v3 =	vor.u32 v3, v4  }
0x61: {  	v4 =	vperm.xlane v3, v0;
	_ =	sdelay $0x1  }
0x62: {  	v3 =	vperm.xlane v3, v2;
	v4 =	vadd.s32 v1, v4;
	_ =	sdelay $0x1  }
0x63: {  	v3 =	vadd.s32 v1, v3;
	_ =	sdelay $0x1  }
0x64: {  	s6 =	simm.s32 $0x6900  }
0x65: {  	[tilespmem:s6], [sflag:$0x1] =	stream.indirect_vreg.gather [hbm4b:s0+s3], $0x80, v4, vm0, $0xb8;
	[tilespmem:$0x13A00] =	vst v63  }
0x66: {  	s7 =	simm.s32 $0x7100  }
0x67: {  	[tilespmem:s7], [sflag:$0x1] =	stream.indirect_vreg.gather [hbm4b:s0+s3], $0x80, v3, vm0, $0xb8;
	[tilespmem:$0x13A00] =	vst v63  }
0x68: {  	v3 =	vld [tilespmem:s1+$0x40];
	_ =	sdelay $0x4  }
0x69: {  	v54 =	vshll.u32 v3, $0x1  }
0x6a: {  	v3 =	vand.u32 $0x7, v3;
	v4 =	vand.u32 $0xFFFFFFF0, v54  }
0x6b: {  	v3 =	vor.u32 v3, v4  }
0x6c: {  	v4 =	vperm.xlane v3, v0;
	_ =	sdelay $0x1  }
0x6d: {  	v3 =	vperm.xlane v3, v2;
	v4 =	vadd.s32 v1, v4;
	_ =	sdelay $0x1  }
0x6e: {  	v3 =	vadd.s32 v1, v3;
	_ =	sdelay $0x1  }
0x6f: {  	s8 =	simm.s32 $0x7900  }
0x70: {  	[tilespmem:s8], [sflag:$0x1] =	stream.indirect_vreg.gather [hbm4b:s0+s3], $0x80, v4, vm0, $0xb8;
	[tilespmem:$0x13A00] =	vst v63  }
0x71: {  	s9 =	simm.s32 $0x8100  }
0x72: {  	[tilespmem:s9], [sflag:$0x1] =	stream.indirect_vreg.gather [hbm4b:s0+s3], $0x80, v3, vm0, $0xb8;
	[tilespmem:$0x13A00] =	vst v63  }
0x73: {  	v3 =	vld [tilespmem:s1+$0x50];
	_ =	sdelay $0x4  }
0x74: {  	v55 =	vshll.u32 v3, $0x1  }
0x75: {  	v3 =	vand.u32 $0x7, v3;
	v4 =	vand.u32 $0xFFFFFFF0, v55  }
0x76: {  	v3 =	vor.u32 v3, v4  }
0x77: {  	v4 =	vperm.xlane v3, v0;
	_ =	sdelay $0x1  }
0x78: {  	v3 =	vperm.xlane v3, v2;
	v4 =	vadd.s32 v1, v4;
	_ =	sdelay $0x1  }
0x79: {  	v3 =	vadd.s32 v1, v3;
	_ =	sdelay $0x1  }
0x7a: {  	s10 =	simm.s32 $0x8900  }
0x7b: {  	[tilespmem:s10], [sflag:$0x1] =	stream.indirect_vreg.gather [hbm4b:s0+s3], $0x80, v4, vm0, $0xb8;
	[tilespmem:$0x13A00] =	vst v63  }
0x7c: {  	s11 =	simm.s32 $0x9100;
	s12 =	sor.u32 $0x60, s1  }
0x7d: {  	[tilespmem:s11], [sflag:$0x1] =	stream.indirect_vreg.gather [hbm4b:s0+s3], $0x80, v3, vm0, $0xb8;
	[tilespmem:$0x13A00] =	vst v63  }
0x7e: {  	v3 =	vld.msk [tilespmem:s12+$0x0], $0xff;
	_ =	sdelay $0x4  }
0x7f: {  	v56 =	vshll.u32 v3, $0x1  }
0x80: {  	v3 =	vand.u32 $0x7, v3;
	v4 =	vand.u32 $0xFFFFFFF0, v56  }
0x81: {  	v3 =	vor.u32 v3, v4  }
0x82: {  	v3 =	vperm.xlane v3, v0;
	_ =	sdelay $0x1  }
0x83: {  	v3 =	vadd.s32 v1, v3;
	_ =	sdelay $0x3  }
0x84: {  	s14 =	simm.s32 $0x9900  }
0x85: {  	[tilespmem:s14], [sflag:$0x1] =	stream.indirect_vreg.gather [hbm4b:s0+s3], $0x80, v3, vm0, $0xb8;
	[tilespmem:$0x13A00] =	vst v63  }
0x86: {  	v3 =	vld [tilespmem:s1+$0x80];
	_ =	sdelay $0x4  }
0x87: {  	v57 =	vshll.u32 v3, $0x1  }
0x88: {  	v3 =	vand.u32 $0x7, v3;
	v4 =	vand.u32 $0xFFFFFFF0, v57  }
0x89: {  	v3 =	vor.u32 v3, v4  }
0x8a: {  	v4 =	vperm.xlane v3, v0;
	_ =	sdelay $0x1  }
0x8b: {  	v3 =	vperm.xlane v3, v2;
	v4 =	vadd.s32 v1, v4;
	_ =	sdelay $0x1  }
0x8c: {  	v3 =	vadd.s32 v1, v3;
	_ =	sdelay $0x1  }
0x8d: {  	s16 =	simm.s32 $0xA100  }
0x8e: {  	[tilespmem:s16], [sflag:$0x2] =	stream.indirect_vreg.gather [hbm4b:s0+s3], $0x80, v4, vm0, $0xb8;
	[tilespmem:$0x13A00] =	vst v63  }
0x8f: {  	s17 =	simm.s32 $0xA900  }
0x90: {  	[tilespmem:s17], [sflag:$0x2] =	stream.indirect_vreg.gather [hbm4b:s0+s3], $0x80, v3, vm0, $0xb8;
	[tilespmem:$0x13A00] =	vst v63  }
0x91: {  	v3 =	vld [tilespmem:s1+$0x90];
	_ =	sdelay $0x4  }
0x92: {  	v58 =	vshll.u32 v3, $0x1  }
0x93: {  	v3 =	vand.u32 $0x7, v3;
	v4 =	vand.u32 $0xFFFFFFF0, v58  }
0x94: {  	v3 =	vor.u32 v3, v4  }
0x95: {  	v4 =	vperm.xlane v3, v0;
	_ =	sdelay $0x1  }
0x96: {  	v3 =	vperm.xlane v3, v2;
	v4 =	vadd.s32 v1, v4;
	_ =	sdelay $0x1  }
0x97: {  	v3 =	vadd.s32 v1, v3;
	_ =	sdelay $0x1  }
0x98: {  	s18 =	simm.s32 $0xB100  }
0x99: {  	[tilespmem:s18], [sflag:$0x2] =	stream.indirect_vreg.gather [hbm4b:s0+s3], $0x80, v4, vm0, $0xb8;
	[tilespmem:$0x13A00] =	vst v63  }
0x9a: {  	s19 =	simm.s32 $0xB900  }
0x9b: {  	[tilespmem:s19], [sflag:$0x2] =	stream.indirect_vreg.gather [hbm4b:s0+s3], $0x80, v3, vm0, $0xb8;
	[tilespmem:$0x13A00] =	vst v63  }
0x9c: {  	v3 =	vld [tilespmem:s1+$0xA0];
	_ =	sdelay $0x4  }
0x9d: {  	v59 =	vshll.u32 v3, $0x1  }
0x9e: {  	v3 =	vand.u32 $0x7, v3;
	v4 =	vand.u32 $0xFFFFFFF0, v59  }
0x9f: {  	v3 =	vor.u32 v3, v4  }
0xa0: {  	v4 =	vperm.xlane v3, v0;
	_ =	sdelay $0x1  }
0xa1: {  	v3 =	vperm.xlane v3, v2;
	v4 =	vadd.s32 v1, v4;
	_ =	sdelay $0x1  }
0xa2: {  	v3 =	vadd.s32 v1, v3;
	_ =	sdelay $0x1  }
0xa3: {  	s20 =	simm.s32 $0xC100  }
0xa4: {  	[tilespmem:s20], [sflag:$0x2] =	stream.indirect_vreg.gather [hbm4b:s0+s3], $0x80, v4, vm0, $0xb8;
	[tilespmem:$0x13A00] =	vst v63  }
0xa5: {  	s21 =	simm.s32 $0xC900  }
0xa6: {  	[tilespmem:s21], [sflag:$0x2] =	stream.indirect_vreg.gather [hbm4b:s0+s3], $0x80, v3, vm0, $0xb8;
	[tilespmem:$0x13A00] =	vst v63  }
0xa7: {  	v3 =	vld [tilespmem:s1+$0xB0];
	_ =	sdelay $0x4  }
0xa8: {  	v60 =	vshll.u32 v3, $0x1  }
0xa9: {  	v3 =	vand.u32 $0x7, v3;
	v4 =	vand.u32 $0xFFFFFFF0, v60  }
0xaa: {  	v3 =	vor.u32 v3, v4  }
0xab: {  	v4 =	vperm.xlane v3, v0;
	_ =	sdelay $0x1  }
0xac: {  	v3 =	vperm.xlane v3, v2;
	v4 =	vadd.s32 v1, v4;
	_ =	sdelay $0x1  }
0xad: {  	v3 =	vadd.s32 v1, v3;
	_ =	sdelay $0x1  }
0xae: {  	s22 =	simm.s32 $0xD100  }
0xaf: {  	[tilespmem:s22], [sflag:$0x2] =	stream.indirect_vreg.gather [hbm4b:s0+s3], $0x80, v4, vm0, $0xb8;
	[tilespmem:$0x13A00] =	vst v63  }
0xb0: {  	s23 =	simm.s32 $0xD900  }
0xb1: {  	[tilespmem:s23], [sflag:$0x2] =	stream.indirect_vreg.gather [hbm4b:s0+s3], $0x80, v3, vm0, $0xb8;
	[tilespmem:$0x13A00] =	vst v63  }
0xb2: {  	v3 =	vld [tilespmem:s1+$0xC0];
	_ =	sdelay $0x4  }
0xb3: {  	v61 =	vshll.u32 v3, $0x1  }
0xb4: {  	v3 =	vand.u32 $0x7, v3;
	v4 =	vand.u32 $0xFFFFFFF0, v61  }
0xb5: {  	v3 =	vor.u32 v3, v4  }
0xb6: {  	v4 =	vperm.xlane v3, v0;
	_ =	sdelay $0x1  }
0xb7: {  	v3 =	vperm.xlane v3, v2;
	v4 =	vadd.s32 v1, v4;
	_ =	sdelay $0x1  }
0xb8: {  	v3 =	vadd.s32 v1, v3;
	_ =	sdelay $0x1  }
0xb9: {  	s24 =	simm.s32 $0xE100  }
0xba: {  	[tilespmem:s24], [sflag:$0x2] =	stream.indirect_vreg.gather [hbm4b:s0+s3], $0x80, v4, vm0, $0xb8;
	[tilespmem:$0x13A00] =	vst v63  }
0xbb: {  	s25 =	simm.s32 $0xE900  }
0xbc: {  	[tilespmem:s25], [sflag:$0x2] =	stream.indirect_vreg.gather [hbm4b:s0+s3], $0x80, v3, vm0, $0xb8;
	[tilespmem:$0x13A00] =	vst v63  }
0xbd: {  	v3 =	vld [tilespmem:s1+$0xD0];
	_ =	sdelay $0x4  }
0xbe: {  	v62 =	vshll.u32 v3, $0x1  }
0xbf: {  	v3 =	vand.u32 $0x7, v3;
	v4 =	vand.u32 $0xFFFFFFF0, v62  }
0xc0: {  	v3 =	vor.u32 v3, v4  }
0xc1: {  	v4 =	vperm.xlane v3, v0;
	_ =	sdelay $0x1  }
0xc2: {  	v3 =	vperm.xlane v3, v2;
	v4 =	vadd.s32 v1, v4;
	_ =	sdelay $0x1  }
0xc3: {  	v3 =	vadd.s32 v1, v3;
	_ =	sdelay $0x1  }
0xc4: {  	s26 =	simm.s32 $0xF100  }
0xc5: {  	[tilespmem:s26], [sflag:$0x2] =	stream.indirect_vreg.gather [hbm4b:s0+s3], $0x80, v4, vm0, $0xb8;
	[tilespmem:$0x13A00] =	vst v63  }
0xc6: {  	s28 =	simm.s32 $0xF900;
	s1 =	sor.u32 $0xE0, s1  }
0xc7: {  	[tilespmem:s28], [sflag:$0x2] =	stream.indirect_vreg.gather [hbm4b:s0+s3], $0x80, v3, vm0, $0xb8;
	[tilespmem:$0x13A00] =	vst v63  }
0xc8: {  	v3 =	vld.msk [tilespmem:s1+$0x0], $0xff;
	_ =	sdelay $0x4  }
0xc9: {  	v63 =	vshll.u32 v3, $0x1  }
0xca: {  	v3 =	vand.u32 $0x7, v3;
	v4 =	vand.u32 $0xFFFFFFF0, v63  }
0xcb: {  	v3 =	vor.u32 v3, v4  }
0xcc: {  	v3 =	vperm.xlane v3, v0;
	_ =	sdelay $0x1  }
0xcd: {  	v3 =	vadd.s32 v1, v3;
	_ =	sdelay $0x3  }
0xce: {  	s29 =	simm.s32 $0x10100;
	s30 =	simm.s32 $0x1  }
0xcf: {  	[tilespmem:s29], [sflag:$0x2] =	stream.indirect_vreg.gather [hbm4b:s0+s3], $0x80, v3, vm0, $0xb8;
	[tilespmem:$0x13A00] =	vst v63  }
0xd0: {  	_ =	swait.ge [sflag:s30], $0x6800  }
0xd1: {  	[sflag:s30] =	ssyncset.done $0x0  }
0xd2: {  	s31 =	simm.s32 $0x2;
	[sflag:s30] =	ssyncadd.s32 $0xFFFF9800  }
0xd3: {  	_ =	swait.ge [sflag:s31], $0x6800  }
0xd4: {  	[sflag:s31] =	ssyncset.done $0x0  }
0xd5: {  	[sflag:s31] =	ssyncadd.s32 $0xFFFF9800  }
.LBB2_9:
0xd6: {  	s6 =	sadd.s32 $0xFFFFFFFE, s13  }
0xd7: {  	s0 =	sadd.s32 $0x34, s6  }
0xd8: {  	s1 =	sadd.s32 $0x3, s6;
	v3 =	vmov s0  }
0xd9: {  	v4 =	vmov s1;
	v3 =	vand.u32 $0xFFFFFFFE, v3  }
0xda: {  	v3 =	vbroadcast v3, $0x0  }
0xdb: {  	s18 =	simm.s32 $0x1B00;
	s16 =	sadd.s32 $0x96, s6  }
0xdc: {  	s2 =	simm.s32 $0xD80;
	s19 =	simm.s32 $0x0;
	s17 =	sadd.s32 $0x65, s6;
	v5 =	vmov s16  }
0xdd: {  	s2 =	sand.u32 $0x380, s2;
	s3 =	sand.u32 $0x1800, s19;
	v6 =	vmov s17;
	s0 =	sand.u32 $0x3800, s18;
	v5 =	vand.u32 $0xFFFFFFFE, v5  }
0xde: {  	s20 =	simm.s32 $0x80;
	s12 =	sor.u32 s2, s0;
	v5 =	vbroadcast v5, $0x0;
	v18 =	vld.idx.msk [tilespmem:v4+s15+$0x0], $0xffff;
	[smem:$0x7EB] =	sst s3  }
0xdf: {  	s21 =	sadd.s32 $0x3900, s3;
	s1 =	sand.u32 $0x380, s20;
	v4 =	vld [tilespmem:s12+$0x3900]  }
0xe0: {  	s22 =	simm.s32 $0x3500;
	s23 =	simm.s32 $0x1A80;
	s5 =	sadd.s32 s1, s21;
	v17 =	vld.idx.msk [tilespmem:v3+s15+$0x0], $0xffff  }
0xe1: {  	s24 =	sand.u32 $0x7800, s22;
	s25 =	sand.u32 $0x380, s23;
	v3 =	vld [tilespmem:s5+$0x0];
	[dreg:$0x19] =	wrdreg s4  }
0xe2: {  	s26 =	simm.s32 $0x2780;
	s30 =	simm.s32 $0x4F00;
	s17 =	sor.u32 s25, s24;
	v15 =	vld.idx.msk [tilespmem:v6+s15+$0x0], $0xffff  }
0xe3: {  	s2 =	sand.u32 $0x7800, s30;
	s3 =	sand.u32 $0x380, s26;
	v6 =	vld [tilespmem:s17+$0x3900]  }
0xe4: {  	s14 =	sor.u32 s3, s2;
	v16 =	vld.idx.msk [tilespmem:v5+s15+$0x0], $0xffff  }
0xe5: {  	v5 =	vld [tilespmem:s14+$0x3900]  }
0xe6: {  	v3 =	vmul.f32 v3, v18;
	v4 =	vmul.f32 v4, v17;
	_ =	sdelay $0x1  }
0xe7: {  	v3 =	vadd.f32 v4, v3;
	v4 =	vmul.f32 v6, v15;
	_ =	sdelay $0x1  }
0xe8: {  	v3 =	vadd.f32 v4, v3;
	v4 =	vmul.f32 v5, v16;
	_ =	sdelay $0x1  }
0xe9: {  	v3 =	vadd.f32 v4, v3  }
0xea: {  	s20 =	simm.s32 $0x10A00;
	s4 =	sadd.s32 $0x2, s6  }
0xeb: {  	v4 =	vmov s4;
	[tilespmem:s20+$0x0] =	vst v3  }
0xec: {  	v3 =	vand.u32 $0xFFFFFFFE, v4;
	v4 =	vld [tilespmem:s5+$0x10]  }
0xed: {  	v3 =	vbroadcast v3, $0x0;
	v5 =	vld [tilespmem:s12+$0x3910]  }
0xee: {  	s7 =	sadd.s32 $0x33, s6;
	s8 =	sadd.s32 $0x64, s6  }
0xef: {  	v7 =	vmov s7;
	v6 =	vmov s8;
	v8 =	vld [tilespmem:s17+$0x3910]  }
0xf0: {  	v6 =	vand.u32 $0xFFFFFFFE, v6  }
0xf1: {  	s10 =	simm.s32 $0x0;
	v6 =	vbroadcast v6, $0x0;
	v9 =	vld [tilespmem:s14+$0x3910]  }
0xf2: {  	s11 =	simm.s32 $0x1A00;
	s16 =	sand.u32 $0x300, s10;
	[smem:$0x7EC] =	sst s6;
	v10 =	vmul.f32 v4, v18;
	v5 =	vmul.f32 v5, v17  }
0xf3: {  	s9 =	sadd.s32 $0x95, s6;
	s18 =	simm.s32 $0xD00;
	v3 =	vld.idx.msk [tilespmem:v3+s15+$0x0], $0xffff;
	[smem:$0x7ED] =	sst s16  }
0xf4: {  	s19 =	sand.u32 $0x3800, s11;
	v11 =	vmov s9;
	s23 =	sadd.s32 s16, s21;
	s21 =	sand.u32 $0x300, s18;
	v4 =	vld.idx.msk [tilespmem:v7+s15+$0x0], $0xffff;
	v5 =	vadd.f32 v5, v10;
	v7 =	vmul.f32 v8, v15  }
0xf5: {  	s22 =	simm.s32 $0x3400;
	s24 =	simm.s32 $0x1A00;
	s3 =	sor.u32 s21, s19;
	v8 =	vld [tilespmem:s23+$0x0]  }
0xf6: {  	s0 =	sand.u32 $0x7800, s22;
	s1 =	sand.u32 $0x300, s24;
	v10 =	vld [tilespmem:s3+$0x3900];
	v5 =	vadd.f32 v7, v5;
	v7 =	vmul.f32 v9, v16  }
0xf7: {  	s25 =	simm.s32 $0x4E00;
	s29 =	sor.u32 s1, s0;
	s26 =	simm.s32 $0x2700;
	v6 =	vld.idx.msk [tilespmem:v6+s15+$0x0], $0xffff  }
0xf8: {  	s30 =	sand.u32 $0x7800, s25;
	s0 =	sand.u32 $0x300, s26;
	v9 =	vld [tilespmem:s29+$0x3900];
	v7 =	vadd.f32 v7, v5  }
0xf9: {  	s16 =	sor.u32 s0, s30;
	v5 =	vld.idx.msk [tilespmem:v11+s15+$0x0], $0xffff  }
0xfa: {  	v11 =	vld [tilespmem:s16+$0x3900];
	[tilespmem:s20+$0x10] =	vst v7  }
0xfb: {  	v7 =	vld [tilespmem:s5+$0x20]  }
0xfc: {  	v8 =	vmul.f32 v8, v3;
	v10 =	vmul.f32 v10, v4;
	v12 =	vld [tilespmem:s12+$0x3920];
	_ =	sdelay $0x1  }
0xfd: {  	v8 =	vadd.f32 v10, v8;
	v9 =	vmul.f32 v9, v6;
	v10 =	vld [tilespmem:s17+$0x3920];
	_ =	sdelay $0x1  }
0xfe: {  	v8 =	vadd.f32 v9, v8;
	v9 =	vmul.f32 v11, v5;
	v11 =	vld [tilespmem:s14+$0x3920]  }
0xff: {  	v7 =	vmul.f32 v7, v18;
	v12 =	vmul.f32 v12, v17  }
0x100: {  	v8 =	vadd.f32 v9, v8  }
0x101: {  	v9 =	vmul.f32 v10, v15;
	v7 =	vadd.f32 v12, v7  }
0x102: {  	[tilespmem:s20+$0xFFFFFF00] =	vst v8  }
0x103: {  	v8 =	vld [tilespmem:s23+$0x10];
	v7 =	vadd.f32 v9, v7;
	v9 =	vmul.f32 v11, v16  }
0x104: {  	v10 =	vld [tilespmem:s3+$0x3910]  }
0x105: {  	v7 =	vadd.f32 v9, v7  }
0x106: {  	v9 =	vld [tilespmem:s29+$0x3910]  }
0x107: {  	v11 =	vld [tilespmem:s16+$0x3910];
	[tilespmem:s20+$0x20] =	vst v7  }
0x108: {  	v7 =	vld [tilespmem:s5+$0x30]  }
0x109: {  	v8 =	vmul.f32 v8, v3;
	v10 =	vmul.f32 v10, v4;
	v12 =	vld [tilespmem:s12+$0x3930];
	_ =	sdelay $0x1  }
0x10a: {  	v8 =	vadd.f32 v10, v8;
	v10 =	vld [tilespmem:s17+$0x3930];
	v9 =	vmul.f32 v9, v6;
	_ =	sdelay $0x1  }
0x10b: {  	v11 =	vmul.f32 v11, v5;
	v8 =	vadd.f32 v9, v8;
	v9 =	vld [tilespmem:s14+$0x3930]  }
0x10c: {  	v7 =	vmul.f32 v7, v18;
	v12 =	vmul.f32 v12, v17  }
0x10d: {  	v8 =	vadd.f32 v11, v8  }
0x10e: {  	v10 =	vmul.f32 v10, v15;
	v7 =	vadd.f32 v12, v7  }
0x10f: {  	[tilespmem:s20+$0xFFFFFF10] =	vst v8  }
0x110: {  	v8 =	vld [tilespmem:s23+$0x20];
	v7 =	vadd.f32 v10, v7;
	v9 =	vmul.f32 v9, v16  }
0x111: {  	v10 =	vld [tilespmem:s3+$0x3920]  }
0x112: {  	v7 =	vadd.f32 v9, v7  }
0x113: {  	v9 =	vld [tilespmem:s29+$0x3920]  }
0x114: {  	v11 =	vld [tilespmem:s16+$0x3920];
	[tilespmem:s20+$0x30] =	vst v7  }
0x115: {  	v7 =	vld [tilespmem:s5+$0x40]  }
0x116: {  	v8 =	vmul.f32 v8, v3;
	v10 =	vmul.f32 v10, v4;
	v12 =	vld [tilespmem:s12+$0x3940];
	_ =	sdelay $0x1  }
0x117: {  	v13 =	vld [tilespmem:s17+$0x3940];
	v9 =	vmul.f32 v9, v6;
	v8 =	vadd.f32 v10, v8;
	_ =	sdelay $0x1  }
0x118: {  	v10 =	vmul.f32 v11, v5;
	v8 =	vadd.f32 v9, v8;
	v9 =	vld [tilespmem:s14+$0x3940]  }
0x119: {  	v7 =	vmul.f32 v7, v18;
	v11 =	vmul.f32 v12, v17  }
0x11a: {  	v8 =	vadd.f32 v10, v8  }
0x11b: {  	v10 =	vmul.f32 v13, v15;
	v7 =	vadd.f32 v11, v7  }
0x11c: {  	[tilespmem:s20+$0xFFFFFF20] =	vst v8  }
0x11d: {  	v8 =	vld [tilespmem:s23+$0x30];
	v9 =	vmul.f32 v9, v16;
	v7 =	vadd.f32 v10, v7  }
0x11e: {  	v10 =	vld [tilespmem:s3+$0x3930]  }
0x11f: {  	v7 =	vadd.f32 v9, v7  }
0x120: {  	v9 =	vld [tilespmem:s29+$0x3930]  }
0x121: {  	[tilespmem:s20+$0x40] =	vst v7  }
0x122: {  	v7 =	vld [tilespmem:s5+$0x50]  }
0x123: {  	v8 =	vmul.f32 v8, v3;
	v10 =	vmul.f32 v10, v4;
	v12 =	vld [tilespmem:s12+$0x3950];
	_ =	sdelay $0x1  }
0x124: {  	v9 =	vmul.f32 v9, v6;
	v8 =	vadd.f32 v10, v8;
	v10 =	vld [tilespmem:s17+$0x3950];
	_ =	sdelay $0x1  }
0x125: {  	v8 =	vadd.f32 v9, v8;
	v9 =	vld [tilespmem:s14+$0x3950]  }
0x126: {  	v7 =	vmul.f32 v7, v18;
	v12 =	vmul.f32 v12, v17  }
0x127: {  	s18 =	sadd.s32 $0x0, s13;
	v11 =	vld [tilespmem:s16+$0x3930]  }
0x128: {  	s2 =	sadd.s32 $0x3, s18;
	v7 =	vadd.f32 v12, v7;
	v10 =	vmul.f32 v10, v15  }
0x129: {  	v14 =	vmov s2  }
0x12a: {  	v7 =	vadd.f32 v10, v7;
	v9 =	vmul.f32 v9, v16;
	_ =	sdelay $0x1  }
0x12b: {  	v11 =	vmul.f32 v11, v5;
	v7 =	vadd.f32 v9, v7;
	_ =	sdelay $0x1  }
0x12c: {  	v23 =	vld.idx.msk [tilespmem:v14+s15+$0x0], $0xffff;
	v8 =	vadd.f32 v11, v8;
	[tilespmem:s20+$0x50] =	vst v7  }
0x12d: {  	s1 =	sadd.s32 $0x34, s18;
	v7 =	vld [tilespmem:s5+$0x60]  }
0x12e: {  	v13 =	vmov s1;
	[tilespmem:s20+$0xFFFFFF30] =	vst v8;
	v12 =	vld [tilespmem:s12+$0x3960]  }
0x12f: {  	v13 =	vand.u32 $0xFFFFFFFE, v13;
	v8 =	vld [tilespmem:s23+$0x40]  }
0x130: {  	v13 =	vbroadcast v13, $0x0;
	v19 =	vld [tilespmem:s17+$0x3960]  }
0x131: {  	s7 =	smov.u32 s3;
	s4 =	sadd.s32 $0x65, s18;
	v10 =	vld [tilespmem:s3+$0x3940];
	s3 =	sadd.s32 $0x96, s18  }
0x132: {  	s9 =	simm.s32 $0x200;
	s8 =	simm.s32 $0xE80;
	v22 =	vmov s4;
	s6 =	simm.s32 $0x1D00;
	v21 =	vmov s3;
	v20 =	vld [tilespmem:s14+$0x3960]  }
0x133: {  	s10 =	sand.u32 $0x1800, s9;
	s2 =	sand.u32 $0x380, s8;
	s0 =	sand.u32 $0x3800, s6;
	v11 =	vld [tilespmem:s29+$0x3940];
	v21 =	vand.u32 $0xFFFFFFFE, v21;
	v7 =	vmul.f32 v7, v18;
	v12 =	vmul.f32 v12, v17  }
0x134: {  	s11 =	simm.s32 $0x180;
	s8 =	sor.u32 s2, s0;
	v9 =	vld [tilespmem:s16+$0x3940];
	v21 =	vbroadcast v21, $0x0;
	[smem:$0x7EE] =	sst s10  }
0x135: {  	s19 =	sand.u32 $0x380, s11;
	s2 =	sadd.s32 $0x3900, s10;
	v14 =	vld [tilespmem:s8+$0x3900];
	v7 =	vadd.f32 v12, v7;
	v12 =	vmul.f32 v19, v15  }
0x136: {  	s22 =	simm.s32 $0x1B80;
	s21 =	simm.s32 $0x3700;
	s1 =	sadd.s32 s19, s2;
	v24 =	vld.idx.msk [tilespmem:v13+s15+$0x0], $0xffff  }
0x137: {  	s25 =	sand.u32 $0x380, s22;
	s24 =	sand.u32 $0x7800, s21;
	v13 =	vld [tilespmem:s1+$0x0];
	v7 =	vadd.f32 v12, v7;
	v12 =	vmul.f32 v20, v16  }
0x138: {  	s26 =	simm.s32 $0x5100;
	s9 =	sor.u32 s25, s24;
	s30 =	simm.s32 $0x2880;
	v25 =	vld.idx.msk [tilespmem:v22+s15+$0x0], $0xffff  }
0x139: {  	s4 =	sand.u32 $0x7800, s26;
	v8 =	vmul.f32 v8, v3;
	v10 =	vmul.f32 v10, v4;
	s10 =	sand.u32 $0x380, s30;
	v7 =	vadd.f32 v12, v7;
	v12 =	vld [tilespmem:s9+$0x3900]  }
0x13a: {  	s10 =	sor.u32 s10, s4;
	v26 =	vld.idx.msk [tilespmem:v21+s15+$0x0], $0xffff  }
0x13b: {  	v11 =	vmul.f32 v11, v6;
	v8 =	vadd.f32 v10, v8;
	[tilespmem:s20+$0x60] =	vst v7;
	v7 =	vld [tilespmem:s10+$0x3900]  }
0x13c: {  	v13 =	vmul.f32 v13, v23;
	v14 =	vmul.f32 v14, v24;
	v10 =	vld [tilespmem:s5+$0x70]  }
0x13d: {  	v9 =	vmul.f32 v9, v5;
	v8 =	vadd.f32 v11, v8;
	v11 =	vld [tilespmem:s12+$0x3970]  }
0x13e: {  	v13 =	vadd.f32 v14, v13;
	v12 =	vmul.f32 v12, v25  }
0x13f: {  	v8 =	vadd.f32 v9, v8;
	v9 =	vld [tilespmem:s17+$0x3970]  }
0x140: {  	v12 =	vadd.f32 v12, v13;
	v7 =	vmul.f32 v7, v26  }
0x141: {  	[tilespmem:s20+$0xFFFFFF40] =	vst v8;
	v8 =	vld [tilespmem:s14+$0x3970]  }
0x142: {  	v13 =	vld [tilespmem:s23+$0x50];
	v10 =	vmul.f32 v10, v18;
	v11 =	vmul.f32 v11, v17;
	v7 =	vadd.f32 v7, v12  }
0x143: {  	s24 =	simm.s32 $0x10C00;
	v12 =	vld [tilespmem:s7+$0x3950];
	[dreg:$0xb] =	wrdreg s13  }
0x144: {  	v9 =	vmul.f32 v9, v15;
	v14 =	vld [tilespmem:s29+$0x3950];
	v10 =	vadd.f32 v11, v10;
	[tilespmem:s24+$0x0] =	vst v7  }
0x145: {  	v7 =	vld [tilespmem:s1+$0x10]  }
0x146: {  	v8 =	vmul.f32 v8, v16;
	v9 =	vadd.f32 v9, v10;
	v10 =	vld [tilespmem:s8+$0x3910]  }
0x147: {  	v11 =	vld [tilespmem:s16+$0x3950]  }
0x148: {  	v8 =	vadd.f32 v8, v9;
	v9 =	vld [tilespmem:s9+$0x3910]  }
0x149: {  	v13 =	vmul.f32 v13, v3;
	v12 =	vmul.f32 v12, v4  }
0x14a: {  	v14 =	vmul.f32 v14, v6;
	[tilespmem:s20+$0x70] =	vst v8;
	v8 =	vld [tilespmem:s10+$0x3910]  }
0x14b: {  	v12 =	vadd.f32 v12, v13;
	v13 =	vld [tilespmem:s5+$0x400];
	v7 =	vmul.f32 v7, v23;
	v10 =	vmul.f32 v10, v24  }
0x14c: {  	v11 =	vmul.f32 v11, v5;
	v19 =	vld [tilespmem:s12+$0x3D00]  }
0x14d: {  	v12 =	vadd.f32 v14, v12;
	v7 =	vadd.f32 v10, v7;
	v9 =	vmul.f32 v9, v25  }
0x14e: {  	v10 =	vld [tilespmem:s17+$0x3D00]  }
0x14f: {  	v11 =	vadd.f32 v11, v12;
	v7 =	vadd.f32 v9, v7;
	v8 =	vmul.f32 v8, v26  }
0x150: {  	v9 =	vld [tilespmem:s14+$0x3D00]  }
0x151: {  	[tilespmem:s20+$0xFFFFFF50] =	vst v11;
	v13 =	vmul.f32 v13, v18;
	v14 =	vmul.f32 v19, v17;
	v7 =	vadd.f32 v8, v7  }
0x152: {  	s11 =	smov.u32 s16;
	s16 =	sadd.s32 $0x2, s13;
	v12 =	vld [tilespmem:s23+$0x60]  }
0x153: {  	s21 =	sadd.s32 $0x3, s16;
	v11 =	vld [tilespmem:s7+$0x3960];
	v8 =	vadd.f32 v14, v13;
	v10 =	vmul.f32 v10, v15;
	[tilespmem:s24+$0x10] =	vst v7  }
0x154: {  	s19 =	sadd.s32 $0x34, s16;
	v19 =	vmov s21;
	v7 =	vld [tilespmem:s1+$0x20]  }
0x155: {  	v14 =	vmov s19;
	v8 =	vadd.f32 v10, v8;
	v9 =	vmul.f32 v9, v16;
	v10 =	vld [tilespmem:s8+$0x3920]  }
0x156: {  	v13 =	vld [tilespmem:s29+$0x3960];
	v14 =	vand.u32 $0xFFFFFFFE, v14  }
0x157: {  	v20 =	vbroadcast v14, $0x0;
	v8 =	vadd.f32 v9, v8;
	v9 =	vld [tilespmem:s9+$0x3920]  }
0x158: {  	s22 =	sadd.s32 $0x65, s16;
	s26 =	sadd.s32 $0x96, s16;
	v14 =	vld [tilespmem:s11+$0x3960]  }
0x159: {  	s25 =	smov.u32 s7;
	s6 =	simm.s32 $0x1F00;
	v21 =	vmov s26;
	v27 =	vmov s22;
	s7 =	simm.s32 $0xF80;
	[tilespmem:s20+$0x80] =	vst v8;
	v8 =	vld [tilespmem:s10+$0x3920]  }
0x15a: {  	s4 =	sand.u32 $0x3800, s6;
	s13 =	simm.s32 $0x400;
	v21 =	vand.u32 $0xFFFFFFFE, v21;
	s6 =	sand.u32 $0x380, s7;
	v31 =	vld.idx.msk [tilespmem:v19+s15+$0x0], $0xffff;
	v7 =	vmul.f32 v7, v23;
	v10 =	vmul.f32 v10, v24  }
0x15b: {  	v21 =	vbroadcast v21, $0x0;
	s21 =	simm.s32 $0x280;
	s19 =	sand.u32 $0x1800, s13;
	s13 =	sor.u32 s6, s4;
	v22 =	vld [tilespmem:s5+$0x410]  }
0x15c: {  	s26 =	sand.u32 $0x380, s21;
	s0 =	sadd.s32 $0x3900, s19;
	v7 =	vadd.f32 v10, v7;
	v9 =	vmul.f32 v9, v25;
	v10 =	vld [tilespmem:s13+$0x3900];
	[smem:$0x7EF] =	sst s19  }
0x15d: {  	s30 =	simm.s32 $0x3900;
	s22 =	simm.s32 $0x1C80;
	s3 =	sadd.s32 s26, s0;
	v33 =	vld.idx.msk [tilespmem:v20+s15+$0x0], $0xffff  }
0x15e: {  	s30 =	sand.u32 $0x7800, s30;
	s7 =	sadd.s32 $0x2, s18;
	s4 =	sand.u32 $0x380, s22;
	v7 =	vadd.f32 v9, v7;
	v8 =	vmul.f32 v8, v26;
	v9 =	vld [tilespmem:s3+$0x0]  }
0x15f: {  	s22 =	simm.s32 $0x2980;
	s21 =	sor.u32 s4, s30;
	s19 =	simm.s32 $0x5300;
	v34 =	vld.idx.msk [tilespmem:v27+s15+$0x0], $0xffff  }
0x160: {  	s30 =	sand.u32 $0x380, s22;
	v19 =	vmov s7;
	s26 =	sand.u32 $0x7800, s19;
	v7 =	vadd.f32 v8, v7;
	v8 =	vld [tilespmem:s21+$0x3900]  }
0x161: {  	v19 =	vand.u32 $0xFFFFFFFE, v19;
	v32 =	vld.idx.msk [tilespmem:v21+s15+$0x0], $0xffff;
	s26 =	sor.u32 s30, s26  }
0x162: {  	v19 =	vbroadcast v19, $0x0;
	[tilespmem:s24+$0x20] =	vst v7;
	v7 =	vld [tilespmem:s26+$0x3900]  }
0x163: {  	v10 =	vmul.f32 v10, v33;
	v20 =	vld [tilespmem:s1+$0x30];
	v9 =	vmul.f32 v9, v31  }
0x164: {  	v21 =	vld [tilespmem:s8+$0x3930]  }
0x165: {  	s7 =	sadd.s32 $0x33, s18;
	v27 =	vld [tilespmem:s12+$0x3D10];
	v9 =	vadd.f32 v10, v9;
	v8 =	vmul.f32 v8, v34  }
0x166: {  	v28 =	vld [tilespmem:s9+$0x3930];
	v10 =	vmov s7  }
0x167: {  	v29 =	vld [tilespmem:s17+$0x3D10];
	v9 =	vadd.f32 v8, v9;
	v7 =	vmul.f32 v7, v32  }
0x168: {  	v30 =	vld [tilespmem:s10+$0x3930]  }
0x169: {  	v8 =	vld.idx.msk [tilespmem:v19+s15+$0x0], $0xffff;
	v19 =	vmul.f32 v20, v23;
	v20 =	vmul.f32 v21, v24;
	v9 =	vadd.f32 v7, v9  }
0x16a: {  	s28 =	simm.s32 $0x10E00;
	s22 =	simm.s32 $0x100;
	v12 =	vmul.f32 v12, v3;
	v11 =	vmul.f32 v11, v4;
	v21 =	vld [tilespmem:s14+$0x3D10]  }
0x16b: {  	s30 =	sand.u32 $0x300, s22;
	v7 =	vld.idx.msk [tilespmem:v10+s15+$0x0], $0xffff;
	v10 =	vadd.f32 v20, v19;
	v19 =	vmul.f32 v28, v25;
	[tilespmem:s28+$0x0] =	vst v9  }
0x16c: {  	v13 =	vmul.f32 v13, v6;
	v11 =	vadd.f32 v11, v12;
	v20 =	vld [tilespmem:s3+$0x10];
	[smem:$0x7F0] =	sst s30  }
0x16d: {  	s6 =	simm.s32 $0xE00;
	s4 =	simm.s32 $0x1C00;
	v14 =	vmul.f32 v14, v5;
	s7 =	sadd.s32 s30, s2;
	v10 =	vadd.f32 v19, v10;
	v19 =	vmul.f32 v30, v26;
	v28 =	vld [tilespmem:s13+$0x3910]  }
0x16e: {  	s19 =	sadd.s32 $0x64, s18;
	v22 =	vmul.f32 v22, v18;
	v27 =	vmul.f32 v27, v17;
	s2 =	sand.u32 $0x3800, s4;
	s4 =	sand.u32 $0x300, s6;
	v30 =	vld [tilespmem:s7+$0x0]  }
0x16f: {  	v11 =	vadd.f32 v13, v11;
	s6 =	sor.u32 s4, s2;
	v9 =	vmov s19;
	v10 =	vadd.f32 v19, v10;
	v19 =	vld [tilespmem:s21+$0x3910]  }
0x170: {  	v22 =	vadd.f32 v27, v22;
	v27 =	vmul.f32 v29, v15;
	v9 =	vand.u32 $0xFFFFFFFE, v9;
	v35 =	vld [tilespmem:s6+$0x3900];
	[smem:$0x7F1] =	sst s18  }
0x171: {  	v11 =	vadd.f32 v14, v11;
	v9 =	vbroadcast v9, $0x0;
	v21 =	vmul.f32 v21, v16;
	v29 =	vld [tilespmem:s26+$0x3910];
	[tilespmem:s24+$0x30] =	vst v10  }
0x172: {  	v22 =	vadd.f32 v27, v22;
	s18 =	sadd.s32 $0x95, s18;
	v37 =	vld [tilespmem:s1+$0x40];
	v10 =	vmul.f32 v20, v31;
	v20 =	vmul.f32 v28, v33  }
0x173: {  	s11 =	smov.u32 s11;
	v36 =	vmov s18;
	[tilespmem:s20+$0xFFFFFF60] =	vst v11;
	v27 =	vld [tilespmem:s8+$0x3940]  }
0x174: {  	v21 =	vadd.f32 v21, v22;
	v41 =	vld [tilespmem:s11+$0x3970];
	v19 =	vmul.f32 v19, v34;
	v20 =	vadd.f32 v20, v10  }
0x175: {  	v28 =	vld [tilespmem:s9+$0x3940]  }
0x176: {  	v22 =	vld [tilespmem:s10+$0x3940];
	[tilespmem:s20+$0x90] =	vst v21;
	v19 =	vadd.f32 v19, v20;
	v20 =	vmul.f32 v29, v32  }
0x177: {  	v62 =	vld [tilespmem:s12+$0x3D20]  }
0x178: {  	v9 =	vld.idx.msk [tilespmem:v9+s15+$0x0], $0xffff;
	v21 =	vmul.f32 v37, v23;
	v27 =	vmul.f32 v27, v24;
	v19 =	vadd.f32 v20, v19  }
0x179: {  	v10 =	vld.idx.msk [tilespmem:v36+s15+$0x0], $0xffff  }
0x17a: {  	v28 =	vmul.f32 v28, v25;
	v20 =	vld [tilespmem:s5+$0x420];
	v21 =	vadd.f32 v27, v21;
	[tilespmem:s28+$0x10] =	vst v19  }
0x17b: {  	v19 =	vld [tilespmem:s3+$0x20]  }
0x17c: {  	v22 =	vmul.f32 v22, v26;
	v21 =	vadd.f32 v28, v21;
	v27 =	vld [tilespmem:s13+$0x3920]  }
0x17d: {  	v28 =	vld [tilespmem:s17+$0x3D20]  }
0x17e: {  	v12 =	vadd.f32 v22, v21;
	v21 =	vld [tilespmem:s21+$0x3920]  }
0x17f: {  	v22 =	vld [tilespmem:s14+$0x3D20]  }
0x180: {  	s22 =	simm.s32 $0x1B00;
	s19 =	simm.s32 $0x3600;
	[tilespmem:s24+$0x40] =	vst v12;
	v12 =	vld [tilespmem:s26+$0x3920]  }
0x181: {  	s4 =	sand.u32 $0x300, s22;
	s2 =	sand.u32 $0x7800, s19;
	v13 =	vld [tilespmem:s1+$0x50];
	v19 =	vmul.f32 v19, v31;
	v27 =	vmul.f32 v27, v33  }
0x182: {  	s30 =	simm.s32 $0x2800;
	s22 =	sor.u32 s4, s2;
	v14 =	vmul.f32 v20, v18;
	v20 =	vmul.f32 v62, v17;
	s24 =	simm.s32 $0x5000;
	v63 =	vld [tilespmem:s8+$0x3950]  }
0x183: {  	s4 =	sand.u32 $0x300, s30;
	v29 =	vld [tilespmem:s22+$0x3900];
	s2 =	sand.u32 $0x7800, s24;
	v21 =	vmul.f32 v21, v34;
	v19 =	vadd.f32 v27, v19  }
0x184: {  	v11 =	vadd.f32 v20, v14;
	v14 =	vmul.f32 v28, v15;
	v20 =	vld [tilespmem:s9+$0x3950];
	s30 =	sor.u32 s4, s2  }
0x185: {  	v40 =	vld [tilespmem:s30+$0x3900];
	v12 =	vmul.f32 v12, v32;
	v19 =	vadd.f32 v21, v19  }
0x186: {  	v11 =	vadd.f32 v14, v11;
	v14 =	vmul.f32 v22, v16;
	v21 =	vld [tilespmem:s10+$0x3950]  }
0x187: {  	v22 =	vld [tilespmem:s25+$0x3970];
	v13 =	vmul.f32 v13, v23;
	v28 =	vmul.f32 v63, v24;
	v12 =	vadd.f32 v12, v19  }
0x188: {  	v27 =	vld [tilespmem:s23+$0x70]  }
0x189: {  	v11 =	vadd.f32 v14, v11;
	v14 =	vmul.f32 v20, v25;
	v19 =	vld [tilespmem:s29+$0x3970];
	v13 =	vadd.f32 v28, v13;
	[tilespmem:s28+$0x20] =	vst v12  }
0x18a: {  	v28 =	vmul.f32 v35, v7;
	v20 =	vld [tilespmem:s3+$0x30]  }
0x18b: {  	[tilespmem:s20+$0xA0] =	vst v11;
	v12 =	vmul.f32 v30, v8;
	v11 =	vadd.f32 v14, v13;
	v13 =	vmul.f32 v21, v26;
	v14 =	vld [tilespmem:s13+$0x3930]  }
0x18c: {  	v42 =	vld [tilespmem:s17+$0x3D30]  }
0x18d: {  	v12 =	vadd.f32 v28, v12;
	v28 =	vmul.f32 v29, v9;
	v11 =	vadd.f32 v13, v11;
	v13 =	vld [tilespmem:s21+$0x3930]  }
0x18e: {  	s18 =	simm.s32 $0x10C00;
	v21 =	vld [tilespmem:s5+$0x430]  }
0x18f: {  	v12 =	vadd.f32 v28, v12;
	v28 =	vmul.f32 v40, v10;
	[tilespmem:s18+$0x50] =	vst v11;
	v11 =	vld [tilespmem:s26+$0x3930]  }
0x190: {  	v30 =	vld [tilespmem:s1+$0x60];
	v20 =	vmul.f32 v20, v31;
	v14 =	vmul.f32 v14, v33  }
0x191: {  	v12 =	vadd.f32 v28, v12;
	v28 =	vld [tilespmem:s8+$0x3960]  }
0x192: {  	v29 =	vld [tilespmem:s12+$0x3D30];
	v14 =	vadd.f32 v14, v20;
	v13 =	vmul.f32 v13, v34  }
0x193: {  	v22 =	vmul.f32 v22, v4;
	v20 =	vmul.f32 v27, v3;
	[tilespmem:s18+$0xFFFFFF00] =	vst v12;
	v12 =	vld [tilespmem:s9+$0x3960]  }
0x194: {  	v27 =	vld [tilespmem:s7+$0x10];
	v13 =	vadd.f32 v13, v14;
	v11 =	vmul.f32 v11, v32  }
0x195: {  	v14 =	vmul.f32 v19, v6;
	v19 =	vadd.f32 v22, v20;
	v20 =	vld [tilespmem:s10+$0x3960]  }
0x196: {  	v43 =	vld [tilespmem:s6+$0x3910];
	v30 =	vmul.f32 v30, v23;
	v28 =	vmul.f32 v28, v24;
	v11 =	vadd.f32 v11, v13  }
0x197: {  	v22 =	vld [tilespmem:s14+$0x3D30];
	v13 =	vmul.f32 v41, v5  }
0x198: {  	v14 =	vadd.f32 v14, v19;
	v19 =	vld [tilespmem:s22+$0x3910];
	v28 =	vadd.f32 v28, v30;
	v12 =	vmul.f32 v12, v25;
	[tilespmem:s28+$0x30] =	vst v11  }
0x199: {  	v11 =	vld [tilespmem:s3+$0x40]  }
0x19a: {  	v13 =	vadd.f32 v13, v14;
	v12 =	vadd.f32 v12, v28;
	v14 =	vmul.f32 v20, v26;
	v20 =	vld [tilespmem:s13+$0x3940]  }
0x19b: {  	v28 =	vld [tilespmem:s30+$0x3910]  }
0x19c: {  	[tilespmem:s20+$0xFFFFFF70] =	vst v13;
	v13 =	vmul.f32 v21, v18;
	v21 =	vmul.f32 v29, v17;
	v12 =	vadd.f32 v14, v12;
	v14 =	vld [tilespmem:s21+$0x3940]  }
0x19d: {  	s19 =	simm.s32 $0x10C00;
	v29 =	vld [tilespmem:s23+$0x400]  }
0x19e: {  	v13 =	vadd.f32 v21, v13;
	v21 =	vmul.f32 v42, v15;
	[tilespmem:s19+$0x60] =	vst v12;
	v12 =	vld [tilespmem:s26+$0x3940]  }
0x19f: {  	v30 =	vld [tilespmem:s1+$0x70];
	v11 =	vmul.f32 v11, v31;
	v20 =	vmul.f32 v20, v33  }
0x1a0: {  	v13 =	vadd.f32 v21, v13;
	v21 =	vmul.f32 v22, v16;
	v22 =	vld [tilespmem:s8+$0x3970]  }
0x1a1: {  	v44 =	vld [tilespmem:s25+$0x3D00];
	v14 =	vmul.f32 v14, v34;
	v11 =	vadd.f32 v20, v11  }
0x1a2: {  	v13 =	vadd.f32 v21, v13;
	v20 =	vld [tilespmem:s9+$0x3970]  }
0x1a3: {  	v21 =	vld [tilespmem:s29+$0x3D00];
	v12 =	vmul.f32 v12, v32;
	v11 =	vadd.f32 v14, v11  }
0x1a4: {  	[tilespmem:s20+$0xB0] =	vst v13;
	v13 =	vld [tilespmem:s10+$0x3970]  }
0x1a5: {  	v14 =	vld [tilespmem:s5+$0x440];
	v30 =	vmul.f32 v30, v23;
	v22 =	vmul.f32 v22, v24;
	v11 =	vadd.f32 v12, v11  }
0x1a6: {  	v36 =	vmul.f32 v43, v7;
	v45 =	vld [tilespmem:s17+$0x3D40]  }
0x1a7: {  	v12 =	vmul.f32 v27, v8;
	v27 =	vld [tilespmem:s12+$0x3D40];
	v22 =	vadd.f32 v22, v30;
	v20 =	vmul.f32 v20, v25;
	[tilespmem:s28+$0x40] =	vst v11  }
0x1a8: {  	v11 =	vmul.f32 v19, v9;
	v19 =	vld [tilespmem:s3+$0x50]  }
0x1a9: {  	v12 =	vadd.f32 v36, v12;
	v20 =	vadd.f32 v20, v22;
	v13 =	vmul.f32 v13, v26;
	v22 =	vld [tilespmem:s13+$0x3950]  }
0x1aa: {  	v30 =	vld [tilespmem:s11+$0x3D00]  }
0x1ab: {  	v28 =	vmul.f32 v28, v10;
	v11 =	vadd.f32 v11, v12;
	v12 =	vadd.f32 v13, v20;
	v13 =	vld [tilespmem:s21+$0x3950]  }
0x1ac: {  	v20 =	vld [tilespmem:s14+$0x3D40]  }
0x1ad: {  	v14 =	vmul.f32 v14, v18;
	v27 =	vmul.f32 v27, v17;
	v11 =	vadd.f32 v28, v11;
	[tilespmem:s19+$0x70] =	vst v12;
	v12 =	vld [tilespmem:s26+$0x3950]  }
0x1ae: {  	v28 =	vld [tilespmem:s1+$0x400];
	v19 =	vmul.f32 v19, v31;
	v22 =	vmul.f32 v22, v33  }
0x1af: {  	[tilespmem:s19+$0xFFFFFF10] =	vst v11;
	v11 =	vadd.f32 v27, v14;
	v14 =	vmul.f32 v45, v15;
	v27 =	vld [tilespmem:s8+$0x3D00]  }
0x1b0: {  	v46 =	vld [tilespmem:s7+$0x20];
	v19 =	vadd.f32 v22, v19;
	v13 =	vmul.f32 v13, v34  }
0x1b1: {  	v11 =	vadd.f32 v14, v11;
	v14 =	vmul.f32 v20, v16;
	v20 =	vld [tilespmem:s9+$0x3D00]  }
0x1b2: {  	v47 =	vld [tilespmem:s30+$0x3920];
	v13 =	vadd.f32 v13, v19;
	v12 =	vmul.f32 v12, v32  }
0x1b3: {  	v11 =	vadd.f32 v14, v11;
	v14 =	vld [tilespmem:s10+$0x3D00]  }
0x1b4: {  	v22 =	vld [tilespmem:s6+$0x3920];
	v28 =	vmul.f32 v28, v23;
	v27 =	vmul.f32 v27, v24;
	v12 =	vadd.f32 v12, v13  }
0x1b5: {  	v19 =	vld [tilespmem:s22+$0x3920];
	v13 =	vmul.f32 v29, v3;
	[tilespmem:s20+$0xC0] =	vst v11  }
0x1b6: {  	v29 =	vmul.f32 v44, v4;
	v11 =	vld [tilespmem:s5+$0x450];
	v27 =	vadd.f32 v27, v28;
	v20 =	vmul.f32 v20, v25;
	[tilespmem:s28+$0x50] =	vst v12  }
0x1b7: {  	v12 =	vmul.f32 v21, v6;
	v21 =	vld [tilespmem:s3+$0x60]  }
0x1b8: {  	v13 =	vadd.f32 v29, v13;
	v20 =	vadd.f32 v20, v27;
	v14 =	vmul.f32 v14, v26;
	v27 =	vld [tilespmem:s13+$0x3960]  }
0x1b9: {  	v28 =	vld [tilespmem:s12+$0x3D50];
	v22 =	vmul.f32 v22, v7;
	v29 =	vmul.f32 v46, v8  }
0x1ba: {  	v12 =	vadd.f32 v12, v13;
	v13 =	vmul.f32 v30, v5;
	v14 =	vadd.f32 v14, v20;
	v20 =	vld [tilespmem:s21+$0x3960]  }
0x1bb: {  	s18 =	simm.s32 $0x10C00;
	v30 =	vld [tilespmem:s17+$0x3D50]  }
0x1bc: {  	v12 =	vadd.f32 v13, v12;
	v13 =	vmul.f32 v19, v9;
	v19 =	vadd.f32 v22, v29;
	[tilespmem:s18+$0x80] =	vst v14;
	v14 =	vld [tilespmem:s26+$0x3960]  }
0x1bd: {  	v22 =	vld [tilespmem:s1+$0x410];
	v21 =	vmul.f32 v21, v31;
	v27 =	vmul.f32 v27, v33  }
0x1be: {  	[tilespmem:s20+$0xFFFFFF80] =	vst v12;
	v12 =	vmul.f32 v47, v10;
	v13 =	vadd.f32 v13, v19;
	v19 =	vld [tilespmem:s8+$0x3D10]  }
0x1bf: {  	v29 =	vld [tilespmem:s23+$0x410];
	v21 =	vadd.f32 v27, v21;
	v20 =	vmul.f32 v20, v34  }
0x1c0: {  	v12 =	vadd.f32 v12, v13;
	v13 =	vld [tilespmem:s9+$0x3D10]  }
0x1c1: {  	v49 =	vld [tilespmem:s25+$0x3D10];
	v20 =	vadd.f32 v20, v21;
	v14 =	vmul.f32 v14, v32  }
0x1c2: {  	[tilespmem:s18+$0xFFFFFF20] =	vst v12;
	v12 =	vld [tilespmem:s10+$0x3D10]  }
0x1c3: {  	v21 =	vld [tilespmem:s7+$0x30];
	v22 =	vmul.f32 v22, v23;
	v19 =	vmul.f32 v19, v24;
	v14 =	vadd.f32 v14, v20  }
0x1c4: {  	v20 =	vld [tilespmem:s6+$0x3930]  }
0x1c5: {  	v48 =	vld [tilespmem:s22+$0x3930];
	v19 =	vadd.f32 v19, v22;
	v13 =	vmul.f32 v13, v25;
	[tilespmem:s28+$0x60] =	vst v14  }
0x1c6: {  	v14 =	vld [tilespmem:s3+$0x70]  }
0x1c7: {  	v13 =	vadd.f32 v13, v19;
	v12 =	vmul.f32 v12, v26;
	v19 =	vld [tilespmem:s13+$0x3970]  }
0x1c8: {  	v22 =	vld [tilespmem:s30+$0x3930]  }
0x1c9: {  	v21 =	vmul.f32 v21, v8;
	v20 =	vmul.f32 v20, v7;
	v12 =	vadd.f32 v12, v13;
	v13 =	vld [tilespmem:s21+$0x3970]  }
0x1ca: {  	v51 =	vld [tilespmem:s29+$0x3D10]  }
0x1cb: {  	v35 =	vmul.f32 v48, v9;
	v20 =	vadd.f32 v20, v21;
	[tilespmem:s18+$0x90] =	vst v12;
	v12 =	vld [tilespmem:s26+$0x3970]  }
0x1cc: {  	v21 =	vld [tilespmem:s1+$0x420];
	v14 =	vmul.f32 v14, v31;
	v19 =	vmul.f32 v19, v33  }
0x1cd: {  	v22 =	vmul.f32 v22, v10;
	v50 =	vld [tilespmem:s8+$0x3D20];
	v20 =	vadd.f32 v35, v20  }
0x1ce: {  	v27 =	vld [tilespmem:s14+$0x3D50];
	v14 =	vadd.f32 v19, v14;
	v13 =	vmul.f32 v13, v34  }
0x1cf: {  	v11 =	vmul.f32 v11, v18;
	v19 =	vmul.f32 v28, v17;
	v20 =	vadd.f32 v22, v20;
	v22 =	vld [tilespmem:s9+$0x3D20]  }
0x1d0: {  	v28 =	vld [tilespmem:s11+$0x3D10];
	v13 =	vadd.f32 v13, v14;
	v12 =	vmul.f32 v12, v32  }
0x1d1: {  	v11 =	vadd.f32 v19, v11;
	v14 =	vmul.f32 v30, v15;
	v19 =	vld [tilespmem:s10+$0x3D20];
	[tilespmem:s18+$0xFFFFFF30] =	vst v20  }
0x1d2: {  	v21 =	vmul.f32 v21, v23;
	v30 =	vmul.f32 v50, v24;
	v20 =	vld [tilespmem:s7+$0x40];
	v12 =	vadd.f32 v12, v13  }
0x1d3: {  	v11 =	vadd.f32 v14, v11;
	v13 =	vld [tilespmem:s6+$0x3940]  }
0x1d4: {  	v14 =	vmul.f32 v27, v16;
	v27 =	vld [tilespmem:s22+$0x3940];
	v21 =	vadd.f32 v30, v21;
	v22 =	vmul.f32 v22, v25;
	[tilespmem:s28+$0x70] =	vst v12  }
0x1d5: {  	v12 =	vld [tilespmem:s3+$0x400]  }
0x1d6: {  	v11 =	vadd.f32 v14, v11;
	v19 =	vmul.f32 v19, v26;
	v14 =	vadd.f32 v22, v21;
	v21 =	vld [tilespmem:s13+$0x3D00]  }
0x1d7: {  	v22 =	vld [tilespmem:s30+$0x3940]  }
0x1d8: {  	[tilespmem:s20+$0xD0] =	vst v11;
	v11 =	vadd.f32 v19, v14;
	v14 =	vld [tilespmem:s21+$0x3D00]  }
0x1d9: {  	v20 =	vmul.f32 v20, v8;
	v13 =	vmul.f32 v13, v7;
	v19 =	vld [tilespmem:s5+$0x460]  }
0x1da: {  	v27 =	vmul.f32 v27, v9;
	[tilespmem:s18+$0xA0] =	vst v11;
	v11 =	vld [tilespmem:s26+$0x3D00]  }
0x1db: {  	v13 =	vadd.f32 v13, v20;
	v12 =	vmul.f32 v12, v31;
	v30 =	vld [tilespmem:s1+$0x430];
	v20 =	vmul.f32 v21, v33  }
0x1dc: {  	v21 =	vmul.f32 v22, v10;
	v52 =	vld [tilespmem:s8+$0x3D30]  }
0x1dd: {  	v22 =	vld [tilespmem:s12+$0x3D60];
	v13 =	vadd.f32 v27, v13;
	v12 =	vadd.f32 v20, v12;
	v14 =	vmul.f32 v14, v34  }
0x1de: {  	v27 =	vld [tilespmem:s9+$0x3D30]  }
0x1df: {  	v20 =	vld [tilespmem:s17+$0x3D60];
	v13 =	vadd.f32 v21, v13;
	v12 =	vadd.f32 v14, v12;
	v11 =	vmul.f32 v11, v32  }
0x1e0: {  	v14 =	vld [tilespmem:s10+$0x3D30]  }
0x1e1: {  	v21 =	vld [tilespmem:s14+$0x3D60];
	[tilespmem:s18+$0xFFFFFF40] =	vst v13;
	v13 =	vmul.f32 v30, v23;
	v30 =	vmul.f32 v52, v24;
	v11 =	vadd.f32 v11, v12  }
0x1e2: {  	v53 =	vmul.f32 v49, v4;
	v54 =	vld [tilespmem:s6+$0x3950]  }
0x1e3: {  	v27 =	vmul.f32 v27, v25;
	v12 =	vmul.f32 v29, v3;
	v29 =	vld [tilespmem:s7+$0x50];
	v13 =	vadd.f32 v30, v13;
	[tilespmem:s28+$0x80] =	vst v11  }
0x1e4: {  	v11 =	vmul.f32 v51, v6;
	v30 =	vld [tilespmem:s3+$0x410]  }
0x1e5: {  	v12 =	vadd.f32 v53, v12;
	v13 =	vadd.f32 v27, v13;
	v14 =	vmul.f32 v14, v26;
	v27 =	vld [tilespmem:s13+$0x3D10]  }
0x1e6: {  	v55 =	vld [tilespmem:s22+$0x3950]  }
0x1e7: {  	v28 =	vmul.f32 v28, v5;
	v11 =	vadd.f32 v11, v12;
	v12 =	vadd.f32 v14, v13;
	v13 =	vld [tilespmem:s21+$0x3D10]  }
0x1e8: {  	v14 =	vld [tilespmem:s30+$0x3950]  }
0x1e9: {  	v11 =	vadd.f32 v28, v11;
	v28 =	vmul.f32 v29, v8;
	v29 =	vmul.f32 v54, v7;
	[tilespmem:s18+$0xB0] =	vst v12;
	v12 =	vld [tilespmem:s26+$0x3D10]  }
0x1ea: {  	v56 =	vld [tilespmem:s1+$0x440];
	v30 =	vmul.f32 v30, v31;
	v27 =	vmul.f32 v27, v33  }
0x1eb: {  	[tilespmem:s20+$0xFFFFFF90] =	vst v11;
	v11 =	vmul.f32 v55, v9;
	v28 =	vadd.f32 v29, v28;
	v29 =	vld [tilespmem:s8+$0x3D40]  }
0x1ec: {  	s24 =	sadd.s32 $0x2, s16;
	v57 =	vld [tilespmem:s23+$0x420];
	v27 =	vadd.f32 v27, v30;
	v13 =	vmul.f32 v13, v34  }
0x1ed: {  	v30 =	vmov s24;
	v14 =	vmul.f32 v14, v10;
	v11 =	vadd.f32 v11, v28;
	v28 =	vld [tilespmem:s9+$0x3D40]  }
0x1ee: {  	v58 =	vld [tilespmem:s25+$0x3D20];
	v30 =	vand.u32 $0xFFFFFFFE, v30;
	v13 =	vadd.f32 v13, v27;
	v12 =	vmul.f32 v12, v32  }
0x1ef: {  	v11 =	vadd.f32 v14, v11;
	v14 =	vbroadcast v30, $0x0;
	v27 =	vld [tilespmem:s10+$0x3D40]  }
0x1f0: {  	v38 =	vld [tilespmem:s11+$0x3D20];
	v36 =	vmul.f32 v56, v23;
	v29 =	vmul.f32 v29, v24;
	v12 =	vadd.f32 v12, v13  }
0x1f1: {  	s4 =	sadd.s32 $0x33, s16;
	v30 =	vld [tilespmem:s29+$0x3D20];
	[tilespmem:s18+$0xFFFFFF50] =	vst v11  }
0x1f2: {  	v11 =	vmov s4;
	v39 =	vld [tilespmem:s7+$0x60];
	v13 =	vadd.f32 v29, v36;
	v28 =	vmul.f32 v28, v25;
	[tilespmem:s28+$0x90] =	vst v12  }
0x1f3: {  	v29 =	vld [tilespmem:s3+$0x420]  }
0x1f4: {  	v13 =	vadd.f32 v28, v13;
	v27 =	vmul.f32 v27, v26;
	v28 =	vld [tilespmem:s13+$0x3D20]  }
0x1f5: {  	s19 =	sadd.s32 $0x64, s16;
	v12 =	vld.idx.msk [tilespmem:v14+s15+$0x0], $0xffff  }
0x1f6: {  	v14 =	vmov s19;
	v13 =	vadd.f32 v27, v13;
	v27 =	vld [tilespmem:s21+$0x3D20]  }
0x1f7: {  	s24 =	simm.s32 $0x200;
	v14 =	vand.u32 $0xFFFFFFFE, v14;
	v11 =	vld.idx.msk [tilespmem:v11+s15+$0x0], $0xffff  }
0x1f8: {  	s2 =	sand.u32 $0x300, s24;
	v14 =	vbroadcast v14, $0x0;
	[tilespmem:s18+$0xC0] =	vst v13;
	v13 =	vld [tilespmem:s26+$0x3D20]  }
0x1f9: {  	v59 =	vld [tilespmem:s1+$0x450];
	v29 =	vmul.f32 v29, v31;
	v28 =	vmul.f32 v28, v33;
	[smem:$0x7F2] =	sst s2  }
0x1fa: {  	s24 =	sadd.s32 $0x95, s16;
	s19 =	sadd.s32 s2, s0;
	v40 =	vld [tilespmem:s8+$0x3D50]  }
0x1fb: {  	s4 =	simm.s32 $0xF00;
	s2 =	simm.s32 $0x1E00;
	v41 =	vld [tilespmem:s19+$0x0];
	[smem:$0x7F3] =	sst s16;
	v28 =	vadd.f32 v28, v29;
	v27 =	vmul.f32 v27, v34  }
0x1fc: {  	s0 =	sand.u32 $0x3800, s2;
	s2 =	sand.u32 $0x300, s4;
	v29 =	vmov s24;
	v42 =	vld [tilespmem:s9+$0x3D50]  }
0x1fd: {  	s4 =	simm.s32 $0x3800;
	s16 =	sor.u32 s2, s0;
	s24 =	simm.s32 $0x1C00;
	v44 =	vld [tilespmem:s10+$0x3D50];
	v27 =	vadd.f32 v27, v28;
	v28 =	vmul.f32 v13, v32  }
0x1fe: {  	s0 =	sand.u32 $0x7800, s4;
	v43 =	vld [tilespmem:s16+$0x3900];
	s2 =	sand.u32 $0x300, s24  }
0x1ff: {  	s31 =	sor.u32 s2, s0;
	v13 =	vld.idx.msk [tilespmem:v14+s15+$0x0], $0xffff;
	v36 =	vmul.f32 v59, v23;
	v40 =	vmul.f32 v40, v24;
	v27 =	vadd.f32 v28, v27  }
0x200: {  	v28 =	vld [tilespmem:s31+$0x3900]  }
0x201: {  	s4 =	simm.s32 $0x5200;
	s24 =	simm.s32 $0x2900;
	v14 =	vld.idx.msk [tilespmem:v29+s15+$0x0], $0xffff;
	v60 =	vmul.f32 v42, v25;
	v29 =	vadd.f32 v40, v36;
	[tilespmem:s28+$0xA0] =	vst v27  }
0x202: {  	v19 =	vmul.f32 v19, v18;
	v22 =	vmul.f32 v22, v17;
	s0 =	sand.u32 $0x7800, s4;
	s2 =	sand.u32 $0x300, s24;
	v27 =	vld [tilespmem:s3+$0x430]  }
0x203: {  	s24 =	sor.u32 s2, s0;
	v61 =	vmul.f32 v44, v26;
	v62 =	vld [tilespmem:s13+$0x3D30];
	v29 =	vadd.f32 v60, v29  }
0x204: {  	v19 =	vadd.f32 v22, v19;
	v20 =	vmul.f32 v20, v15;
	v63 =	vld [tilespmem:s24+$0x3900]  }
0x205: {  	v41 =	vmul.f32 v41, v12;
	v43 =	vmul.f32 v43, v11;
	v48 =	vld [tilespmem:s21+$0x3D30];
	v29 =	vadd.f32 v61, v29  }
0x206: {  	v19 =	vadd.f32 v20, v19;
	v49 =	vld [tilespmem:s6+$0x3960]  }
0x207: {  	v20 =	vmul.f32 v57, v3;
	v41 =	vadd.f32 v43, v41;
	v28 =	vmul.f32 v28, v13;
	[tilespmem:s18+$0xD0] =	vst v29;
	v29 =	vld [tilespmem:s26+$0x3D30]  }
0x208: {  	v45 =	vld [tilespmem:s22+$0x3960];
	v27 =	vmul.f32 v27, v31;
	v40 =	vmul.f32 v62, v33  }
0x209: {  	v54 =	vmul.f32 v58, v4;
	v51 =	vmul.f32 v63, v14;
	v28 =	vadd.f32 v28, v41;
	v50 =	vld [tilespmem:s1+$0x460]  }
0x20a: {  	v21 =	vmul.f32 v21, v16;
	v36 =	vmul.f32 v48, v34;
	v52 =	vld [tilespmem:s8+$0x3D60];
	v27 =	vadd.f32 v40, v27  }
0x20b: {  	v20 =	vadd.f32 v54, v20;
	v30 =	vmul.f32 v30, v6;
	v22 =	vadd.f32 v51, v28;
	v28 =	vld [tilespmem:s9+$0x3D60]  }
0x20c: {  	v53 =	vld [tilespmem:s30+$0x3960];
	v27 =	vadd.f32 v36, v27;
	v29 =	vmul.f32 v29, v32  }
0x20d: {  	v19 =	vadd.f32 v21, v19;
	v20 =	vadd.f32 v30, v20;
	v21 =	vmul.f32 v39, v8;
	[tilespmem:s28+$0xFFFFFF00] =	vst v22;
	v22 =	vld [tilespmem:s10+$0x3D60]  }
0x20e: {  	v60 =	vmul.f32 v38, v5;
	v55 =	vld [tilespmem:s19+$0x10];
	v56 =	vmul.f32 v50, v23;
	v27 =	vadd.f32 v29, v27  }
0x20f: {  	v58 =	vld [tilespmem:s16+$0x3910];
	v57 =	vmul.f32 v52, v24;
	v29 =	vmul.f32 v49, v7  }
0x210: {  	v20 =	vadd.f32 v60, v20;
	v59 =	vld [tilespmem:s31+$0x3910];
	v28 =	vmul.f32 v28, v25;
	[tilespmem:s28+$0xB0] =	vst v27  }
0x211: {  	v37 =	vadd.f32 v57, v56;
	v27 =	vmul.f32 v45, v9;
	v21 =	vadd.f32 v29, v21;
	v29 =	vld [tilespmem:s3+$0x440]  }
0x212: {  	v30 =	vmul.f32 v53, v10;
	v61 =	vld [tilespmem:s13+$0x3D40]  }
0x213: {  	[tilespmem:s20+$0xFFFFFFA0] =	vst v20;
	v22 =	vmul.f32 v22, v26;
	v28 =	vadd.f32 v28, v37;
	v21 =	vadd.f32 v27, v21;
	v27 =	vld [tilespmem:s24+$0x3910]  }
0x214: {  	[tilespmem:s20+$0xE0] =	vst v19;
	v63 =	vld [tilespmem:s23+$0x430];
	v19 =	vmul.f32 v55, v12;
	v62 =	vmul.f32 v58, v11  }
0x215: {  	v22 =	vadd.f32 v22, v28;
	v28 =	vld [tilespmem:s21+$0x3D40]  }
0x216: {  	v46 =	vld [tilespmem:s11+$0x3D30];
	v19 =	vadd.f32 v62, v19;
	v21 =	vadd.f32 v30, v21;
	v30 =	vmul.f32 v59, v13  }
0x217: {  	[tilespmem:s18+$0xE0] =	vst v22;
	v22 =	vld [tilespmem:s26+$0x3D40];
	v20 =	vmul.f32 v29, v31  }
0x218: {  	v36 =	vld [tilespmem:s5+$0x470];
	v29 =	vmul.f32 v61, v33;
	[tilespmem:s18+$0xFFFFFF60] =	vst v21;
	v19 =	vadd.f32 v30, v19;
	v21 =	vmul.f32 v27, v14  }
0x219: {  	v27 =	vld [tilespmem:s7+$0x70]  }
0x21a: {  	v20 =	vadd.f32 v29, v20;
	v28 =	vmul.f32 v28, v34;
	v29 =	vld [tilespmem:s6+$0x3970];
	v19 =	vadd.f32 v21, v19  }
0x21b: {  	v21 =	vld [tilespmem:s22+$0x3970]  }
0x21c: {  	v20 =	vadd.f32 v28, v20;
	v22 =	vmul.f32 v22, v32;
	v28 =	vld [tilespmem:s30+$0x3970];
	[tilespmem:s28+$0xFFFFFF10] =	vst v19  }
0x21d: {  	v19 =	vld [tilespmem:s19+$0x20]  }
0x21e: {  	v20 =	vadd.f32 v22, v20;
	v22 =	vld [tilespmem:s16+$0x3920]  }
0x21f: {  	v27 =	vmul.f32 v27, v8;
	v30 =	vld [tilespmem:s31+$0x3920];
	v29 =	vmul.f32 v29, v7  }
0x220: {  	v44 =	vld [tilespmem:s24+$0x3920];
	[tilespmem:s28+$0xC0] =	vst v20  }
0x221: {  	v21 =	vmul.f32 v21, v9;
	v20 =	vld [tilespmem:s3+$0x450];
	v27 =	vadd.f32 v29, v27  }
0x222: {  	v29 =	vld [tilespmem:s13+$0x3D50];
	v28 =	vmul.f32 v28, v10  }
0x223: {  	v45 =	vld [tilespmem:s25+$0x3D30];
	v21 =	vadd.f32 v21, v27;
	v19 =	vmul.f32 v19, v12;
	v22 =	vmul.f32 v22, v11  }
0x224: {  	v27 =	vld [tilespmem:s21+$0x3D50]  }
0x225: {  	v35 =	vld [tilespmem:s1+$0x470];
	v21 =	vadd.f32 v28, v21;
	v28 =	vmul.f32 v30, v13;
	v19 =	vadd.f32 v22, v19  }
0x226: {  	v22 =	vld [tilespmem:s26+$0x3D50];
	v20 =	vmul.f32 v20, v31  }
0x227: {  	v30 =	vld [tilespmem:s29+$0x3D30];
	v29 =	vmul.f32 v29, v33;
	[tilespmem:s18+$0xFFFFFF70] =	vst v21;
	v21 =	vmul.f32 v44, v14;
	v19 =	vadd.f32 v28, v19  }
0x228: {  	v28 =	vld [tilespmem:s7+$0x400]  }
0x229: {  	v20 =	vadd.f32 v29, v20;
	v27 =	vmul.f32 v27, v34;
	v47 =	vld [tilespmem:s6+$0x3D00];
	v19 =	vadd.f32 v21, v19  }
0x22a: {  	v29 =	vmul.f32 v63, v3;
	v48 =	vld [tilespmem:s22+$0x3D00];
	v21 =	vmul.f32 v45, v4  }
0x22b: {  	v20 =	vadd.f32 v27, v20;
	v22 =	vmul.f32 v22, v32;
	v27 =	vld [tilespmem:s30+$0x3D00];
	[tilespmem:s28+$0xFFFFFF20] =	vst v19  }
0x22c: {  	v19 =	vmul.f32 v30, v6;
	v21 =	vadd.f32 v21, v29;
	v29 =	vld [tilespmem:s19+$0x30]  }
0x22d: {  	v20 =	vadd.f32 v22, v20;
	v22 =	vmul.f32 v46, v5;
	v30 =	vld [tilespmem:s16+$0x3930]  }
0x22e: {  	v49 =	vld [tilespmem:s31+$0x3930];
	v19 =	vadd.f32 v19, v21;
	v21 =	vmul.f32 v28, v8;
	v28 =	vmul.f32 v47, v7  }
0x22f: {  	v50 =	vld [tilespmem:s24+$0x3930];
	[tilespmem:s28+$0xD0] =	vst v20  }
0x230: {  	v20 =	vld [tilespmem:s3+$0x460];
	v19 =	vadd.f32 v22, v19;
	v22 =	vmul.f32 v48, v9;
	v21 =	vadd.f32 v28, v21  }
0x231: {  	v28 =	vld [tilespmem:s13+$0x3D60]  }
0x232: {  	[tilespmem:s20+$0xFFFFFFB0] =	vst v19;
	v19 =	vadd.f32 v22, v21;
	v21 =	vmul.f32 v27, v10;
	v22 =	vld [tilespmem:s21+$0x3D60]  }
0x233: {  	v29 =	vmul.f32 v29, v12;
	v30 =	vmul.f32 v30, v11;
	v27 =	vld [tilespmem:s23+$0x440];
	[dreg:$0xc] =	wrdreg s23  }
0x234: {  	v51 =	vld [tilespmem:s26+$0x3D60]  }
0x235: {  	v19 =	vadd.f32 v21, v19;
	v21 =	vmul.f32 v49, v13;
	v52 =	vld [tilespmem:s25+$0x3D40];
	[dreg:$0x7] =	wrdreg s25;
	v29 =	vadd.f32 v30, v29  }
0x236: {  	s4 =	simm.s32 $0x10C00;
	v20 =	vmul.f32 v20, v31;
	v28 =	vmul.f32 v28, v33;
	v30 =	vld [tilespmem:s29+$0x3D40]  }
0x237: {  	v38 =	vmul.f32 v50, v14;
	v53 =	vld [tilespmem:s11+$0x3D40];
	[tilespmem:s4+$0xFFFFFF80] =	vst v19;
	v19 =	vadd.f32 v21, v29  }
0x238: {  	v20 =	vadd.f32 v28, v20;
	v21 =	vmul.f32 v22, v34;
	v22 =	vld [tilespmem:s7+$0x410]  }
0x239: {  	v28 =	vld [tilespmem:s6+$0x3D10];
	v19 =	vadd.f32 v38, v19;
	v27 =	vmul.f32 v27, v3  }
0x23a: {  	v29 =	vld [tilespmem:s22+$0x3D10];
	v20 =	vadd.f32 v21, v20;
	v21 =	vmul.f32 v51, v32;
	v54 =	vmul.f32 v52, v4  }
0x23b: {  	v55 =	vld [tilespmem:s30+$0x3D10];
	[tilespmem:s28+$0xFFFFFF30] =	vst v19  }
0x23c: {  	v19 =	vadd.f32 v21, v20;
	v20 =	vld [tilespmem:s19+$0x40];
	v21 =	vmul.f32 v30, v6;
	v27 =	vadd.f32 v54, v27  }
0x23d: {  	v30 =	vld [tilespmem:s16+$0x3940]  }
0x23e: {  	[tilespmem:s28+$0xE0] =	vst v19;
	v19 =	vmul.f32 v22, v8;
	v22 =	vmul.f32 v28, v7;
	v21 =	vadd.f32 v21, v27;
	v27 =	vld [tilespmem:s31+$0x3940]  }
0x23f: {  	v28 =	vmul.f32 v53, v5;
	v37 =	vld [tilespmem:s3+$0x470];
	[smem:$0x7F4] =	sst s12  }
0x240: {  	v29 =	vmul.f32 v29, v9;
	v40 =	vld [tilespmem:s12+$0x3D70];
	v19 =	vadd.f32 v22, v19  }
0x241: {  	v21 =	vadd.f32 v28, v21;
	v22 =	vmul.f32 v55, v10;
	v28 =	vld [tilespmem:s24+$0x3940];
	[smem:$0x7F5] =	sst s17  }
0x242: {  	v38 =	vld [tilespmem:s17+$0x3D70];
	v20 =	vmul.f32 v20, v12;
	[smem:$0x7F6] =	sst s14;
	v19 =	vadd.f32 v29, v19;
	v29 =	vmul.f32 v30, v11  }
0x243: {  	v39 =	vld [tilespmem:s14+$0x3D70];
	[tilespmem:s20+$0xFFFFFFC0] =	vst v21  }
0x244: {  	v30 =	vld [tilespmem:s23+$0x450];
	v21 =	vmul.f32 v27, v13;
	v19 =	vadd.f32 v22, v19;
	v20 =	vadd.f32 v29, v20  }
0x245: {  	v44 =	vld [tilespmem:s25+$0x3D50]  }
0x246: {  	v29 =	vld [tilespmem:s29+$0x3D50];
	[tilespmem:s4+$0xFFFFFF90] =	vst v19;
	v19 =	vmul.f32 v28, v14;
	v20 =	vadd.f32 v21, v20  }
0x247: {  	v22 =	vld [tilespmem:s7+$0x420]  }
0x248: {  	s0 =	rddreg [dreg:$0xb];
	v27 =	vld [tilespmem:s6+$0x3D20];
	v19 =	vadd.f32 v19, v20  }
0x249: {  	s18 =	simm.s32 $0x1080;
	s17 =	simm.s32 $0x2100;
	v28 =	vld [tilespmem:s22+$0x3D20];
	s3 =	sadd.s32 $0x4, s0  }
0x24a: {  	s14 =	smov.u32 s6;
	s20 =	sand.u32 $0x3800, s17;
	v56 =	vld [tilespmem:s30+$0x3D20];
	s0 =	sadd.s32 $0x34, s3;
	[tilespmem:s28+$0xFFFFFF40] =	vst v19  }
0x24b: {  	s17 =	simm.s32 $0x3B00;
	s23 =	sand.u32 $0x380, s18;
	s25 =	simm.s32 $0x600;
	v20 =	vmov s0;
	v57 =	vld [tilespmem:s19+$0x50]  }
0x24c: {  	s18 =	simm.s32 $0x1D80;
	s5 =	sadd.s32 $0x3, s3;
	s12 =	sadd.s32 $0x65, s3;
	v19 =	vand.u32 $0xFFFFFFFE, v20;
	v58 =	vld [tilespmem:s16+$0x3950]  }
0x24d: {  	s6 =	sadd.s32 $0x96, s3;
	v21 =	vmov s5;
	v46 =	vmov s12;
	s5 =	sand.u32 $0x1800, s25;
	s12 =	simm.s32 $0x380;
	v59 =	vld [tilespmem:s31+$0x3950];
	v19 =	vbroadcast v19, $0x0  }
0x24e: {  	v20 =	vmov s6;
	v47 =	vld [tilespmem:s24+$0x3950];
	s6 =	sor.u32 s23, s20;
	s0 =	sadd.s32 $0x3900, s5;
	s1 =	sand.u32 $0x380, s12  }
0x24f: {  	s2 =	sand.u32 $0x380, s18;
	v20 =	vand.u32 $0xFFFFFFFE, v20;
	v49 =	vld [tilespmem:s6+$0x3900];
	s20 =	sadd.s32 s1, s0;
	s1 =	sand.u32 $0x7800, s17  }
0x250: {  	v48 =	vbroadcast v20, $0x0;
	v50 =	vld [tilespmem:s20+$0x0];
	s17 =	sor.u32 s2, s1  }
0x251: {  	s12 =	simm.s32 $0x5500;
	s5 =	simm.s32 $0x2A80;
	v60 =	vld [tilespmem:s17+$0x3900]  }
0x252: {  	s23 =	sand.u32 $0x7800, s12;
	s25 =	sand.u32 $0x380, s5;
	v20 =	vld.idx.msk [tilespmem:v21+s15+$0x0], $0xffff  }
0x253: {  	v27 =	vmul.f32 v27, v7;
	s18 =	sor.u32 s25, s23;
	v21 =	vld.idx.msk [tilespmem:v19+s15+$0x0], $0xffff;
	v19 =	vmul.f32 v22, v8  }
0x254: {  	v28 =	vmul.f32 v28, v9;
	v61 =	vld [tilespmem:s18+$0x3900]  }
0x255: {  	v42 =	vmul.f32 v57, v12;
	v43 =	vmul.f32 v58, v11;
	v22 =	vld.idx.msk [tilespmem:v46+s15+$0x0], $0xffff;
	v27 =	vadd.f32 v27, v19  }
0x256: {  	v41 =	vmul.f32 v56, v10;
	v19 =	vld.idx.msk [tilespmem:v48+s15+$0x0], $0xffff  }
0x257: {  	v43 =	vadd.f32 v43, v42;
	v48 =	vld [tilespmem:s11+$0x3D50];
	[dreg:$0x1a] =	wrdreg s11;
	v27 =	vadd.f32 v28, v27;
	v28 =	vmul.f32 v59, v13  }
0x258: {  	v50 =	vmul.f32 v50, v20;
	[smem:$0x7F7] =	sst s8;
	v49 =	vmul.f32 v49, v21  }
0x259: {  	v47 =	vmul.f32 v47, v14;
	v42 =	vld [tilespmem:s8+$0x3D70];
	[smem:$0x7F8] =	sst s9;
	v27 =	vadd.f32 v41, v27;
	v28 =	vadd.f32 v28, v43  }
0x25a: {  	s4 =	simm.s32 $0x10C00;
	v46 =	vmul.f32 v60, v22;
	v43 =	vld [tilespmem:s9+$0x3D70];
	[smem:$0x7F9] =	sst s10;
	v49 =	vadd.f32 v49, v50  }
0x25b: {  	v41 =	vld [tilespmem:s10+$0x3D70];
	[tilespmem:s4+$0xFFFFFFA0] =	vst v27;
	v27 =	vadd.f32 v47, v28  }
0x25c: {  	v45 =	vmul.f32 v61, v19;
	v47 =	vld [tilespmem:s7+$0x430];
	v28 =	vadd.f32 v46, v49  }
0x25d: {  	s9 =	sadd.s32 $0x2, s3;
	v49 =	vld [tilespmem:s14+$0x3D30];
	[tilespmem:s28+$0xFFFFFF50] =	vst v27  }
0x25e: {  	v62 =	vmov s9;
	v50 =	vld [tilespmem:s19+$0x60];
	v28 =	vadd.f32 v45, v28  }
0x25f: {  	s23 =	simm.s32 $0x11000;
	v27 =	vand.u32 $0xFFFFFFFE, v62;
	v45 =	vld [tilespmem:s16+$0x3960]  }
0x260: {  	v27 =	vbroadcast v27, $0x0;
	v46 =	vld [tilespmem:s31+$0x3960];
	[tilespmem:s23+$0x0] =	vst v28  }
0x261: {  	s25 =	sadd.s32 $0x64, s3;
	s10 =	sadd.s32 $0x33, s3;
	v51 =	vld [tilespmem:s20+$0x10]  }
0x262: {  	v52 =	vmov s10;
	v28 =	vmov s25;
	v53 =	vld [tilespmem:s6+$0x3910]  }
0x263: {  	v54 =	vld [tilespmem:s24+$0x3960];
	v28 =	vand.u32 $0xFFFFFFFE, v28  }
0x264: {  	v56 =	vld [tilespmem:s17+$0x3910];
	v55 =	vbroadcast v28, $0x0  }
0x265: {  	s8 =	sadd.s32 $0x95, s3;
	s9 =	simm.s32 $0x2000;
	s4 =	simm.s32 $0x300;
	v57 =	vld [tilespmem:s18+$0x3910]  }
0x266: {  	s1 =	sand.u32 $0x300, s4;
	s25 =	simm.s32 $0x1000;
	v27 =	vld.idx.msk [tilespmem:v27+s15+$0x0], $0xffff;
	[smem:$0x7FA] =	sst s3  }
0x267: {  	v58 =	vmov s8;
	s2 =	sand.u32 $0x3800, s9;
	s10 =	sadd.s32 s1, s0;
	s3 =	sand.u32 $0x300, s25;
	v28 =	vld.idx.msk [tilespmem:v52+s15+$0x0], $0xffff;
	v51 =	vmul.f32 v51, v20;
	v63 =	vmul.f32 v53, v21  }
0x268: {  	v30 =	vmul.f32 v30, v3;
	v44 =	vmul.f32 v44, v4;
	s8 =	simm.s32 $0x1D00;
	s4 =	simm.s32 $0x3A00;
	s2 =	sor.u32 s3, s2;
	v60 =	vld [tilespmem:s10+$0x0]  }
0x269: {  	s0 =	sand.u32 $0x7800, s4;
	s1 =	sand.u32 $0x300, s8;
	v59 =	vld [tilespmem:s2+$0x3900];
	v61 =	vmul.f32 v56, v22;
	v51 =	vadd.f32 v63, v51  }
0x26a: {  	v30 =	vadd.f32 v44, v30;
	s9 =	simm.s32 $0x5400;
	v62 =	vmul.f32 v29, v6;
	s4 =	sor.u32 s1, s0;
	v50 =	vmul.f32 v50, v12;
	s25 =	simm.s32 $0x2A00;
	v29 =	vld.idx.msk [tilespmem:v55+s15+$0x0], $0xffff  }
0x26b: {  	s0 =	sand.u32 $0x7800, s9;
	v45 =	vmul.f32 v45, v11;
	s1 =	sand.u32 $0x300, s25;
	v57 =	vmul.f32 v57, v19;
	v63 =	vld [tilespmem:s4+$0x3900];
	v51 =	vadd.f32 v61, v51  }
0x26c: {  	v44 =	vadd.f32 v62, v30;
	v30 =	vld.idx.msk [tilespmem:v58+s15+$0x0], $0xffff;
	s9 =	sor.u32 s1, s0  }
0x26d: {  	v46 =	vmul.f32 v46, v13;
	v45 =	vadd.f32 v45, v50;
	v50 =	vld [tilespmem:s9+$0x3900];
	v51 =	vadd.f32 v57, v51  }
0x26e: {  	v53 =	vmul.f32 v60, v27;
	v60 =	vmul.f32 v59, v28  }
0x26f: {  	v48 =	vmul.f32 v48, v5;
	v54 =	vmul.f32 v54, v14;
	v52 =	vld [tilespmem:s22+$0x3D30];
	[tilespmem:s23+$0x10] =	vst v51  }
0x270: {  	v45 =	vadd.f32 v46, v45;
	v61 =	vadd.f32 v60, v53;
	v62 =	vmul.f32 v63, v29;
	v63 =	vld [tilespmem:s20+$0x20]  }
0x271: {  	v44 =	vadd.f32 v48, v44;
	v57 =	vld [tilespmem:s6+$0x3920]  }
0x272: {  	s25 =	simm.s32 $0x10A00;
	v48 =	vld [tilespmem:s30+$0x3D30];
	v45 =	vadd.f32 v54, v45;
	v50 =	vmul.f32 v50, v30;
	v46 =	vadd.f32 v62, v61  }
0x273: {  	[tilespmem:s25+$0xFFFFFFD0] =	vst v44;
	s15 =	simm.s32 $0x10E00;
	v58 =	vld [tilespmem:s17+$0x3920]  }
0x274: {  	v47 =	vmul.f32 v47, v8;
	v49 =	vmul.f32 v49, v7;
	s1 =	rddreg [dreg:$0xc];
	[tilespmem:s15+$0xFFFFFF60] =	vst v45;
	v60 =	vld [tilespmem:s18+$0x3920];
	v46 =	vadd.f32 v50, v46  }
0x275: {  	v59 =	vmul.f32 v52, v9;
	v51 =	vld [tilespmem:s19+$0x70]  }
0x276: {  	v47 =	vadd.f32 v49, v47;
	v49 =	vld [tilespmem:s16+$0x3970];
	[tilespmem:s23+$0xFFFFFF00] =	vst v46;
	v61 =	vmul.f32 v63, v20;
	v62 =	vmul.f32 v57, v21  }
0x277: {  	v48 =	vmul.f32 v48, v10;
	v54 =	vld [tilespmem:s10+$0x10]  }
0x278: {  	v47 =	vadd.f32 v59, v47;
	v45 =	vmul.f32 v58, v22;
	v63 =	vld [tilespmem:s2+$0x3910];
	v46 =	vadd.f32 v62, v61  }
0x279: {  	v57 =	vld [tilespmem:s31+$0x3970]  }
0x27a: {  	v47 =	vadd.f32 v48, v47;
	v58 =	vld [tilespmem:s4+$0x3910];
	v59 =	vmul.f32 v60, v19;
	v45 =	vadd.f32 v45, v46  }
0x27b: {  	s3 =	simm.s32 $0x10C00;
	v60 =	vld [tilespmem:s24+$0x3970]  }
0x27c: {  	[tilespmem:s3+$0xFFFFFFB0] =	vst v47;
	v49 =	vmul.f32 v49, v11;
	v61 =	vmul.f32 v51, v12;
	v62 =	vld [tilespmem:s9+$0x3910];
	v45 =	vadd.f32 v59, v45  }
0x27d: {  	v55 =	vld [tilespmem:s14+$0x3D40];
	v54 =	vmul.f32 v54, v27;
	v50 =	vmul.f32 v63, v28  }
0x27e: {  	v46 =	vld [tilespmem:s7+$0x440];
	v47 =	vadd.f32 v49, v61;
	v53 =	vmul.f32 v57, v13;
	[tilespmem:s23+$0x20] =	vst v45  }
0x27f: {  	v63 =	vmul.f32 v58, v29;
	v57 =	vadd.f32 v50, v54;
	v56 =	vld [tilespmem:s20+$0x30]  }
0x280: {  	v58 =	vmul.f32 v60, v14;
	v47 =	vadd.f32 v53, v47;
	v59 =	vld [tilespmem:s6+$0x3930]  }
0x281: {  	v53 =	vld [tilespmem:s22+$0x3D40];
	v51 =	vmul.f32 v62, v30;
	v45 =	vadd.f32 v63, v57  }
0x282: {  	v47 =	vadd.f32 v58, v47;
	v60 =	vld [tilespmem:s17+$0x3930]  }
0x283: {  	v50 =	vld [tilespmem:s30+$0x3D40];
	v45 =	vadd.f32 v51, v45  }
0x284: {  	v61 =	vld [tilespmem:s18+$0x3930];
	[tilespmem:s15+$0xFFFFFF70] =	vst v47  }
0x285: {  	v51 =	vld [tilespmem:s19+$0x400];
	[tilespmem:s23+$0xFFFFFF10] =	vst v45;
	v48 =	vmul.f32 v56, v20;
	v52 =	vmul.f32 v59, v21  }
0x286: {  	v45 =	vld [tilespmem:s10+$0x20]  }
0x287: {  	v49 =	vmul.f32 v60, v22;
	v62 =	vld [tilespmem:s2+$0x3920];
	v48 =	vadd.f32 v52, v48  }
0x288: {  	v54 =	vld [tilespmem:s16+$0x3D00]  }
0x289: {  	v47 =	vmul.f32 v61, v19;
	v48 =	vadd.f32 v49, v48;
	v49 =	vld [tilespmem:s4+$0x3920]  }
0x28a: {  	v55 =	vmul.f32 v55, v7;
	v56 =	vld [tilespmem:s31+$0x3D00]  }
0x28b: {  	v63 =	vmul.f32 v46, v8;
	v58 =	vld [tilespmem:s9+$0x3920];
	v61 =	vmul.f32 v53, v9;
	v47 =	vadd.f32 v47, v48  }
0x28c: {  	v44 =	vld [tilespmem:s1+$0x460];
	v45 =	vmul.f32 v45, v27;
	v60 =	vmul.f32 v62, v28  }
0x28d: {  	s8 =	smov.u32 s14;
	s14 =	rddreg [dreg:$0x7];
	v51 =	vmul.f32 v51, v12;
	v54 =	vmul.f32 v54, v11;
	v62 =	vadd.f32 v55, v63;
	v55 =	vld [tilespmem:s24+$0x3D00];
	[tilespmem:s23+$0x30] =	vst v47  }
0x28e: {  	v45 =	vadd.f32 v60, v45;
	v49 =	vmul.f32 v49, v29;
	v57 =	vld [tilespmem:s20+$0x40]  }
0x28f: {  	v63 =	vmul.f32 v50, v10;
	v51 =	vadd.f32 v54, v51;
	v59 =	vadd.f32 v61, v62;
	v61 =	vld [tilespmem:s6+$0x3940]  }
0x290: {  	v46 =	vld [tilespmem:s14+$0x3D60];
	v60 =	vmul.f32 v56, v13;
	v62 =	vmul.f32 v58, v30;
	v49 =	vadd.f32 v49, v45  }
0x291: {  	v48 =	vadd.f32 v63, v59;
	v63 =	vld [tilespmem:s17+$0x3940]  }
0x292: {  	v47 =	vld [tilespmem:s29+$0x3D60];
	v51 =	vadd.f32 v60, v51;
	v58 =	vmul.f32 v55, v14;
	v49 =	vadd.f32 v62, v49  }
0x293: {  	v59 =	vld [tilespmem:s18+$0x3940]  }
0x294: {  	v45 =	vld [tilespmem:s11+$0x3D60];
	v51 =	vadd.f32 v58, v51;
	v60 =	vmul.f32 v57, v20;
	v53 =	vmul.f32 v61, v21;
	[tilespmem:s23+$0xFFFFFF20] =	vst v49  }
0x295: {  	v49 =	vld [tilespmem:s10+$0x30]  }
0x296: {  	[tilespmem:s15+$0xFFFFFF80] =	vst v51;
	v50 =	vmul.f32 v63, v22;
	v61 =	vadd.f32 v53, v60;
	v62 =	vld [tilespmem:s2+$0x3930]  }
0x297: {  	v63 =	vld [tilespmem:s19+$0x410]  }
0x298: {  	[tilespmem:s3+$0xFFFFFFC0] =	vst v48;
	v48 =	vmul.f32 v59, v19;
	v60 =	vld [tilespmem:s4+$0x3930];
	v50 =	vadd.f32 v50, v61  }
0x299: {  	v51 =	vld [tilespmem:s9+$0x3930]  }
0x29a: {  	v61 =	vld [tilespmem:s16+$0x3D10];
	v48 =	vadd.f32 v48, v50  }
0x29b: {  	v56 =	vld [tilespmem:s31+$0x3D10];
	v49 =	vmul.f32 v49, v27;
	v52 =	vmul.f32 v62, v28  }
0x29c: {  	[tilespmem:s23+$0x40] =	vst v48;
	v48 =	vld [tilespmem:s24+$0x3D10]  }
0x29d: {  	v55 =	vmul.f32 v60, v29;
	v62 =	vld [tilespmem:s20+$0x50];
	v49 =	vadd.f32 v52, v49  }
0x29e: {  	v63 =	vmul.f32 v63, v12;
	v60 =	vld [tilespmem:s6+$0x3950]  }
0x29f: {  	v54 =	vld [tilespmem:s7+$0x450];
	v51 =	vmul.f32 v51, v30;
	v50 =	vmul.f32 v61, v11;
	v49 =	vadd.f32 v55, v49  }
0x2a0: {  	v61 =	vld [tilespmem:s17+$0x3950]  }
0x2a1: {  	v58 =	vld [tilespmem:s8+$0x3D50];
	v56 =	vmul.f32 v56, v13;
	v50 =	vadd.f32 v50, v63;
	v49 =	vadd.f32 v51, v49  }
0x2a2: {  	v48 =	vmul.f32 v48, v14;
	v51 =	vld [tilespmem:s18+$0x3950]  }
0x2a3: {  	v59 =	vld [tilespmem:s22+$0x3D50];
	v50 =	vadd.f32 v56, v50;
	v62 =	vmul.f32 v62, v20;
	v53 =	vmul.f32 v60, v21;
	[tilespmem:s23+$0xFFFFFF30] =	vst v49  }
0x2a4: {  	v56 =	vld [tilespmem:s10+$0x40]  }
0x2a5: {  	v60 =	vmul.f32 v61, v22;
	v48 =	vadd.f32 v48, v50;
	v63 =	vld [tilespmem:s2+$0x3940];
	v49 =	vadd.f32 v53, v62  }
0x2a6: {  	v61 =	vld [tilespmem:s4+$0x3940]  }
0x2a7: {  	v62 =	vld [tilespmem:s9+$0x3940];
	[tilespmem:s15+$0xFFFFFF90] =	vst v48;
	v49 =	vadd.f32 v60, v49;
	v51 =	vmul.f32 v51, v19  }
0x2a8: {  	v53 =	vld [tilespmem:s19+$0x420]  }
0x2a9: {  	v49 =	vadd.f32 v51, v49;
	v51 =	vld [tilespmem:s16+$0x3D20]  }
0x2aa: {  	v52 =	vld [tilespmem:s30+$0x3D50];
	v56 =	vmul.f32 v56, v27;
	v50 =	vmul.f32 v63, v28  }
0x2ab: {  	v57 =	vld [tilespmem:s31+$0x3D20]  }
0x2ac: {  	v55 =	vmul.f32 v61, v29;
	[tilespmem:s23+$0x50] =	vst v49;
	v49 =	vld [tilespmem:s24+$0x3D20];
	v50 =	vadd.f32 v50, v56  }
0x2ad: {  	v48 =	vmul.f32 v62, v30;
	v56 =	vld [tilespmem:s20+$0x60];
	[smem:$0x7FB] =	sst s13  }
0x2ae: {  	v53 =	vmul.f32 v53, v12;
	v50 =	vadd.f32 v55, v50;
	v51 =	vmul.f32 v51, v11;
	v55 =	vld [tilespmem:s6+$0x3960]  }
0x2af: {  	v18 =	vmul.f32 v36, v18;
	v60 =	vld [tilespmem:s13+$0x3D70];
	[smem:$0x7FC] =	sst s21  }
0x2b0: {  	v31 =	vmul.f32 v37, v31;
	v48 =	vadd.f32 v48, v50;
	v51 =	vadd.f32 v51, v53;
	v53 =	vld [tilespmem:s17+$0x3960]  }
0x2b1: {  	v17 =	vmul.f32 v40, v17;
	v63 =	vmul.f32 v57, v13;
	v61 =	vld [tilespmem:s21+$0x3D70];
	[dreg:$0x1f] =	wrdreg s26  }
0x2b2: {  	v36 =	vmul.f32 v54, v8;
	v62 =	vmul.f32 v58, v7;
	v50 =	vld [tilespmem:s18+$0x3960];
	[tilespmem:s23+$0xFFFFFF40] =	vst v48  }
0x2b3: {  	v56 =	vmul.f32 v56, v20;
	v63 =	vadd.f32 v63, v51;
	v51 =	vld [tilespmem:s10+$0x50];
	v55 =	vmul.f32 v55, v21  }
0x2b4: {  	v57 =	vmul.f32 v59, v9;
	v49 =	vmul.f32 v49, v14;
	v59 =	vld [tilespmem:s2+$0x3950]  }
0x2b5: {  	v36 =	vadd.f32 v62, v36;
	v62 =	vadd.f32 v55, v56;
	v53 =	vmul.f32 v53, v22  }
0x2b6: {  	v15 =	vmul.f32 v38, v15;
	v17 =	vadd.f32 v17, v18;
	v48 =	vadd.f32 v49, v63;
	v63 =	vld [tilespmem:s4+$0x3950]  }
0x2b7: {  	v16 =	vmul.f32 v39, v16;
	v54 =	vld [tilespmem:s26+$0x3D70];
	v18 =	vadd.f32 v53, v62;
	v53 =	vmul.f32 v50, v19  }
0x2b8: {  	v15 =	vadd.f32 v15, v17;
	v17 =	vmul.f32 v35, v23;
	v23 =	vmul.f32 v42, v24;
	[tilespmem:s15+$0xFFFFFFA0] =	vst v48;
	v48 =	vld [tilespmem:s9+$0x3950]  }
0x2b9: {  	v56 =	vld [tilespmem:s19+$0x430];
	v58 =	vmul.f32 v51, v27;
	v49 =	vmul.f32 v59, v28;
	v18 =	vadd.f32 v53, v18  }
0x2ba: {  	v17 =	vadd.f32 v23, v17;
	v25 =	vmul.f32 v43, v25;
	v36 =	vadd.f32 v57, v36;
	v57 =	vld [tilespmem:s16+$0x3D30]  }
0x2bb: {  	v52 =	vmul.f32 v52, v10;
	v59 =	vld [tilespmem:s31+$0x3D30];
	v63 =	vmul.f32 v63, v29;
	v62 =	vadd.f32 v49, v58;
	[tilespmem:s23+$0x60] =	vst v18  }
0x2bc: {  	v15 =	vadd.f32 v16, v15;
	v23 =	vmul.f32 v41, v26;
	v17 =	vadd.f32 v25, v17;
	v49 =	vld [tilespmem:s20+$0x70]  }
0x2bd: {  	v36 =	vadd.f32 v52, v36;
	v26 =	vmul.f32 v48, v30;
	v35 =	vadd.f32 v63, v62;
	v51 =	vld [tilespmem:s6+$0x3970]  }
0x2be: {  	v17 =	vadd.f32 v23, v17;
	s0 =	simm.s32 $0x10C00;
	v25 =	vmul.f32 v44, v3;
	v52 =	vmul.f32 v46, v4;
	v24 =	vld [tilespmem:s24+$0x3D30]  }
0x2bf: {  	[tilespmem:s0+$0xFFFFFFD0] =	vst v36;
	v50 =	vmul.f32 v56, v12;
	v38 =	vmul.f32 v57, v11;
	v56 =	vld [tilespmem:s17+$0x3970];
	v26 =	vadd.f32 v26, v35  }
0x2c0: {  	v16 =	vadd.f32 v52, v25;
	v25 =	vmul.f32 v47, v6;
	v33 =	vmul.f32 v60, v33;
	v53 =	vld [tilespmem:s8+$0x3D60]  }
0x2c1: {  	v34 =	vmul.f32 v61, v34;
	v55 =	vmul.f32 v59, v13;
	v38 =	vadd.f32 v38, v50;
	[tilespmem:s23+$0xFFFFFF50] =	vst v26;
	v26 =	vld [tilespmem:s18+$0x3970]  }
0x2c2: {  	v16 =	vadd.f32 v25, v16;
	v18 =	vld [tilespmem:s7+$0x460];
	v58 =	vmul.f32 v49, v20;
	v36 =	vmul.f32 v51, v21  }
0x2c3: {  	v31 =	vadd.f32 v33, v31;
	v57 =	vld [tilespmem:s22+$0x3D60];
	v23 =	vmul.f32 v24, v14;
	v24 =	vadd.f32 v55, v38  }
0x2c4: {  	v61 =	vmul.f32 v45, v5;
	v25 =	vld [tilespmem:s10+$0x60];
	v60 =	vmul.f32 v56, v22;
	v35 =	vadd.f32 v36, v58  }
0x2c5: {  	[tilespmem:s25+$0xF0] =	vst v15;
	v31 =	vadd.f32 v34, v31;
	v32 =	vmul.f32 v54, v32;
	v59 =	vld [tilespmem:s4+$0x3960];
	v23 =	vadd.f32 v23, v24  }
0x2c6: {  	[tilespmem:s0+$0xF0] =	vst v17;
	v33 =	vadd.f32 v61, v16;
	v24 =	vld [tilespmem:s2+$0x3960];
	v35 =	vadd.f32 v60, v35;
	v26 =	vmul.f32 v26, v19  }
0x2c7: {  	v32 =	vadd.f32 v32, v31;
	v62 =	vld [tilespmem:s9+$0x3960];
	[tilespmem:s15+$0xFFFFFFB0] =	vst v23  }
0x2c8: {  	[tilespmem:s25+$0xFFFFFFE0] =	vst v33;
	v18 =	vmul.f32 v18, v8;
	v23 =	vmul.f32 v53, v7;
	v63 =	vld [tilespmem:s19+$0x440];
	v26 =	vadd.f32 v26, v35  }
0x2c9: {  	[tilespmem:s15+$0xF0] =	vst v32;
	v15 =	vld [tilespmem:s16+$0x3D40]  }
0x2ca: {  	v16 =	vld [tilespmem:s31+$0x3D40];
	v17 =	vadd.f32 v23, v18;
	v18 =	vmul.f32 v57, v9;
	[tilespmem:s23+$0x70] =	vst v26  }
0x2cb: {  	v25 =	vmul.f32 v25, v27;
	v23 =	vld [tilespmem:s24+$0x3D40];
	v24 =	vmul.f32 v24, v28;
	s0 =	rddreg [dreg:$0x19]  }
0x2cc: {  	s14 =	smov.u32 s29;
	s3 =	smov.u32 s4;
	v17 =	vadd.f32 v18, v17;
	v18 =	vld [tilespmem:s30+$0x3D60];
	s4 =	rddreg [dreg:$0x7]  }
0x2cd: {  	v32 =	vadd.f32 v24, v25;
	v25 =	vld [tilespmem:s20+$0x400];
	[dreg:$0x8] =	wrdreg s14  }
0x2ce: {  	s11 =	smov.u32 s8;
	[dreg:$0x10] =	wrdreg s14  }
0x2cf: {  	s29 =	smov.u32 s19;
	s21 =	smov.u32 s11;
	s19 =	rddreg [dreg:$0x1a]  }
0x2d0: {  	[dreg:$0x9] =	wrdreg s21  }
0x2d1: {  	[dreg:$0xd] =	wrdreg s21  }
0x2d2: {  	[dreg:$0x1e] =	wrdreg s16  }
0x2d3: {  	[dreg:$0xa] =	wrdreg s22  }
0x2d4: {  	[dreg:$0xe] =	wrdreg s22  }
0x2d5: {  	[dreg:$0x1c] =	wrdreg s31  }
0x2d6: {  	s28 =	simm.s32 $0x10C00;
	s1 =	smov.u32 s9;
	[dreg:$0x1b] =	wrdreg s30  }
0x2d7: {  	s11 =	smov.u32 s24;
	[dreg:$0xf] =	wrdreg s30;
	s0 =	smul.u32 $0xC4, s0  }
0x2d8: {  	s26 =	simm.s32 $0x6;
	s8 =	smov.u32 s2;
	v31 =	vmul.f32 v59, v29;
	[dreg:$0x1d] =	wrdreg s24  }
0x2d9: {  	s9 =	smov.u32 s16;
	v26 =	vmul.f32 v62, v30;
	v24 =	vmul.f32 v63, v12;
	[smem:$0x7FD] =	sst s0;
	s0 =	smov.u32 s19  }
.LBB2_10:
0x2da: {  	s13 =	rddreg [dreg:$0xb]  }
0x2db: {  	v62 =	vld [tilespmem:s6+$0x3D00];
	s22 =	rddreg [dreg:$0xc];
	s2 =	smov.u32 s7;
	s16 =	sadd.s32 s26, s13  }
0x2dc: {  	s12 =	sadd.s32 $0x200, s12;
	v31 =	vadd.f32 v31, v32;
	s24 =	sadd.s32 $0x65, s16;
	s30 =	sadd.s32 $0x3, s16  }
0x2dd: {  	v37 =	vld [tilespmem:s17+$0x3D00];
	s5 =	sadd.s32 $0x100, s5;
	s13 =	smov.u32 s25;
	[dreg:$0xc] =	wrdreg s2;
	v36 =	vmov s24;
	v38 =	vmov s30  }
0x2de: {  	v39 =	vld [tilespmem:s4+$0x3D70];
	s2 =	rddreg [dreg:$0x10];
	s19 =	sadd.s32 $0x2, s16;
	s21 =	sadd.s32 $0x34, s16;
	v26 =	vadd.f32 v26, v31;
	v33 =	vmul.f32 v15, v11;
	v34 =	vmul.f32 v16, v13  }
0x2df: {  	v35 =	vld [tilespmem:s22+$0x470];
	s22 =	sadd.s32 $0x64, s16;
	s7 =	sadd.s32 $0x96, s16;
	s24 =	sadd.s32 $0xFFFFF300, s5;
	v15 =	vmov s19;
	v16 =	vmov s21;
	v25 =	vmul.f32 v25, v20  }
0x2e0: {  	v42 =	vld [tilespmem:s18+$0x3D00];
	s19 =	sadd.s32 $0x33, s16;
	s21 =	sadd.s32 $0x95, s16;
	s16 =	sadd.s32 $0xFFFFE600, s12;
	v15 =	vand.u32 $0xFFFFFFFE, v15;
	v16 =	vand.u32 $0xFFFFFFFE, v16;
	v32 =	vmul.f32 v62, v21  }
0x2e1: {  	v46 =	vld [tilespmem:s0+$0x3D70];
	s25 =	sadd.s32 $0xFFFFB100, s12;
	v44 =	vmov s19;
	s4 =	sand.u32 $0x7800, s16;
	s16 =	sand.u32 $0x380, s24;
	v41 =	vbroadcast v16, $0x0;
	v16 =	vmov s7  }
0x2e2: {  	v43 =	vld [tilespmem:s2+$0x3D70];
	s0 =	sand.u32 $0x1800, s25;
	s30 =	smov.u32 s10;
	v37 =	vmul.f32 v37, v22;
	v40 =	vbroadcast v15, $0x0;
	s16 =	sor.u32 s16, s4;
	v16 =	vand.u32 $0xFFFFFFFE, v16  }
0x2e3: {  	s10 =	sadd.s32 $0xFFFFCC00, s12;
	s19 =	sadd.s32 $0xFFFFE600, s5;
	v15 =	vmov s22;
	s7 =	simm.s32 $0x2000;
	v32 =	vadd.f32 v32, v25;
	v31 =	vld [tilespmem:s16+$0x3900];
	v63 =	vbroadcast v16, $0x0  }
0x2e4: {  	s2 =	sand.u32 $0x3800, s10;
	s10 =	sand.u32 $0x380, s19;
	s19 =	sadd.s32 $0xFFFFD900, s5;
	v45 =	vand.u32 $0xFFFFFFFE, v15;
	v15 =	vld.idx.msk [tilespmem:v36+s7+$0x0], $0xffff  }
0x2e5: {  	s0 =	sadd.s32 $0x3900, s0;
	v47 =	vmul.f32 v42, v19;
	v25 =	vmov s21;
	s21 =	sor.u32 s10, s2;
	s4 =	sand.u32 $0x380, s19;
	v16 =	vld.idx.msk [tilespmem:v38+s7+$0x0], $0xffff;
	v32 =	vadd.f32 v37, v32  }
0x2e6: {  	s14 =	smov.u32 s15;
	s24 =	sadd.s32 $0xFFFFD880, s5;
	[tilespmem:s23+$0xFFFFFF60] =	vst v26;
	v26 =	vmul.f32 v18, v10;
	v24 =	vadd.f32 v33, v24;
	v48 =	vld [tilespmem:s21+$0x3900];
	s19 =	sadd.s32 s4, s0  }
0x2e7: {  	s15 =	smov.u32 s28;
	s25 =	sadd.s32 $0xFFFFE580, s5;
	v23 =	vmul.f32 v23, v14;
	v51 =	vmul.f32 v39, v4;
	s2 =	sand.u32 $0x300, s24;
	v50 =	vld [tilespmem:s19+$0x0];
	v32 =	vadd.f32 v47, v32  }
0x2e8: {  	s22 =	sadd.s32 $0xFFFFCB00, s12;
	v49 =	vmul.f32 v35, v3;
	v26 =	vadd.f32 v26, v17;
	s24 =	sadd.s32 $0xFFFFE500, s12;
	v24 =	vadd.f32 v34, v24;
	s10 =	sadd.s32 s2, s0;
	v18 =	vld.idx.msk [tilespmem:v41+s7+$0x0], $0xffff  }
0x2e9: {  	v4 =	vmov v7;
	v7 =	vmov v11;
	v11 =	vmov v28;
	s4 =	sand.u32 $0x3800, s22;
	s22 =	sand.u32 $0x300, s25;
	s2 =	sand.u32 $0x7800, s24;
	v17 =	vld.idx.msk [tilespmem:v63+s7+$0x0], $0xffff;
	[tilespmem:s23+$0x80] =	vst v32  }
0x2ea: {  	v52 =	vmul.f32 v43, v6;
	s24 =	sand.u32 $0x380, s5;
	s0 =	sor.u32 s22, s4;
	s22 =	sand.u32 $0x7800, s12;
	[tilespmem:s15+$0xFFFFFFE0] =	vst v26;
	v26 =	vadd.f32 v51, v49;
	v53 =	vadd.f32 v23, v24;
	v24 =	vld [tilespmem:s20+$0x410]  }
0x2eb: {  	v3 =	vmovc v8;
	v8 =	vmovc v12;
	v12 =	vmov v27;
	v6 =	vmov v9;
	v9 =	vmov v13;
	s25 =	sadd.s32 $0xFFFFF280, s5;
	s24 =	sor.u32 s24, s22;
	v32 =	vld [tilespmem:s6+$0x3D10]  }
0x2ec: {  	s28 =	smov.u32 s29;
	v13 =	vmovc v29;
	s4 =	sand.u32 $0x300, s25;
	s25 =	sadd.s32 $0xFFFFFF00, s12;
	v23 =	vmul.f32 v46, v5;
	v5 =	vmov v10;
	v26 =	vadd.f32 v52, v26;
	[tilespmem:s14+$0xFFFFFFC0] =	vst v53;
	v29 =	vld [tilespmem:s24+$0x3900]  }
0x2ed: {  	s29 =	rddreg [dreg:$0xd];
	v10 =	vmovc v14;
	s22 =	sor.u32 s4, s2;
	s2 =	sand.u32 $0x7800, s25;
	v14 =	vmov v30;
	v27 =	vld.idx.msk [tilespmem:v40+s7+$0x0], $0xffff;
	v28 =	vmul.f32 v50, v16;
	v30 =	vmul.f32 v48, v18  }
0x2ee: {  	v45 =	vbroadcast v45, $0x0;
	s25 =	sadd.s32 $0xFFFFFF80, s5;
	s4 =	smov.u32 s29;
	s29 =	smov.u32 s9;
	v23 =	vadd.f32 v23, v26;
	v54 =	vld [tilespmem:s17+$0x3D10]  }
0x2ef: {  	s9 =	smov.u32 s8;
	s8 =	rddreg [dreg:$0xe];
	s25 =	sand.u32 $0x300, s25;
	v26 =	vadd.f32 v30, v28;
	v30 =	vmul.f32 v31, v15;
	v31 =	vld [tilespmem:s18+$0x3D10]  }
0x2f0: {  	s25 =	sor.u32 s25, s2;
	s2 =	smov.u32 s0;
	s0 =	smov.u32 s8;
	v28 =	vld.idx.msk [tilespmem:v44+s7+$0x0], $0xffff;
	[tilespmem:s13+$0xFFFFFFF0] =	vst v23;
	v24 =	vmul.f32 v24, v20  }
0x2f1: {  	s8 =	smov.u32 s31;
	s31 =	smov.u32 s3;
	s3 =	rddreg [dreg:$0xf];
	v32 =	vmul.f32 v32, v21;
	v23 =	vld [tilespmem:s10+$0x0];
	v26 =	vadd.f32 v30, v26;
	v30 =	vmul.f32 v29, v17  }
0x2f2: {  	s13 =	smov.u32 s22;
	s22 =	smov.u32 s3;
	v55 =	vld [tilespmem:s2+$0x3900]  }
0x2f3: {  	[dreg:$0x11] =	wrdreg s22;
	v56 =	vmul.f32 v54, v22;
	s22 =	smov.u32 s25;
	v57 =	vld [tilespmem:s13+$0x3900];
	v24 =	vadd.f32 v32, v24;
	v26 =	vadd.f32 v30, v26  }
0x2f4: {  	s25 =	smov.u32 s15;
	s15 =	smov.u32 s23;
	s23 =	sadd.s32 $0x200, s23;
	v29 =	vld.idx.msk [tilespmem:v45+s7+$0x0], $0xffff  }
0x2f5: {  	v30 =	vld.idx.msk [tilespmem:v25+s7+$0x0], $0xffff;
	v24 =	vadd.f32 v56, v24;
	v31 =	vmul.f32 v31, v19;
	[tilespmem:s23+$0x0] =	vst v26  }
0x2f6: {  	v25 =	vld [tilespmem:s19+$0x10]  }
0x2f7: {  	v24 =	vadd.f32 v31, v24;
	v31 =	vld [tilespmem:s21+$0x3910]  }
0x2f8: {  	v61 =	vld [tilespmem:s22+$0x3900];
	v23 =	vmul.f32 v23, v27;
	v26 =	vmul.f32 v55, v28  }
0x2f9: {  	v58 =	vld [tilespmem:s16+$0x3910];
	[tilespmem:s15+$0x90] =	vst v24  }
0x2fa: {  	v23 =	vadd.f32 v26, v23;
	v24 =	vmul.f32 v57, v29;
	v26 =	vld [tilespmem:s20+$0x420]  }
0x2fb: {  	v59 =	vld [tilespmem:s6+$0x3D20]  }
0x2fc: {  	v23 =	vadd.f32 v24, v23;
	v24 =	vld [tilespmem:s24+$0x3910];
	v25 =	vmul.f32 v25, v16;
	v31 =	vmul.f32 v31, v18  }
0x2fd: {  	v60 =	vld [tilespmem:s17+$0x3D20]  }
0x2fe: {  	v36 =	vld [tilespmem:s30+$0x70];
	v25 =	vadd.f32 v31, v25;
	v31 =	vmul.f32 v58, v15  }
0x2ff: {  	v39 =	vmul.f32 v61, v30;
	v62 =	vld [tilespmem:s18+$0x3D20]  }
0x300: {  	v26 =	vmul.f32 v26, v20;
	v33 =	vmul.f32 v59, v21;
	v25 =	vadd.f32 v31, v25;
	v31 =	vld [tilespmem:s9+$0x3970]  }
0x301: {  	v63 =	vld [tilespmem:s31+$0x3970];
	v24 =	vmul.f32 v24, v17  }
0x302: {  	v40 =	vld [tilespmem:s28+$0x450];
	v23 =	vadd.f32 v39, v23;
	v38 =	vmul.f32 v60, v22;
	v26 =	vadd.f32 v33, v26  }
0x303: {  	[dreg:$0x10] =	wrdreg s0;
	s0 =	smov.u32 s11;
	s11 =	smov.u32 s1;
	v41 =	vld [tilespmem:s29+$0x3D50];
	v24 =	vadd.f32 v24, v25  }
0x304: {  	v32 =	vmul.f32 v62, v19;
	v25 =	vld [tilespmem:s11+$0x3970];
	[tilespmem:s23+$0xFFFFFF00] =	vst v23;
	v26 =	vadd.f32 v38, v26  }
0x305: {  	v48 =	vld [tilespmem:s10+$0x10];
	[tilespmem:s23+$0x10] =	vst v24;
	v24 =	vmul.f32 v36, v12;
	v31 =	vmul.f32 v31, v11  }
0x306: {  	v42 =	vld [tilespmem:s19+$0x20];
	v26 =	vadd.f32 v32, v26  }
0x307: {  	v43 =	vmul.f32 v63, v13;
	v23 =	vld [tilespmem:s21+$0x3920];
	v24 =	vadd.f32 v31, v24  }
0x308: {  	v44 =	vld [tilespmem:s16+$0x3920];
	[tilespmem:s15+$0xA0] =	vst v26  }
0x309: {  	v25 =	vmul.f32 v25, v14;
	v26 =	vld [tilespmem:s20+$0x430];
	v24 =	vadd.f32 v43, v24  }
0x30a: {  	v45 =	vld [tilespmem:s6+$0x3D30]  }
0x30b: {  	v47 =	vld [tilespmem:s24+$0x3920];
	v24 =	vadd.f32 v25, v24  }
0x30c: {  	v35 =	vmul.f32 v42, v16;
	v23 =	vmul.f32 v23, v18;
	v25 =	vld [tilespmem:s17+$0x3D30]  }
0x30d: {  	[tilespmem:s15+$0xFFFFFF70] =	vst v24;
	v24 =	vld [tilespmem:s18+$0x3D30]  }
0x30e: {  	v49 =	vmul.f32 v44, v15;
	v23 =	vadd.f32 v23, v35;
	v50 =	vld [tilespmem:s2+$0x3910]  }
0x30f: {  	v26 =	vmul.f32 v26, v20;
	v32 =	vmul.f32 v45, v21  }
0x310: {  	v52 =	vmul.f32 v47, v17;
	v51 =	vld [tilespmem:s13+$0x3910];
	v23 =	vadd.f32 v49, v23  }
0x311: {  	v53 =	vld [tilespmem:s22+$0x3910];
	v26 =	vadd.f32 v32, v26;
	v25 =	vmul.f32 v25, v22  }
0x312: {  	v54 =	vmul.f32 v48, v27;
	v55 =	vld [tilespmem:s30+$0x400];
	v23 =	vadd.f32 v52, v23  }
0x313: {  	v56 =	vld [tilespmem:s9+$0x3D00];
	v25 =	vadd.f32 v25, v26;
	v24 =	vmul.f32 v24, v19;
	v26 =	vmul.f32 v50, v28  }
0x314: {  	[tilespmem:s23+$0x20] =	vst v23;
	v23 =	vld [tilespmem:s31+$0x3D00]  }
0x315: {  	v57 =	vmul.f32 v51, v29;
	v58 =	vld [tilespmem:s19+$0x30];
	v24 =	vadd.f32 v24, v25;
	v25 =	vadd.f32 v26, v54  }
0x316: {  	v59 =	vld [tilespmem:s21+$0x3930]  }
0x317: {  	v60 =	vld [tilespmem:s16+$0x3930];
	v26 =	vmul.f32 v53, v30;
	[tilespmem:s15+$0xB0] =	vst v24;
	v24 =	vadd.f32 v57, v25  }
0x318: {  	v61 =	vld [tilespmem:s20+$0x440]  }
0x319: {  	v33 =	vmul.f32 v55, v12;
	v25 =	vmul.f32 v56, v11;
	v62 =	vld [tilespmem:s6+$0x3D40];
	v24 =	vadd.f32 v26, v24  }
0x31a: {  	v31 =	vmul.f32 v40, v8;
	v23 =	vmul.f32 v23, v13;
	v26 =	vld [tilespmem:s24+$0x3930]  }
0x31b: {  	v40 =	vld [tilespmem:s17+$0x3D40];
	v63 =	vmul.f32 v58, v16;
	v32 =	vmul.f32 v59, v18;
	v25 =	vadd.f32 v25, v33;
	[tilespmem:s23+$0xFFFFFF10] =	vst v24  }
0x31c: {  	v46 =	vmul.f32 v41, v7;
	v24 =	vld [tilespmem:s11+$0x3D00]  }
0x31d: {  	v42 =	vld [tilespmem:s18+$0x3D40];
	v41 =	vmul.f32 v60, v15;
	v23 =	vadd.f32 v23, v25;
	v25 =	vadd.f32 v32, v63  }
0x31e: {  	v43 =	vld [tilespmem:s10+$0x20];
	v35 =	vmul.f32 v61, v20;
	v37 =	vmul.f32 v62, v21  }
0x31f: {  	v44 =	vld [tilespmem:s2+$0x3920];
	v25 =	vadd.f32 v41, v25;
	v26 =	vmul.f32 v26, v17  }
0x320: {  	v45 =	vld [tilespmem:s13+$0x3920];
	v36 =	vmul.f32 v40, v22;
	v35 =	vadd.f32 v37, v35  }
0x321: {  	v31 =	vadd.f32 v46, v31;
	v46 =	vld [tilespmem:s22+$0x3920];
	v25 =	vadd.f32 v26, v25;
	v24 =	vmul.f32 v24, v14  }
0x322: {  	v33 =	vmul.f32 v42, v19;
	v47 =	vld [tilespmem:s8+$0x3D50];
	v26 =	vadd.f32 v36, v35  }
0x323: {  	[tilespmem:s23+$0x30] =	vst v25;
	v23 =	vadd.f32 v24, v23;
	v24 =	vld [tilespmem:s0+$0x3D50]  }
0x324: {  	v26 =	vadd.f32 v33, v26;
	v48 =	vld [tilespmem:s16+$0x3940]  }
0x325: {  	v34 =	vmul.f32 v43, v27;
	v25 =	vmul.f32 v44, v28;
	v49 =	vld [tilespmem:s19+$0x40]  }
0x326: {  	v50 =	vld [tilespmem:s21+$0x3940];
	[tilespmem:s15+$0xC0] =	vst v26  }
0x327: {  	v32 =	vmul.f32 v45, v29;
	[tilespmem:s15+$0xFFFFFF80] =	vst v23;
	v23 =	vadd.f32 v25, v34  }
0x328: {  	v35 =	vmul.f32 v47, v9;
	v26 =	vld [tilespmem:s20+$0x450]  }
0x329: {  	v25 =	vmul.f32 v46, v30;
	v51 =	vld [tilespmem:s6+$0x3D50];
	v23 =	vadd.f32 v32, v23  }
0x32a: {  	v31 =	vadd.f32 v35, v31;
	v52 =	vld [tilespmem:s24+$0x3940];
	v24 =	vmul.f32 v24, v10  }
0x32b: {  	v23 =	vadd.f32 v25, v23;
	v25 =	vld [tilespmem:s17+$0x3D50]  }
0x32c: {  	v53 =	vld [tilespmem:s30+$0x410];
	v33 =	vmul.f32 v49, v16;
	v34 =	vmul.f32 v50, v18;
	v24 =	vadd.f32 v24, v31  }
0x32d: {  	s3 =	smov.u32 s14;
	v31 =	vld [tilespmem:s18+$0x3D50];
	v26 =	vmul.f32 v26, v20;
	[tilespmem:s23+$0xFFFFFF20] =	vst v23  }
0x32e: {  	v33 =	vadd.f32 v34, v33;
	v32 =	vmul.f32 v51, v21;
	v23 =	vmul.f32 v48, v15;
	v54 =	vld [tilespmem:s10+$0x30];
	[tilespmem:s3+$0xFFFFFFD0] =	vst v24  }
0x32f: {  	v55 =	vmul.f32 v52, v17;
	v24 =	vld [tilespmem:s2+$0x3930]  }
0x330: {  	v26 =	vadd.f32 v32, v26;
	v56 =	vld [tilespmem:s13+$0x3930];
	v23 =	vadd.f32 v23, v33;
	v25 =	vmul.f32 v25, v22  }
0x331: {  	v57 =	vld [tilespmem:s22+$0x3930]  }
0x332: {  	v59 =	vld [tilespmem:s9+$0x3D10];
	v23 =	vadd.f32 v55, v23;
	v25 =	vadd.f32 v25, v26;
	v26 =	vmul.f32 v31, v19  }
0x333: {  	v60 =	vld [tilespmem:s31+$0x3D10]  }
0x334: {  	v31 =	vmul.f32 v54, v27;
	[tilespmem:s23+$0x40] =	vst v23;
	v23 =	vld [tilespmem:s11+$0x3D10];
	v24 =	vmul.f32 v24, v28;
	v25 =	vadd.f32 v26, v25  }
0x335: {  	v61 =	vld [tilespmem:s19+$0x50]  }
0x336: {  	v26 =	vmul.f32 v56, v29;
	v62 =	vld [tilespmem:s21+$0x3950];
	v24 =	vadd.f32 v24, v31;
	[tilespmem:s15+$0xD0] =	vst v25  }
0x337: {  	v58 =	vmul.f32 v53, v12;
	v25 =	vmul.f32 v59, v11;
	v63 =	vld [tilespmem:s20+$0x460]  }
0x338: {  	v31 =	vmul.f32 v57, v30;
	v40 =	vld [tilespmem:s6+$0x3D60];
	v24 =	vadd.f32 v26, v24  }
0x339: {  	v41 =	vld [tilespmem:s16+$0x3950];
	v26 =	vmul.f32 v60, v13;
	v25 =	vadd.f32 v25, v58  }
0x33a: {  	v24 =	vadd.f32 v31, v24;
	v31 =	vld [tilespmem:s17+$0x3D60]  }
0x33b: {  	v42 =	vld [tilespmem:s24+$0x3950];
	v23 =	vmul.f32 v23, v14;
	v25 =	vadd.f32 v26, v25  }
0x33c: {  	v43 =	vld [tilespmem:s18+$0x3D60];
	v26 =	vmul.f32 v62, v18;
	[tilespmem:s23+$0xFFFFFF30] =	vst v24;
	v24 =	vmul.f32 v61, v16  }
0x33d: {  	v23 =	vadd.f32 v23, v25;
	v25 =	vmul.f32 v63, v20;
	v45 =	vmul.f32 v40, v21;
	v44 =	vld [tilespmem:s10+$0x40]  }
0x33e: {  	v46 =	vld [tilespmem:s2+$0x3940];
	v24 =	vadd.f32 v26, v24;
	v26 =	vmul.f32 v41, v15  }
0x33f: {  	v47 =	vld [tilespmem:s13+$0x3940];
	[tilespmem:s15+$0xFFFFFF90] =	vst v23;
	v23 =	vadd.f32 v45, v25;
	v25 =	vmul.f32 v31, v22  }
0x340: {  	v31 =	vld [tilespmem:s22+$0x3940];
	v24 =	vadd.f32 v26, v24;
	v26 =	vmul.f32 v42, v17  }
0x341: {  	v48 =	vld [tilespmem:s30+$0x420];
	v23 =	vadd.f32 v25, v23;
	v25 =	vmul.f32 v43, v19  }
0x342: {  	v24 =	vadd.f32 v26, v24;
	v26 =	vld [tilespmem:s9+$0x3D20]  }
0x343: {  	v51 =	vld [tilespmem:s31+$0x3D20];
	v49 =	vmul.f32 v44, v27;
	v50 =	vmul.f32 v46, v28;
	v23 =	vadd.f32 v25, v23  }
0x344: {  	[tilespmem:s23+$0x50] =	vst v24;
	v24 =	vld [tilespmem:s11+$0x3D20]  }
0x345: {  	v25 =	vmul.f32 v47, v29;
	v32 =	vadd.f32 v50, v49;
	v52 =	vld [tilespmem:s19+$0x60];
	[tilespmem:s15+$0xE0] =	vst v23  }
0x346: {  	v31 =	vmul.f32 v31, v30;
	v53 =	vld [tilespmem:s20+$0x470]  }
0x347: {  	v23 =	vmul.f32 v48, v12;
	v25 =	vadd.f32 v25, v32;
	v54 =	vld [tilespmem:s6+$0x3D70];
	s6 =	smov.u32 s21;
	v26 =	vmul.f32 v26, v11  }
0x348: {  	v55 =	vld [tilespmem:s6+$0x3960]  }
0x349: {  	v35 =	vmul.f32 v51, v13;
	v25 =	vadd.f32 v31, v25;
	v23 =	vadd.f32 v26, v23;
	v26 =	vld [tilespmem:s17+$0x3D70];
	s17 =	smov.u32 s16  }
0x34a: {  	v31 =	vld [tilespmem:s17+$0x3960]  }
0x34b: {  	v24 =	vmul.f32 v24, v14;
	[tilespmem:s23+$0xFFFFFF40] =	vst v25;
	v25 =	vld [tilespmem:s18+$0x3D70];
	s18 =	smov.u32 s24;
	v23 =	vadd.f32 v35, v23  }
0x34c: {  	v56 =	vld [tilespmem:s18+$0x3960];
	v33 =	vmul.f32 v53, v20;
	v32 =	vmul.f32 v54, v21;
	v20 =	vmovc v16;
	v21 =	vmov v18  }
0x34d: {  	v16 =	vld [tilespmem:s10+$0x50];
	v18 =	vmul.f32 v52, v20;
	v57 =	vmul.f32 v55, v21;
	v23 =	vadd.f32 v24, v23  }
0x34e: {  	v24 =	vld [tilespmem:s2+$0x3950];
	v32 =	vadd.f32 v32, v33;
	v26 =	vmul.f32 v26, v22;
	v22 =	vmov v15  }
0x34f: {  	v15 =	vld [tilespmem:s13+$0x3950];
	v18 =	vadd.f32 v57, v18;
	v31 =	vmul.f32 v31, v22;
	[tilespmem:s15+$0xFFFFFFA0] =	vst v23  }
0x350: {  	v25 =	vmul.f32 v25, v19;
	v19 =	vmov v17;
	v23 =	vld [tilespmem:s22+$0x3950];
	v26 =	vadd.f32 v26, v32  }
0x351: {  	v58 =	vld [tilespmem:s9+$0x3D30];
	v17 =	vadd.f32 v31, v18;
	v18 =	vmul.f32 v56, v19  }
0x352: {  	v31 =	vld [tilespmem:s30+$0x430];
	v25 =	vadd.f32 v25, v26  }
0x353: {  	v16 =	vmul.f32 v16, v27;
	v59 =	vld [tilespmem:s29+$0x3D60];
	v24 =	vmul.f32 v24, v28;
	v17 =	vadd.f32 v18, v17  }
0x354: {  	v18 =	vld [tilespmem:s31+$0x3D30];
	[tilespmem:s15+$0xF0] =	vst v25  }
0x355: {  	s20 =	smov.u32 s19;
	v26 =	vld [tilespmem:s11+$0x3D30];
	v15 =	vmul.f32 v15, v29;
	v16 =	vadd.f32 v24, v16;
	[tilespmem:s23+$0x60] =	vst v17  }
0x356: {  	v23 =	vmul.f32 v23, v30;
	v24 =	vld [tilespmem:s20+$0x70]  }
0x357: {  	s7 =	smov.u32 s28;
	v25 =	vmul.f32 v31, v12;
	v15 =	vadd.f32 v15, v16;
	v16 =	vld [tilespmem:s6+$0x3970];
	v31 =	vmul.f32 v58, v11  }
0x358: {  	v17 =	vld [tilespmem:s7+$0x460]  }
0x359: {  	v18 =	vmul.f32 v18, v13;
	v15 =	vadd.f32 v23, v15;
	v23 =	vld [tilespmem:s17+$0x3970];
	v25 =	vadd.f32 v31, v25  }
0x35a: {  	v31 =	vld [tilespmem:s8+$0x3D60]  }
0x35b: {  	v26 =	vmul.f32 v26, v14;
	[tilespmem:s23+$0xFFFFFF50] =	vst v15;
	v15 =	vld [tilespmem:s18+$0x3970];
	v18 =	vadd.f32 v18, v25  }
0x35c: {  	v25 =	vld [tilespmem:s10+$0x60];
	v24 =	vmul.f32 v24, v20;
	v16 =	vmul.f32 v16, v21  }
0x35d: {  	v17 =	vmul.f32 v17, v8;
	v60 =	vld [tilespmem:s2+$0x3960];
	v18 =	vadd.f32 v26, v18;
	v26 =	vmul.f32 v59, v7  }
0x35e: {  	v61 =	vld [tilespmem:s13+$0x3960];
	v16 =	vadd.f32 v16, v24;
	v23 =	vmul.f32 v23, v22  }
0x35f: {  	s26 =	sadd.s32 $0x2, s26;
	v24 =	vld [tilespmem:s22+$0x3960];
	[tilespmem:s15+$0xFFFFFFB0] =	vst v18;
	v17 =	vadd.f32 v26, v17  }
0x360: {  	p0 =	slt.u32 s26, $0x18;
	v18 =	vmul.f32 v31, v9;
	v16 =	vadd.f32 v23, v16;
	v23 =	vmul.f32 v15, v19;
	v62 =	vld [tilespmem:s30+$0x440]  }
.Ltmp5:
0x361: {  	[dreg:$0xd] =	wrdreg s29;
	v15 =	vld [tilespmem:s9+$0x3D40];
	v25 =	vmul.f32 v25, v27;
	(pc) =	sbr.rel @p0 .LBB2_10-.Ltmp5, $4  }
0x362: {  	[dreg:$0xe] =	wrdreg s8;
	v17 =	vadd.f32 v18, v17;
	v18 =	vmul.f32 v60, v28;
	v63 =	vadd.f32 v23, v16;
	v16 =	vld [tilespmem:s31+$0x3D40]  }
0x363: {  	[dreg:$0xf] =	wrdreg s0;
	v23 =	vld [tilespmem:s11+$0x3D40]  }
0x364: {  	s1 =	smov.u32 s22;
	s28 =	smov.u32 s3;
	s3 =	smov.u32 s13;
	v31 =	vmul.f32 v61, v29;
	v32 =	vadd.f32 v18, v25;
	v18 =	vld [tilespmem:s0+$0x3D60];
	[tilespmem:s23+$0x70] =	vst v63  }
0x365: {  	s29 =	smov.u32 s30;
	s8 =	smov.u32 s2;
	v26 =	vmul.f32 v24, v30;
	s0 =	rddreg [dreg:$0x11];
	v25 =	vld [tilespmem:s20+$0x400];
	v24 =	vmul.f32 v62, v12  }
0x366: {  	v31 =	vadd.f32 v31, v32;
	_ =	sdelay $0x1  }
0x367: {  	v26 =	vadd.f32 v26, v31  }
0x368: {  	v31 =	vld [tilespmem:s6+$0x3D00]  }
0x369: {  	v56 =	vld [tilespmem:s17+$0x3D00];
	[tilespmem:s23+$0xFFFFFF60] =	vst v26  }
0x36a: {  	v26 =	vld [tilespmem:s10+$0x70]  }
0x36b: {  	v33 =	vld [tilespmem:s8+$0x3970]  }
0x36c: {  	v34 =	vld [tilespmem:s18+$0x3D00]  }
0x36d: {  	v25 =	vmul.f32 v25, v20;
	v35 =	vld [tilespmem:s3+$0x3970];
	v31 =	vmul.f32 v31, v21;
	_ =	sdelay $0x1  }
0x36e: {  	v57 =	vld [tilespmem:s1+$0x3970];
	v25 =	vadd.f32 v31, v25;
	v31 =	vmul.f32 v56, v22  }
0x36f: {  	v26 =	vmul.f32 v26, v27;
	v33 =	vmul.f32 v33, v28  }
0x370: {  	v25 =	vadd.f32 v31, v25;
	v31 =	vmul.f32 v34, v19  }
0x371: {  	v58 =	vmul.f32 v35, v29;
	v26 =	vadd.f32 v33, v26  }
0x372: {  	v25 =	vadd.f32 v31, v25  }
0x373: {  	v31 =	vmul.f32 v57, v30;
	v26 =	vadd.f32 v58, v26  }
0x374: {  	[tilespmem:s23+$0x80] =	vst v25  }
0x375: {  	v25 =	vld [tilespmem:s20+$0x410];
	v26 =	vadd.f32 v31, v26  }
0x376: {  	v31 =	vld [tilespmem:s6+$0x3D10]  }
0x377: {  	v59 =	vld [tilespmem:s17+$0x3D10];
	[tilespmem:s23+$0xFFFFFF70] =	vst v26  }
0x378: {  	v26 =	vld [tilespmem:s10+$0x400]  }
0x379: {  	v60 =	vld [tilespmem:s8+$0x3D00]  }
0x37a: {  	v61 =	vld [tilespmem:s18+$0x3D10]  }
0x37b: {  	v62 =	vld [tilespmem:s3+$0x3D00];
	v25 =	vmul.f32 v25, v20;
	v31 =	vmul.f32 v31, v21;
	_ =	sdelay $0x1  }
0x37c: {  	v63 =	vld [tilespmem:s1+$0x3D00];
	v25 =	vadd.f32 v31, v25;
	v31 =	vmul.f32 v59, v22  }
0x37d: {  	v26 =	vmul.f32 v26, v27;
	v33 =	vmul.f32 v60, v28  }
0x37e: {  	v25 =	vadd.f32 v31, v25;
	v31 =	vmul.f32 v61, v19  }
0x37f: {  	v36 =	vmul.f32 v62, v29;
	v26 =	vadd.f32 v33, v26  }
0x380: {  	v25 =	vadd.f32 v31, v25  }
0x381: {  	v31 =	vmul.f32 v63, v30;
	v26 =	vadd.f32 v36, v26  }
0x382: {  	[tilespmem:s23+$0x90] =	vst v25  }
0x383: {  	v25 =	vld [tilespmem:s20+$0x420];
	v26 =	vadd.f32 v31, v26  }
0x384: {  	v31 =	vld [tilespmem:s6+$0x3D20]  }
0x385: {  	v37 =	vld [tilespmem:s17+$0x3D20];
	[tilespmem:s23+$0xFFFFFF80] =	vst v26  }
0x386: {  	v26 =	vld [tilespmem:s10+$0x410]  }
0x387: {  	v38 =	vld [tilespmem:s8+$0x3D10]  }
0x388: {  	v39 =	vld [tilespmem:s18+$0x3D20]  }
0x389: {  	v40 =	vld [tilespmem:s3+$0x3D10];
	v25 =	vmul.f32 v25, v20;
	v31 =	vmul.f32 v31, v21;
	_ =	sdelay $0x1  }
0x38a: {  	v41 =	vld [tilespmem:s1+$0x3D10];
	v25 =	vadd.f32 v31, v25;
	v31 =	vmul.f32 v37, v22  }
0x38b: {  	v26 =	vmul.f32 v26, v27;
	v33 =	vmul.f32 v38, v28  }
0x38c: {  	v25 =	vadd.f32 v31, v25;
	v31 =	vmul.f32 v39, v19  }
0x38d: {  	v42 =	vmul.f32 v40, v29;
	v26 =	vadd.f32 v33, v26  }
0x38e: {  	v25 =	vadd.f32 v31, v25  }
0x38f: {  	v31 =	vmul.f32 v41, v30;
	v26 =	vadd.f32 v42, v26  }
0x390: {  	[tilespmem:s23+$0xA0] =	vst v25  }
0x391: {  	v25 =	vld [tilespmem:s20+$0x430];
	v26 =	vadd.f32 v31, v26  }
0x392: {  	v31 =	vld [tilespmem:s6+$0x3D30]  }
0x393: {  	v43 =	vld [tilespmem:s17+$0x3D30];
	[tilespmem:s23+$0xFFFFFF90] =	vst v26  }
0x394: {  	v26 =	vld [tilespmem:s10+$0x420]  }
0x395: {  	v44 =	vld [tilespmem:s8+$0x3D20]  }
0x396: {  	v46 =	vld [tilespmem:s3+$0x3D20]  }
0x397: {  	v45 =	vld [tilespmem:s18+$0x3D30];
	v25 =	vmul.f32 v25, v20;
	v31 =	vmul.f32 v31, v21;
	_ =	sdelay $0x1  }
0x398: {  	v47 =	vld [tilespmem:s1+$0x3D20];
	v25 =	vadd.f32 v31, v25;
	v31 =	vmul.f32 v43, v22  }
0x399: {  	v26 =	vmul.f32 v26, v27;
	v33 =	vmul.f32 v44, v28  }
0x39a: {  	v48 =	vmul.f32 v46, v29  }
0x39b: {  	v25 =	vadd.f32 v31, v25;
	v31 =	vmul.f32 v45, v19;
	v26 =	vadd.f32 v33, v26;
	_ =	sdelay $0x1  }
0x39c: {  	v25 =	vadd.f32 v31, v25;
	v31 =	vmul.f32 v47, v30;
	v26 =	vadd.f32 v48, v26;
	_ =	sdelay $0x1  }
0x39d: {  	[tilespmem:s23+$0xB0] =	vst v25;
	v25 =	vadd.f32 v31, v26  }
0x39e: {  	v26 =	vld [tilespmem:s20+$0x440]  }
0x39f: {  	v31 =	vld [tilespmem:s6+$0x3D40];
	[tilespmem:s23+$0xFFFFFFA0] =	vst v25  }
0x3a0: {  	v25 =	vld [tilespmem:s10+$0x430]  }
0x3a1: {  	v49 =	vld [tilespmem:s8+$0x3D30]  }
0x3a2: {  	v50 =	vld [tilespmem:s17+$0x3D40]  }
0x3a3: {  	v51 =	vld [tilespmem:s3+$0x3D30]  }
0x3a4: {  	v52 =	vld [tilespmem:s18+$0x3D40]  }
0x3a5: {  	v36 =	vld [tilespmem:s1+$0x3D30];
	v26 =	vmul.f32 v26, v20;
	v31 =	vmul.f32 v31, v21  }
0x3a6: {  	v25 =	vmul.f32 v25, v27;
	v32 =	vmul.f32 v49, v28  }
0x3a7: {  	v26 =	vadd.f32 v31, v26;
	v31 =	vmul.f32 v50, v22  }
0x3a8: {  	v53 =	vmul.f32 v51, v29;
	v25 =	vadd.f32 v32, v25  }
0x3a9: {  	v26 =	vadd.f32 v31, v26;
	v31 =	vmul.f32 v52, v19  }
0x3aa: {  	v54 =	vmul.f32 v36, v30;
	v25 =	vadd.f32 v53, v25  }
0x3ab: {  	v26 =	vadd.f32 v31, v26  }
0x3ac: {  	v25 =	vadd.f32 v54, v25  }
0x3ad: {  	[tilespmem:s23+$0xC0] =	vst v26  }
0x3ae: {  	v26 =	vld [tilespmem:s20+$0x450];
	[tilespmem:s23+$0xFFFFFFB0] =	vst v25  }
0x3af: {  	v25 =	vld [tilespmem:s10+$0x440]  }
0x3b0: {  	v15 =	vmul.f32 v15, v11;
	v31 =	vld [tilespmem:s8+$0x3D40]  }
0x3b1: {  	v55 =	vld [tilespmem:s6+$0x3D50]  }
0x3b2: {  	v16 =	vmul.f32 v16, v13;
	v15 =	vadd.f32 v15, v24;
	v56 =	vld [tilespmem:s3+$0x3D40]  }
0x3b3: {  	v24 =	vld [tilespmem:s17+$0x3D50]  }
0x3b4: {  	v23 =	vmul.f32 v23, v14;
	v15 =	vadd.f32 v16, v15;
	v57 =	vld [tilespmem:s1+$0x3D40]  }
0x3b5: {  	v16 =	vmul.f32 v25, v27;
	v25 =	vmul.f32 v31, v28  }
0x3b6: {  	v15 =	vadd.f32 v23, v15;
	v26 =	vmul.f32 v26, v20;
	v31 =	vld [tilespmem:s18+$0x3D50]  }
0x3b7: {  	v32 =	vmul.f32 v55, v21;
	v23 =	vmul.f32 v56, v29;
	v16 =	vadd.f32 v25, v16  }
0x3b8: {  	[tilespmem:s15+$0xFFFFFFC0] =	vst v15;
	v15 =	vmul.f32 v24, v22  }
0x3b9: {  	v24 =	vmul.f32 v57, v30;
	v25 =	vadd.f32 v32, v26;
	v16 =	vadd.f32 v23, v16  }
0x3ba: {  	v26 =	vld [tilespmem:s9+$0x3D50]  }
0x3bb: {  	v23 =	vld [tilespmem:s29+$0x450];
	v15 =	vadd.f32 v15, v25;
	v25 =	vmul.f32 v31, v19;
	v16 =	vadd.f32 v24, v16  }
0x3bc: {  	v31 =	vld [tilespmem:s11+$0x3D50]  }
0x3bd: {  	v24 =	vld [tilespmem:s31+$0x3D50];
	v15 =	vadd.f32 v25, v15;
	[tilespmem:s23+$0xFFFFFFC0] =	vst v16  }
0x3be: {  	v16 =	vld [tilespmem:s10+$0x450]  }
0x3bf: {  	[tilespmem:s23+$0xD0] =	vst v15;
	v15 =	vld [tilespmem:s8+$0x3D50]  }
0x3c0: {  	v58 =	vld [tilespmem:s3+$0x3D50]  }
0x3c1: {  	v26 =	vmul.f32 v26, v11;
	v23 =	vmul.f32 v23, v12;
	v25 =	vld [tilespmem:s20+$0x460]  }
0x3c2: {  	v59 =	vld [tilespmem:s6+$0x3D60]  }
0x3c3: {  	v23 =	vadd.f32 v26, v23;
	v24 =	vmul.f32 v24, v13;
	v26 =	vld [tilespmem:s1+$0x3D50]  }
0x3c4: {  	v61 =	vld [tilespmem:s4+$0x3D70];
	v16 =	vmul.f32 v16, v27;
	v15 =	vmul.f32 v15, v28  }
0x3c5: {  	s5 =	rddreg [dreg:$0xc];
	v31 =	vmul.f32 v31, v14;
	v23 =	vadd.f32 v24, v23;
	v24 =	vld [tilespmem:s17+$0x3D60]  }
0x3c6: {  	v60 =	vld [tilespmem:s5+$0x470];
	v15 =	vadd.f32 v15, v16;
	v16 =	vmul.f32 v58, v29  }
0x3c7: {  	s2 =	rddreg [dreg:$0x10];
	v23 =	vadd.f32 v31, v23;
	v31 =	vld [tilespmem:s18+$0x3D60];
	v25 =	vmul.f32 v25, v20  }
0x3c8: {  	v62 =	vld [tilespmem:s2+$0x3D70];
	v33 =	vmul.f32 v59, v21;
	v26 =	vmul.f32 v26, v30;
	v15 =	vadd.f32 v16, v15  }
0x3c9: {  	[tilespmem:s15+$0xFFFFFFD0] =	vst v23;
	v16 =	vld [tilespmem:s0+$0x3D70]  }
0x3ca: {  	v23 =	vadd.f32 v33, v25;
	v24 =	vmul.f32 v24, v22;
	v25 =	vld [tilespmem:s29+$0x460];
	v15 =	vadd.f32 v26, v15  }
0x3cb: {  	v26 =	vld [tilespmem:s9+$0x3D60]  }
0x3cc: {  	v23 =	vadd.f32 v24, v23;
	v24 =	vmul.f32 v31, v19;
	v31 =	vld [tilespmem:s31+$0x3D60];
	[tilespmem:s23+$0xFFFFFFD0] =	vst v15  }
0x3cd: {  	v15 =	vld [tilespmem:s10+$0x460]  }
0x3ce: {  	v23 =	vadd.f32 v24, v23;
	v24 =	vld [tilespmem:s8+$0x3D60]  }
0x3cf: {  	v18 =	vmul.f32 v18, v10;
	v63 =	vld [tilespmem:s11+$0x3D60]  }
0x3d0: {  	[tilespmem:s23+$0xE0] =	vst v23;
	v23 =	vmul.f32 v25, v12;
	v25 =	vmul.f32 v26, v11;
	v26 =	vld [tilespmem:s3+$0x3D60]  }
0x3d1: {  	v40 =	vld [tilespmem:s20+$0x470]  }
0x3d2: {  	v17 =	vadd.f32 v18, v17;
	v18 =	vadd.f32 v25, v23;
	v23 =	vmul.f32 v31, v13;
	v25 =	vld [tilespmem:s1+$0x3D60]  }
0x3d3: {  	v37 =	vld [tilespmem:s17+$0x3D70];
	v15 =	vmul.f32 v15, v27;
	v24 =	vmul.f32 v24, v28  }
0x3d4: {  	[tilespmem:s28+$0xFFFFFFE0] =	vst v17;
	v31 =	vld [tilespmem:s6+$0x3D70];
	v17 =	vadd.f32 v23, v18;
	v18 =	vmul.f32 v63, v14  }
0x3d5: {  	s2 =	rddreg [dreg:$0xd];
	v23 =	vld [tilespmem:s7+$0x470];
	v15 =	vadd.f32 v24, v15;
	v24 =	vmul.f32 v26, v29  }
0x3d6: {  	s4 =	rddreg [dreg:$0xe];
	v26 =	vld [tilespmem:s2+$0x3D70];
	v17 =	vadd.f32 v18, v17  }
0x3d7: {  	s5 =	rddreg [dreg:$0xf];
	v18 =	vld [tilespmem:s4+$0x3D70];
	v15 =	vadd.f32 v24, v15;
	v24 =	vmul.f32 v25, v30  }
0x3d8: {  	v25 =	vld [tilespmem:s5+$0x3D70];
	[tilespmem:s15+$0xFFFFFFE0] =	vst v17  }
0x3d9: {  	v4 =	vmul.f32 v61, v4;
	v3 =	vmul.f32 v60, v3;
	v17 =	vld [tilespmem:s29+$0x470];
	v15 =	vadd.f32 v24, v15  }
0x3da: {  	v24 =	vld [tilespmem:s9+$0x3D70]  }
0x3db: {  	v6 =	vmul.f32 v62, v6;
	v3 =	vadd.f32 v4, v3;
	v41 =	vld [tilespmem:s31+$0x3D70];
	[tilespmem:s23+$0xFFFFFFE0] =	vst v15  }
0x3dc: {  	v5 =	vmul.f32 v16, v5;
	v15 =	vld [tilespmem:s10+$0x470]  }
0x3dd: {  	v3 =	vadd.f32 v6, v3;
	v4 =	vmul.f32 v40, v20;
	v22 =	vmul.f32 v37, v22;
	v16 =	vld [tilespmem:s8+$0x3D70]  }
0x3de: {  	v21 =	vmul.f32 v31, v21;
	v31 =	vld [tilespmem:s11+$0x3D70];
	v6 =	vmul.f32 v23, v8  }
0x3df: {  	v3 =	vadd.f32 v5, v3;
	v7 =	vmul.f32 v26, v7;
	v5 =	vmul.f32 v18, v9;
	v8 =	vld [tilespmem:s3+$0x3D70]  }
0x3e0: {  	v12 =	vmul.f32 v17, v12;
	v11 =	vmul.f32 v24, v11;
	v17 =	vld [tilespmem:s18+$0x3D70]  }
0x3e1: {  	v9 =	vmul.f32 v25, v10;
	v10 =	vld [tilespmem:s1+$0x3D70];
	v6 =	vadd.f32 v7, v6;
	v7 =	vmul.f32 v41, v13  }
0x3e2: {  	v11 =	vadd.f32 v11, v12;
	v12 =	vmul.f32 v15, v27;
	v13 =	vmul.f32 v16, v28  }
0x3e3: {  	v4 =	vadd.f32 v21, v4;
	s6 =	sld [smem:$0x7EC];
	v5 =	vadd.f32 v5, v6;
	v6 =	vmul.f32 v31, v14  }
0x3e4: {  	v8 =	vmul.f32 v8, v29;
	v7 =	vadd.f32 v7, v11;
	v11 =	vadd.f32 v13, v12  }
0x3e5: {  	v4 =	vadd.f32 v22, v4;
	v5 =	vadd.f32 v9, v5;
	v12 =	vmul.f32 v17, v19  }
0x3e6: {  	[tilespmem:s25+$0xFFFFFFF0] =	vst v3;
	s9 =	sadd.s32 $0x4E, s6;
	v3 =	vmul.f32 v10, v30;
	v6 =	vadd.f32 v6, v7;
	v7 =	vadd.f32 v8, v11  }
0x3e7: {  	v20 =	vmov s9;
	[tilespmem:s28+$0xFFFFFFF0] =	vst v5;
	v4 =	vadd.f32 v12, v4  }
0x3e8: {  	s10 =	sadd.s32 $0x1D, s6;
	v8 =	vand.u32 $0xFFFFFFFE, v20;
	[tilespmem:s15+$0xFFFFFFF0] =	vst v6;
	v3 =	vadd.f32 v3, v7  }
0x3e9: {  	v23 =	vmov s10;
	v5 =	vbroadcast v8, $0x0;
	[tilespmem:s23+$0xF0] =	vst v4  }
0x3ea: {  	[tilespmem:s23+$0xFFFFFFF0] =	vst v3  }
0x3eb: {  	s11 =	sadd.s32 $0xB0, s6;
	s13 =	sld [smem:$0x7EB]  }
0x3ec: {  	s12 =	sadd.s32 $0x7F, s6;
	v4 =	vmov s11;
	s14 =	sld [smem:$0x7ED]  }
0x3ed: {  	s29 =	simm.s32 $0x2000;
	v4 =	vand.u32 $0xFFFFFFFE, v4;
	v3 =	vmov s12;
	s5 =	sld [smem:$0x7F4]  }
0x3ee: {  	v4 =	vbroadcast v4, $0x0;
	v19 =	vld.idx.msk [tilespmem:v23+s29+$0x0], $0xffff  }
0x3ef: {  	v18 =	vld.idx.msk [tilespmem:v5+s29+$0x0], $0xffff  }
0x3f0: {  	s8 =	sld [smem:$0x7F5];
	s11 =	sor.u32 s14, s13;
	v5 =	vld [tilespmem:s5+$0xA100]  }
0x3f1: {  	v6 =	vld [tilespmem:s11+$0xA180]  }
0x3f2: {  	s7 =	sld [smem:$0x7F6];
	v15 =	vld.idx.msk [tilespmem:v3+s29+$0x0], $0xffff  }
0x3f3: {  	v3 =	vld [tilespmem:s8+$0xA100]  }
0x3f4: {  	v16 =	vld.idx.msk [tilespmem:v4+s29+$0x0], $0xffff  }
0x3f5: {  	v4 =	vld [tilespmem:s7+$0xA100]  }
0x3f6: {  	v5 =	vmul.f32 v5, v18;
	v6 =	vmul.f32 v6, v19;
	_ =	sdelay $0x1  }
0x3f7: {  	v3 =	vmul.f32 v3, v15;
	v5 =	vadd.f32 v5, v6;
	_ =	sdelay $0x1  }
0x3f8: {  	v4 =	vmul.f32 v4, v16;
	v3 =	vadd.f32 v3, v5;
	_ =	sdelay $0x1  }
0x3f9: {  	v3 =	vadd.f32 v4, v3  }
0x3fa: {  	s19 =	simm.s32 $0x124F0;
	s17 =	sadd.s32 $0x7E, s6;
	s15 =	sadd.s32 $0x1C, s6  }
0x3fb: {  	v6 =	vmov s17;
	v4 =	vmov s15;
	[tilespmem:s19+$0xFFFFFF10] =	vst v3  }
0x3fc: {  	v6 =	vand.u32 $0xFFFFFFFE, v6;
	v3 =	vand.u32 $0xFFFFFFFE, v4;
	v4 =	vld [tilespmem:s11+$0xA190]  }
0x3fd: {  	v6 =	vbroadcast v6, $0x0;
	v5 =	vld [tilespmem:s5+$0xA110]  }
0x3fe: {  	s16 =	sadd.s32 $0x4D, s6  }
0x3ff: {  	v7 =	vmov s16;
	v8 =	vld [tilespmem:s8+$0xA110]  }
0x400: {  	v3 =	vbroadcast v3, $0x0  }
0x401: {  	v9 =	vld [tilespmem:s7+$0xA110]  }
0x402: {  	v10 =	vmul.f32 v4, v19;
	v5 =	vmul.f32 v5, v18  }
0x403: {  	s18 =	sadd.s32 $0xAF, s6;
	v6 =	vld.idx.msk [tilespmem:v6+s29+$0x0], $0xffff  }
0x404: {  	v11 =	vmov s18;
	v4 =	vld.idx.msk [tilespmem:v7+s29+$0x0], $0xffff;
	v7 =	vmul.f32 v8, v15;
	v5 =	vadd.f32 v5, v10  }
0x405: {  	v8 =	vld [tilespmem:s11+$0xA100]  }
0x406: {  	s17 =	rddreg [dreg:$0x7];
	v3 =	vld.idx.msk [tilespmem:v3+s29+$0x0], $0xffff;
	v5 =	vadd.f32 v7, v5;
	v7 =	vmul.f32 v9, v16  }
0x407: {  	s24 =	rddreg [dreg:$0x8];
	v10 =	vld [tilespmem:s17+$0xA100]  }
0x408: {  	v9 =	vld [tilespmem:s24+$0xA100];
	v7 =	vadd.f32 v7, v5  }
0x409: {  	s25 =	rddreg [dreg:$0x1a];
	v5 =	vld.idx.msk [tilespmem:v11+s29+$0x0], $0xffff  }
0x40a: {  	v11 =	vld [tilespmem:s25+$0xA100];
	[tilespmem:s19+$0xFFFFFF20] =	vst v7  }
0x40b: {  	v7 =	vld [tilespmem:s11+$0xA1A0]  }
0x40c: {  	v8 =	vmul.f32 v8, v3;
	v10 =	vmul.f32 v10, v4;
	v12 =	vld [tilespmem:s5+$0xA120];
	_ =	sdelay $0x1  }
0x40d: {  	v8 =	vadd.f32 v10, v8;
	v9 =	vmul.f32 v9, v6;
	v10 =	vld [tilespmem:s8+$0xA120];
	_ =	sdelay $0x1  }
0x40e: {  	v8 =	vadd.f32 v9, v8;
	v9 =	vmul.f32 v11, v5;
	v11 =	vld [tilespmem:s7+$0xA120]  }
0x40f: {  	v7 =	vmul.f32 v7, v19;
	v12 =	vmul.f32 v12, v18  }
0x410: {  	v8 =	vadd.f32 v9, v8  }
0x411: {  	v9 =	vmul.f32 v10, v15;
	v7 =	vadd.f32 v12, v7  }
0x412: {  	[tilespmem:s19+$0xFFFFFE10] =	vst v8  }
0x413: {  	v8 =	vld [tilespmem:s11+$0xA110];
	v7 =	vadd.f32 v9, v7;
	v9 =	vmul.f32 v11, v16  }
0x414: {  	v10 =	vld [tilespmem:s17+$0xA110]  }
0x415: {  	v7 =	vadd.f32 v9, v7  }
0x416: {  	v9 =	vld [tilespmem:s24+$0xA110]  }
0x417: {  	v11 =	vld [tilespmem:s25+$0xA110];
	[tilespmem:s19+$0xFFFFFF30] =	vst v7  }
0x418: {  	v7 =	vld [tilespmem:s11+$0xA1B0]  }
0x419: {  	v8 =	vmul.f32 v8, v3;
	v10 =	vmul.f32 v10, v4;
	v12 =	vld [tilespmem:s5+$0xA130];
	_ =	sdelay $0x1  }
0x41a: {  	v8 =	vadd.f32 v10, v8;
	v10 =	vld [tilespmem:s8+$0xA130];
	v9 =	vmul.f32 v9, v6;
	_ =	sdelay $0x1  }
0x41b: {  	v11 =	vmul.f32 v11, v5;
	v8 =	vadd.f32 v9, v8;
	v9 =	vld [tilespmem:s7+$0xA130]  }
0x41c: {  	v7 =	vmul.f32 v7, v19;
	v12 =	vmul.f32 v12, v18  }
0x41d: {  	v8 =	vadd.f32 v11, v8  }
0x41e: {  	v10 =	vmul.f32 v10, v15;
	v7 =	vadd.f32 v12, v7  }
0x41f: {  	[tilespmem:s19+$0xFFFFFE20] =	vst v8  }
0x420: {  	v8 =	vld [tilespmem:s11+$0xA120];
	v7 =	vadd.f32 v10, v7;
	v9 =	vmul.f32 v9, v16  }
0x421: {  	v10 =	vld [tilespmem:s17+$0xA120]  }
0x422: {  	v7 =	vadd.f32 v9, v7  }
0x423: {  	v9 =	vld [tilespmem:s24+$0xA120]  }
0x424: {  	v11 =	vld [tilespmem:s25+$0xA120];
	[tilespmem:s19+$0xFFFFFF40] =	vst v7  }
0x425: {  	v7 =	vld [tilespmem:s11+$0xA1C0]  }
0x426: {  	v8 =	vmul.f32 v8, v3;
	v10 =	vmul.f32 v10, v4;
	v12 =	vld [tilespmem:s5+$0xA140];
	_ =	sdelay $0x1  }
0x427: {  	v13 =	vld [tilespmem:s8+$0xA140];
	v9 =	vmul.f32 v9, v6;
	v8 =	vadd.f32 v10, v8;
	_ =	sdelay $0x1  }
0x428: {  	v10 =	vmul.f32 v11, v5;
	v8 =	vadd.f32 v9, v8;
	v9 =	vld [tilespmem:s7+$0xA140]  }
0x429: {  	v7 =	vmul.f32 v7, v19;
	v11 =	vmul.f32 v12, v18  }
0x42a: {  	v8 =	vadd.f32 v10, v8  }
0x42b: {  	v10 =	vmul.f32 v13, v15;
	v7 =	vadd.f32 v11, v7  }
0x42c: {  	[tilespmem:s19+$0xFFFFFE30] =	vst v8  }
0x42d: {  	v8 =	vld [tilespmem:s11+$0xA130];
	v9 =	vmul.f32 v9, v16;
	v7 =	vadd.f32 v10, v7  }
0x42e: {  	v10 =	vld [tilespmem:s17+$0xA130]  }
0x42f: {  	v7 =	vadd.f32 v9, v7  }
0x430: {  	v9 =	vld [tilespmem:s24+$0xA130]  }
0x431: {  	[tilespmem:s19+$0xFFFFFF50] =	vst v7  }
0x432: {  	v7 =	vld [tilespmem:s11+$0xA1D0]  }
0x433: {  	v8 =	vmul.f32 v8, v3;
	v10 =	vmul.f32 v10, v4;
	v12 =	vld [tilespmem:s5+$0xA150];
	_ =	sdelay $0x1  }
0x434: {  	v9 =	vmul.f32 v9, v6;
	v8 =	vadd.f32 v10, v8;
	v10 =	vld [tilespmem:s8+$0xA150];
	_ =	sdelay $0x1  }
0x435: {  	v8 =	vadd.f32 v9, v8;
	v9 =	vld [tilespmem:s7+$0xA150]  }
0x436: {  	v7 =	vmul.f32 v7, v19;
	v12 =	vmul.f32 v12, v18;
	_ =	sdelay $0x1  }
0x437: {  	v7 =	vadd.f32 v12, v7;
	v10 =	vmul.f32 v10, v15;
	_ =	sdelay $0x1  }
0x438: {  	v7 =	vadd.f32 v10, v7;
	v9 =	vmul.f32 v9, v16  }
0x439: {  	v11 =	vld [tilespmem:s25+$0xA130]  }
0x43a: {  	v7 =	vadd.f32 v9, v7;
	_ =	sdelay $0x1  }
0x43b: {  	[tilespmem:s19+$0xFFFFFF60] =	vst v7  }
0x43c: {  	v7 =	vld [tilespmem:s11+$0xA1E0]  }
0x43d: {  	v11 =	vmul.f32 v11, v5;
	v12 =	vld [tilespmem:s5+$0xA160];
	_ =	sdelay $0x1  }
0x43e: {  	v8 =	vadd.f32 v11, v8;
	v13 =	vld [tilespmem:s8+$0xA160];
	_ =	sdelay $0x1  }
0x43f: {  	[tilespmem:s19+$0xFFFFFE40] =	vst v8;
	v14 =	vld [tilespmem:s7+$0xA160]  }
0x440: {  	v8 =	vld [tilespmem:s11+$0xA140];
	v7 =	vmul.f32 v7, v19;
	v12 =	vmul.f32 v12, v18  }
0x441: {  	v10 =	vld [tilespmem:s17+$0xA140]  }
0x442: {  	v7 =	vadd.f32 v12, v7;
	v12 =	vmul.f32 v13, v15  }
0x443: {  	v11 =	vld [tilespmem:s24+$0xA140]  }
0x444: {  	v7 =	vadd.f32 v12, v7;
	v12 =	vmul.f32 v14, v16  }
0x445: {  	v9 =	vld [tilespmem:s25+$0xA140]  }
0x446: {  	v8 =	vmul.f32 v8, v3;
	v10 =	vmul.f32 v10, v4;
	v7 =	vadd.f32 v12, v7;
	_ =	sdelay $0x1  }
0x447: {  	v11 =	vmul.f32 v11, v6;
	v8 =	vadd.f32 v10, v8;
	[tilespmem:s19+$0xFFFFFF70] =	vst v7  }
0x448: {  	v7 =	vld [tilespmem:s11+$0xA1F0]  }
0x449: {  	v9 =	vmul.f32 v9, v5;
	v8 =	vadd.f32 v11, v8;
	v10 =	vld [tilespmem:s5+$0xA170];
	_ =	sdelay $0x1  }
0x44a: {  	v8 =	vadd.f32 v9, v8;
	v9 =	vld [tilespmem:s8+$0xA170];
	_ =	sdelay $0x1  }
0x44b: {  	[tilespmem:s19+$0xFFFFFE50] =	vst v8;
	v8 =	vld [tilespmem:s7+$0xA170]  }
0x44c: {  	v7 =	vmul.f32 v7, v19;
	v10 =	vmul.f32 v10, v18  }
0x44d: {  	v11 =	vld [tilespmem:s11+$0xA150]  }
0x44e: {  	v12 =	vld [tilespmem:s17+$0xA150];
	v9 =	vmul.f32 v9, v15;
	v7 =	vadd.f32 v10, v7;
	_ =	sdelay $0x1  }
0x44f: {  	v8 =	vmul.f32 v8, v16;
	v10 =	vld [tilespmem:s24+$0xA150];
	v7 =	vadd.f32 v9, v7;
	_ =	sdelay $0x1  }
0x450: {  	v9 =	vld [tilespmem:s25+$0xA150];
	v7 =	vadd.f32 v8, v7  }
0x451: {  	v11 =	vmul.f32 v11, v3;
	v12 =	vmul.f32 v12, v4  }
0x452: {  	[tilespmem:s19+$0xFFFFFF80] =	vst v7  }
0x453: {  	v8 =	vmul.f32 v10, v6;
	v10 =	vadd.f32 v12, v11;
	s20 =	sld [smem:$0x7F1]  }
0x454: {  	v7 =	vld [tilespmem:s11+$0xA580]  }
0x455: {  	v9 =	vmul.f32 v9, v5;
	v8 =	vadd.f32 v8, v10;
	v10 =	vld [tilespmem:s5+$0xA500]  }
0x456: {  	s21 =	sadd.s32 $0x4E, s20  }
0x457: {  	v12 =	vld [tilespmem:s8+$0xA500];
	v8 =	vadd.f32 v9, v8;
	s22 =	sadd.s32 $0x7F, s20;
	v11 =	vmov s21  }
0x458: {  	v9 =	vmov s22;
	v11 =	vand.u32 $0xFFFFFFFE, v11  }
0x459: {  	s23 =	sadd.s32 $0x1D, s20;
	[tilespmem:s19+$0xFFFFFE60] =	vst v8;
	v8 =	vbroadcast v11, $0x0;
	v11 =	vld [tilespmem:s7+$0xA500]  }
0x45a: {  	s26 =	sadd.s32 $0xB0, s20;
	v13 =	vmov s23;
	v7 =	vmul.f32 v7, v19;
	v10 =	vmul.f32 v10, v18;
	s28 =	sld [smem:$0x7EE]  }
0x45b: {  	v17 =	vmov s26;
	v14 =	vld [tilespmem:s11+$0xA160];
	s3 =	sld [smem:$0x7F8]  }
0x45c: {  	v20 =	vld [tilespmem:s17+$0xA160];
	v17 =	vand.u32 $0xFFFFFFFE, v17;
	s31 =	sld [smem:$0x7F0];
	v7 =	vadd.f32 v10, v7;
	v10 =	vmul.f32 v12, v15  }
0x45d: {  	v27 =	vld.idx.msk [tilespmem:v9+s29+$0x0], $0xffff;
	v9 =	vbroadcast v17, $0x0  }
0x45e: {  	v12 =	vld [tilespmem:s3+$0xA100];
	v7 =	vadd.f32 v10, v7;
	v10 =	vmul.f32 v11, v16  }
0x45f: {  	s4 =	sld [smem:$0x7F7];
	s18 =	sor.u32 s31, s28;
	v28 =	vld.idx.msk [tilespmem:v13+s29+$0x0], $0xffff  }
0x460: {  	v11 =	vld [tilespmem:s18+$0xA180];
	v7 =	vadd.f32 v10, v7  }
0x461: {  	v30 =	vld.idx.msk [tilespmem:v8+s29+$0x0], $0xffff  }
0x462: {  	s2 =	sadd.s32 $0x1C, s20;
	v8 =	vld [tilespmem:s4+$0xA100];
	[tilespmem:s19+$0xFFFFFF90] =	vst v7  }
0x463: {  	v10 =	vmov s2;
	v29 =	vld.idx.msk [tilespmem:v9+s29+$0x0], $0xffff;
	s12 =	sld [smem:$0x7F9]  }
0x464: {  	v7 =	vand.u32 $0xFFFFFFFE, v10;
	v9 =	vld [tilespmem:s11+$0xA590]  }
0x465: {  	s10 =	sadd.s32 $0x4D, s20;
	v7 =	vbroadcast v7, $0x0;
	v10 =	vld [tilespmem:s5+$0xA510]  }
0x466: {  	s9 =	sadd.s32 $0x7E, s20;
	v21 =	vmov s10;
	v17 =	vld [tilespmem:s12+$0xA100]  }
0x467: {  	v13 =	vmov s9;
	v11 =	vmul.f32 v11, v28;
	v22 =	vld [tilespmem:s8+$0xA510];
	v8 =	vmul.f32 v8, v30  }
0x468: {  	v23 =	vld [tilespmem:s24+$0xA160];
	v13 =	vand.u32 $0xFFFFFFFE, v13  }
0x469: {  	v13 =	vbroadcast v13, $0x0;
	v8 =	vadd.f32 v8, v11;
	v11 =	vmul.f32 v12, v27;
	v12 =	vld [tilespmem:s7+$0xA510]  }
0x46a: {  	v24 =	vld [tilespmem:s25+$0xA160];
	v25 =	vmul.f32 v9, v19;
	v10 =	vmul.f32 v10, v18  }
0x46b: {  	v9 =	vld.idx.msk [tilespmem:v7+s29+$0x0], $0xffff;
	v7 =	vadd.f32 v11, v8;
	v11 =	vmul.f32 v17, v29  }
0x46c: {  	v8 =	vld.idx.msk [tilespmem:v21+s29+$0x0], $0xffff;
	v10 =	vadd.f32 v10, v25;
	v17 =	vmul.f32 v22, v15  }
0x46d: {  	s15 =	rddreg [dreg:$0x9];
	v21 =	vld [tilespmem:s18+$0xA100];
	v11 =	vadd.f32 v11, v7  }
0x46e: {  	s26 =	simm.s32 $0x126F0;
	v22 =	vld [tilespmem:s15+$0xA100];
	v12 =	vmul.f32 v12, v16;
	v10 =	vadd.f32 v17, v10  }
0x46f: {  	v7 =	vld.idx.msk [tilespmem:v13+s29+$0x0], $0xffff;
	[tilespmem:s26+$0xFFFFFF10] =	vst v11  }
0x470: {  	v10 =	vadd.f32 v12, v10;
	v11 =	vld [tilespmem:s18+$0xA190]  }
0x471: {  	v13 =	vmul.f32 v14, v3;
	v14 =	vmul.f32 v20, v4;
	v12 =	vld [tilespmem:s4+$0xA110]  }
0x472: {  	v17 =	vld [tilespmem:s3+$0xA110];
	[tilespmem:s19+$0xFFFFFFA0] =	vst v10  }
0x473: {  	s13 =	sadd.s32 $0xAF, s20;
	v13 =	vadd.f32 v14, v13;
	v10 =	vmul.f32 v23, v6;
	v20 =	vld [tilespmem:s11+$0xA5A0]  }
0x474: {  	v14 =	vmov s13;
	v23 =	vld [tilespmem:s5+$0xA520]  }
0x475: {  	v24 =	vmul.f32 v24, v5;
	v25 =	vld [tilespmem:s12+$0xA110];
	v10 =	vadd.f32 v10, v13  }
0x476: {  	s6 =	rddreg [dreg:$0xa];
	v13 =	vld [tilespmem:s8+$0xA520];
	v11 =	vmul.f32 v11, v28;
	v12 =	vmul.f32 v12, v30  }
0x477: {  	v26 =	vld [tilespmem:s6+$0xA100];
	v24 =	vadd.f32 v24, v10  }
0x478: {  	v11 =	vadd.f32 v12, v11;
	v12 =	vmul.f32 v17, v27;
	v17 =	vld [tilespmem:s7+$0xA520]  }
0x479: {  	v10 =	vld.idx.msk [tilespmem:v14+s29+$0x0], $0xffff;
	v14 =	vmul.f32 v20, v19;
	v20 =	vmul.f32 v23, v18;
	[tilespmem:s19+$0xFFFFFE70] =	vst v24  }
0x47a: {  	s31 =	rddreg [dreg:$0x1b];
	v24 =	vld [tilespmem:s11+$0xA170];
	v11 =	vadd.f32 v12, v11;
	v12 =	vmul.f32 v25, v29  }
0x47b: {  	v13 =	vmul.f32 v13, v15;
	v23 =	vld [tilespmem:s31+$0xA100];
	v14 =	vadd.f32 v20, v14  }
0x47c: {  	v20 =	vmul.f32 v21, v9;
	v21 =	vld [tilespmem:s17+$0xA170];
	v11 =	vadd.f32 v12, v11  }
0x47d: {  	v12 =	vmul.f32 v22, v8;
	v22 =	vld [tilespmem:s24+$0xA170];
	v13 =	vadd.f32 v13, v14;
	v14 =	vmul.f32 v17, v16  }
0x47e: {  	v17 =	vld [tilespmem:s25+$0xA170];
	[tilespmem:s26+$0xFFFFFF20] =	vst v11  }
0x47f: {  	v11 =	vadd.f32 v12, v20;
	v12 =	vmul.f32 v26, v7;
	v20 =	vld [tilespmem:s18+$0xA1A0];
	v13 =	vadd.f32 v14, v13  }
0x480: {  	v14 =	vld [tilespmem:s4+$0xA120]  }
0x481: {  	v11 =	vadd.f32 v12, v11;
	v12 =	vmul.f32 v23, v10;
	v23 =	vld [tilespmem:s3+$0xA120];
	[tilespmem:s19+$0xFFFFFFB0] =	vst v13  }
0x482: {  	v13 =	vmul.f32 v24, v3;
	v24 =	vld [tilespmem:s11+$0xA5B0]  }
0x483: {  	v21 =	vmul.f32 v21, v4;
	v11 =	vadd.f32 v12, v11;
	v12 =	vld [tilespmem:s5+$0xA530]  }
0x484: {  	v22 =	vmul.f32 v22, v6  }
0x485: {  	v13 =	vadd.f32 v21, v13;
	[tilespmem:s26+$0xFFFFFE10] =	vst v11;
	v11 =	vmul.f32 v20, v28;
	v14 =	vmul.f32 v14, v30;
	v20 =	vld [tilespmem:s8+$0xA530]  }
0x486: {  	v17 =	vmul.f32 v17, v5;
	v21 =	vld [tilespmem:s12+$0xA120]  }
0x487: {  	v13 =	vadd.f32 v22, v13;
	v11 =	vadd.f32 v14, v11;
	v14 =	vmul.f32 v23, v27;
	v23 =	vld [tilespmem:s7+$0xA530]  }
0x488: {  	v22 =	vld [tilespmem:s18+$0xA110];
	v24 =	vmul.f32 v24, v19;
	v12 =	vmul.f32 v12, v18  }
0x489: {  	v13 =	vadd.f32 v17, v13;
	v17 =	vld [tilespmem:s15+$0xA110]  }
0x48a: {  	v12 =	vadd.f32 v12, v24;
	v20 =	vmul.f32 v20, v15  }
0x48b: {  	v25 =	vld [tilespmem:s6+$0xA110];
	v11 =	vadd.f32 v14, v11;
	v14 =	vmul.f32 v21, v29  }
0x48c: {  	v12 =	vadd.f32 v20, v12;
	v20 =	vmul.f32 v23, v16  }
0x48d: {  	[tilespmem:s19+$0xFFFFFE80] =	vst v13;
	v13 =	vld [tilespmem:s31+$0xA110];
	v11 =	vadd.f32 v14, v11  }
0x48e: {  	v22 =	vmul.f32 v22, v9;
	v17 =	vmul.f32 v17, v8;
	v12 =	vadd.f32 v20, v12  }
0x48f: {  	v14 =	vld [tilespmem:s11+$0xA500];
	[tilespmem:s26+$0xFFFFFF30] =	vst v11  }
0x490: {  	v21 =	vld [tilespmem:s17+$0xA500];
	v24 =	vmul.f32 v25, v7;
	v17 =	vadd.f32 v17, v22;
	[tilespmem:s19+$0xFFFFFFC0] =	vst v12  }
0x491: {  	v42 =	vld [tilespmem:s25+$0xA500];
	s14 =	sld [smem:$0x7F3]  }
0x492: {  	v11 =	vld [tilespmem:s24+$0xA500];
	v13 =	vmul.f32 v13, v10;
	v17 =	vadd.f32 v24, v17  }
0x493: {  	v23 =	vld [tilespmem:s18+$0xA1B0]  }
0x494: {  	v20 =	vld [tilespmem:s4+$0xA130];
	v13 =	vadd.f32 v13, v17;
	s16 =	sadd.s32 $0x4E, s14  }
0x495: {  	v26 =	vld [tilespmem:s12+$0xA130];
	s20 =	sadd.s32 $0x1D, s14;
	v25 =	vmov s16  }
0x496: {  	v22 =	vld [tilespmem:s3+$0xA130];
	v31 =	vmov s20;
	[tilespmem:s26+$0xFFFFFE20] =	vst v13;
	v25 =	vand.u32 $0xFFFFFFFE, v25  }
0x497: {  	v12 =	vld [tilespmem:s11+$0xA5C0];
	s23 =	sld [smem:$0x7EF];
	v25 =	vbroadcast v25, $0x0  }
0x498: {  	v24 =	vld [tilespmem:s5+$0xA540];
	s21 =	sadd.s32 $0xB0, s14;
	s28 =	sld [smem:$0x7F2]  }
0x499: {  	v17 =	vld [tilespmem:s8+$0xA540];
	v43 =	vmov s21  }
0x49a: {  	s22 =	sadd.s32 $0x7F, s14;
	v13 =	vld [tilespmem:s7+$0xA540];
	v32 =	vand.u32 $0xFFFFFFFE, v43  }
0x49b: {  	v45 =	vmov s22;
	s10 =	sld [smem:$0x7FB];
	v46 =	vbroadcast v32, $0x0;
	s28 =	sor.u32 s28, s23;
	v32 =	vld.idx.msk [tilespmem:v31+s29+$0x0], $0xffff  }
0x49c: {  	s16 =	sld [smem:$0x7FC];
	v38 =	vld [tilespmem:s28+$0xA180]  }
0x49d: {  	v23 =	vmul.f32 v23, v28;
	v20 =	vmul.f32 v20, v30;
	v33 =	vld.idx.msk [tilespmem:v25+s29+$0x0], $0xffff  }
0x49e: {  	v22 =	vmul.f32 v22, v27;
	v25 =	vld [tilespmem:s10+$0xA100]  }
0x49f: {  	v20 =	vadd.f32 v20, v23;
	v12 =	vmul.f32 v12, v19;
	v23 =	vmul.f32 v24, v18;
	v24 =	vld [tilespmem:s16+$0xA100]  }
0x4a0: {  	s13 =	rddreg [dreg:$0x1f];
	v34 =	vld.idx.msk [tilespmem:v45+s29+$0x0], $0xffff  }
0x4a1: {  	v20 =	vadd.f32 v22, v20;
	v22 =	vmul.f32 v26, v29;
	v12 =	vadd.f32 v23, v12;
	v23 =	vld [tilespmem:s13+$0xA100]  }
0x4a2: {  	v17 =	vmul.f32 v17, v15;
	v31 =	vld.idx.msk [tilespmem:v46+s29+$0x0], $0xffff  }
0x4a3: {  	v44 =	vld [tilespmem:s18+$0xA120];
	v20 =	vadd.f32 v22, v20;
	v22 =	vmul.f32 v38, v32;
	v25 =	vmul.f32 v25, v33  }
0x4a4: {  	v47 =	vld [tilespmem:s6+$0xA120];
	v12 =	vadd.f32 v17, v12;
	v13 =	vmul.f32 v13, v16  }
0x4a5: {  	v26 =	vld [tilespmem:s15+$0xA120];
	[tilespmem:s26+$0xFFFFFF40] =	vst v20;
	v20 =	vadd.f32 v25, v22;
	v22 =	vmul.f32 v24, v34  }
0x4a6: {  	v14 =	vmul.f32 v14, v3;
	v17 =	vld [tilespmem:s31+$0xA120];
	v12 =	vadd.f32 v13, v12  }
0x4a7: {  	v59 =	vld [tilespmem:s28+$0xA100];
	v13 =	vmul.f32 v21, v4;
	v20 =	vadd.f32 v22, v20;
	v22 =	vmul.f32 v23, v31  }
0x4a8: {  	v21 =	vld [tilespmem:s18+$0xA1C0];
	[tilespmem:s19+$0xFFFFFFD0] =	vst v12  }
0x4a9: {  	v11 =	vmul.f32 v11, v6;
	v12 =	vadd.f32 v13, v14;
	v13 =	vld [tilespmem:s11+$0xA5D0];
	v14 =	vadd.f32 v22, v20  }
0x4aa: {  	s20 =	simm.s32 $0x128F0;
	v24 =	vld [tilespmem:s3+$0xA140];
	v20 =	vmul.f32 v44, v9;
	v22 =	vmul.f32 v26, v8  }
0x4ab: {  	v11 =	vadd.f32 v11, v12;
	v12 =	vmul.f32 v42, v5;
	v23 =	vld [tilespmem:s4+$0xA140];
	[tilespmem:s20+$0xFFFFFF10] =	vst v14  }
0x4ac: {  	v20 =	vadd.f32 v22, v20;
	v22 =	vld [tilespmem:s28+$0xA190]  }
0x4ad: {  	v11 =	vadd.f32 v12, v11;
	v12 =	vld [tilespmem:s10+$0xA110]  }
0x4ae: {  	v25 =	vld [tilespmem:s5+$0xA550];
	v14 =	vmul.f32 v47, v7  }
0x4af: {  	[tilespmem:s19+$0xFFFFFE90] =	vst v11;
	v11 =	vld [tilespmem:s16+$0xA110]  }
0x4b0: {  	v17 =	vmul.f32 v17, v10;
	v26 =	vld [tilespmem:s12+$0xA140];
	v14 =	vadd.f32 v14, v20  }
0x4b1: {  	v21 =	vmul.f32 v21, v28;
	v23 =	vmul.f32 v23, v30;
	v48 =	vld [tilespmem:s13+$0xA110]  }
0x4b2: {  	v20 =	vld [tilespmem:s8+$0xA550];
	v14 =	vadd.f32 v17, v14;
	v22 =	vmul.f32 v22, v32;
	v12 =	vmul.f32 v12, v33  }
0x4b3: {  	v24 =	vmul.f32 v24, v27;
	v21 =	vadd.f32 v23, v21;
	v17 =	vld [tilespmem:s11+$0xA510]  }
0x4b4: {  	[tilespmem:s26+$0xFFFFFE30] =	vst v14;
	v14 =	vld [tilespmem:s7+$0xA550];
	v11 =	vmul.f32 v11, v34;
	v12 =	vadd.f32 v12, v22  }
0x4b5: {  	v13 =	vmul.f32 v13, v19;
	v21 =	vadd.f32 v24, v21;
	v24 =	vmul.f32 v25, v18;
	v49 =	vld [tilespmem:s18+$0xA130]  }
0x4b6: {  	v23 =	vld [tilespmem:s15+$0xA130];
	v11 =	vadd.f32 v11, v12;
	v12 =	vmul.f32 v48, v31  }
0x4b7: {  	v25 =	vld [tilespmem:s31+$0xA130];
	v13 =	vadd.f32 v24, v13  }
0x4b8: {  	v20 =	vmul.f32 v20, v15;
	v24 =	vld [tilespmem:s24+$0xA510];
	v22 =	vmul.f32 v26, v29;
	v11 =	vadd.f32 v12, v11  }
0x4b9: {  	v26 =	vld [tilespmem:s6+$0xA130]  }
0x4ba: {  	v13 =	vadd.f32 v20, v13;
	v21 =	vadd.f32 v22, v21;
	v22 =	vld [tilespmem:s17+$0xA510];
	v14 =	vmul.f32 v14, v16;
	[tilespmem:s20+$0xFFFFFF20] =	vst v11  }
0x4bb: {  	v11 =	vld [tilespmem:s28+$0xA1A0]  }
0x4bc: {  	v13 =	vadd.f32 v14, v13;
	v14 =	vld [tilespmem:s10+$0xA120]  }
0x4bd: {  	[tilespmem:s26+$0xFFFFFF50] =	vst v21;
	v12 =	vld [tilespmem:s25+$0xA510]  }
0x4be: {  	v21 =	vmul.f32 v49, v9;
	v23 =	vmul.f32 v23, v8;
	[tilespmem:s19+$0xFFFFFFE0] =	vst v13;
	v13 =	vld [tilespmem:s16+$0xA120]  }
0x4bf: {  	v20 =	vld [tilespmem:s18+$0xA1D0]  }
0x4c0: {  	v17 =	vmul.f32 v17, v3;
	v26 =	vmul.f32 v26, v7;
	v21 =	vadd.f32 v23, v21;
	v51 =	vld [tilespmem:s13+$0xA120]  }
0x4c1: {  	v50 =	vld [tilespmem:s4+$0xA150];
	v11 =	vmul.f32 v11, v32;
	v14 =	vmul.f32 v14, v33  }
0x4c2: {  	v25 =	vmul.f32 v25, v10;
	v52 =	vld [tilespmem:s3+$0xA150];
	v22 =	vmul.f32 v22, v4;
	v21 =	vadd.f32 v26, v21  }
0x4c3: {  	v23 =	vld [tilespmem:s11+$0xA5E0];
	v13 =	vmul.f32 v13, v34;
	v11 =	vadd.f32 v14, v11  }
0x4c4: {  	v26 =	vld [tilespmem:s5+$0xA560];
	v17 =	vadd.f32 v22, v17;
	v21 =	vadd.f32 v25, v21  }
0x4c5: {  	v22 =	vld [tilespmem:s12+$0xA150];
	v14 =	vmul.f32 v24, v6;
	v11 =	vadd.f32 v13, v11;
	v13 =	vmul.f32 v51, v31  }
0x4c6: {  	v12 =	vmul.f32 v12, v5;
	v25 =	vld [tilespmem:s8+$0xA560];
	v20 =	vmul.f32 v20, v28  }
0x4c7: {  	[tilespmem:s26+$0xFFFFFE40] =	vst v21;
	v21 =	vld [tilespmem:s7+$0xA560];
	v24 =	vmul.f32 v50, v30;
	v14 =	vadd.f32 v14, v17;
	v11 =	vadd.f32 v13, v11  }
0x4c8: {  	v53 =	vld [tilespmem:s15+$0xA140]  }
0x4c9: {  	v17 =	vld [tilespmem:s18+$0xA140];
	v12 =	vadd.f32 v12, v14;
	v14 =	vadd.f32 v24, v20;
	v20 =	vmul.f32 v52, v27;
	[tilespmem:s20+$0xFFFFFF30] =	vst v11  }
0x4ca: {  	v11 =	vld [tilespmem:s28+$0xA1B0]  }
0x4cb: {  	[tilespmem:s19+$0xFFFFFEA0] =	vst v12;
	v12 =	vadd.f32 v20, v14;
	v14 =	vmul.f32 v22, v29;
	v20 =	vld [tilespmem:s10+$0xA130]  }
0x4cc: {  	v13 =	vld [tilespmem:s6+$0xA140]  }
0x4cd: {  	v23 =	vmul.f32 v23, v19;
	v26 =	vmul.f32 v26, v18;
	v12 =	vadd.f32 v14, v12;
	v14 =	vld [tilespmem:s16+$0xA130]  }
0x4ce: {  	v24 =	vld [tilespmem:s31+$0xA140]  }
0x4cf: {  	v23 =	vadd.f32 v26, v23;
	v25 =	vmul.f32 v25, v15;
	[tilespmem:s26+$0xFFFFFF60] =	vst v12;
	v12 =	vld [tilespmem:s13+$0xA130]  }
0x4d0: {  	v26 =	vld [tilespmem:s18+$0xA1E0];
	v11 =	vmul.f32 v11, v32;
	v20 =	vmul.f32 v20, v33  }
0x4d1: {  	v23 =	vadd.f32 v25, v23;
	v21 =	vmul.f32 v21, v16;
	v25 =	vld [tilespmem:s4+$0xA160]  }
0x4d2: {  	v22 =	vld [tilespmem:s11+$0xA520];
	v14 =	vmul.f32 v14, v34;
	v11 =	vadd.f32 v20, v11  }
0x4d3: {  	v21 =	vadd.f32 v21, v23;
	v17 =	vmul.f32 v17, v9;
	v23 =	vld [tilespmem:s3+$0xA160];
	v20 =	vmul.f32 v53, v8  }
0x4d4: {  	v39 =	vld [tilespmem:s17+$0xA520];
	v12 =	vmul.f32 v12, v31;
	v11 =	vadd.f32 v14, v11  }
0x4d5: {  	v13 =	vmul.f32 v13, v7;
	v14 =	vadd.f32 v20, v17;
	v17 =	vld [tilespmem:s12+$0xA160]  }
0x4d6: {  	v40 =	vld [tilespmem:s24+$0xA520];
	[tilespmem:s19+$0xFFFFFFF0] =	vst v21;
	v20 =	vmul.f32 v26, v28;
	v21 =	vmul.f32 v25, v30;
	v11 =	vadd.f32 v12, v11  }
0x4d7: {  	v41 =	vld [tilespmem:s25+$0xA520];
	v12 =	vmul.f32 v24, v10  }
0x4d8: {  	v38 =	vld [tilespmem:s11+$0xA5F0];
	v13 =	vadd.f32 v13, v14;
	v14 =	vadd.f32 v21, v20;
	v20 =	vmul.f32 v23, v27;
	[tilespmem:s20+$0xFFFFFF40] =	vst v11  }
0x4d9: {  	v11 =	vld [tilespmem:s28+$0xA1C0]  }
0x4da: {  	v12 =	vadd.f32 v12, v13;
	v13 =	vadd.f32 v20, v14;
	v14 =	vmul.f32 v17, v29;
	v17 =	vld [tilespmem:s10+$0xA140]  }
0x4db: {  	v37 =	vld [tilespmem:s5+$0xA570]  }
0x4dc: {  	[tilespmem:s26+$0xFFFFFE50] =	vst v12;
	v12 =	vadd.f32 v14, v13;
	v13 =	vld [tilespmem:s16+$0xA140]  }
0x4dd: {  	v20 =	vmul.f32 v39, v4;
	v14 =	vmul.f32 v22, v3;
	v21 =	vld [tilespmem:s18+$0xA150]  }
0x4de: {  	v22 =	vmul.f32 v40, v6;
	[tilespmem:s26+$0xFFFFFF70] =	vst v12;
	v12 =	vld [tilespmem:s13+$0xA140]  }
0x4df: {  	v14 =	vadd.f32 v20, v14;
	v20 =	vld [tilespmem:s18+$0xA1F0];
	v11 =	vmul.f32 v11, v32;
	v17 =	vmul.f32 v17, v33  }
0x4e0: {  	v23 =	vmul.f32 v41, v5;
	v24 =	vld [tilespmem:s4+$0xA170]  }
0x4e1: {  	v14 =	vadd.f32 v22, v14;
	v22 =	vld [tilespmem:s15+$0xA150];
	v13 =	vmul.f32 v13, v34;
	v11 =	vadd.f32 v17, v11  }
0x4e2: {  	v17 =	vld [tilespmem:s3+$0xA170]  }
0x4e3: {  	v14 =	vadd.f32 v23, v14;
	v23 =	vld [tilespmem:s6+$0xA150];
	v12 =	vmul.f32 v12, v31;
	v11 =	vadd.f32 v13, v11  }
0x4e4: {  	v13 =	vld [tilespmem:s12+$0xA170]  }
0x4e5: {  	[tilespmem:s19+$0xFFFFFEB0] =	vst v14;
	v14 =	vld [tilespmem:s31+$0xA150];
	v20 =	vmul.f32 v20, v28;
	v24 =	vmul.f32 v24, v30;
	v11 =	vadd.f32 v12, v11  }
0x4e6: {  	v21 =	vmul.f32 v21, v9;
	v12 =	vld [tilespmem:s11+$0xA530]  }
0x4e7: {  	v25 =	vld [tilespmem:s17+$0xA530];
	v22 =	vmul.f32 v22, v8;
	v20 =	vadd.f32 v24, v20;
	v17 =	vmul.f32 v17, v27;
	[tilespmem:s20+$0xFFFFFF50] =	vst v11  }
0x4e8: {  	v11 =	vmul.f32 v23, v7;
	v23 =	vld [tilespmem:s28+$0xA1D0]  }
0x4e9: {  	v21 =	vadd.f32 v22, v21;
	v17 =	vadd.f32 v17, v20;
	v13 =	vmul.f32 v13, v29;
	v20 =	vld [tilespmem:s10+$0xA150]  }
0x4ea: {  	v22 =	vld [tilespmem:s24+$0xA530]  }
0x4eb: {  	v14 =	vmul.f32 v14, v10;
	v11 =	vadd.f32 v11, v21;
	v13 =	vadd.f32 v13, v17;
	v17 =	vld [tilespmem:s16+$0xA150]  }
0x4ec: {  	v21 =	vld [tilespmem:s25+$0xA530]  }
0x4ed: {  	v12 =	vmul.f32 v12, v3;
	v24 =	vmul.f32 v25, v4;
	v11 =	vadd.f32 v14, v11;
	[tilespmem:s26+$0xFFFFFF80] =	vst v13;
	v13 =	vld [tilespmem:s13+$0xA150]  }
0x4ee: {  	v14 =	vld [tilespmem:s18+$0xA580];
	v23 =	vmul.f32 v23, v32;
	v20 =	vmul.f32 v20, v33  }
0x4ef: {  	v22 =	vmul.f32 v22, v6;
	v12 =	vadd.f32 v24, v12;
	[tilespmem:s26+$0xFFFFFE60] =	vst v11;
	v11 =	vld [tilespmem:s4+$0xA500]  }
0x4f0: {  	v35 =	vld [tilespmem:s8+$0xA570];
	v20 =	vadd.f32 v20, v23;
	v17 =	vmul.f32 v17, v34  }
0x4f1: {  	v21 =	vmul.f32 v21, v5;
	v12 =	vadd.f32 v22, v12;
	v22 =	vld [tilespmem:s3+$0xA500]  }
0x4f2: {  	v36 =	vld [tilespmem:s7+$0xA570];
	v17 =	vadd.f32 v17, v20;
	v13 =	vmul.f32 v13, v31  }
0x4f3: {  	v12 =	vadd.f32 v21, v12;
	v20 =	vld [tilespmem:s12+$0xA500]  }
0x4f4: {  	v24 =	vld [tilespmem:s18+$0xA160];
	v14 =	vmul.f32 v14, v28;
	v11 =	vmul.f32 v11, v30;
	v13 =	vadd.f32 v13, v17  }
0x4f5: {  	v23 =	vld [tilespmem:s15+$0xA160];
	[tilespmem:s19+$0xFFFFFEC0] =	vst v12  }
0x4f6: {  	v21 =	vld [tilespmem:s6+$0xA160];
	v12 =	vmul.f32 v22, v27;
	v11 =	vadd.f32 v11, v14;
	[tilespmem:s20+$0xFFFFFF60] =	vst v13  }
0x4f7: {  	v13 =	vld [tilespmem:s28+$0xA1E0]  }
0x4f8: {  	v11 =	vadd.f32 v12, v11;
	v12 =	vmul.f32 v20, v29;
	v14 =	vld [tilespmem:s10+$0xA160]  }
0x4f9: {  	s1 =	sadd.s32 $0x1C, s14;
	v17 =	vld [tilespmem:s31+$0xA160]  }
0x4fa: {  	v22 =	vmov s1;
	v11 =	vadd.f32 v12, v11;
	v12 =	vld [tilespmem:s16+$0xA160]  }
0x4fb: {  	v25 =	vld [tilespmem:s11+$0xA540];
	v22 =	vand.u32 $0xFFFFFFFE, v22  }
0x4fc: {  	v22 =	vbroadcast v22, $0x0;
	[tilespmem:s26+$0xFFFFFF90] =	vst v11;
	v11 =	vld [tilespmem:s13+$0xA160]  }
0x4fd: {  	v54 =	vld [tilespmem:s18+$0xA590];
	v13 =	vmul.f32 v13, v32;
	v14 =	vmul.f32 v14, v33  }
0x4fe: {  	v56 =	vld [tilespmem:s4+$0xA510]  }
0x4ff: {  	s7 =	sadd.s32 $0x7E, s14;
	v26 =	vld [tilespmem:s24+$0xA540];
	v13 =	vadd.f32 v14, v13;
	v14 =	vmul.f32 v12, v34  }
0x500: {  	v43 =	vld [tilespmem:s3+$0xA510];
	v12 =	vmov s7  }
0x501: {  	v57 =	vld [tilespmem:s12+$0xA510];
	v44 =	vand.u32 $0xFFFFFFFE, v12;
	v13 =	vadd.f32 v14, v13;
	v14 =	vmul.f32 v11, v31  }
0x502: {  	v12 =	vld.idx.msk [tilespmem:v22+s29+$0x0], $0xffff;
	v22 =	vbroadcast v44, $0x0  }
0x503: {  	v42 =	vld [tilespmem:s25+$0xA540];
	v39 =	vmul.f32 v54, v28;
	v58 =	vmul.f32 v56, v30;
	v13 =	vadd.f32 v14, v13  }
0x504: {  	s5 =	sadd.s32 $0x4D, s14;
	v20 =	vld [tilespmem:s17+$0xA540];
	s22 =	rddreg [dreg:$0x1e]  }
0x505: {  	v55 =	vmov s5;
	v45 =	vld [tilespmem:s22+$0xA100];
	v60 =	vmul.f32 v43, v27;
	v14 =	vadd.f32 v58, v39;
	[tilespmem:s20+$0xFFFFFF70] =	vst v13  }
0x506: {  	v61 =	vld [tilespmem:s28+$0xA1F0]  }
0x507: {  	v62 =	vmul.f32 v57, v29;
	v14 =	vadd.f32 v60, v14;
	v63 =	vld [tilespmem:s10+$0xA170]  }
0x508: {  	s8 =	sadd.s32 $0xAF, s14;
	v24 =	vmul.f32 v24, v9;
	v48 =	vld [tilespmem:s16+$0xA170]  }
0x509: {  	v13 =	vld.idx.msk [tilespmem:v22+s29+$0x0], $0xffff;
	v22 =	vmul.f32 v23, v8;
	v23 =	vmov s8;
	v14 =	vadd.f32 v62, v14  }
0x50a: {  	v11 =	vld.idx.msk [tilespmem:v55+s29+$0x0], $0xffff  }
0x50b: {  	v21 =	vmul.f32 v21, v7;
	s23 =	rddreg [dreg:$0x1c];
	v22 =	vadd.f32 v22, v24;
	v24 =	vld [tilespmem:s13+$0xA170];
	[tilespmem:s26+$0xFFFFFFA0] =	vst v14  }
0x50c: {  	v46 =	vld [tilespmem:s18+$0xA5A0];
	v40 =	vmul.f32 v61, v32;
	v43 =	vmul.f32 v63, v33  }
0x50d: {  	v17 =	vmul.f32 v17, v10;
	v21 =	vadd.f32 v21, v22;
	v22 =	vld [tilespmem:s4+$0xA520]  }
0x50e: {  	v39 =	vmul.f32 v48, v34;
	v14 =	vld.idx.msk [tilespmem:v23+s29+$0x0], $0xffff;
	v23 =	vadd.f32 v43, v40  }
0x50f: {  	v25 =	vmul.f32 v25, v3;
	v20 =	vmul.f32 v20, v4;
	v17 =	vadd.f32 v17, v21;
	v21 =	vld [tilespmem:s3+$0xA520]  }
0x510: {  	v49 =	vld [tilespmem:s23+$0xA100];
	v24 =	vmul.f32 v24, v31;
	v23 =	vadd.f32 v39, v23  }
0x511: {  	v26 =	vmul.f32 v26, v6;
	v20 =	vadd.f32 v20, v25;
	s21 =	rddreg [dreg:$0x1d];
	[tilespmem:s26+$0xFFFFFE70] =	vst v17;
	v17 =	vld [tilespmem:s12+$0xA520]  }
0x512: {  	v50 =	vld [tilespmem:s21+$0xA100];
	v51 =	vmul.f32 v46, v28;
	v22 =	vmul.f32 v22, v30;
	v23 =	vadd.f32 v24, v23  }
0x513: {  	v20 =	vadd.f32 v26, v20;
	v25 =	vld [tilespmem:s18+$0xA170]  }
0x514: {  	v52 =	vld [tilespmem:s15+$0xA170];
	v24 =	vmul.f32 v42, v5;
	v22 =	vadd.f32 v22, v51;
	v21 =	vmul.f32 v21, v27;
	[tilespmem:s20+$0xFFFFFF80] =	vst v23  }
0x515: {  	v53 =	vmul.f32 v45, v11;
	v23 =	vmul.f32 v59, v12;
	v54 =	vld [tilespmem:s28+$0xA580]  }
0x516: {  	v20 =	vadd.f32 v24, v20;
	v21 =	vadd.f32 v21, v22;
	v17 =	vmul.f32 v17, v29;
	v22 =	vld [tilespmem:s10+$0xA500]  }
0x517: {  	v26 =	vld [tilespmem:s6+$0xA170];
	v24 =	vmul.f32 v49, v13;
	v23 =	vadd.f32 v53, v23  }
0x518: {  	[tilespmem:s19+$0xFFFFFED0] =	vst v20;
	v20 =	vld [tilespmem:s16+$0xA500];
	v17 =	vadd.f32 v17, v21  }
0x519: {  	v55 =	vld [tilespmem:s31+$0xA170];
	v21 =	vadd.f32 v24, v23;
	v23 =	vmul.f32 v50, v14  }
0x51a: {  	v24 =	vmul.f32 v25, v9;
	v25 =	vmul.f32 v52, v8;
	[tilespmem:s26+$0xFFFFFFB0] =	vst v17;
	v17 =	vld [tilespmem:s13+$0xA500]  }
0x51b: {  	v21 =	vadd.f32 v23, v21;
	v23 =	vld [tilespmem:s18+$0xA5B0];
	v56 =	vmul.f32 v54, v32;
	v22 =	vmul.f32 v22, v33  }
0x51c: {  	v26 =	vmul.f32 v26, v7;
	v24 =	vadd.f32 v25, v24;
	v25 =	vld [tilespmem:s4+$0xA530]  }
0x51d: {  	v57 =	vld [tilespmem:s12+$0xA530];
	v20 =	vmul.f32 v20, v34;
	v22 =	vadd.f32 v22, v56  }
0x51e: {  	v39 =	vmul.f32 v55, v10;
	[tilespmem:s20+$0xFFFFFE10] =	vst v21;
	v21 =	vld [tilespmem:s3+$0xA530];
	v24 =	vadd.f32 v26, v24  }
0x51f: {  	v26 =	vld [tilespmem:s28+$0xA110];
	v20 =	vadd.f32 v20, v22;
	v17 =	vmul.f32 v17, v31  }
0x520: {  	v58 =	vld [tilespmem:s23+$0xA110];
	v22 =	vadd.f32 v39, v24  }
0x521: {  	v24 =	vld [tilespmem:s22+$0xA110];
	v23 =	vmul.f32 v23, v28;
	v25 =	vmul.f32 v25, v30;
	v17 =	vadd.f32 v17, v20  }
0x522: {  	[tilespmem:s26+$0xFFFFFE80] =	vst v22;
	v20 =	vld [tilespmem:s21+$0xA110]  }
0x523: {  	v22 =	vadd.f32 v25, v23;
	v21 =	vmul.f32 v21, v27;
	v23 =	vld [tilespmem:s18+$0xA500];
	[tilespmem:s20+$0xFFFFFF90] =	vst v17  }
0x524: {  	v17 =	vld [tilespmem:s28+$0xA590]  }
0x525: {  	v21 =	vadd.f32 v21, v22;
	v22 =	vmul.f32 v57, v29;
	v25 =	vld [tilespmem:s10+$0xA510]  }
0x526: {  	v59 =	vld [tilespmem:s15+$0xA500];
	v26 =	vmul.f32 v26, v12;
	v24 =	vmul.f32 v24, v11  }
0x527: {  	v21 =	vadd.f32 v22, v21;
	v22 =	vld [tilespmem:s16+$0xA510]  }
0x528: {  	v60 =	vld [tilespmem:s6+$0xA500];
	v39 =	vmul.f32 v58, v13;
	v24 =	vadd.f32 v24, v26  }
0x529: {  	v20 =	vmul.f32 v20, v14;
	[tilespmem:s26+$0xFFFFFFC0] =	vst v21;
	v21 =	vld [tilespmem:s13+$0xA510]  }
0x52a: {  	v24 =	vadd.f32 v39, v24;
	v26 =	vld [tilespmem:s18+$0xA5C0];
	v17 =	vmul.f32 v17, v32;
	v25 =	vmul.f32 v25, v33  }
0x52b: {  	v61 =	vld [tilespmem:s4+$0xA540]  }
0x52c: {  	v20 =	vadd.f32 v20, v24;
	v24 =	vld [tilespmem:s3+$0xA540];
	v17 =	vadd.f32 v25, v17;
	v22 =	vmul.f32 v22, v34  }
0x52d: {  	v25 =	vld [tilespmem:s31+$0xA500]  }
0x52e: {  	[tilespmem:s20+$0xFFFFFE20] =	vst v20;
	v20 =	vld [tilespmem:s12+$0xA540];
	v17 =	vadd.f32 v22, v17;
	v21 =	vmul.f32 v21, v31  }
0x52f: {  	v22 =	vld [tilespmem:s28+$0xA120]  }
0x530: {  	v62 =	vld [tilespmem:s22+$0xA120];
	v26 =	vmul.f32 v26, v28;
	v39 =	vmul.f32 v61, v30;
	v17 =	vadd.f32 v21, v17  }
0x531: {  	v40 =	vmul.f32 v59, v8;
	v63 =	vld [tilespmem:s21+$0xA120]  }
0x532: {  	v21 =	vmul.f32 v23, v9;
	v23 =	vld [tilespmem:s23+$0xA120];
	v24 =	vmul.f32 v24, v27;
	v26 =	vadd.f32 v39, v26;
	[tilespmem:s20+$0xFFFFFFA0] =	vst v17  }
0x533: {  	v17 =	vmul.f32 v60, v7;
	v48 =	vld [tilespmem:s28+$0xA5A0]  }
0x534: {  	v21 =	vadd.f32 v40, v21;
	v20 =	vmul.f32 v20, v29;
	v24 =	vadd.f32 v24, v26;
	v26 =	vld [tilespmem:s10+$0xA520]  }
0x535: {  	v42 =	vld [tilespmem:s11+$0xA550];
	v22 =	vmul.f32 v22, v12;
	v49 =	vmul.f32 v62, v11  }
0x536: {  	v17 =	vadd.f32 v17, v21;
	v21 =	vmul.f32 v25, v10;
	v20 =	vadd.f32 v20, v24;
	v24 =	vld [tilespmem:s16+$0xA520]  }
0x537: {  	v45 =	vld [tilespmem:s17+$0xA550];
	v23 =	vmul.f32 v23, v13;
	v22 =	vadd.f32 v49, v22  }
0x538: {  	v17 =	vadd.f32 v21, v17;
	v21 =	vmul.f32 v63, v14;
	[tilespmem:s26+$0xFFFFFFD0] =	vst v20;
	v20 =	vld [tilespmem:s13+$0xA520]  }
0x539: {  	v22 =	vadd.f32 v23, v22;
	v25 =	vld [tilespmem:s18+$0xA5D0];
	v23 =	vmul.f32 v48, v32;
	v26 =	vmul.f32 v26, v33  }
0x53a: {  	v50 =	vld [tilespmem:s4+$0xA550]  }
0x53b: {  	[tilespmem:s26+$0xFFFFFE90] =	vst v17;
	v17 =	vadd.f32 v21, v22;
	v21 =	vld [tilespmem:s3+$0xA550];
	v22 =	vadd.f32 v26, v23;
	v23 =	vmul.f32 v24, v34  }
0x53c: {  	v53 =	vld [tilespmem:s15+$0xA510]  }
0x53d: {  	[tilespmem:s20+$0xFFFFFE30] =	vst v17;
	v17 =	vld [tilespmem:s12+$0xA550];
	v22 =	vadd.f32 v23, v22;
	v20 =	vmul.f32 v20, v31  }
0x53e: {  	v23 =	vld [tilespmem:s28+$0xA130]  }
0x53f: {  	v26 =	vld [tilespmem:s22+$0xA130];
	v20 =	vadd.f32 v20, v22  }
0x540: {  	v24 =	vld [tilespmem:s18+$0xA510];
	v22 =	vmul.f32 v25, v28;
	v25 =	vmul.f32 v50, v30  }
0x541: {  	v51 =	vld [tilespmem:s23+$0xA130];
	[tilespmem:s20+$0xFFFFFFB0] =	vst v20  }
0x542: {  	v21 =	vmul.f32 v21, v27;
	v20 =	vadd.f32 v25, v22;
	v22 =	vld [tilespmem:s28+$0xA5B0]  }
0x543: {  	v17 =	vmul.f32 v17, v29;
	v25 =	vld [tilespmem:s10+$0xA530]  }
0x544: {  	v52 =	vld [tilespmem:s21+$0xA130];
	v20 =	vadd.f32 v21, v20;
	v21 =	vmul.f32 v23, v12;
	v23 =	vmul.f32 v26, v11  }
0x545: {  	v26 =	vld [tilespmem:s16+$0xA530]  }
0x546: {  	v54 =	vld [tilespmem:s6+$0xA510];
	v17 =	vadd.f32 v17, v20;
	v20 =	vmul.f32 v51, v13;
	v21 =	vadd.f32 v23, v21  }
0x547: {  	v55 =	vld [tilespmem:s13+$0xA530]  }
0x548: {  	v46 =	vld [tilespmem:s24+$0xA550];
	[tilespmem:s26+$0xFFFFFFE0] =	vst v17;
	v17 =	vadd.f32 v20, v21;
	v20 =	vmul.f32 v22, v32;
	v21 =	vmul.f32 v25, v33  }
0x549: {  	v56 =	vld [tilespmem:s31+$0xA510];
	v23 =	vmul.f32 v52, v14;
	v22 =	vmul.f32 v24, v9  }
0x54a: {  	v24 =	vmul.f32 v53, v8;
	v25 =	vld [tilespmem:s18+$0xA5E0];
	v20 =	vadd.f32 v21, v20;
	v21 =	vmul.f32 v26, v34  }
0x54b: {  	v57 =	vld [tilespmem:s4+$0xA560];
	v17 =	vadd.f32 v23, v17;
	v23 =	vmul.f32 v54, v7  }
0x54c: {  	v26 =	vld [tilespmem:s3+$0xA560];
	v22 =	vadd.f32 v24, v22;
	v20 =	vadd.f32 v21, v20;
	v21 =	vmul.f32 v55, v31  }
0x54d: {  	[tilespmem:s20+$0xFFFFFE40] =	vst v17;
	v17 =	vld [tilespmem:s12+$0xA560]  }
0x54e: {  	v58 =	vmul.f32 v56, v10;
	v22 =	vadd.f32 v23, v22;
	v24 =	vld [tilespmem:s28+$0xA140];
	v20 =	vadd.f32 v21, v20  }
0x54f: {  	v23 =	vld [tilespmem:s22+$0xA140]  }
0x550: {  	v21 =	vld [tilespmem:s23+$0xA140];
	v22 =	vadd.f32 v58, v22;
	[tilespmem:s20+$0xFFFFFFC0] =	vst v20  }
0x551: {  	v20 =	vmul.f32 v25, v28;
	v25 =	vmul.f32 v57, v30;
	v60 =	vld [tilespmem:s28+$0xA5C0]  }
0x552: {  	[tilespmem:s26+$0xFFFFFEA0] =	vst v22;
	v22 =	vld [tilespmem:s10+$0xA540]  }
0x553: {  	v59 =	vld [tilespmem:s21+$0xA140];
	v20 =	vadd.f32 v25, v20;
	v25 =	vmul.f32 v26, v27  }
0x554: {  	v61 =	vld [tilespmem:s16+$0xA540];
	v24 =	vmul.f32 v24, v12;
	v23 =	vmul.f32 v23, v11  }
0x555: {  	v47 =	vld [tilespmem:s25+$0xA550];
	v17 =	vmul.f32 v17, v29;
	v20 =	vadd.f32 v25, v20  }
0x556: {  	v21 =	vmul.f32 v21, v13;
	v23 =	vadd.f32 v23, v24;
	v24 =	vld [tilespmem:s13+$0xA540]  }
0x557: {  	v26 =	vld [tilespmem:s18+$0xA520];
	v17 =	vadd.f32 v17, v20;
	v20 =	vmul.f32 v60, v32;
	v22 =	vmul.f32 v22, v33  }
0x558: {  	v39 =	vmul.f32 v59, v14;
	v25 =	vld [tilespmem:s15+$0xA520]  }
0x559: {  	v62 =	vld [tilespmem:s6+$0xA520];
	v21 =	vadd.f32 v21, v23;
	[tilespmem:s26+$0xFFFFFFF0] =	vst v17;
	v17 =	vadd.f32 v22, v20;
	v20 =	vmul.f32 v61, v34  }
0x55a: {  	v23 =	vld [tilespmem:s31+$0xA520]  }
0x55b: {  	v21 =	vadd.f32 v39, v21;
	v40 =	vld [tilespmem:s4+$0xA570];
	v17 =	vadd.f32 v20, v17;
	v20 =	vmul.f32 v24, v31  }
0x55c: {  	v41 =	vld [tilespmem:s3+$0xA570]  }
0x55d: {  	v22 =	vmul.f32 v26, v9;
	v25 =	vmul.f32 v25, v8;
	v39 =	vld [tilespmem:s12+$0xA570];
	[tilespmem:s20+$0xFFFFFE50] =	vst v21;
	v17 =	vadd.f32 v20, v17  }
0x55e: {  	v24 =	vld [tilespmem:s28+$0xA150]  }
0x55f: {  	v21 =	vmul.f32 v62, v7;
	v22 =	vadd.f32 v25, v22;
	v25 =	vld [tilespmem:s23+$0xA150];
	[tilespmem:s20+$0xFFFFFFD0] =	vst v17  }
0x560: {  	v20 =	vld [tilespmem:s22+$0xA150];
	s8 =	sld [smem:$0x7FA]  }
0x561: {  	v23 =	vmul.f32 v23, v10;
	v21 =	vadd.f32 v21, v22;
	v17 =	vld [tilespmem:s28+$0xA5D0]  }
0x562: {  	s5 =	simm.s32 $0x300;
	s4 =	simm.s32 $0x600;
	v22 =	vld [tilespmem:s10+$0xA550]  }
0x563: {  	s1 =	sand.u32 $0x300, s5;
	s0 =	sand.u32 $0x1800, s4;
	v21 =	vadd.f32 v23, v21;
	v23 =	vld [tilespmem:s21+$0xA150];
	s9 =	sadd.s32 $0x4E, s8  }
0x564: {  	s4 =	sor.u32 s1, s0;
	v56 =	vld [tilespmem:s16+$0xA550];
	v26 =	vmov s9  }
0x565: {  	s7 =	simm.s32 $0x3B00;
	v59 =	vld [tilespmem:s4+$0xA180];
	v24 =	vmul.f32 v24, v12;
	v20 =	vmul.f32 v20, v11;
	s12 =	sadd.s32 $0x7F, s8;
	s14 =	sadd.s32 $0x1D, s8;
	v26 =	vand.u32 $0xFFFFFFFE, v26  }
0x566: {  	v51 =	vld [tilespmem:s13+$0xA550];
	[tilespmem:s26+$0xFFFFFEB0] =	vst v21;
	s3 =	sadd.s32 $0xB0, s8;
	v63 =	vmov s12;
	v21 =	vmov s14;
	s9 =	simm.s32 $0x2100;
	s12 =	simm.s32 $0x1080;
	v26 =	vbroadcast v26, $0x0  }
0x567: {  	v25 =	vmul.f32 v25, v13;
	v48 =	vld [tilespmem:s18+$0xA530];
	v50 =	vmov s3;
	s14 =	simm.s32 $0x1D80;
	s0 =	sand.u32 $0x3800, s9;
	s1 =	sand.u32 $0x380, s12  }
0x568: {  	s2 =	sand.u32 $0x7800, s7;
	v49 =	vld [tilespmem:s15+$0xA530];
	v20 =	vadd.f32 v20, v24;
	v52 =	vmul.f32 v17, v32;
	v53 =	vmul.f32 v22, v33;
	s3 =	sand.u32 $0x380, s14;
	s30 =	sor.u32 s1, s0  }
0x569: {  	v50 =	vand.u32 $0xFFFFFFFE, v50;
	v44 =	vmul.f32 v56, v34;
	v23 =	vmul.f32 v23, v14;
	s7 =	sor.u32 s3, s2;
	v60 =	vld [tilespmem:s30+$0xA100]  }
0x56a: {  	s12 =	simm.s32 $0x2A80;
	s14 =	simm.s32 $0x5500;
	v57 =	vbroadcast v50, $0x0;
	v25 =	vadd.f32 v25, v20;
	v58 =	vadd.f32 v53, v52;
	v61 =	vld [tilespmem:s7+$0xA100]  }
0x56b: {  	s3 =	sand.u32 $0x7800, s14;
	s5 =	sand.u32 $0x380, s12;
	v22 =	vld.idx.msk [tilespmem:v21+s29+$0x0], $0xffff  }
0x56c: {  	s2 =	sor.u32 s5, s3;
	v23 =	vadd.f32 v23, v25;
	v24 =	vadd.f32 v44, v58;
	v21 =	vld.idx.msk [tilespmem:v26+s29+$0x0], $0xffff;
	v26 =	vmul.f32 v51, v31  }
0x56d: {  	v25 =	vld [tilespmem:s2+$0xA100]  }
0x56e: {  	v17 =	vld.idx.msk [tilespmem:v63+s29+$0x0], $0xffff;
	[tilespmem:s20+$0xFFFFFE60] =	vst v23;
	v24 =	vadd.f32 v26, v24  }
0x56f: {  	s9 =	sadd.s32 $0x1C, s8;
	v52 =	vld [tilespmem:s22+$0xA160]  }
0x570: {  	v20 =	vld.idx.msk [tilespmem:v57+s29+$0x0], $0xffff;
	[tilespmem:s20+$0xFFFFFFE0] =	vst v24;
	v24 =	vmov s9  }
0x571: {  	v51 =	vld [tilespmem:s28+$0xA160];
	v23 =	vand.u32 $0xFFFFFFFE, v24;
	v24 =	vmul.f32 v59, v22;
	v62 =	vmul.f32 v60, v21  }
0x572: {  	v26 =	vld [tilespmem:s28+$0xA5E0]  }
0x573: {  	v56 =	vmul.f32 v61, v17;
	v63 =	vld [tilespmem:s10+$0xA560];
	v24 =	vadd.f32 v62, v24  }
0x574: {  	v54 =	vld [tilespmem:s23+$0xA160]  }
0x575: {  	v57 =	vld [tilespmem:s16+$0xA560];
	v25 =	vmul.f32 v25, v20;
	v24 =	vadd.f32 v56, v24  }
0x576: {  	s1 =	sadd.s32 $0x4D, s8;
	v55 =	vld [tilespmem:s21+$0xA160];
	v52 =	vmul.f32 v52, v11;
	v51 =	vmul.f32 v51, v12  }
0x577: {  	v58 =	vmov s1;
	v59 =	vld [tilespmem:s13+$0xA560];
	v23 =	vbroadcast v23, $0x0;
	v25 =	vadd.f32 v25, v24  }
0x578: {  	s0 =	simm.s32 $0x12AF0;
	v51 =	vadd.f32 v52, v51;
	v52 =	vld [tilespmem:s31+$0xA530];
	v26 =	vmul.f32 v26, v32;
	v44 =	vmul.f32 v63, v33  }
0x579: {  	s3 =	sadd.s32 $0x7E, s8;
	v63 =	vld [tilespmem:s4+$0xA100];
	[tilespmem:s0+$0xFFFFFF10] =	vst v25  }
0x57a: {  	v60 =	vmul.f32 v57, v34;
	v26 =	vadd.f32 v44, v26;
	v25 =	vmov s3;
	v61 =	vld [tilespmem:s4+$0xA190]  }
0x57b: {  	v25 =	vand.u32 $0xFFFFFFFE, v25;
	v62 =	vld [tilespmem:s30+$0xA110]  }
0x57c: {  	v43 =	vmul.f32 v59, v31;
	v24 =	vld.idx.msk [tilespmem:v58+s29+$0x0], $0xffff;
	v26 =	vadd.f32 v60, v26;
	v25 =	vbroadcast v25, $0x0  }
0x57d: {  	s5 =	simm.s32 $0x2000;
	s9 =	simm.s32 $0x1000;
	v56 =	vld [tilespmem:s7+$0xA110]  }
0x57e: {  	s1 =	sand.u32 $0x3800, s5;
	v23 =	vld.idx.msk [tilespmem:v23+s29+$0x0], $0xffff;
	s3 =	sand.u32 $0x300, s9;
	v26 =	vadd.f32 v43, v26  }
0x57f: {  	s8 =	sadd.s32 $0xAF, s8;
	s5 =	simm.s32 $0x3A00;
	v57 =	vld [tilespmem:s2+$0xA110];
	s9 =	sor.u32 s3, s1  }
0x580: {  	s1 =	sand.u32 $0x7800, s5;
	v58 =	vld [tilespmem:s9+$0xA100];
	[tilespmem:s20+$0xFFFFFFF0] =	vst v26;
	v26 =	vmov s8;
	s8 =	simm.s32 $0x1D00;
	v50 =	vmul.f32 v61, v22;
	v59 =	vmul.f32 v62, v21  }
0x581: {  	v54 =	vmul.f32 v54, v13;
	s5 =	simm.s32 $0x5400;
	s3 =	sand.u32 $0x300, s8;
	v44 =	vld [tilespmem:s16+$0xA570];
	s8 =	simm.s32 $0x2A00  }
0x582: {  	v60 =	vmul.f32 v56, v17;
	s16 =	sor.u32 s3, s1;
	s1 =	sand.u32 $0x7800, s5;
	s3 =	sand.u32 $0x300, s8;
	v25 =	vld.idx.msk [tilespmem:v25+s29+$0x0], $0xffff;
	v50 =	vadd.f32 v59, v50  }
0x583: {  	v55 =	vmul.f32 v55, v14;
	v51 =	vadd.f32 v54, v51;
	v54 =	vld [tilespmem:s16+$0xA100];
	s3 =	sor.u32 s3, s1  }
0x584: {  	v61 =	vmul.f32 v57, v20;
	v62 =	vld [tilespmem:s3+$0xA100];
	v50 =	vadd.f32 v60, v50  }
0x585: {  	v51 =	vadd.f32 v55, v51;
	v26 =	vld.idx.msk [tilespmem:v26+s29+$0x0], $0xffff  }
0x586: {  	v53 =	vmul.f32 v63, v23;
	v43 =	vld [tilespmem:s10+$0xA570];
	v63 =	vmul.f32 v58, v24;
	v50 =	vadd.f32 v61, v50  }
0x587: {  	[tilespmem:s20+$0xFFFFFE70] =	vst v51;
	v56 =	vld [tilespmem:s6+$0xA530]  }
0x588: {  	v57 =	vld [tilespmem:s22+$0xA170];
	v60 =	vadd.f32 v63, v53;
	v61 =	vmul.f32 v54, v25;
	[tilespmem:s0+$0xFFFFFF20] =	vst v50  }
0x589: {  	v42 =	vmul.f32 v42, v3;
	v50 =	vld [tilespmem:s4+$0xA1A0]  }
0x58a: {  	v45 =	vmul.f32 v45, v4;
	v51 =	vadd.f32 v61, v60;
	v62 =	vmul.f32 v62, v26;
	v63 =	vld [tilespmem:s30+$0xA120]  }
0x58b: {  	v53 =	vld [tilespmem:s23+$0xA170]  }
0x58c: {  	v42 =	vadd.f32 v45, v42;
	v58 =	vmul.f32 v46, v6;
	v59 =	vadd.f32 v62, v51;
	v51 =	vld [tilespmem:s7+$0xA120]  }
0x58d: {  	v54 =	vld [tilespmem:s28+$0xA170]  }
0x58e: {  	v47 =	vmul.f32 v47, v5;
	v42 =	vadd.f32 v58, v42;
	v45 =	vld [tilespmem:s2+$0xA120];
	[tilespmem:s0+$0xFFFFFE10] =	vst v59  }
0x58f: {  	v60 =	vmul.f32 v50, v22;
	v61 =	vmul.f32 v63, v21;
	v55 =	vld [tilespmem:s4+$0xA110]  }
0x590: {  	v42 =	vadd.f32 v47, v42;
	v62 =	vmul.f32 v48, v9;
	v63 =	vmul.f32 v49, v8;
	v49 =	vld [tilespmem:s9+$0xA110]  }
0x591: {  	v58 =	vld [tilespmem:s21+$0xA170];
	v56 =	vmul.f32 v56, v7;
	v46 =	vadd.f32 v61, v60;
	v60 =	vmul.f32 v51, v17  }
0x592: {  	v48 =	vadd.f32 v63, v62;
	v61 =	vmul.f32 v54, v12;
	v62 =	vmul.f32 v57, v11;
	v57 =	vld [tilespmem:s16+$0xA110]  }
0x593: {  	v52 =	vmul.f32 v52, v10;
	v47 =	vld [tilespmem:s18+$0xA5F0];
	v63 =	vmul.f32 v45, v20;
	v46 =	vadd.f32 v60, v46  }
0x594: {  	[tilespmem:s19+$0xFFFFFEE0] =	vst v42;
	v59 =	vadd.f32 v56, v48;
	v60 =	vmul.f32 v53, v13;
	v51 =	vadd.f32 v62, v61;
	v61 =	vld [tilespmem:s3+$0xA110]  }
0x595: {  	v42 =	vld [tilespmem:s24+$0xA560];
	v62 =	vmul.f32 v55, v23;
	v49 =	vmul.f32 v49, v24;
	v50 =	vadd.f32 v63, v46  }
0x596: {  	v45 =	vld [tilespmem:s11+$0xA560];
	v52 =	vadd.f32 v52, v59;
	v63 =	vmul.f32 v58, v14  }
0x597: {  	v46 =	vld [tilespmem:s17+$0xA560];
	v48 =	vadd.f32 v60, v51;
	v58 =	vmul.f32 v57, v25;
	v49 =	vadd.f32 v49, v62;
	[tilespmem:s0+$0xFFFFFF30] =	vst v50  }
0x598: {  	v59 =	vld [tilespmem:s4+$0xA1B0]  }
0x599: {  	[tilespmem:s26+$0xFFFFFEC0] =	vst v52;
	v48 =	vadd.f32 v63, v48;
	v60 =	vmul.f32 v61, v26;
	v61 =	vld [tilespmem:s30+$0xA130];
	v49 =	vadd.f32 v58, v49  }
0x59a: {  	s17 =	simm.s32 $0x128F0;
	v50 =	vld [tilespmem:s18+$0xA540]  }
0x59b: {  	[tilespmem:s17+$0xFFFFFE80] =	vst v48;
	v48 =	vld [tilespmem:s7+$0xA130];
	v49 =	vadd.f32 v60, v49  }
0x59c: {  	v54 =	vld [tilespmem:s2+$0xA130]  }
0x59d: {  	v52 =	vld [tilespmem:s28+$0xA500];
	[tilespmem:s0+$0xFFFFFE20] =	vst v49  }
0x59e: {  	v62 =	vmul.f32 v59, v22;
	v63 =	vmul.f32 v61, v21;
	v60 =	vld [tilespmem:s4+$0xA120]  }
0x59f: {  	v61 =	vld [tilespmem:s9+$0xA120]  }
0x5a0: {  	v56 =	vld [tilespmem:s22+$0xA500];
	v48 =	vmul.f32 v48, v17;
	v49 =	vadd.f32 v63, v62  }
0x5a1: {  	v62 =	vld [tilespmem:s16+$0xA120]  }
0x5a2: {  	v57 =	vld [tilespmem:s23+$0xA500];
	v63 =	vmul.f32 v54, v20;
	v48 =	vadd.f32 v48, v49  }
0x5a3: {  	v54 =	vld [tilespmem:s3+$0xA120]  }
0x5a4: {  	v58 =	vld [tilespmem:s15+$0xA540];
	v60 =	vmul.f32 v60, v23;
	v61 =	vmul.f32 v61, v24;
	v48 =	vadd.f32 v63, v48  }
0x5a5: {  	v55 =	vld [tilespmem:s21+$0xA500];
	v52 =	vmul.f32 v52, v12;
	v56 =	vmul.f32 v56, v11  }
0x5a6: {  	v59 =	vld [tilespmem:s6+$0xA540];
	v62 =	vmul.f32 v62, v25;
	v49 =	vadd.f32 v61, v60;
	[tilespmem:s0+$0xFFFFFF40] =	vst v48  }
0x5a7: {  	v52 =	vadd.f32 v56, v52;
	v53 =	vld [tilespmem:s4+$0xA1C0]  }
0x5a8: {  	v63 =	vmul.f32 v57, v13;
	v54 =	vmul.f32 v54, v26;
	v60 =	vld [tilespmem:s30+$0xA140];
	v48 =	vadd.f32 v62, v49  }
0x5a9: {  	v50 =	vmul.f32 v50, v9;
	v61 =	vmul.f32 v58, v8;
	v49 =	vld [tilespmem:s31+$0xA540]  }
0x5aa: {  	v51 =	vadd.f32 v63, v52;
	v62 =	vmul.f32 v55, v14;
	v55 =	vld [tilespmem:s7+$0xA140];
	v54 =	vadd.f32 v54, v48  }
0x5ab: {  	v52 =	vld [tilespmem:s2+$0xA140]  }
0x5ac: {  	v63 =	vmul.f32 v59, v7;
	v50 =	vadd.f32 v61, v50;
	v48 =	vld [tilespmem:s25+$0xA560];
	v51 =	vadd.f32 v62, v51;
	[tilespmem:s0+$0xFFFFFE30] =	vst v54  }
0x5ad: {  	v53 =	vmul.f32 v53, v22;
	v60 =	vmul.f32 v60, v21;
	v61 =	vld [tilespmem:s4+$0xA130]  }
0x5ae: {  	v50 =	vadd.f32 v63, v50;
	[tilespmem:s17+$0xFFFFFE90] =	vst v51;
	v49 =	vmul.f32 v49, v10;
	v62 =	vld [tilespmem:s9+$0xA130]  }
0x5af: {  	v63 =	vld [tilespmem:s28+$0xA510];
	v55 =	vmul.f32 v55, v17;
	v53 =	vadd.f32 v60, v53  }
0x5b0: {  	v49 =	vadd.f32 v49, v50;
	v60 =	vld [tilespmem:s16+$0xA130]  }
0x5b1: {  	v52 =	vmul.f32 v52, v20;
	v54 =	vld [tilespmem:s3+$0xA130];
	v53 =	vadd.f32 v55, v53  }
0x5b2: {  	[tilespmem:s26+$0xFFFFFED0] =	vst v49;
	v49 =	vld [tilespmem:s22+$0xA510]  }
0x5b3: {  	v55 =	vld [tilespmem:s18+$0xA550];
	v61 =	vmul.f32 v61, v23;
	v51 =	vmul.f32 v62, v24;
	v52 =	vadd.f32 v52, v53  }
0x5b4: {  	v62 =	vld [tilespmem:s23+$0xA510]  }
0x5b5: {  	v50 =	vmul.f32 v60, v25;
	v51 =	vadd.f32 v51, v61;
	[tilespmem:s0+$0xFFFFFF50] =	vst v52;
	v52 =	vld [tilespmem:s21+$0xA510]  }
0x5b6: {  	v63 =	vmul.f32 v63, v12;
	v60 =	vld [tilespmem:s4+$0xA1D0]  }
0x5b7: {  	v54 =	vmul.f32 v54, v26;
	v61 =	vld [tilespmem:s30+$0xA150];
	v49 =	vmul.f32 v49, v11;
	v50 =	vadd.f32 v50, v51  }
0x5b8: {  	v53 =	vld [tilespmem:s6+$0xA550]  }
0x5b9: {  	v56 =	vmul.f32 v62, v13;
	v62 =	vld [tilespmem:s7+$0xA150];
	v49 =	vadd.f32 v49, v63;
	v50 =	vadd.f32 v54, v50  }
0x5ba: {  	v51 =	vld [tilespmem:s15+$0xA550]  }
0x5bb: {  	v63 =	vld [tilespmem:s2+$0xA150];
	v52 =	vmul.f32 v52, v14;
	v49 =	vadd.f32 v56, v49;
	[tilespmem:s0+$0xFFFFFE40] =	vst v50  }
0x5bc: {  	v60 =	vmul.f32 v60, v22;
	v61 =	vmul.f32 v61, v21;
	v57 =	vld [tilespmem:s4+$0xA140]  }
0x5bd: {  	v49 =	vadd.f32 v52, v49;
	v52 =	vld [tilespmem:s9+$0xA140]  }
0x5be: {  	v58 =	vld [tilespmem:s16+$0xA140];
	v62 =	vmul.f32 v62, v17;
	v50 =	vadd.f32 v61, v60  }
0x5bf: {  	[tilespmem:s17+$0xFFFFFEA0] =	vst v49;
	v49 =	vld [tilespmem:s3+$0xA140]  }
0x5c0: {  	v54 =	vmul.f32 v63, v20;
	v50 =	vadd.f32 v62, v50;
	v56 =	vld [tilespmem:s28+$0xA520]  }
0x5c1: {  	v59 =	vld [tilespmem:s22+$0xA520]  }
0x5c2: {  	v60 =	vld [tilespmem:s31+$0xA550];
	v57 =	vmul.f32 v57, v23;
	v50 =	vadd.f32 v54, v50;
	v52 =	vmul.f32 v52, v24  }
0x5c3: {  	v54 =	vld [tilespmem:s23+$0xA520]  }
0x5c4: {  	v58 =	vmul.f32 v58, v25;
	[tilespmem:s0+$0xFFFFFF60] =	vst v50;
	v50 =	vld [tilespmem:s21+$0xA520];
	v52 =	vadd.f32 v52, v57  }
0x5c5: {  	v19 =	vmul.f32 v38, v19;
	v49 =	vmul.f32 v49, v26;
	v57 =	vld [tilespmem:s4+$0xA1E0]  }
0x5c6: {  	v56 =	vmul.f32 v56, v12;
	v52 =	vadd.f32 v58, v52;
	v58 =	vmul.f32 v59, v11;
	v59 =	vld [tilespmem:s30+$0xA160]  }
0x5c7: {  	v18 =	vmul.f32 v37, v18;
	v15 =	vmul.f32 v35, v15;
	v61 =	vld [tilespmem:s28+$0xA5F0]  }
0x5c8: {  	v49 =	vadd.f32 v49, v52;
	v52 =	vmul.f32 v54, v13;
	v63 =	vadd.f32 v58, v56;
	v56 =	vld [tilespmem:s7+$0xA160]  }
0x5c9: {  	v16 =	vmul.f32 v36, v16;
	v18 =	vadd.f32 v18, v19;
	v62 =	vmul.f32 v55, v9;
	v55 =	vld [tilespmem:s13+$0xA570]  }
0x5ca: {  	v51 =	vmul.f32 v51, v8;
	v50 =	vmul.f32 v50, v14;
	[tilespmem:s0+$0xFFFFFE50] =	vst v49;
	v49 =	vadd.f32 v52, v63;
	v52 =	vld [tilespmem:s2+$0xA160]  }
0x5cb: {  	v15 =	vadd.f32 v15, v18;
	v57 =	vmul.f32 v57, v22;
	v54 =	vld [tilespmem:s4+$0xA150];
	v63 =	vmul.f32 v59, v21  }
0x5cc: {  	v38 =	vadd.f32 v51, v62;
	v62 =	vmul.f32 v53, v7;
	v49 =	vadd.f32 v50, v49;
	v50 =	vld [tilespmem:s9+$0xA150]  }
0x5cd: {  	v53 =	vld [tilespmem:s16+$0xA150];
	v63 =	vadd.f32 v63, v57;
	v56 =	vmul.f32 v56, v17  }
0x5ce: {  	v15 =	vadd.f32 v16, v15;
	v38 =	vadd.f32 v62, v38;
	v62 =	vmul.f32 v60, v10;
	[tilespmem:s17+$0xFFFFFEB0] =	vst v49;
	v49 =	vld [tilespmem:s3+$0xA150]  }
0x5cf: {  	v27 =	vmul.f32 v41, v27;
	v19 =	vadd.f32 v56, v63;
	v63 =	vmul.f32 v52, v20;
	v52 =	vld [tilespmem:s28+$0xA530]  }
0x5d0: {  	v18 =	vmul.f32 v47, v28;
	v28 =	vmul.f32 v40, v30;
	v56 =	vadd.f32 v62, v38;
	v57 =	vld [tilespmem:s22+$0xA530]  }
0x5d1: {  	v59 =	vld [tilespmem:s23+$0xA530];
	v58 =	vmul.f32 v54, v23;
	v50 =	vmul.f32 v50, v24;
	v19 =	vadd.f32 v63, v19  }
0x5d2: {  	v33 =	vmul.f32 v43, v33;
	v34 =	vmul.f32 v44, v34;
	v18 =	vadd.f32 v28, v18;
	v30 =	vld [tilespmem:s21+$0xA530];
	[tilespmem:s26+$0xFFFFFEE0] =	vst v56  }
0x5d3: {  	v28 =	vmul.f32 v39, v29;
	v62 =	vmul.f32 v53, v25;
	v60 =	vadd.f32 v50, v58;
	[tilespmem:s0+$0xFFFFFF70] =	vst v19;
	v19 =	vld [tilespmem:s18+$0xA560]  }
0x5d4: {  	v18 =	vadd.f32 v27, v18;
	v27 =	vmul.f32 v45, v3;
	v29 =	vmul.f32 v49, v26;
	v63 =	vld [tilespmem:s4+$0xA1F0]  }
0x5d5: {  	v49 =	vmul.f32 v52, v12;
	v50 =	vld [tilespmem:s30+$0xA170];
	v36 =	vmul.f32 v57, v11;
	v35 =	vadd.f32 v62, v60  }
0x5d6: {  	v18 =	vadd.f32 v28, v18;
	v51 =	vmul.f32 v46, v4;
	v32 =	vmul.f32 v61, v32;
	v52 =	vld [tilespmem:s15+$0xA560]  }
0x5d7: {  	v53 =	vmul.f32 v59, v13;
	v54 =	vld [tilespmem:s7+$0xA170];
	v36 =	vadd.f32 v36, v49;
	v29 =	vadd.f32 v29, v35  }
0x5d8: {  	v16 =	vadd.f32 v51, v27;
	v27 =	vmul.f32 v42, v6;
	v32 =	vadd.f32 v33, v32;
	v56 =	vld [tilespmem:s6+$0xA560]  }
0x5d9: {  	v31 =	vmul.f32 v55, v31;
	v28 =	vmul.f32 v30, v14;
	v30 =	vld [tilespmem:s2+$0xA170];
	[tilespmem:s0+$0xFFFFFE60] =	vst v29;
	v29 =	vadd.f32 v53, v36  }
0x5da: {  	v16 =	vadd.f32 v27, v16;
	v57 =	vmul.f32 v63, v22;
	v58 =	vmul.f32 v50, v21;
	v27 =	vld [tilespmem:s4+$0xA160]  }
0x5db: {  	v19 =	vmul.f32 v19, v9;
	v61 =	vmul.f32 v52, v8;
	v59 =	vld [tilespmem:s16+$0xA160];
	v28 =	vadd.f32 v28, v29  }
0x5dc: {  	[tilespmem:s26+$0x0] =	vst v18;
	v32 =	vadd.f32 v34, v32;
	v37 =	vmul.f32 v54, v17;
	v29 =	vld [tilespmem:s9+$0xA160];
	v35 =	vadd.f32 v58, v57  }
0x5dd: {  	v60 =	vmul.f32 v48, v5;
	v18 =	vadd.f32 v61, v19;
	v19 =	vmul.f32 v56, v7;
	[tilespmem:s17+$0xFFFFFEC0] =	vst v28;
	v28 =	vld [tilespmem:s3+$0xA160]  }
0x5de: {  	v32 =	vadd.f32 v31, v32;
	v30 =	vmul.f32 v30, v20;
	v35 =	vadd.f32 v37, v35;
	v62 =	vld [tilespmem:s28+$0xA540]  }
0x5df: {  	[tilespmem:s19+$0x0] =	vst v15;
	s10 =	smov.u32 s22;
	v33 =	vadd.f32 v60, v16;
	v18 =	vadd.f32 v19, v18;
	v19 =	vld [tilespmem:s31+$0xA560]  }
0x5e0: {  	s5 =	smov.u32 s2;
	s8 =	smov.u32 s9;
	[tilespmem:s17+$0x0] =	vst v32;
	v15 =	vld [tilespmem:s10+$0xA540];
	v30 =	vadd.f32 v30, v35  }
0x5e1: {  	s1 =	smov.u32 s3;
	s29 =	smov.u32 s15;
	s24 =	smov.u32 s25;
	[tilespmem:s19+$0xFFFFFEF0] =	vst v33;
	v16 =	vld [tilespmem:s23+$0xA540];
	v63 =	vmul.f32 v27, v23;
	v29 =	vmul.f32 v29, v24  }
0x5e2: {  	s25 =	smov.u32 s16;
	s22 =	smov.u32 s18;
	s6 =	smov.u32 s31;
	v27 =	vld [tilespmem:s21+$0xA540];
	v31 =	vmul.f32 v59, v25;
	[tilespmem:s0+$0xFFFFFF80] =	vst v30  }
0x5e3: {  	s15 =	smov.u32 s28;
	s2 =	simm.s32 $0x6;
	v32 =	vadd.f32 v29, v63;
	v29 =	vmul.f32 v28, v26;
	v30 =	vld [tilespmem:s4+$0xA580];
	s13 =	rddreg [dreg:$0xb];
	v28 =	vmul.f32 v62, v12  }
.LBB2_12:
0x5e4: {  	s3 =	sadd.s32 s2, s13;
	s28 =	smov.u32 s13;
	s13 =	smov.u32 s21  }
0x5e5: {  	s31 =	smov.u32 s23;
	s23 =	smov.u32 s10;
	s10 =	smov.u32 s19  }
0x5e6: {  	v59 =	vld [tilespmem:s30+$0xA500];
	s9 =	rddreg [dreg:$0x7];
	s12 =	sadd.s32 $0x100, s12;
	s14 =	sadd.s32 $0x200, s14  }
0x5e7: {  	v35 =	vld [tilespmem:s11+$0xA570];
	s19 =	rddreg [dreg:$0x8];
	s16 =	sadd.s32 $0x1C, s3;
	s18 =	sadd.s32 $0x4E, s3  }
0x5e8: {  	v37 =	vld [tilespmem:s7+$0xA500];
	s20 =	sadd.s32 $0x7F, s3;
	s21 =	sadd.s32 $0x7E, s3;
	s11 =	sadd.s32 $0x1D, s3  }
0x5e9: {  	v31 =	vadd.f32 v31, v32;
	v39 =	vld [tilespmem:s9+$0xA570];
	s9 =	smov.u32 s15;
	s15 =	smov.u32 s29;
	s29 =	simm.s32 $0x2000;
	v36 =	vmov s20;
	v38 =	vmov s11  }
0x5ea: {  	s11 =	smov.u32 s22;
	[dreg:$0x12] =	wrdreg s9;
	s9 =	smov.u32 s4;
	v33 =	vmul.f32 v15, v11;
	v34 =	vmul.f32 v16, v13;
	v15 =	vmov s16  }
0x5eb: {  	[dreg:$0x7] =	wrdreg s15;
	s20 =	smov.u32 s23;
	s16 =	sadd.s32 $0x4D, s3;
	v16 =	vmov s18;
	v30 =	vmul.f32 v30, v22;
	v15 =	vand.u32 $0xFFFFFFFE, v15  }
0x5ec: {  	v42 =	vld [tilespmem:s5+$0xA500];
	s22 =	sadd.s32 $0xFFFFE600, s14;
	s18 =	sadd.s32 $0xAF, s3;
	s3 =	sadd.s32 $0xB0, s3;
	v16 =	vand.u32 $0xFFFFFFFE, v16;
	v32 =	vmul.f32 v59, v21;
	v44 =	vmov s16  }
0x5ed: {  	v46 =	vld [tilespmem:s24+$0xA570];
	s23 =	sadd.s32 $0xFFFFF300, s12;
	s15 =	sadd.s32 $0xFFFFD880, s12;
	[dreg:$0x9] =	wrdreg s20;
	v61 =	vmul.f32 v37, v17;
	v41 =	vbroadcast v16, $0x0;
	v16 =	vmov s3  }
0x5ee: {  	v43 =	vld [tilespmem:s19+$0xA570];
	s4 =	sand.u32 $0x7800, s22;
	s16 =	sand.u32 $0x380, s23;
	v40 =	vbroadcast v15, $0x0;
	v15 =	vmov s21;
	s21 =	sadd.s32 $0xFFFFB100, s14;
	v16 =	vand.u32 $0xFFFFFFFE, v16  }
0x5ef: {  	s20 =	sand.u32 $0x300, s15;
	s3 =	sor.u32 s16, s4;
	v45 =	vand.u32 $0xFFFFFFFE, v15;
	v15 =	vld.idx.msk [tilespmem:v36+s29+$0x0], $0xffff;
	v30 =	vadd.f32 v32, v30;
	s19 =	sand.u32 $0x1800, s21;
	v60 =	vbroadcast v16, $0x0  }
0x5f0: {  	v29 =	vadd.f32 v29, v31;
	s21 =	sadd.s32 $0xFFFFE600, s12;
	v31 =	vld [tilespmem:s3+$0xA100];
	s4 =	sor.u32 s20, s19;
	s20 =	sadd.s32 $0xFFFFCC00, s14  }
0x5f1: {  	v63 =	vmov s18;
	v48 =	vmul.f32 v42, v20;
	v16 =	vld.idx.msk [tilespmem:v38+s29+$0x0], $0xffff;
	s18 =	sand.u32 $0x380, s21;
	v30 =	vadd.f32 v61, v30;
	s16 =	sand.u32 $0x3800, s20  }
0x5f2: {  	[tilespmem:s0+$0xFFFFFE70] =	vst v29;
	v29 =	vmul.f32 v19, v10;
	v28 =	vadd.f32 v33, v28;
	v49 =	vld [tilespmem:s4+$0xA180];
	s16 =	sor.u32 s18, s16  }
0x5f3: {  	v27 =	vmul.f32 v27, v14;
	v50 =	vmul.f32 v35, v3;
	v30 =	vadd.f32 v48, v30;
	v51 =	vld [tilespmem:s16+$0xA100]  }
0x5f4: {  	s22 =	sadd.s32 $0xFFFFCB00, s14;
	s23 =	sadd.s32 $0xFFFFE580, s12;
	v52 =	vmul.f32 v39, v4;
	v29 =	vadd.f32 v29, v18;
	v28 =	vadd.f32 v34, v28;
	v19 =	vld.idx.msk [tilespmem:v41+s29+$0x0], $0xffff  }
0x5f5: {  	v3 =	vmov v9;
	v9 =	vmov v12;
	v12 =	vmov v23;
	s24 =	sand.u32 $0x300, s23;
	s20 =	sand.u32 $0x3800, s22;
	v18 =	vld.idx.msk [tilespmem:v60+s29+$0x0], $0xffff;
	[tilespmem:s0+$0xFFFFFF90] =	vst v30  }
0x5f6: {  	v53 =	vmul.f32 v43, v6;
	s23 =	sand.u32 $0x7800, s14;
	[tilespmem:s26+$0xFFFFFEF0] =	vst v29;
	v29 =	vadd.f32 v52, v50;
	s20 =	sor.u32 s24, s20;
	v54 =	vadd.f32 v27, v28;
	s24 =	sand.u32 $0x380, s12;
	v28 =	vld [tilespmem:s9+$0xA590]  }
0x5f7: {  	v4 =	vmovc v8;
	v8 =	vmovc v11;
	v11 =	vmov v24;
	v6 =	vmov v7;
	v7 =	vmov v13;
	s18 =	sor.u32 s24, s23;
	v30 =	vld [tilespmem:s30+$0xA510]  }
0x5f8: {  	s15 =	sadd.s32 $0xFFFFE500, s14;
	v13 =	vmovc v25;
	s19 =	sadd.s32 $0xFFFFF280, s12;
	v27 =	vmul.f32 v46, v5;
	v5 =	vmov v10;
	v24 =	vadd.f32 v53, v29;
	[tilespmem:s17+$0xFFFFFED0] =	vst v54;
	v25 =	vld [tilespmem:s18+$0xA100]  }
0x5f9: {  	s21 =	sand.u32 $0x7800, s15;
	s22 =	sand.u32 $0x300, s19;
	v10 =	vmovc v14;
	v14 =	vmov v26;
	v23 =	vld.idx.msk [tilespmem:v40+s29+$0x0], $0xffff;
	v26 =	vmul.f32 v49, v16;
	v29 =	vmul.f32 v51, v19  }
0x5fa: {  	s15 =	sadd.s32 $0xFFFFFF00, s14;
	s19 =	sadd.s32 $0xFFFFFF80, s12;
	s21 =	sor.u32 s22, s21;
	v27 =	vadd.f32 v27, v24;
	v55 =	vld [tilespmem:s7+$0xA510]  }
0x5fb: {  	v62 =	vbroadcast v45, $0x0;
	s23 =	sand.u32 $0x7800, s15;
	s15 =	sand.u32 $0x300, s19;
	s19 =	smov.u32 s8;
	v24 =	vld.idx.msk [tilespmem:v44+s29+$0x0], $0xffff;
	v26 =	vadd.f32 v29, v26;
	v29 =	vmul.f32 v31, v15  }
0x5fc: {  	s22 =	sor.u32 s15, s23;
	s15 =	smov.u32 s20;
	s23 =	rddreg [dreg:$0xa];
	[tilespmem:s10+$0xFFFFFF00] =	vst v27;
	v31 =	vld [tilespmem:s5+$0xA510];
	v28 =	vmul.f32 v28, v22  }
0x5fd: {  	s20 =	smov.u32 s13;
	s13 =	smov.u32 s28;
	s24 =	smov.u32 s23;
	v27 =	vld [tilespmem:s4+$0xA100];
	v30 =	vmul.f32 v30, v21;
	v26 =	vadd.f32 v29, v26;
	v29 =	vmul.f32 v25, v18  }
0x5fe: {  	[dreg:$0x8] =	wrdreg s24;
	s24 =	smov.u32 s31;
	s31 =	smov.u32 s21;
	v56 =	vld [tilespmem:s15+$0xA100]  }
0x5ff: {  	s28 =	smov.u32 s22;
	s10 =	smov.u32 s19;
	s19 =	smov.u32 s26;
	v57 =	vld [tilespmem:s31+$0xA100];
	v28 =	vadd.f32 v30, v28;
	v30 =	vmul.f32 v55, v17;
	v29 =	vadd.f32 v29, v26  }
0x600: {  	s26 =	smov.u32 s17;
	s17 =	smov.u32 s0;
	s0 =	sadd.s32 $0x200, s0;
	v61 =	vld [tilespmem:s28+$0xA100]  }
0x601: {  	v25 =	vld.idx.msk [tilespmem:v62+s29+$0x0], $0xffff;
	v28 =	vadd.f32 v30, v28;
	v30 =	vmul.f32 v31, v20;
	[tilespmem:s0+$0xFFFFFF10] =	vst v29  }
0x602: {  	v29 =	vld [tilespmem:s4+$0xA190]  }
0x603: {  	v28 =	vadd.f32 v30, v28;
	v31 =	vld [tilespmem:s16+$0xA110]  }
0x604: {  	v27 =	vmul.f32 v27, v23;
	v26 =	vld.idx.msk [tilespmem:v63+s29+$0x0], $0xffff;
	v30 =	vmul.f32 v56, v24  }
0x605: {  	v58 =	vld [tilespmem:s3+$0xA110];
	[tilespmem:s17+$0xFFFFFFA0] =	vst v28  }
0x606: {  	v27 =	vadd.f32 v30, v27;
	v28 =	vmul.f32 v57, v25;
	v30 =	vld [tilespmem:s9+$0xA5A0]  }
0x607: {  	v59 =	vld [tilespmem:s30+$0xA520]  }
0x608: {  	v27 =	vadd.f32 v28, v27;
	v28 =	vld [tilespmem:s18+$0xA110];
	v29 =	vmul.f32 v29, v16;
	v31 =	vmul.f32 v31, v19  }
0x609: {  	v60 =	vld [tilespmem:s7+$0xA520]  }
0x60a: {  	v36 =	vld [tilespmem:s9+$0xA170];
	v29 =	vadd.f32 v31, v29;
	v31 =	vmul.f32 v58, v15  }
0x60b: {  	v39 =	vmul.f32 v61, v26;
	v62 =	vld [tilespmem:s5+$0xA520]  }
0x60c: {  	s23 =	smov.u32 s25;
	s25 =	smov.u32 s6;
	s6 =	rddreg [dreg:$0x12];
	v30 =	vmul.f32 v30, v22;
	v32 =	vmul.f32 v59, v21;
	v29 =	vadd.f32 v31, v29;
	v31 =	vld [tilespmem:s10+$0xA170]  }
0x60d: {  	v41 =	vld [tilespmem:s6+$0xA550];
	v28 =	vmul.f32 v28, v18  }
0x60e: {  	s21 =	smov.u32 s1;
	s1 =	rddreg [dreg:$0x9];
	v63 =	vld [tilespmem:s23+$0xA170];
	v27 =	vadd.f32 v39, v27;
	v38 =	vmul.f32 v60, v17;
	v30 =	vadd.f32 v32, v30  }
0x60f: {  	v42 =	vld [tilespmem:s1+$0xA550];
	v28 =	vadd.f32 v28, v29  }
0x610: {  	v40 =	vmul.f32 v62, v20;
	v29 =	vld [tilespmem:s21+$0xA170];
	[tilespmem:s0+$0xFFFFFE10] =	vst v27;
	v30 =	vadd.f32 v38, v30  }
0x611: {  	v49 =	vld [tilespmem:s4+$0xA110];
	[tilespmem:s0+$0xFFFFFF20] =	vst v28;
	v28 =	vmul.f32 v36, v12;
	v31 =	vmul.f32 v31, v11  }
0x612: {  	v43 =	vld [tilespmem:s4+$0xA1A0];
	v30 =	vadd.f32 v40, v30  }
0x613: {  	v44 =	vmul.f32 v63, v13;
	v27 =	vld [tilespmem:s16+$0xA120];
	v28 =	vadd.f32 v31, v28  }
0x614: {  	v45 =	vld [tilespmem:s3+$0xA120];
	[tilespmem:s17+$0xFFFFFFB0] =	vst v30  }
0x615: {  	v29 =	vmul.f32 v29, v14;
	v30 =	vld [tilespmem:s9+$0xA5B0];
	v28 =	vadd.f32 v44, v28  }
0x616: {  	v46 =	vld [tilespmem:s30+$0xA530]  }
0x617: {  	v48 =	vld [tilespmem:s18+$0xA120];
	v28 =	vadd.f32 v29, v28  }
0x618: {  	v35 =	vmul.f32 v43, v16;
	v27 =	vmul.f32 v27, v19;
	v29 =	vld [tilespmem:s7+$0xA530]  }
0x619: {  	[tilespmem:s17+$0xFFFFFE80] =	vst v28;
	v28 =	vld [tilespmem:s5+$0xA530]  }
0x61a: {  	v50 =	vmul.f32 v45, v15;
	v27 =	vadd.f32 v27, v35;
	v51 =	vld [tilespmem:s15+$0xA110]  }
0x61b: {  	v30 =	vmul.f32 v30, v22;
	v32 =	vmul.f32 v46, v21  }
0x61c: {  	v53 =	vmul.f32 v48, v18;
	v52 =	vld [tilespmem:s31+$0xA110];
	v27 =	vadd.f32 v50, v27  }
0x61d: {  	v54 =	vld [tilespmem:s28+$0xA110];
	v30 =	vadd.f32 v32, v30;
	v29 =	vmul.f32 v29, v17  }
0x61e: {  	v55 =	vmul.f32 v49, v23;
	v56 =	vld [tilespmem:s9+$0xA500];
	v27 =	vadd.f32 v53, v27  }
0x61f: {  	v57 =	vld [tilespmem:s10+$0xA500];
	v29 =	vadd.f32 v29, v30;
	v28 =	vmul.f32 v28, v20;
	v30 =	vmul.f32 v51, v24  }
0x620: {  	[tilespmem:s0+$0xFFFFFF30] =	vst v27;
	v27 =	vld [tilespmem:s23+$0xA500]  }
0x621: {  	v58 =	vmul.f32 v52, v25;
	v59 =	vld [tilespmem:s4+$0xA1B0];
	v28 =	vadd.f32 v28, v29;
	v29 =	vadd.f32 v30, v55  }
0x622: {  	v60 =	vld [tilespmem:s16+$0xA130]  }
0x623: {  	v61 =	vld [tilespmem:s3+$0xA130];
	v30 =	vmul.f32 v54, v26;
	[tilespmem:s17+$0xFFFFFFC0] =	vst v28;
	v28 =	vadd.f32 v58, v29  }
0x624: {  	v62 =	vld [tilespmem:s9+$0xA5C0]  }
0x625: {  	v33 =	vmul.f32 v56, v12;
	v29 =	vmul.f32 v57, v11;
	v63 =	vld [tilespmem:s30+$0xA540];
	v28 =	vadd.f32 v30, v28  }
0x626: {  	v31 =	vmul.f32 v41, v9;
	v27 =	vmul.f32 v27, v13;
	v30 =	vld [tilespmem:s18+$0xA130]  }
0x627: {  	v41 =	vld [tilespmem:s7+$0xA540];
	v40 =	vmul.f32 v59, v16;
	v32 =	vmul.f32 v60, v19;
	v29 =	vadd.f32 v29, v33;
	[tilespmem:s0+$0xFFFFFE20] =	vst v28  }
0x628: {  	v47 =	vmul.f32 v42, v8;
	v28 =	vld [tilespmem:s21+$0xA500]  }
0x629: {  	v43 =	vld [tilespmem:s5+$0xA540];
	v42 =	vmul.f32 v61, v15;
	v27 =	vadd.f32 v27, v29;
	v29 =	vadd.f32 v32, v40  }
0x62a: {  	v44 =	vld [tilespmem:s4+$0xA120];
	v35 =	vmul.f32 v62, v22;
	v37 =	vmul.f32 v63, v21  }
0x62b: {  	v45 =	vld [tilespmem:s15+$0xA120];
	v29 =	vadd.f32 v42, v29;
	v30 =	vmul.f32 v30, v18  }
0x62c: {  	v46 =	vld [tilespmem:s31+$0xA120];
	v36 =	vmul.f32 v41, v17;
	v35 =	vadd.f32 v37, v35  }
0x62d: {  	v31 =	vadd.f32 v47, v31;
	v47 =	vld [tilespmem:s28+$0xA120];
	v29 =	vadd.f32 v30, v29;
	v28 =	vmul.f32 v28, v14  }
0x62e: {  	v33 =	vmul.f32 v43, v20;
	v48 =	vld [tilespmem:s24+$0xA550];
	v30 =	vadd.f32 v36, v35  }
0x62f: {  	[tilespmem:s0+$0xFFFFFF40] =	vst v29;
	v27 =	vadd.f32 v28, v27;
	v28 =	vld [tilespmem:s20+$0xA550]  }
0x630: {  	v30 =	vadd.f32 v33, v30;
	v49 =	vld [tilespmem:s3+$0xA140]  }
0x631: {  	v34 =	vmul.f32 v44, v23;
	v29 =	vmul.f32 v45, v24;
	v50 =	vld [tilespmem:s4+$0xA1C0]  }
0x632: {  	v51 =	vld [tilespmem:s16+$0xA140];
	[tilespmem:s17+$0xFFFFFFD0] =	vst v30  }
0x633: {  	v32 =	vmul.f32 v46, v25;
	[tilespmem:s17+$0xFFFFFE90] =	vst v27;
	v27 =	vadd.f32 v29, v34  }
0x634: {  	v35 =	vmul.f32 v48, v7;
	v30 =	vld [tilespmem:s9+$0xA5D0]  }
0x635: {  	v29 =	vmul.f32 v47, v26;
	v52 =	vld [tilespmem:s30+$0xA550];
	v27 =	vadd.f32 v32, v27  }
0x636: {  	v31 =	vadd.f32 v35, v31;
	v53 =	vld [tilespmem:s18+$0xA140];
	v28 =	vmul.f32 v28, v10  }
0x637: {  	v27 =	vadd.f32 v29, v27;
	v29 =	vld [tilespmem:s7+$0xA550]  }
0x638: {  	v54 =	vld [tilespmem:s9+$0xA510];
	v33 =	vmul.f32 v50, v16;
	v34 =	vmul.f32 v51, v19;
	v28 =	vadd.f32 v28, v31  }
0x639: {  	v31 =	vld [tilespmem:s5+$0xA550];
	v30 =	vmul.f32 v30, v22;
	[tilespmem:s0+$0xFFFFFE30] =	vst v27  }
0x63a: {  	v33 =	vadd.f32 v34, v33;
	v32 =	vmul.f32 v52, v21;
	v27 =	vmul.f32 v49, v15;
	v55 =	vld [tilespmem:s4+$0xA130];
	[tilespmem:s26+$0xFFFFFEE0] =	vst v28  }
0x63b: {  	v56 =	vmul.f32 v53, v18;
	v28 =	vld [tilespmem:s15+$0xA130]  }
0x63c: {  	v30 =	vadd.f32 v32, v30;
	v57 =	vld [tilespmem:s31+$0xA130];
	v27 =	vadd.f32 v27, v33;
	v29 =	vmul.f32 v29, v17  }
0x63d: {  	v58 =	vld [tilespmem:s28+$0xA130]  }
0x63e: {  	v60 =	vld [tilespmem:s10+$0xA510];
	v27 =	vadd.f32 v56, v27;
	v29 =	vadd.f32 v29, v30;
	v30 =	vmul.f32 v31, v20  }
0x63f: {  	v61 =	vld [tilespmem:s23+$0xA510]  }
0x640: {  	v31 =	vmul.f32 v55, v23;
	[tilespmem:s0+$0xFFFFFF50] =	vst v27;
	v27 =	vld [tilespmem:s21+$0xA510];
	v28 =	vmul.f32 v28, v24;
	v29 =	vadd.f32 v30, v29  }
0x641: {  	v62 =	vld [tilespmem:s4+$0xA1D0]  }
0x642: {  	v30 =	vmul.f32 v57, v25;
	v63 =	vld [tilespmem:s16+$0xA150];
	v28 =	vadd.f32 v28, v31;
	[tilespmem:s17+$0xFFFFFFE0] =	vst v29  }
0x643: {  	v59 =	vmul.f32 v54, v12;
	v29 =	vmul.f32 v60, v11;
	v40 =	vld [tilespmem:s9+$0xA5E0]  }
0x644: {  	v31 =	vmul.f32 v58, v26;
	v41 =	vld [tilespmem:s30+$0xA560];
	v28 =	vadd.f32 v30, v28  }
0x645: {  	v42 =	vld [tilespmem:s3+$0xA150];
	v30 =	vmul.f32 v61, v13;
	v29 =	vadd.f32 v29, v59  }
0x646: {  	v28 =	vadd.f32 v31, v28;
	v31 =	vld [tilespmem:s7+$0xA560]  }
0x647: {  	v43 =	vld [tilespmem:s18+$0xA150];
	v27 =	vmul.f32 v27, v14;
	v29 =	vadd.f32 v30, v29  }
0x648: {  	v44 =	vld [tilespmem:s5+$0xA560];
	v30 =	vmul.f32 v63, v19;
	[tilespmem:s0+$0xFFFFFE40] =	vst v28;
	v28 =	vmul.f32 v62, v16  }
0x649: {  	v27 =	vadd.f32 v27, v29;
	v29 =	vmul.f32 v40, v22;
	v46 =	vmul.f32 v41, v21;
	v45 =	vld [tilespmem:s4+$0xA140]  }
0x64a: {  	v47 =	vld [tilespmem:s15+$0xA140];
	v28 =	vadd.f32 v30, v28;
	v30 =	vmul.f32 v42, v15  }
0x64b: {  	v48 =	vld [tilespmem:s31+$0xA140];
	[tilespmem:s17+$0xFFFFFEA0] =	vst v27;
	v27 =	vadd.f32 v46, v29;
	v29 =	vmul.f32 v31, v17  }
0x64c: {  	v31 =	vld [tilespmem:s28+$0xA140];
	v28 =	vadd.f32 v30, v28;
	v30 =	vmul.f32 v43, v18  }
0x64d: {  	v49 =	vld [tilespmem:s9+$0xA520];
	v27 =	vadd.f32 v29, v27;
	v29 =	vmul.f32 v44, v20  }
0x64e: {  	v28 =	vadd.f32 v30, v28;
	v30 =	vld [tilespmem:s10+$0xA520]  }
0x64f: {  	v52 =	vld [tilespmem:s23+$0xA520];
	v50 =	vmul.f32 v45, v23;
	v51 =	vmul.f32 v47, v24;
	v27 =	vadd.f32 v29, v27  }
0x650: {  	[tilespmem:s0+$0xFFFFFF60] =	vst v28;
	v28 =	vld [tilespmem:s21+$0xA520]  }
0x651: {  	v29 =	vmul.f32 v48, v25;
	v32 =	vadd.f32 v51, v50;
	v53 =	vld [tilespmem:s4+$0xA1E0];
	[tilespmem:s17+$0xFFFFFFF0] =	vst v27  }
0x652: {  	v31 =	vmul.f32 v31, v26;
	v54 =	vld [tilespmem:s9+$0xA5F0]  }
0x653: {  	v27 =	vmul.f32 v49, v12;
	v29 =	vadd.f32 v29, v32;
	v55 =	vld [tilespmem:s30+$0xA570];
	s30 =	smov.u32 s16;
	v30 =	vmul.f32 v30, v11  }
0x654: {  	v56 =	vld [tilespmem:s30+$0xA160]  }
0x655: {  	v35 =	vmul.f32 v52, v13;
	v29 =	vadd.f32 v31, v29;
	v27 =	vadd.f32 v30, v27;
	v30 =	vld [tilespmem:s7+$0xA570];
	s7 =	smov.u32 s3  }
0x656: {  	v31 =	vld [tilespmem:s7+$0xA160]  }
0x657: {  	s16 =	smov.u32 s18;
	v28 =	vmul.f32 v28, v14;
	[tilespmem:s0+$0xFFFFFE50] =	vst v29;
	v29 =	vld [tilespmem:s5+$0xA570];
	v27 =	vadd.f32 v35, v27  }
0x658: {  	v57 =	vld [tilespmem:s16+$0xA160];
	v33 =	vmul.f32 v54, v22;
	v32 =	vmul.f32 v55, v21;
	v22 =	vmovc v16;
	v21 =	vmov v19  }
0x659: {  	v16 =	vld [tilespmem:s4+$0xA150];
	v19 =	vmul.f32 v53, v22;
	v58 =	vmul.f32 v56, v21;
	v27 =	vadd.f32 v28, v27  }
0x65a: {  	v28 =	vld [tilespmem:s15+$0xA150];
	v32 =	vadd.f32 v32, v33;
	v30 =	vmul.f32 v30, v17;
	v17 =	vmov v15  }
0x65b: {  	v15 =	vld [tilespmem:s31+$0xA150];
	v19 =	vadd.f32 v58, v19;
	v31 =	vmul.f32 v31, v17;
	[tilespmem:s17+$0xFFFFFEB0] =	vst v27  }
0x65c: {  	v29 =	vmul.f32 v29, v20;
	v20 =	vmov v18;
	v27 =	vld [tilespmem:s28+$0xA150];
	v30 =	vadd.f32 v30, v32  }
0x65d: {  	v59 =	vld [tilespmem:s10+$0xA530];
	v18 =	vadd.f32 v31, v19;
	v19 =	vmul.f32 v57, v20  }
0x65e: {  	v31 =	vld [tilespmem:s9+$0xA530];
	v29 =	vadd.f32 v29, v30  }
0x65f: {  	v16 =	vmul.f32 v16, v23;
	v60 =	vld [tilespmem:s1+$0xA560];
	v28 =	vmul.f32 v28, v24;
	v18 =	vadd.f32 v19, v18  }
0x660: {  	v19 =	vld [tilespmem:s23+$0xA530];
	[tilespmem:s17+$0x0] =	vst v29  }
0x661: {  	v30 =	vld [tilespmem:s21+$0xA530];
	v15 =	vmul.f32 v15, v25;
	v16 =	vadd.f32 v28, v16;
	[tilespmem:s0+$0xFFFFFF70] =	vst v18  }
0x662: {  	v27 =	vmul.f32 v27, v26;
	v28 =	vld [tilespmem:s4+$0xA1F0]  }
0x663: {  	v29 =	vmul.f32 v31, v12;
	v15 =	vadd.f32 v15, v16;
	v16 =	vld [tilespmem:s30+$0xA170];
	v31 =	vmul.f32 v59, v11  }
0x664: {  	v18 =	vld [tilespmem:s6+$0xA560]  }
0x665: {  	v19 =	vmul.f32 v19, v13;
	v15 =	vadd.f32 v27, v15;
	v27 =	vld [tilespmem:s7+$0xA170];
	v29 =	vadd.f32 v31, v29  }
0x666: {  	v31 =	vld [tilespmem:s24+$0xA560]  }
0x667: {  	v30 =	vmul.f32 v30, v14;
	[tilespmem:s0+$0xFFFFFE60] =	vst v15;
	v15 =	vld [tilespmem:s16+$0xA170];
	v19 =	vadd.f32 v19, v29  }
0x668: {  	v29 =	vld [tilespmem:s4+$0xA160];
	v28 =	vmul.f32 v28, v22;
	v16 =	vmul.f32 v16, v21  }
0x669: {  	v18 =	vmul.f32 v18, v9;
	v61 =	vld [tilespmem:s15+$0xA160];
	v19 =	vadd.f32 v30, v19;
	v30 =	vmul.f32 v60, v8  }
0x66a: {  	v62 =	vld [tilespmem:s31+$0xA160];
	v16 =	vadd.f32 v16, v28;
	v27 =	vmul.f32 v27, v17  }
0x66b: {  	s2 =	sadd.s32 $0x2, s2;
	v28 =	vld [tilespmem:s28+$0xA160];
	[tilespmem:s17+$0xFFFFFEC0] =	vst v19;
	v18 =	vadd.f32 v30, v18  }
0x66c: {  	p0 =	slt.u32 s2, $0x14;
	v19 =	vmul.f32 v31, v7;
	v16 =	vadd.f32 v27, v16;
	v27 =	vmul.f32 v15, v20;
	v63 =	vld [tilespmem:s9+$0xA540]  }
.Ltmp6:
0x66d: {  	v15 =	vld [tilespmem:s10+$0xA540];
	v29 =	vmul.f32 v29, v23;
	(pc) =	sbr.rel @p0 .LBB2_12-.Ltmp6, $4  }
0x66e: {  	s8 =	smov.u32 s15;
	v18 =	vadd.f32 v19, v18;
	v19 =	vmul.f32 v61, v24;
	v30 =	vadd.f32 v27, v16;
	v16 =	vld [tilespmem:s23+$0xA540]  }
0x66f: {  	s22 =	smov.u32 s6;
	[dreg:$0xa] =	wrdreg s24;
	s29 =	smov.u32 s1;
	v27 =	vld [tilespmem:s21+$0xA540]  }
0x670: {  	s5 =	smov.u32 s16;
	s1 =	smov.u32 s28;
	s6 =	smov.u32 s20;
	v31 =	vmul.f32 v62, v25;
	v32 =	vadd.f32 v19, v29;
	v19 =	vld [tilespmem:s20+$0xA560];
	[tilespmem:s0+$0xFFFFFF80] =	vst v30  }
0x671: {  	s24 =	smov.u32 s25;
	s25 =	smov.u32 s31;
	s15 =	smov.u32 s9;
	v29 =	vmul.f32 v28, v26;
	v30 =	vld [tilespmem:s4+$0xA580];
	v28 =	vmul.f32 v63, v12  }
0x672: {  	v31 =	vadd.f32 v31, v32;
	_ =	sdelay $0x1  }
0x673: {  	v29 =	vadd.f32 v29, v31  }
0x674: {  	v38 =	vld [tilespmem:s30+$0xA500]  }
0x675: {  	v39 =	vld [tilespmem:s7+$0xA500];
	[tilespmem:s0+$0xFFFFFE70] =	vst v29  }
0x676: {  	v29 =	vld [tilespmem:s4+$0xA170]  }
0x677: {  	v33 =	vld [tilespmem:s8+$0xA170]  }
0x678: {  	v34 =	vld [tilespmem:s5+$0xA500]  }
0x679: {  	v30 =	vmul.f32 v30, v22;
	v31 =	vmul.f32 v38, v21;
	v35 =	vld [tilespmem:s25+$0xA170];
	_ =	sdelay $0x1  }
0x67a: {  	v40 =	vmul.f32 v39, v17;
	v41 =	vld [tilespmem:s1+$0xA170];
	v30 =	vadd.f32 v31, v30  }
0x67b: {  	v29 =	vmul.f32 v29, v23;
	v33 =	vmul.f32 v33, v24  }
0x67c: {  	v42 =	vmul.f32 v34, v20;
	v30 =	vadd.f32 v40, v30  }
0x67d: {  	v43 =	vmul.f32 v35, v25;
	v29 =	vadd.f32 v33, v29  }
0x67e: {  	v30 =	vadd.f32 v42, v30  }
0x67f: {  	v44 =	vmul.f32 v41, v26;
	v29 =	vadd.f32 v43, v29  }
0x680: {  	[tilespmem:s0+$0xFFFFFF90] =	vst v30  }
0x681: {  	v30 =	vld [tilespmem:s4+$0xA590];
	v29 =	vadd.f32 v44, v29  }
0x682: {  	v45 =	vld [tilespmem:s30+$0xA510]  }
0x683: {  	v46 =	vld [tilespmem:s7+$0xA510];
	[tilespmem:s0+$0xFFFFFE80] =	vst v29  }
0x684: {  	v29 =	vld [tilespmem:s4+$0xA500]  }
0x685: {  	v47 =	vld [tilespmem:s8+$0xA500]  }
0x686: {  	v48 =	vld [tilespmem:s5+$0xA510]  }
0x687: {  	v30 =	vmul.f32 v30, v22;
	v31 =	vmul.f32 v45, v21;
	v49 =	vld [tilespmem:s25+$0xA500];
	_ =	sdelay $0x1  }
0x688: {  	v50 =	vmul.f32 v46, v17;
	v51 =	vld [tilespmem:s1+$0xA500];
	v30 =	vadd.f32 v31, v30  }
0x689: {  	v29 =	vmul.f32 v29, v23;
	v33 =	vmul.f32 v47, v24  }
0x68a: {  	v52 =	vmul.f32 v48, v20;
	v30 =	vadd.f32 v50, v30  }
0x68b: {  	v53 =	vmul.f32 v49, v25;
	v29 =	vadd.f32 v33, v29  }
0x68c: {  	v30 =	vadd.f32 v52, v30  }
0x68d: {  	v54 =	vmul.f32 v51, v26;
	v29 =	vadd.f32 v53, v29  }
0x68e: {  	[tilespmem:s0+$0xFFFFFFA0] =	vst v30  }
0x68f: {  	v30 =	vld [tilespmem:s4+$0xA5A0];
	v29 =	vadd.f32 v54, v29  }
0x690: {  	v55 =	vld [tilespmem:s30+$0xA520]  }
0x691: {  	v56 =	vld [tilespmem:s7+$0xA520];
	[tilespmem:s0+$0xFFFFFE90] =	vst v29  }
0x692: {  	v29 =	vld [tilespmem:s4+$0xA510]  }
0x693: {  	v57 =	vld [tilespmem:s8+$0xA510]  }
0x694: {  	v58 =	vld [tilespmem:s5+$0xA520]  }
0x695: {  	v59 =	vld [tilespmem:s25+$0xA510]  }
0x696: {  	v30 =	vmul.f32 v30, v22;
	v31 =	vmul.f32 v55, v21  }
0x697: {  	v60 =	vmul.f32 v56, v17;
	v61 =	vld [tilespmem:s1+$0xA510]  }
0x698: {  	v30 =	vadd.f32 v31, v30;
	v29 =	vmul.f32 v29, v23;
	v33 =	vmul.f32 v57, v24  }
0x699: {  	v62 =	vmul.f32 v58, v20  }
0x69a: {  	v30 =	vadd.f32 v60, v30;
	v63 =	vmul.f32 v59, v25;
	v29 =	vadd.f32 v33, v29;
	_ =	sdelay $0x1  }
0x69b: {  	v36 =	vmul.f32 v61, v26;
	v30 =	vadd.f32 v62, v30;
	v29 =	vadd.f32 v63, v29;
	_ =	sdelay $0x1  }
0x69c: {  	[tilespmem:s0+$0xFFFFFFB0] =	vst v30;
	v29 =	vadd.f32 v36, v29  }
0x69d: {  	v30 =	vld [tilespmem:s4+$0xA5B0]  }
0x69e: {  	v37 =	vld [tilespmem:s30+$0xA530];
	[tilespmem:s0+$0xFFFFFEA0] =	vst v29  }
0x69f: {  	v29 =	vld [tilespmem:s4+$0xA520]  }
0x6a0: {  	v39 =	vld [tilespmem:s8+$0xA520]  }
0x6a1: {  	v38 =	vld [tilespmem:s7+$0xA530]  }
0x6a2: {  	v41 =	vld [tilespmem:s25+$0xA520]  }
0x6a3: {  	v40 =	vld [tilespmem:s5+$0xA530]  }
0x6a4: {  	v30 =	vmul.f32 v30, v22;
	v31 =	vmul.f32 v37, v21;
	v43 =	vld [tilespmem:s1+$0xA520]  }
0x6a5: {  	v29 =	vmul.f32 v29, v23;
	v33 =	vmul.f32 v39, v24  }
0x6a6: {  	v42 =	vmul.f32 v38, v17;
	v30 =	vadd.f32 v31, v30  }
0x6a7: {  	v45 =	vmul.f32 v41, v25;
	v29 =	vadd.f32 v33, v29  }
0x6a8: {  	v44 =	vmul.f32 v40, v20;
	v30 =	vadd.f32 v42, v30  }
0x6a9: {  	v46 =	vmul.f32 v43, v26;
	v29 =	vadd.f32 v45, v29  }
0x6aa: {  	v30 =	vadd.f32 v44, v30  }
0x6ab: {  	v29 =	vadd.f32 v46, v29  }
0x6ac: {  	[tilespmem:s0+$0xFFFFFFC0] =	vst v30  }
0x6ad: {  	v30 =	vld [tilespmem:s4+$0xA5C0];
	[tilespmem:s0+$0xFFFFFEB0] =	vst v29  }
0x6ae: {  	v29 =	vld [tilespmem:s4+$0xA530]  }
0x6af: {  	v49 =	vld [tilespmem:s8+$0xA530]  }
0x6b0: {  	v47 =	vld [tilespmem:s30+$0xA540]  }
0x6b1: {  	v51 =	vld [tilespmem:s25+$0xA530]  }
0x6b2: {  	v48 =	vld [tilespmem:s7+$0xA540]  }
0x6b3: {  	v53 =	vld [tilespmem:s1+$0xA530]  }
0x6b4: {  	v29 =	vmul.f32 v29, v23;
	v33 =	vmul.f32 v49, v24  }
0x6b5: {  	v50 =	vld [tilespmem:s5+$0xA540];
	v30 =	vmul.f32 v30, v22  }
0x6b6: {  	v31 =	vmul.f32 v47, v21;
	v55 =	vmul.f32 v51, v25;
	v29 =	vadd.f32 v33, v29  }
0x6b7: {  	v52 =	vmul.f32 v48, v17  }
0x6b8: {  	v30 =	vadd.f32 v31, v30;
	v56 =	vmul.f32 v53, v26;
	v29 =	vadd.f32 v55, v29;
	_ =	sdelay $0x1  }
0x6b9: {  	v54 =	vmul.f32 v50, v20;
	v30 =	vadd.f32 v52, v30;
	v29 =	vadd.f32 v56, v29;
	_ =	sdelay $0x1  }
0x6ba: {  	v30 =	vadd.f32 v54, v30;
	[tilespmem:s0+$0xFFFFFEC0] =	vst v29  }
0x6bb: {  	v29 =	vld [tilespmem:s4+$0xA540]  }
0x6bc: {  	v15 =	vmul.f32 v15, v11;
	[tilespmem:s0+$0xFFFFFFD0] =	vst v30;
	v58 =	vld [tilespmem:s8+$0xA540]  }
0x6bd: {  	v30 =	vld [tilespmem:s4+$0xA5D0]  }
0x6be: {  	v16 =	vmul.f32 v16, v13;
	v15 =	vadd.f32 v15, v28;
	v60 =	vld [tilespmem:s25+$0xA540]  }
0x6bf: {  	v57 =	vld [tilespmem:s30+$0xA550]  }
0x6c0: {  	v27 =	vmul.f32 v27, v14;
	v15 =	vadd.f32 v16, v15;
	v36 =	vld [tilespmem:s1+$0xA540]  }
0x6c1: {  	v29 =	vmul.f32 v29, v23;
	v32 =	vmul.f32 v58, v24  }
0x6c2: {  	v15 =	vadd.f32 v27, v15;
	v59 =	vld [tilespmem:s7+$0xA550]  }
0x6c3: {  	v28 =	vmul.f32 v60, v25;
	v29 =	vadd.f32 v32, v29  }
0x6c4: {  	[tilespmem:s17+$0xFFFFFED0] =	vst v15;
	v61 =	vld [tilespmem:s5+$0xA550];
	v62 =	vmul.f32 v30, v22  }
0x6c5: {  	v40 =	vld [tilespmem:s15+$0xA550];
	v63 =	vmul.f32 v57, v21;
	v41 =	vmul.f32 v36, v26;
	v28 =	vadd.f32 v28, v29  }
0x6c6: {  	v42 =	vld [tilespmem:s10+$0xA550]  }
0x6c7: {  	v43 =	vld [tilespmem:s23+$0xA550];
	v37 =	vmul.f32 v59, v17;
	v16 =	vadd.f32 v63, v62;
	v28 =	vadd.f32 v41, v28  }
0x6c8: {  	v44 =	vld [tilespmem:s21+$0xA550]  }
0x6c9: {  	v50 =	vld [tilespmem:s11+$0xA570];
	v39 =	vmul.f32 v61, v20;
	v38 =	vadd.f32 v37, v16;
	[tilespmem:s0+$0xFFFFFED0] =	vst v28  }
0x6ca: {  	v28 =	vld [tilespmem:s4+$0xA550]  }
0x6cb: {  	v15 =	vadd.f32 v39, v38;
	v45 =	vld [tilespmem:s8+$0xA550]  }
0x6cc: {  	v27 =	vmul.f32 v40, v12;
	v57 =	vld [tilespmem:s24+$0xA570];
	v29 =	vmul.f32 v42, v11  }
0x6cd: {  	[tilespmem:s0+$0xFFFFFFE0] =	vst v15;
	v47 =	vld [tilespmem:s25+$0xA550]  }
0x6ce: {  	v16 =	vmul.f32 v43, v13;
	v15 =	vld [tilespmem:s4+$0xA5E0];
	v27 =	vadd.f32 v29, v27  }
0x6cf: {  	v30 =	vmul.f32 v44, v14;
	v49 =	vld [tilespmem:s1+$0xA550]  }
0x6d0: {  	v46 =	vld [tilespmem:s30+$0xA560];
	v16 =	vadd.f32 v16, v27;
	v28 =	vmul.f32 v28, v23;
	v31 =	vmul.f32 v45, v24  }
0x6d1: {  	v48 =	vld [tilespmem:s7+$0xA560]  }
0x6d2: {  	v51 =	vld [tilespmem:s5+$0xA560];
	s14 =	rddreg [dreg:$0x7];
	v16 =	vadd.f32 v30, v16;
	v29 =	vmul.f32 v47, v25;
	v28 =	vadd.f32 v31, v28  }
0x6d3: {  	s16 =	rddreg [dreg:$0x8];
	v52 =	vld [tilespmem:s14+$0xA570]  }
0x6d4: {  	v53 =	vld [tilespmem:s16+$0xA570];
	[tilespmem:s17+$0xFFFFFEE0] =	vst v16;
	v27 =	vmul.f32 v49, v26;
	v28 =	vadd.f32 v29, v28  }
0x6d5: {  	v15 =	vmul.f32 v15, v22;
	v32 =	vmul.f32 v46, v21;
	v55 =	vld [tilespmem:s15+$0xA560]  }
0x6d6: {  	v19 =	vmul.f32 v19, v10;
	v56 =	vld [tilespmem:s10+$0xA560];
	v27 =	vadd.f32 v27, v28  }
0x6d7: {  	v54 =	vmul.f32 v48, v17;
	v15 =	vadd.f32 v32, v15;
	v59 =	vld [tilespmem:s23+$0xA560]  }
0x6d8: {  	v18 =	vadd.f32 v19, v18;
	v60 =	vld [tilespmem:s21+$0xA560];
	[tilespmem:s0+$0xFFFFFEE0] =	vst v27  }
0x6d9: {  	v58 =	vmul.f32 v51, v20;
	v15 =	vadd.f32 v54, v15;
	v27 =	vld [tilespmem:s4+$0xA560]  }
0x6da: {  	[tilespmem:s26+$0xFFFFFEF0] =	vst v18;
	v62 =	vld [tilespmem:s8+$0xA560]  }
0x6db: {  	v43 =	vld [tilespmem:s22+$0xA570];
	v15 =	vadd.f32 v58, v15;
	v61 =	vmul.f32 v55, v12;
	v29 =	vmul.f32 v56, v11  }
0x6dc: {  	v40 =	vld [tilespmem:s25+$0xA560]  }
0x6dd: {  	s12 =	smov.u32 s1;
	v36 =	vld [tilespmem:s29+$0xA570];
	[tilespmem:s0+$0xFFFFFFF0] =	vst v15;
	v39 =	vmul.f32 v59, v13;
	v15 =	vadd.f32 v29, v61  }
0x6de: {  	v16 =	vmul.f32 v60, v14;
	v42 =	vld [tilespmem:s12+$0xA560]  }
0x6df: {  	v47 =	vld [tilespmem:s6+$0xA570];
	v15 =	vadd.f32 v39, v15;
	v27 =	vmul.f32 v27, v23;
	v30 =	vmul.f32 v62, v24  }
0x6e0: {  	v63 =	vld [tilespmem:s30+$0xA570]  }
0x6e1: {  	v45 =	vld [tilespmem:s4+$0xA5F0];
	v15 =	vadd.f32 v16, v15;
	v28 =	vmul.f32 v40, v25;
	v27 =	vadd.f32 v30, v27  }
0x6e2: {  	v3 =	vmul.f32 v50, v3;
	v59 =	vld [tilespmem:s5+$0xA570];
	s18 =	rddreg [dreg:$0xa]  }
0x6e3: {  	v4 =	vmul.f32 v52, v4;
	v44 =	vld [tilespmem:s18+$0xA570];
	[tilespmem:s17+$0xFFFFFEF0] =	vst v15;
	v18 =	vmul.f32 v42, v26;
	v27 =	vadd.f32 v28, v27  }
0x6e4: {  	v15 =	vld [tilespmem:s15+$0xA570]  }
0x6e5: {  	v6 =	vmul.f32 v53, v6;
	v3 =	vadd.f32 v4, v3;
	v46 =	vld [tilespmem:s10+$0xA570];
	v48 =	vadd.f32 v18, v27  }
0x6e6: {  	v9 =	vmul.f32 v43, v9;
	v8 =	vmul.f32 v36, v8;
	v49 =	vld [tilespmem:s23+$0xA570];
	s3 =	sld [smem:$0x7FD]  }
0x6e7: {  	v5 =	vmul.f32 v57, v5;
	v3 =	vadd.f32 v6, v3;
	v50 =	vld [tilespmem:s21+$0xA570];
	[tilespmem:s0+$0xFFFFFEF0] =	vst v48  }
0x6e8: {  	v8 =	vadd.f32 v8, v9;
	v51 =	vmul.f32 v45, v22;
	v60 =	vmul.f32 v63, v21;
	v53 =	vld [tilespmem:s4+$0xA570]  }
0x6e9: {  	v3 =	vadd.f32 v5, v3;
	v21 =	vmul.f32 v47, v10;
	v32 =	vmul.f32 v59, v20;
	s20 =	sadd.s32 $0x30, s3;
	v55 =	vld [tilespmem:s8+$0xA570]  }
0x6ea: {  	v41 =	vld [tilespmem:s7+$0xA570];
	v5 =	vadd.f32 v60, v51;
	v7 =	vmul.f32 v44, v7;
	s22 =	sadd.s32 $0x61, s3;
	s23 =	sadd.s32 $0x92, s3;
	v52 =	vmov s20  }
0x6eb: {  	v54 =	vmov s22;
	v56 =	vmov s23;
	v57 =	vmul.f32 v15, v12;
	v61 =	vld [tilespmem:s25+$0xA570]  }
0x6ec: {  	v7 =	vadd.f32 v7, v8;
	v58 =	vmul.f32 v46, v11;
	v62 =	vmul.f32 v49, v13  }
0x6ed: {  	v28 =	vmul.f32 v50, v14;
	v4 =	vand.u32 $0xFFFFFFFC, v52;
	v35 =	vand.u32 $0xFFFFFFFD, v54;
	v63 =	vld [tilespmem:s12+$0xA570]  }
0x6ee: {  	v11 =	vadd.f32 v58, v57;
	v29 =	vmul.f32 v53, v23;
	v30 =	vmul.f32 v55, v24  }
0x6ef: {  	v37 =	vand.u32 $0xFFFFFFFE, v56;
	v7 =	vadd.f32 v21, v7;
	v18 =	vmul.f32 v41, v17  }
0x6f0: {  	v9 =	vadd.f32 v62, v11;
	v33 =	vmul.f32 v61, v25;
	v6 =	vadd.f32 v30, v29  }
0x6f1: {  	v4 =	vbroadcast v4, $0x0;
	v36 =	vbroadcast v35, $0x0;
	v5 =	vadd.f32 v18, v5  }
0x6f2: {  	[tilespmem:s19+$0xFFFFFF00] =	vst v3;
	v8 =	vadd.f32 v28, v9;
	v34 =	vmul.f32 v63, v26;
	v3 =	vadd.f32 v33, v6  }
0x6f3: {  	v38 =	vbroadcast v37, $0x0;
	[tilespmem:s26+$0xFFFFFF00] =	vst v7;
	v5 =	vadd.f32 v32, v5  }
0x6f4: {  	s24 =	sadd.s32 $0xC3, s3;
	[tilespmem:s17+$0xFFFFFF00] =	vst v8;
	v3 =	vadd.f32 v34, v3  }
0x6f5: {  	v39 =	vmov s24;
	[tilespmem:s0+$0x0] =	vst v5  }
0x6f6: {  	s25 =	simm.s32 $0x2000;
	[tilespmem:s0+$0xFFFFFF00] =	vst v3  }
0x6f7: {  	v5 =	vld.idx.msk [tilespmem:v4+s25+$0x0], $0xffff  }
0x6f8: {  	v6 =	vld.idx.msk [tilespmem:v36+s25+$0x0], $0xffff  }
0x6f9: {  	v4 =	vld.idx.msk [tilespmem:v38+s25+$0x0], $0xffff  }
0x6fa: {  	v3 =	vld.idx.msk [tilespmem:v39+s25+$0x0], $0xffff  }
0x6fb: {  	v40 =	vld [tilespmem:$0xB400]  }
0x6fc: {  	v41 =	vld [tilespmem:$0xD100]  }
0x6fd: {  	v42 =	vld [tilespmem:$0xEA00]  }
0x6fe: {  	v10 =	vld [tilespmem:$0x10300]  }
0x6ff: {  	v43 =	vld [tilespmem:$0xB410]  }
0x700: {  	v44 =	vld [tilespmem:$0xD110]  }
0x701: {  	v45 =	vld [tilespmem:$0xEA10]  }
0x702: {  	v14 =	vld [tilespmem:$0x10310]  }
0x703: {  	v46 =	vld [tilespmem:$0xB420]  }
0x704: {  	v47 =	vld [tilespmem:$0xD120]  }
0x705: {  	v48 =	vld [tilespmem:$0xEA20]  }
0x706: {  	v18 =	vld [tilespmem:$0x10320]  }
0x707: {  	v49 =	vld [tilespmem:$0xB430]  }
0x708: {  	v50 =	vld [tilespmem:$0xD130]  }
0x709: {  	v51 =	vld [tilespmem:$0xEA30]  }
0x70a: {  	v52 =	vld [tilespmem:$0x10330]  }
0x70b: {  	v53 =	vld [tilespmem:$0xB440]  }
0x70c: {  	v54 =	vld [tilespmem:$0xD140]  }
0x70d: {  	v55 =	vld [tilespmem:$0xEA40]  }
0x70e: {  	v56 =	vld [tilespmem:$0x10340]  }
0x70f: {  	v57 =	vld [tilespmem:$0xB450]  }
0x710: {  	v58 =	vld [tilespmem:$0xD150]  }
0x711: {  	v59 =	vld [tilespmem:$0xEA50]  }
0x712: {  	v60 =	vld [tilespmem:$0x10350]  }
0x713: {  	v61 =	vld [tilespmem:$0xB460]  }
0x714: {  	v62 =	vld [tilespmem:$0xD160]  }
0x715: {  	v33 =	vld [tilespmem:$0xEA60]  }
0x716: {  	v34 =	vld [tilespmem:$0x10360];
	v7 =	vmul.f32 v40, v5  }
0x717: {  	v63 =	vld [tilespmem:$0xB470];
	v8 =	vmul.f32 v41, v6;
	v11 =	vmul.f32 v43, v5  }
0x718: {  	v36 =	vld [tilespmem:$0xD170];
	v12 =	vmul.f32 v44, v6;
	v41 =	vmul.f32 v42, v4  }
0x719: {  	v37 =	vld [tilespmem:$0xEA70];
	v42 =	vmul.f32 v45, v4;
	v43 =	vmul.f32 v46, v5  }
0x71a: {  	v38 =	vld [tilespmem:$0x10370];
	v44 =	vmul.f32 v47, v6;
	v45 =	vmul.f32 v49, v5  }
0x71b: {  	v39 =	vld [tilespmem:$0xB800];
	v46 =	vmul.f32 v50, v6;
	v10 =	vmul.f32 v10, v3  }
0x71c: {  	v9 =	vld [tilespmem:$0xD500];
	v47 =	vmul.f32 v48, v4;
	v14 =	vmul.f32 v14, v3  }
0x71d: {  	v13 =	vld [tilespmem:$0xEE00];
	v48 =	vmul.f32 v51, v4;
	v49 =	vmul.f32 v18, v3  }
0x71e: {  	v16 =	vld [tilespmem:$0x10700];
	v50 =	vmul.f32 v52, v3;
	v51 =	vmul.f32 v53, v5  }
0x71f: {  	v20 =	vld [tilespmem:$0xB810];
	v52 =	vmul.f32 v54, v6;
	v53 =	vmul.f32 v57, v5  }
0x720: {  	v17 =	vld [tilespmem:$0xD510];
	v54 =	vmul.f32 v58, v6;
	v55 =	vmul.f32 v55, v4  }
0x721: {  	v21 =	vld [tilespmem:$0xEE10];
	v56 =	vmul.f32 v56, v3;
	v57 =	vmul.f32 v59, v4  }
0x722: {  	v15 =	vld [tilespmem:$0x10710];
	v58 =	vmul.f32 v60, v3;
	v60 =	vmul.f32 v61, v5  }
0x723: {  	v22 =	vld [tilespmem:$0xD520];
	v61 =	vmul.f32 v62, v6;
	v63 =	vmul.f32 v63, v5  }
0x724: {  	v24 =	vld [tilespmem:$0xEE20];
	v40 =	vmul.f32 v36, v6;
	v9 =	vmul.f32 v9, v6  }
0x725: {  	v26 =	vld [tilespmem:$0x10720];
	v20 =	vmul.f32 v20, v5;
	v17 =	vmul.f32 v17, v6;
	v7 =	vadd.f32 v8, v7  }
0x726: {  	v18 =	vld [tilespmem:$0xB820];
	v13 =	vmul.f32 v13, v4;
	v11 =	vadd.f32 v12, v11;
	v8 =	vadd.f32 v44, v43  }
0x727: {  	v59 =	vld [tilespmem:$0xB830];
	v16 =	vmul.f32 v16, v3;
	v12 =	vadd.f32 v46, v45;
	v19 =	vadd.f32 v61, v60  }
0x728: {  	v62 =	vld [tilespmem:$0xD530];
	v15 =	vmul.f32 v15, v3;
	v23 =	vadd.f32 v40, v63;
	v17 =	vadd.f32 v17, v20  }
0x729: {  	v36 =	vld [tilespmem:$0xD560];
	v44 =	vmul.f32 v37, v4;
	v7 =	vadd.f32 v41, v7;
	v11 =	vadd.f32 v42, v11  }
0x72a: {  	v43 =	vld [tilespmem:$0x10730];
	v46 =	vmul.f32 v34, v3;
	v8 =	vadd.f32 v47, v8;
	v12 =	vadd.f32 v48, v12  }
0x72b: {  	v45 =	vld [tilespmem:$0xB840];
	v61 =	vmul.f32 v24, v4;
	v23 =	vadd.f32 v44, v23;
	v7 =	vadd.f32 v10, v7  }
0x72c: {  	v60 =	vld [tilespmem:$0x10750];
	v42 =	vmul.f32 v33, v4;
	v11 =	vadd.f32 v14, v11;
	v8 =	vadd.f32 v49, v8  }
0x72d: {  	v41 =	vld [tilespmem:$0xEE30];
	v47 =	vmul.f32 v38, v3;
	v12 =	vadd.f32 v50, v12;
	v10 =	vadd.f32 v52, v51  }
0x72e: {  	v48 =	vld [tilespmem:$0xD540];
	v38 =	vmul.f32 v26, v3;
	v14 =	vadd.f32 v54, v53;
	v19 =	vadd.f32 v42, v19  }
0x72f: {  	v49 =	vmul.f32 v39, v5;
	v50 =	vld [tilespmem:$0xEE40];
	v23 =	vadd.f32 v47, v23;
	v53 =	vmul.f32 v21, v4  }
0x730: {  	v52 =	vld [tilespmem:$0xB850];
	v42 =	vmul.f32 v45, v5;
	v10 =	vadd.f32 v55, v10;
	v14 =	vadd.f32 v57, v14  }
0x731: {  	v54 =	vld [tilespmem:$0xD550];
	v60 =	vmul.f32 v60, v3;
	v19 =	vadd.f32 v46, v19;
	v9 =	vadd.f32 v9, v49  }
0x732: {  	v51 =	vld [tilespmem:$0x10740];
	v55 =	vmul.f32 v18, v5;
	v17 =	vadd.f32 v53, v17;
	v33 =	vmul.f32 v41, v4  }
0x733: {  	v57 =	vld [tilespmem:$0xEE50];
	v41 =	vmul.f32 v43, v3;
	v45 =	vmul.f32 v48, v6;
	v10 =	vadd.f32 v56, v10  }
0x734: {  	[tilespmem:$0x13900] =	vst v7;
	v43 =	vld [tilespmem:$0xD570];
	v14 =	vadd.f32 v58, v14;
	v56 =	vmul.f32 v22, v6;
	v58 =	vmul.f32 v59, v5  }
0x735: {  	[tilespmem:$0x13910] =	vst v11;
	v9 =	vadd.f32 v13, v9;
	v59 =	vmul.f32 v62, v6;
	v62 =	vld [tilespmem:$0xB860];
	v46 =	vmul.f32 v50, v4  }
0x736: {  	v39 =	vld [tilespmem:$0xB870];
	[tilespmem:$0x13920] =	vst v8;
	v37 =	vadd.f32 v15, v17;
	v48 =	vmul.f32 v52, v5;
	v49 =	vmul.f32 v54, v6  }
0x737: {  	v47 =	vld [tilespmem:$0xEE60];
	[tilespmem:$0x13930] =	vst v12;
	v51 =	vmul.f32 v51, v3;
	v13 =	vadd.f32 v56, v55;
	v28 =	vadd.f32 v59, v58  }
0x738: {  	[tilespmem:$0x13970] =	vst v23;
	v50 =	vld [tilespmem:$0xEE70];
	v63 =	vadd.f32 v16, v9;
	v52 =	vmul.f32 v57, v4;
	v9 =	vadd.f32 v49, v48  }
0x739: {  	v53 =	vld [tilespmem:$0x10760];
	[tilespmem:$0x13960] =	vst v19;
	v55 =	vmul.f32 v36, v6;
	v13 =	vadd.f32 v61, v13;
	v40 =	vadd.f32 v33, v28  }
0x73a: {  	[tilespmem:$0x13940] =	vst v10;
	v56 =	vld [tilespmem:$0x10770];
	v6 =	vmul.f32 v43, v6;
	v54 =	vmul.f32 v62, v5;
	v57 =	vadd.f32 v52, v9  }
0x73b: {  	[tilespmem:$0x13950] =	vst v14;
	v5 =	vmul.f32 v39, v5;
	v44 =	vadd.f32 v38, v13;
	v13 =	vadd.f32 v45, v42  }
0x73c: {  	v59 =	vmul.f32 v47, v4;
	[tilespmem:$0x13990] =	vst v37;
	v8 =	vadd.f32 v41, v40;
	v58 =	vadd.f32 v55, v54  }
0x73d: {  	[tilespmem:$0x13980] =	vst v63;
	v4 =	vmul.f32 v50, v4;
	v5 =	vadd.f32 v6, v5;
	v13 =	vadd.f32 v46, v13  }
0x73e: {  	s26 =	rddreg [dreg:$0x16];
	v62 =	vmul.f32 v53, v3;
	v7 =	vadd.f32 v60, v57;
	[tilespmem:$0x139A0] =	vst v44;
	v9 =	vadd.f32 v59, v58  }
0x73f: {  	s28 =	rddreg [dreg:$0x19];
	v3 =	vmul.f32 v56, v3;
	[tilespmem:$0x139B0] =	vst v8;
	v4 =	vadd.f32 v4, v5;
	v61 =	vadd.f32 v51, v13  }
0x740: {  	s0 =	sadd.s32 s26, s28;
	[tilespmem:$0x139D0] =	vst v7;
	v63 =	vadd.f32 v62, v9  }
0x741: {  	s2 =	simm.s32 $0x10900;
	s4 =	sadd.s32 $0x1, s28;
	s0 =	smul.u32 $0x620, s0;
	v3 =	vadd.f32 v3, v4;
	[tilespmem:$0x139C0] =	vst v61  }
0x742: {  	s31 =	simm.s32 $0x3;
	s29 =	rddreg [dreg:$0x5];
	p0 =	sne.s32 s4, $0x20;
	[tilespmem:$0x139E0] =	vst v63  }
.Ltmp7:
0x743: {  	s30 =	simm.s32 $0x0;
	s0 =	sadd.s32 s29, s0;
	[tilespmem:$0x139F0] =	vst v3;
	(pc) =	sbr.rel @p0 .LBB2_2-.Ltmp7, $4  }
0x744: {  	[hbm4b:s0+s30] =	stream.linear.scatter [tilespmem:s2], [sflag:$0x3], $0x3100, $0x38;
	[tilespmem:$0x13A00] =	vst v63  }
0x745: {  	_ =	swait.ge [sflag:s31], $0x3100  }
0x746: {  	[sflag:s31] =	ssyncset.done $0x0  }
0x747: {  	s13 =	sadd.s32 $0xC4, s13;
	s15 =	simm.s32 $0x2000;
	[sflag:s31] =	ssyncadd.s32 $0xFFFFCF00  }
0x748: {  	s1 =	rddreg [dreg:$0x18]  }
0x749: {  	s0 =	rddreg [dreg:$0x17];
	s1 =	sadd.s32 $0x1, s1  }
0x74a: {  	p0 =	sne.s32 s1, s0  }
.Ltmp8:
0x74b: {  	_ = 	snop;
	(pc) =	sbr.rel @p0 .LBB2_1-.Ltmp8, $1  }
0x74c: {  	_ =	sdelay $0x3  }
0x74d: {  	_ =	sfence.sel $0x180000  }
0x74e: {  	[bflag:$0x0] =	sbarrier.arrive $0xFFFF  }
0x74f: {  	_ =	strace $0x90000047  }
0x750: {  	s0 =	stileid.u32;
	[bflag:$0x2] =	sbarrier.arrive $0xFFFF  }
0x751: {  	p0 =	sne.s32 s0, $0x0;
	s0 =	rddreg [dreg:$0x6]  }
0x752: {  	s0 =	sadd.s32 @!p0 $0x100000, s0  }
0x753: {  	[sflag:s0] =	ssyncadd.tile.s32 @!p0 $0x1;
	_ =	shalt  }
.Lfunc_end2:
_tile_overlayer_lowered:
.L_overlay_start_2:
0x754: {  	(tag) =	ssettag $0x2  }
0x755: {  	s0 =	rddreg [dreg:$0x0];
	s2 =	stileid.u32  }
0x756: {  	s1 =	rddreg [dreg:$0x1];
	p0 =	sne.s32 s2, $0x0  }
0x757: {  	s3 =	rddreg [dreg:$0x2];
	[bflag:$0x3] =	sbarrier.arrive $0xFFFF;
	s2 =	simm.s32 @!p0 $0x1C03  }
0x758: {  	[timem:s3], [sflag:s2] =	dma.local @!p0 [hbm:s0], s1  }
0x759: {  	s0 =	simm.s32 @!p0 $0x3  }
0x75a: {  	_ =	swait.ge @!p0 [sflag:s0], s1  }
0x75b: {  	s1 =	ssub.s32 @!p0 $0x0, s1;
	[sflag:s0] =	ssyncset.done @!p0 $0x0  }
0x75c: {  	[sflag:s0] =	ssyncadd.s32 @!p0 s1  }
0x75d: {  	[bflag:$0x3] =	sbarrier.arrive $0xFFFF  }
0x75e: {  	_ =	shalt  }

// kernel: sparse-core-data-format-call.cloned.1.call-start
scs
called_computation_lowered:
.L_overlay_start_0:
0x0: {  	s2 =	sld [smem:$0x3FD9]  }
0x1: {  	s3 =	sld [smem:$0x3FFE];
	_ =	sdelay $0x1  }
0x2: {  	s1 =	srdreg.scid  }
0x3: {  	s0 =	sand.u32 $0x1, s1  }
0x4: {  	s18 =	sshll.u32 s0, $0xA;
	s2 =	sadd.s32 s3, s2  }
0x5: {  	s2 =	sadd.s32 s2, s18  }
0x6: {  	[smem:$0x3FC2] =	sst s2  }
0x7: {  	_ = 	snop  }
0x8: {  	s2 =	sld [smem:$0x3FD0];
	(tm) =	ssettm $0x1  }
0x9: {  	s19 =	sld [smem:$0x3FFB];
	_ =	sdelay $0x3  }
0xa: {  	_ =	strace s19  }
0xb: {  	s3 =	sld [smem:$0x3FFC];
	_ =	sdelay $0x3  }
0xc: {  	_ =	strace s3  }
0xd: {  	s3 =	sld [smem:$0x3FFD];
	_ =	sdelay $0x3  }
0xe: {  	_ =	strace s3  }
0xf: {  	_ =	strace $0x8FFFFFFF  }
0x10: {  	s20 =	sld [smem:$0x3FDB];
	_ =	sdelay $0x1  }
0x11: {  	s4 =	simm.s32 $_scs_section_size  }
0x12: {  	s5 =	simm.s32 $_size__tile_overlayer_lowered;
	s6 =	simm.s32 $_tile_overlayer_lowered  }
0x13: {  	s23 =	simm.s32 $0x1BFF;
	s22 =	sshll.u32 s6, $0x1;
	s3 =	sadd.s32 s4, s20  }
0x14: {  	s7 =	simm.s32 $0x0;
	s21 =	sshll.u32 s5, $0x1;
	s5 =	sadd.s32 s22, s3  }
0x15: {  	[timem:s7], [sflag:s23] =	dma.local [hbm:s5], s21  }
0x16: {  	_ =	swait.ge [sflag:s23], s21  }
0x17: {  	s4 =	ssub.s32 $0x0, s21;
	[sflag:s23] =	ssyncset.done $0x0  }
0x18: {  	[sflag:s23] =	ssyncadd.s32 s4;
	_ =	sdelay $0x1  }
0x19: {  	s24 =	simm.s32 $0x1B8B  }
0x1a: {  	_ =	swait.ge [sflag:s24], $0x1  }
0x1b: {  	[sflag:s24] =	ssyncset.done $0x0  }
0x1c: {  	s26 =	simm.s32 $0x1B8E;
	s25 =	sld [smem:$0x3FFE];
	[sflag:s24] =	ssyncadd.s32 $0xFFFFFFFF  }
0x1d: {  	s27 =	simm.s32 $execute0_lowered;
	[smem:$0x3FD2] =	sst s26  }
0x1e: {  	s5 =	sshll.u32 s27, $0x1;
	_ =	strace $0x80000049;
	[dreg:$0x1] =	wrdreg $0xFFFFFFFF  }
0x1f: {  	s28 =	simm.s32 $_size_execute0_lowered;
	s3 =	sadd.s32 s3, s5;
	[dreg:$0x0] =	wrdreg $0x0  }
0x20: {  	s5 =	sshll.u32 s28, $0x1;
	[dreg:$0x2] =	wrdreg s3  }
0x21: {  	[dreg:$0x3] =	wrdreg s5  }
0x22: {  	[dreg:$0x4] =	wrdreg $0xC0  }
0x23: {  	_ =	task [dreg:s7], $0x5FFFF  }
0x24: {  	[dreg:$0x1] =	wrdreg $0xFFFFFFFF  }
0x25: {  	[dreg:$0x0] =	wrdreg $0x60  }
0x26: {  	[dreg:$0x2] =	wrdreg s25  }
0x27: {  	[dreg:$0x3] =	wrdreg s2  }
0x28: {  	[dreg:$0x4] =	wrdreg $0x9  }
0x29: {  	_ =	task.clear_ibuf [dreg:s7], $0x5FFFF;
	_ =	strace $0x90000049  }
0x2a: {  	s29 =	simm.s32 $0x9;
	_ =	strace $0x8000004B  }
0x2b: {  	_ =	swait.ge [sflag:s29], $0x1  }
0x2c: {  	[sflag:s29] =	ssyncadd.s32 $0xFFFFFFFF  }
0x2d: {  	_ =	strace $0x9000004B  }
0x2e: {  	_ =	sfence  }
0x2f: {  	s30 =	sld [smem:$0x0];
	_ =	sdelay $0x2  }
0x30: {  	s31 =	sshll.u32 s1, $0xD;
	s1 =	sshrl.u32 s1, $0x2  }
0x31: {  	s3 =	sand.u32 $0x4000, s31;
	s1 =	sadd.s32 s1, s30  }
0x32: {  	s0 =	sor.u32 s3, s0;
	s1 =	sshll.u32 s1, $0x11  }
0x33: {  	s0 =	sor.u32 s1, s0  }
0x34: {  	s0 =	sadd.s32 $0x8F2B, s0  }
0x35: {  	[sflag:s0] =	ssyncadd.remote.s32 $0x1  }
0x36: {  	_ =	sfence.sel $0xFFFF  }
0x37: {  	[dreg:$0x0] =	wrdreg $0xFFFFFFFF;
	(pc) =	sbr.abs _section_cstart, $3  }
0x38: {  	[dreg:$0x1] =	wrdreg $0xFFFFFFFF  }
0x39: {  	_ =	task.clear_ibuf [dreg:s7], $0x2FFFF;
	_ =	strace $0x9FFFFFFF  }
0x3a: {  	(tm) =	ssettm $0x7FFFFFFF  }
0x3b: {  	_ =	shalt  }
tec
execute0_lowered:
.L_overlay_start_1:
0x0: {  	(tag) =	ssettag $0x1  }
0x1: {  	s9 =	rddreg [dreg:$0x0]  }
0x2: {  	s1 =	rddreg [dreg:$0x1]  }
0x3: {  	s2 =	srdreg.scid;
	s0 =	stileid.u32  }
0x4: {  	s10 =	simm.s32 $0x1C;
	s31 =	simm.s32 $0x2;
	s22 =	simm.s32 $0x0  }
0x5: {  	s12 =	simm.s32 $0x800;
	s13 =	simm.s32 $0x0;
	s19 =	simm.s32 $0x0  }
0x6: {  	s21 =	simm.s32 $0x0;
	s20 =	simm.s32 $0x0;
	s23 =	simm.s32 $0x0  }
0x7: {  	s14 =	simm.s32 $0x0;
	s3 =	sshll.u32 s2, $0x7;
	s2 =	sand.u32 $0x1, s0  }
0x8: {  	s18 =	simm.s32 $0x0;
	s4 =	sshll.u32 s0, $0x6;
	s5 =	ssub.s32 $0x2, s2  }
0x9: {  	s4 =	sand.u32 $0x180, s4;
	s6 =	sshrl.u32 s5, $0x1;
	s7 =	sand.u32 $0x1, s5  }
0xa: {  	s8 =	ssub.s32 $0x200, s4;
	s5 =	sshrl.u32 s0, $0x3;
	s6 =	sadd.s32 s7, s6  }
0xb: {  	s29 =	sshrl.u32 s8, $0x9;
	s8 =	sand.u32 $0x180, s8;
	p0 =	seq.s32 s5, $0x0  }
0xc: {  	s10 =	simm.s32 @!p0 $0x15;
	p0 =	sne.s32 s8, $0x0;
	s8 =	simm.s32 $0x1  }
0xd: {  	s3 =	sand.u32 $0x80, s3;
	s8 =	simm.s32 @!p0 $0x0;
	s10 =	smul.u32 s6, s10  }
0xe: {  	s17 =	smov.u32 s2;
	s11 =	ssub.s32 $0x100, s3;
	s7 =	sadd.s32 s8, s29  }
0xf: {  	s9 =	sadd.s32 s3, s9;
	s30 =	sshrl.u32 s11, $0x7;
	s10 =	smul.u32 s7, s10  }
.Ltmp0:
0x10: {  	s11 =	sshrl.u32 s11, $0x8;
	s8 =	sand.u32 $0x1, s30;
	(pc) =	sbr.rel .LBB1_1-.Ltmp0, $4  }
0x11: {  	s16 =	smov.u32 s4;
	s6 =	rddreg [dreg:$0x2];
	s8 =	sadd.s32 s11, s8  }
0x12: {  	_ =	strace $0x8000004A;
	s7 =	simm.s32 $0x1;
	s8 =	smul.u32 s8, s10  }
0x13: {  	s9 =	sadd.s32 $0x1400, s9;
	s15 =	smov.u32 s5;
	[sflag:s7] =	ssyncpa.u1 $0x0  }
0x14: {  	s11 =	simm.s32 $0x400;
	[sflag:s31] =	ssyncpa.u1 $0x0;
	s10 =	sadd.s32 $0x1, s8  }
.LBB1_4:
0x15: {  	_ =	sdelay $0x3  }
0x16: {  	[tilespmem:v0+s26+$0xFFFFFFD0 ss:$0x1] =	vst.idx.msk $0xffff, v6  }
0x17: {  	v56 =	vld.idx.msk [tilespmem:v1+s25+$0x0 ss:$0x1], $0xffff;
	[tilespmem:v0+s26+$0xFFFFFFE0 ss:$0x1] =	vst.idx.msk $0xffff, v4  }
0x18: {  	v57 =	vld.idx.msk [tilespmem:v1+s25+$0xFFFFFF90 ss:$0x1], $0xffff;
	[tilespmem:v0+s26+$0xFFFFFFF0 ss:$0x1] =	vst.idx.msk $0xffff, v2  }
0x19: {  	v58 =	vld.idx.msk [tilespmem:v1+s25+$0xFFFFFFA0 ss:$0x1], $0xffff;
	[tilespmem:v0+s26+$0x0 ss:$0x1] =	vst.idx.msk $0xffff, v3  }
0x1a: {  	v59 =	vld.idx.msk [tilespmem:v1+s25+$0xFFFFFFB0 ss:$0x1], $0xffff;
	[tilespmem:v0+s26+$0x10 ss:$0x1] =	vst.idx.msk $0xffff, v5  }
0x1b: {  	v60 =	vld.idx.msk [tilespmem:v1+s25+$0xFFFFFFC0 ss:$0x1], $0xffff;
	[tilespmem:v0+s26+$0x20 ss:$0x1] =	vst.idx.msk $0xffff, v7  }
0x1c: {  	s28 =	sshll.u32 s20, $0x8;
	v61 =	vld.idx.msk [tilespmem:v1+s25+$0xFFFFFFD0 ss:$0x1], $0xffff;
	[tilespmem:v0+s25+$0x30 ss:$0x1] =	vst.idx.msk $0xffff, v56  }
0x1d: {  	v62 =	vld.idx.msk [tilespmem:v1+s25+$0xFFFFFFE0 ss:$0x1], $0xffff;
	s22 =	sshll.u32 s22, $0x3;
	s27 =	sshll.u32 s20, $0x7;
	s23 =	smul.u32 $0xC4000, s23;
	[tilespmem:v0+s25+$0xFFFFFFC0 ss:$0x1] =	vst.idx.msk $0xffff, v57  }
0x1e: {  	v63 =	vld.idx.msk [tilespmem:v1+s25+$0xFFFFFFF0 ss:$0x1], $0xffff;
	s21 =	smul.u32 $0x1C000, s21;
	s19 =	sshll.u32 s19, $0xE;
	s26 =	sand.u32 $0x1F800, s28;
	[tilespmem:v0+s25+$0xFFFFFFD0 ss:$0x1] =	vst.idx.msk $0xffff, v58  }
0x1f: {  	s29 =	sand.u32 $0x300, s27;
	s22 =	sor.u32 s26, s22;
	s23 =	sadd.s32 s1, s23;
	[tilespmem:v0+s25+$0xFFFFFFE0 ss:$0x1] =	vst.idx.msk $0xffff, v59  }
0x20: {  	s30 =	sshll.u32 s20, $0x4;
	s22 =	sor.u32 s29, s22;
	s21 =	sadd.s32 s21, s23;
	[tilespmem:v0+s25+$0xFFFFFFF0 ss:$0x1] =	vst.idx.msk $0xffff, v60  }
0x21: {  	s20 =	sand.u32 $0x10, s30;
	s22 =	sshrl.u32 s22, $0x3;
	s19 =	sadd.s32 s19, s21;
	[tilespmem:v0+s25+$0x0 ss:$0x1] =	vst.idx.msk $0xffff, v61  }
0x22: {  	[tilespmem:v0+s25+$0x10 ss:$0x1] =	vst.idx.msk $0xffff, v62;
	s31 =	sand.u32 $0x3FE0, s22;
	s19 =	sadd.s32 s20, s19  }
0x23: {  	[tilespmem:v0+s25+$0x20 ss:$0x1] =	vst.idx.msk $0xffff, v63;
	s19 =	sadd.s32 s31, s19  }
0x24: {  	[hbm4b:s19+s11] =	stream.strided.scatter [tilespmem:s24], [sflag:$0x2], $0x4000, s12, s11, $0x38;
	[tilespmem:$0x10000] =	vst v63  }
.LBB1_5:
0x25: {  	s24 =	sadd.s32 $0x1, s14  }
0x26: {  	s19 =	sadd.s32 $0x2, s15;
	s25 =	smov.u32 s15;
	p1 =	sgt.s32 s24, $0x6  }
0x27: {  	s25 =	smov.u32 @p1 s19  }
0x28: {  	s26 =	smov.u32 s16;
	s19 =	sadd.s32 $0x200, s16;
	p2 =	sgt.s32 s25, $0x6  }
0x29: {  	s26 =	smov.u32 @p2 s19  }
0x2a: {  	s27 =	smov.u32 s17;
	s19 =	sadd.s32 $0x2, s17;
	p3 =	sgt.s32 s26, $0x1FF  }
0x2b: {  	p0 =	slt.u32 s18, $0x2;
	s21 =	smov.u32 s15;
	s27 =	smov.u32 @p3 s19  }
0x2c: {  	s20 =	smov.u32 s16;
	s24 =	simm.s32 @p1 $0x0;
	p1 =	sgt.s32 s27, $0x1  }
0x2d: {  	s22 =	simm.s32 @!p0 $0x2;
	s27 =	smov.u32 @p1 s2;
	p1 =	sne.s32 s18, s10  }
.Ltmp1:
0x2e: {  	s23 =	smov.u32 s17;
	_ =	swait.ge @!p0 [sflag:s22], $0x4000;
	(pc) =	sbr.rel @!p1 .LBB1_6-.Ltmp1, $4  }
0x2f: {  	s13 =	sadd.s32 $0x4000, s13;
	[sflag:s22] =	ssyncset.done @!p0 $0x0;
	s25 =	smov.u32 @p2 s5  }
0x30: {  	[sflag:s22] =	ssyncadd.s32 @!p0 $0xFFFFC000;
	s22 =	smov.u32 s3;
	s15 =	smov.u32 s25  }
0x31: {  	s26 =	smov.u32 @p3 s4;
	s19 =	smov.u32 s14;
	s14 =	smov.u32 s24  }
0x32: {  	s16 =	smov.u32 s26;
	s18 =	sadd.s32 $0x1, s18;
	s17 =	smov.u32 s27  }
.LBB1_1:
0x33: {  	p0 =	sge.u32 s18, s8  }
0x34: {  	s24 =	smul.u32 @!p0 $0xE0000, s17  }
0x35: {  	s31 =	sadd.s32 $0xFFFFFFFF, s18;
	s26 =	smul.u32 @!p0 $0x700, s16  }
0x36: {  	s25 =	sxor.u32 @!p0 $0xFFFFFFFF, s18;
	s27 =	sshll.u32 @!p0 s15, $0x8;
	s24 =	sadd.s32 @!p0 s24, s9  }
0x37: {  	s28 =	sshll.u32 @!p0 s14, $0x4;
	s25 =	sshll.u32 @!p0 s25, $0xE;
	s24 =	sadd.s32 @!p0 s26, s24  }
0x38: {  	s25 =	sand.u32 @!p0 $0x4000, s25;
	s26 =	sand.u32 @!p0 $0x70, s28;
	s24 =	sadd.s32 @!p0 s27, s24  }
0x39: {  	s27 =	simm.s32 @!p0 $0x3800;
	s24 =	sadd.s32 @!p0 s26, s24;
	s26 =	simm.s32 @!p0 $0x80  }
0x3a: {  	[tilespmem:s25], [sflag:$0x1] =	stream.strided.gather @!p0 [hbm4b:s24+s26], $0x4000, s27, s26, $0x38;
	[tilespmem:$0x10000] =	vst v63  }
0x3b: {  	p0 =	sge.u32 s31, s8  }
.Ltmp2:
0x3c: {  	_ = 	snop;
	(pc) =	sbr.rel @p0 .LBB1_5-.Ltmp2, $1  }
0x3d: {  	_ =	sdelay $0x3  }
0x3e: {  	s24 =	sand.u32 $0x4000, s13  }
0x3f: {  	s25 =	sor.u32 $0x70, s24  }
0x40: {  	v1 =	vmov s25;
	_ =	sdelay $0x1  }
0x41: {  	_ =	swait.ge [sflag:s7], $0x4000  }
0x42: {  	[sflag:s7] =	ssyncset.done $0x0  }
0x43: {  	s26 =	simm.s32 $0x0;
	[sflag:s7] =	ssyncadd.s32 $0xFFFFC000  }
0x44: {  	s24 =	sor.u32 $0x8040, s24;
	v7 =	vld.idx.msk [tilespmem:v1+s26+$0x0 ss:$0x1], $0xffff  }
0x45: {  	v0 =	vmov s24;
	v8 =	vld.idx.msk [tilespmem:v1+s26+$0xFFFFFF90 ss:$0x1], $0xffff  }
0x46: {  	v6 =	vld.idx.msk [tilespmem:v1+s26+$0xFFFFFFA0 ss:$0x1], $0xffff  }
0x47: {  	v4 =	vld.idx.msk [tilespmem:v1+s26+$0xFFFFFFB0 ss:$0x1], $0xffff  }
0x48: {  	v2 =	vld.idx.msk [tilespmem:v1+s26+$0xFFFFFFC0 ss:$0x1], $0xffff  }
0x49: {  	s31 =	sshll.u32 s18, $0xE;
	v3 =	vld.idx.msk [tilespmem:v1+s26+$0xFFFFFFD0 ss:$0x1], $0xffff  }
0x4a: {  	s24 =	sand.u32 $0x4000, s31;
	v5 =	vld.idx.msk [tilespmem:v1+s26+$0xFFFFFFE0 ss:$0x1], $0xffff;
	[tilespmem:v0+s26+$0x30 ss:$0x1] =	vst.idx.msk $0xffff, v7  }
0x4b: {  	s27 =	simm.s32 $0x400;
	s25 =	simm.s32 $0x80;
	s24 =	sor.u32 $0x8000, s24;
	[tilespmem:v0+s26+$0xFFFFFFC0 ss:$0x1] =	vst.idx.msk $0xffff, v8;
	v7 =	vld.idx.msk [tilespmem:v1+s26+$0xFFFFFFF0 ss:$0x1], $0xffff  }
.LBB1_3:
0x4c: {  	p0 =	sne.s32 s27, $0xFE00;
	v8 =	vld.idx.msk [tilespmem:v1+s25+$0x0 ss:$0x1], $0xffff;
	[tilespmem:v0+s26+$0xFFFFFFD0 ss:$0x1] =	vst.idx.msk $0xffff, v6  }
0x4d: {  	v9 =	vld.idx.msk [tilespmem:v1+s25+$0xFFFFFF90 ss:$0x1], $0xffff;
	[tilespmem:v0+s26+$0xFFFFFFE0 ss:$0x1] =	vst.idx.msk $0xffff, v4  }
0x4e: {  	v6 =	vld.idx.msk [tilespmem:v1+s25+$0xFFFFFFA0 ss:$0x1], $0xffff;
	[tilespmem:v0+s26+$0xFFFFFFF0 ss:$0x1] =	vst.idx.msk $0xffff, v2  }
.Ltmp3:
0x4f: {  	v4 =	vld.idx.msk [tilespmem:v1+s25+$0xFFFFFFB0 ss:$0x1], $0xffff;
	[tilespmem:v0+s26+$0x0 ss:$0x1] =	vst.idx.msk $0xffff, v3;
	(pc) =	sbr.rel @p0 .LBB1_3-.Ltmp3, $4  }
0x50: {  	v2 =	vld.idx.msk [tilespmem:v1+s25+$0xFFFFFFC0 ss:$0x1], $0xffff;
	[tilespmem:v0+s26+$0x10 ss:$0x1] =	vst.idx.msk $0xffff, v5  }
0x51: {  	v3 =	vld.idx.msk [tilespmem:v1+s25+$0xFFFFFFD0 ss:$0x1], $0xffff;
	[tilespmem:v0+s26+$0x20 ss:$0x1] =	vst.idx.msk $0xffff, v7;
	s26 =	smov.u32 s25  }
0x52: {  	v5 =	vld.idx.msk [tilespmem:v1+s26+$0xFFFFFFE0 ss:$0x1], $0xffff;
	[tilespmem:v0+s26+$0x30 ss:$0x1] =	vst.idx.msk $0xffff, v8  }
0x53: {  	s25 =	sshra.s32 s27, $0x2;
	s27 =	sadd.s32 $0x200, s27;
	[tilespmem:v0+s26+$0xFFFFFFC0 ss:$0x1] =	vst.idx.msk $0xffff, v9;
	v7 =	vld.idx.msk [tilespmem:v1+s26+$0xFFFFFFF0 ss:$0x1], $0xffff  }
.Ltmp4:
0x54: {  	_ = 	snop;
	(pc) =	sbr.rel .LBB1_4-.Ltmp4, $1  }
0x55: {  	_ =	sdelay $0x3  }
.LBB1_6:
0x56: {  	_ =	sfence.sel $0x180000  }
0x57: {  	s1 =	simm.s32 $0x1;
	[bflag:$0x0] =	sbarrier.arrive $0xFFFF  }
0x58: {  	s31 =	simm.s32 $0x2;
	[sflag:s1] =	ssyncpa.u1 $0x1  }
0x59: {  	[sflag:s31] =	ssyncpa.u1 $0x1  }
0x5a: {  	p0 =	sne.s32 s0, $0x0;
	_ =	strace $0x9000004A  }
0x5b: {  	s0 =	sadd.s32 @!p0 $0x100000, s6;
	[bflag:$0x2] =	sbarrier.arrive $0xFFFF  }
0x5c: {  	[sflag:s0] =	ssyncadd.tile.s32 @!p0 $0x1;
	_ =	shalt  }
.Lfunc_end1:
_tile_overlayer_lowered:
.L_overlay_start_2:
0x5d: {  	(tag) =	ssettag $0x2  }
0x5e: {  	s0 =	rddreg [dreg:$0x0];
	s2 =	stileid.u32  }
0x5f: {  	s1 =	rddreg [dreg:$0x1];
	p0 =	sne.s32 s2, $0x0  }
0x60: {  	s3 =	rddreg [dreg:$0x2];
	[bflag:$0x3] =	sbarrier.arrive $0xFFFF;
	s2 =	simm.s32 @!p0 $0x1C01  }
0x61: {  	[timem:s3], [sflag:s2] =	dma.local @!p0 [hbm:s0], s1  }
0x62: {  	s0 =	simm.s32 @!p0 $0x1  }
0x63: {  	_ =	swait.ge @!p0 [sflag:s0], s1  }
0x64: {  	s1 =	ssub.s32 @!p0 $0x0, s1;
	[sflag:s0] =	ssyncset.done @!p0 $0x0  }
0x65: {  	[sflag:s0] =	ssyncadd.s32 @!p0 s1  }
0x66: {  	[bflag:$0x3] =	sbarrier.arrive $0xFFFF  }
0x67: {  	_ =	shalt  }

</sc_bundles>
